<compile_context>
chip_gen: v7x
topology: tpu7x:2x2x1
jax: 0.10.2.dev20260603
libtpu: 0.0.44.dev20260713+nightly
codegen_flags: <defaults>
</compile_context>

<pallas_src>
import jax
import jax.numpy as jnp
from jax import lax
from jax.experimental import pallas as pl
from jax.experimental.pallas import tpu as pltpu
from jax.experimental.pallas import tpu_sc as plsc

_K_NN = 10
_TQ = 256
_RB_SC = 1280
_NC, _NS = 2, 16
_NW = _NC * _NS
_CAP = 96
_NVB = _CAP // 16
_SHRINK_AT = 32


def _mlp_body(x_ref, w1_ref, b1_ref, w2_ref, b2_ref, w3_ref, b3_ref,
              lns_ref, lnb_ref, out_ref):
    h = jax.nn.gelu(jnp.dot(x_ref[:], w1_ref[:]) + b1_ref[:])
    h = jax.nn.gelu(jnp.dot(h, w2_ref[:]) + b2_ref[:])
    h = jnp.dot(h, w3_ref[:]) + b3_ref[:]
    mu = jnp.mean(h, axis=-1, keepdims=True)
    var = jnp.var(h, axis=-1, keepdims=True)
    out_ref[:] = (h - mu) / jnp.sqrt(var + 1e-6) * lns_ref[:] + lnb_ref[:]


def _knn_body(q_ref, txT_ref, idx_ref, d_ref):
    q = q_ref[0]
    txT = txT_ref[0]
    acc = None
    for d in range(4):
        diff = q[:, d:d + 1] - txT[d:d + 1, :]
        sq = diff * diff
        acc = sq if acc is None else acc + sq

    n_ctx = acc.shape[1]
    colf = lax.broadcasted_iota(jnp.int32, acc.shape, 1).astype(jnp.float32)
    idx_cols, d_cols = [], []
    d2m = acc
    eqmask = None
    for _ in range(_K_NN):
        if eqmask is not None:
            d2m = jnp.where(eqmask, jnp.inf, d2m)
        m = jnp.min(d2m, axis=1, keepdims=True)
        eqmask = d2m == m
        posf = jnp.min(jnp.where(eqmask, colf, float(n_ctx)), axis=1,
                       keepdims=True)
        idx_cols.append(posf.astype(jnp.int32))
        d_cols.append(jnp.sqrt(jnp.maximum(m, 0.0)))
    idx_ref[0] = jnp.concatenate(idx_cols, axis=1)
    d_ref[0] = jnp.concatenate(d_cols, axis=1)


def _lane_min(v, iota16):
    for s in (1, 2, 4, 8):
        perm = jnp.bitwise_xor(iota16, s)
        v = jnp.minimum(v, v.at[perm].get(mode="promise_in_bounds"))
    return v


def _sc_knn_body(K, rows_w, qc_ref, txT_ref, idx_out, d2_out,
                 txv, qv, outi, outd, bufd, bufi):
    wid = lax.axis_index("s") * _NC + lax.axis_index("c")
    wpb = _NW // 4
    b = wid // wpb
    r0 = (wid % wpb) * rows_w
    pltpu.sync_copy(txT_ref.at[pl.ds(b * 4 * K, 4 * K)], txv)
    pltpu.sync_copy(qc_ref.at[pl.ds((b * _RB_SC + r0) * 4, rows_w * 4)],
                    qv.at[pl.ds(0, rows_w * 4)])
    iota16 = lax.iota(jnp.int32, 16)
    inf_vec = jnp.full((16,), jnp.inf, jnp.float32)
    bigi_vec = jnp.full((16,), 2 ** 30, jnp.int32)

    def row_fn(r, _):
        qvec = qv[pl.ds(r * 4, 16)]
        q0, q1, q2, q3 = qvec[0], qvec[1], qvec[2], qvec[3]
        for i in range(_NVB):
            bufd[pl.ds(i * 16, 16)] = inf_vec

        def _dist(off):
            x0 = txv[pl.ds(off, 16)]
            x1 = txv[pl.ds(K + off, 16)]
            x2 = txv[pl.ds(2 * K + off, 16)]
            x3 = txv[pl.ds(3 * K + off, 16)]
            e0 = x0 - q0
            acc = e0 * e0
            e1 = x1 - q1
            acc = acc + e1 * e1
            e2 = x2 - q2
            acc = acc + e2 * e2
            e3 = x3 - q3
            return acc + e3 * e3

        def scan_fn(v, carry):
            thresh, cnt = carry
            off = v * 64
            offs = [off, off + 16, off + 32, off + 48]
            accs = [_dist(o) for o in offs]
            ms = [a <= thresh for a in accs]
            ns = [plsc.all_reduce_population_count(m) for m in ms]

            def append1(c0, m, acc, ioff):
                mi = m.astype(jnp.int32)
                cs = plsc.cumsum(mi)
                posv = cs - 1 + c0
                msafe = m & (posv < _CAP)
                plsc.store_scatter(bufd, (posv,), acc, mask=msafe)
                plsc.store_scatter(bufi, (posv,), iota16 + ioff, mask=msafe)
                return c0 + cs[15]

            def append(op):
                t0, c0 = op
                c1 = c0
                for j in range(4):
                    c1 = lax.cond(ns[j][0] > 0,
                                  lambda c, j=j: append1(c, ms[j], accs[j],
                                                         offs[j]),
                                  lambda c: c, c1)

                def shrink(op2):
                    _t, c_in = op2
                    vs = [bufd[pl.ds(i * 16, 16)] for i in range(_NVB)]
                    bis = [bufi[pl.ds(i * 16, 16)] for i in range(_NVB)]
                    work = list(vs)
                    t = inf_vec
                    for _ in range(_K_NN):
                        mm = work[0]
                        for i in range(1, _NVB):
                            mm = jnp.minimum(mm, work[i])
                        t = _lane_min(mm, iota16)
                        work = [jnp.where(w == t, inf_vec, w) for w in work]
                    for i in range(_NVB):
                        bufd[pl.ds(i * 16, 16)] = inf_vec
                    c2 = jnp.zeros((16,), jnp.int32)
                    for i in range(_NVB):
                        keep = vs[i] <= t
                        ki = keep.astype(jnp.int32)
                        csk = plsc.cumsum(ki)
                        pk = csk - 1 + c2
                        plsc.store_scatter(bufd, (pk,), vs[i], mask=keep)
                        plsc.store_scatter(bufi, (pk,), bis[i], mask=keep)
                        c2 = c2 + csk[15]
                    return t, c2

                return lax.cond(c1[0] > _SHRINK_AT, shrink, lambda op2: op2,
                                (t0, c1))

            nsum = ns[0][0] + ns[1][0] + ns[2][0] + ns[3][0]
            return lax.cond(nsum > 0, append, lambda op: op,
                            (thresh, cnt))

        lax.fori_loop(0, K // 64, scan_fn,
                      (inf_vec, jnp.zeros((16,), jnp.int32)))

        vs = [bufd[pl.ds(i * 16, 16)] for i in range(_NVB)]
        bis = [bufi[pl.ds(i * 16, 16)] for i in range(_NVB)]
        work = list(vs)
        idxacc = jnp.zeros((16,), jnp.int32)
        dacc = inf_vec
        for kk in range(_K_NN):
            mm = work[0]
            for i in range(1, _NVB):
                mm = jnp.minimum(mm, work[i])
            mval = _lane_min(mm, iota16)
            iv = bigi_vec
            for i in range(_NVB):
                iv = jnp.minimum(iv, jnp.where(work[i] == mval, bis[i],
                                               bigi_vec))
            cidx = _lane_min(iv, iota16)
            work = [jnp.where((work[i] == mval) & (bis[i] == cidx), jnp.inf,
                              work[i]) for i in range(_NVB)]
            sel = iota16 == kk
            idxacc = jnp.where(sel, cidx, idxacc)
            dacc = jnp.where(sel, mval, dacc)
        outi[pl.ds(r * 16, 16)] = idxacc
        outd[pl.ds(r * 16, 16)] = dacc
        return 0

    lax.fori_loop(0, rows_w, row_fn, 0)
    base = (b * _RB_SC + r0) * 16
    pltpu.sync_copy(outi, idx_out.at[pl.ds(base, rows_w * 16)])
    pltpu.sync_copy(outd, d2_out.at[pl.ds(base, rows_w * 16)])


def kernel(s_ctx, f_ctx, s_test, embed_obs, W1, b1, W2, b2, W3, b3,
           ln_scale, ln_bias):
    k = _K_NN
    B, Q, d_s = s_test.shape
    K = s_ctx.shape[1]
    d_f = f_ctx.shape[-1]
    n_rows = Q + K
    rb = _RB_SC
    rows_w = B * rb // _NW

    Rq = jnp.concatenate([s_test, s_ctx], axis=1)
    txT = jnp.swapaxes(s_ctx, 1, 2)

    mesh = plsc.VectorSubcoreMesh(core_axis_name="c", subcore_axis_name="s",
                                  num_cores=_NC, num_subcores=_NS)
    sc_idx, sc_d2 = pl.kernel(
        lambda *refs: _sc_knn_body(K, rows_w, *refs),
        out_type=[
            jax.ShapeDtypeStruct((B * rb * 16,), jnp.int32),
            jax.ShapeDtypeStruct((B * rb * 16,), jnp.float32),
        ],
        mesh=mesh,
        compiler_params=pltpu.CompilerParams(needs_layout_passes=False),
        scratch_types=[
            pltpu.VMEM((4 * K,), jnp.float32),
            pltpu.VMEM((rows_w * 4 + 16,), jnp.float32),
            pltpu.VMEM((rows_w * 16,), jnp.int32),
            pltpu.VMEM((rows_w * 16,), jnp.float32),
            pltpu.VMEM((_CAP,), jnp.float32),
            pltpu.VMEM((_CAP,), jnp.int32),
        ],
    )(Rq[:, :rb].reshape(-1), txT.reshape(-1))
    idx_sc = sc_idx.reshape(B, rb, 16)[..., :k]
    d_sc = jnp.sqrt(jnp.maximum(sc_d2.reshape(B, rb, 16)[..., :k], 0.0))

    n_tc = n_rows - rb
    idx_tc, d_tc_part = pl.pallas_call(
        _knn_body,
        grid=(B, n_tc // _TQ),
        in_specs=[
            pl.BlockSpec((1, _TQ, d_s), lambda b, t: (b, t, 0)),
            pl.BlockSpec((1, d_s, K), lambda b, t: (b, 0, 0)),
        ],
        out_specs=[
            pl.BlockSpec((1, _TQ, k), lambda b, t: (b, t, 0)),
            pl.BlockSpec((1, _TQ, k), lambda b, t: (b, t, 0)),
        ],
        out_shape=[
            jax.ShapeDtypeStruct((B, n_tc, k), jnp.int32),
            jax.ShapeDtypeStruct((B, n_tc, k), jnp.float32),
        ],
    )(Rq[:, rb:], txT)

    e0 = jnp.broadcast_to(embed_obs[0], (B, Q, embed_obs.shape[1]))
    e1 = jnp.broadcast_to(embed_obs[1], (B, K, embed_obs.shape[1]))
    f_test = jnp.zeros((B, Q, d_f), f_ctx.dtype)
    X = jnp.concatenate([
        jnp.concatenate([e0, s_test, f_test], axis=-1),
        jnp.concatenate([e1, s_ctx, f_ctx], axis=-1),
    ], axis=1).reshape(B * n_rows, -1)
    mlp_rows = 1024
    full = lambda a: pl.BlockSpec(a.shape, lambda t: (0,) * a.ndim)
    x_all = pl.pallas_call(
        _mlp_body,
        grid=(B * n_rows // mlp_rows,),
        in_specs=[
            pl.BlockSpec((mlp_rows, X.shape[-1]), lambda t: (t, 0)),
            full(W1), full(b1.reshape(1, -1)), full(W2),
            full(b2.reshape(1, -1)), full(W3), full(b3.reshape(1, -1)),
            full(ln_scale.reshape(1, -1)), full(ln_bias.reshape(1, -1)),
        ],
        out_specs=pl.BlockSpec((mlp_rows, 64), lambda t: (t, 0)),
        out_shape=jax.ShapeDtypeStruct((B * n_rows, 64), jnp.float32),
    )(X, W1, b1.reshape(1, -1), W2, b2.reshape(1, -1), W3,
      b3.reshape(1, -1), ln_scale.reshape(1, -1),
      ln_bias.reshape(1, -1)).reshape(B, n_rows, 64)

    idx_all = jnp.concatenate([idx_sc, idx_tc], axis=1)
    d_all = jnp.concatenate([d_sc, d_tc_part], axis=1)

    nodes_tc = x_all
    nodes_cc = x_all[:, Q:]
    tx_tc = idx_all[:, :Q].reshape(B, Q * k)
    tx_cc = idx_all[:, Q:].reshape(B, K * k)
    d_tc = d_all[:, :Q].reshape(B, Q * k)
    d_cc = d_all[:, Q:].reshape(B, K * k)
    rx_tc = jnp.broadcast_to(jnp.repeat(jnp.arange(Q), k), (B, Q * k))
    rx_cc = jnp.broadcast_to(jnp.repeat(jnp.arange(K), k), (B, K * k))
    return (nodes_tc, d_tc, rx_tc, Q + tx_tc, nodes_cc, d_cc, rx_cc, tx_cc)

# --- scband reference (transcript-rebuilt; emitter-appended) ---
"""Pipeline reference for scband-gdskr-85950885527942 (READ-ONLY COPY).

The authoritative reference and input builder live on the scoring server;
editing this copy changes nothing except your own understanding.
"""

import jax, jax.numpy as jnp
import numpy as np

K_NN = 10
D_EMB_OBS = 4
HIDDEN = [256, 128, 64]


def layer_norm(x, scale, bias, eps=1e-6):
    mu = jnp.mean(x, axis=-1, keepdims=True)
    var = jnp.var(x, axis=-1, keepdims=True)
    return (x - mu) / jnp.sqrt(var + eps) * scale + bias


def mlp(x, W1, b1, W2, b2, W3, b3):
    x = jax.nn.gelu(jnp.dot(x, W1) + b1)
    x = jax.nn.gelu(jnp.dot(x, W2) + b2)
    return jnp.dot(x, W3) + b3


def k_nearest_senders(rx, tx, k):
    # brute-force kNN (jax replacement for scipy KDTree.query)
    # rx: [Q, d], tx: [K, d] -> idx [Q*k] (int), d [Q*k] (euclidean, ascending per row)
    d2 = jnp.sum((rx[:, None, :] - tx[None, :, :]) ** 2, axis=-1)  # [Q, K]
    neg, idx = jax.lax.top_k(-d2, k)  # ascending distance order
    d = jnp.sqrt(jnp.maximum(-neg, 0.0))
    return idx.reshape(-1), d.reshape(-1)


def setup_inputs(seed: int = 0) -> dict:
    key = jax.random.key(seed)
    ks = jax.random.split(key, 12)
    B, K, Q, d_s, d_f = 4, 4096, 2048, 4, 8
    d_in = D_EMB_OBS + d_s + d_f  # 16
    s_ctx = jax.random.normal(ks[0], (B, K, d_s), dtype=jnp.float32)
    f_ctx = jax.random.normal(ks[1], (B, K, d_f), dtype=jnp.float32)
    s_test = jax.random.normal(ks[2], (B, Q, d_s), dtype=jnp.float32)
    embed_obs = jax.random.normal(ks[3], (2, D_EMB_OBS), dtype=jnp.float32)
    W1 = jax.random.normal(ks[4], (d_in, HIDDEN[0]), dtype=jnp.float32) / np.sqrt(d_in)
    b1 = jnp.zeros((HIDDEN[0],), dtype=jnp.float32)
    W2 = jax.random.normal(ks[5], (HIDDEN[0], HIDDEN[1]), dtype=jnp.float32) / np.sqrt(HIDDEN[0])
    b2 = jnp.zeros((HIDDEN[1],), dtype=jnp.float32)
    W3 = jax.random.normal(ks[6], (HIDDEN[1], HIDDEN[2]), dtype=jnp.float32) / np.sqrt(HIDDEN[1])
    b3 = jnp.zeros((HIDDEN[2],), dtype=jnp.float32)
    ln_scale = jnp.ones((HIDDEN[2],), dtype=jnp.float32)
    ln_bias = jnp.zeros((HIDDEN[2],), dtype=jnp.float32)
    return {"s_ctx": s_ctx, "f_ctx": f_ctx, "s_test": s_test,
            "embed_obs": embed_obs, "W1": W1, "b1": b1, "W2": W2, "b2": b2,
            "W3": W3, "b3": b3, "ln_scale": ln_scale, "ln_bias": ln_bias}


def reference(s_ctx, f_ctx, s_test, embed_obs, W1, b1, W2, b2, W3, b3, ln_scale, ln_bias):
    k = K_NN
    B, Q = s_test.shape[0], s_test.shape[1]
    K = s_ctx.shape[1]
    # unobserved features for test points
    f_test = jnp.zeros((B, Q, f_ctx.shape[-1]), dtype=f_ctx.dtype)
    obs = jnp.ones((B, K), dtype=jnp.int32)
    unobs = jnp.zeros((B, Q), dtype=jnp.int32)
    stack = lambda *a: jnp.concatenate(a, axis=-1)
    ctx = stack(jnp.take(embed_obs, obs, axis=0), s_ctx, f_ctx)
    test = stack(jnp.take(embed_obs, unobs, axis=0), s_test, f_test)
    x_ctx = layer_norm(mlp(ctx, W1, b1, W2, b2, W3, b3), ln_scale, ln_bias)
    x_test = layer_norm(mlp(test, W1, b1, W2, b2, W3, b3), ln_scale, ln_bias)
    # receivers
    rx_tc = jnp.broadcast_to(jnp.repeat(jnp.arange(Q), k), (B, Q * k))
    rx_cc = jnp.broadcast_to(jnp.repeat(jnp.arange(K), k), (B, K * k))
    # batched kNN (all valid_lens full -> uniform loop body, vmapped)
    knn = lambda r, t: k_nearest_senders(r, t, k)
    tx_tc, d_tc = jax.vmap(knn)(s_test, s_ctx)   # [B, Q*k]
    tx_cc, d_cc = jax.vmap(knn)(s_ctx, s_ctx)    # [B, K*k]
    # test->ctx graphs: nodes = [x_test ; x_ctx], senders offset by Q
    nodes_tc = jnp.concatenate([x_test, x_ctx], axis=1)  # [B, Q+K, 64]
    senders_tc = Q + tx_tc
    # ctx->ctx graphs
    nodes_cc = x_ctx
    senders_cc = tx_cc
    return (nodes_tc, d_tc, rx_tc, senders_tc, nodes_cc, d_cc, rx_cc, senders_cc)

if __name__ == "__main__":
    import jax
    _d = setup_inputs()
    print(jax.jit(kernel)(*tuple(_d.values())))

</pallas_src>

<mosaic_0001>
#map = affine_map<(d0, d1) -> (0)>
module attributes {stable_mosaic.version = 14 : i64} {
  func.func @_lambda_(%arg0: i32, %arg1: i32, %arg2: memref<20480xf32, #tpu.memory_space<hbm>>, %arg3: memref<65536xf32, #tpu.memory_space<hbm>>, %arg4: memref<81920xi32, #tpu.memory_space<hbm>>, %arg5: memref<81920xf32, #tpu.memory_space<hbm>>, %arg6: memref<16384xf32, #tpu.memory_space<vmem>>, %arg7: memref<656xf32, #tpu.memory_space<vmem>>, %arg8: memref<2560xi32, #tpu.memory_space<vmem>>, %arg9: memref<2560xf32, #tpu.memory_space<vmem>>, %arg10: memref<96xf32, #tpu.memory_space<vmem>>, %arg11: memref<96xi32, #tpu.memory_space<vmem>>) attributes {dimension_semantics = [#tpu.dimension_semantics<core_parallel>, #tpu.dimension_semantics<subcore_parallel>], iteration_bounds = array<i64: 2, 16>, scalar_prefetch = 0 : i64, scratch_operands = 6 : i64, tpu.core_type = #tpu.core_type<sc_vector_subcore>, window_params = [{transform_indices = #map}, {transform_indices = #map}, {transform_indices = #map}, {transform_indices = #map}]} {
    %mul3A = arith.constant 2 : i32
    %mul3A_0 = arith.muli %arg1, %mul3A : i32
    %add3A = arith.addi %mul3A_0, %arg0 : i32
    %jit3A = arith.constant 8 : i32
    %div3A = arith.divsi %add3A, %jit3A : i32
    %sign3A = arith.constant 0 : i32
    %sign3A_1 = arith.cmpi sgt, %add3A, %sign3A : i32
    %sign3A_2 = arith.extui %sign3A_1 : i1 to i32
    %sign3A_3 = arith.constant 0 : i32
    %sign3A_4 = arith.cmpi slt, %add3A, %sign3A_3 : i32
    %sign3A_5 = arith.extui %sign3A_4 : i1 to i32
    %sign3A_6 = arith.subi %sign3A_2, %sign3A_5 : i32
    %sign3A_7 = arith.constant 0 : i32
    %sign3A_8 = arith.cmpi sgt, %jit3A, %sign3A_7 : i32
    %sign3A_9 = arith.extui %sign3A_8 : i1 to i32
    %sign3A_10 = arith.constant 0 : i32
    %sign3A_11 = arith.cmpi slt, %jit3A, %sign3A_10 : i32
    %sign3A_12 = arith.extui %sign3A_11 : i1 to i32
    %sign3A_13 = arith.subi %sign3A_9, %sign3A_12 : i32
    %ne3A = arith.cmpi ne, %sign3A_6, %sign3A_13 : i32
    %rem3A = arith.remsi %add3A, %jit3A : i32
    %ne3A_14 = arith.constant 0 : i32
    %ne3A_15 = arith.cmpi ne, %rem3A, %ne3A_14 : i32
    %and3A = arith.andi %ne3A, %ne3A_15 : i1
    %sub3A = arith.constant 1 : i32
    %sub3A_16 = arith.subi %div3A, %sub3A : i32
    %select_n3A = arith.select %and3A, %sub3A_16, %div3A : i32
    %jit3A_17 = arith.constant 8 : i32
    %eq3A = arith.constant 0 : i32
    %eq3A_18 = arith.cmpi eq, %jit3A_17, %eq3A : i32
    %jit3A_19 = arith.constant 1 : i32
    %select_n3A_20 = arith.select %eq3A_18, %jit3A_19, %jit3A_17 : i32
    %rem3A_21 = arith.remsi %add3A, %select_n3A_20 : i32
    %ne3A_22 = arith.constant 0 : i32
    %ne3A_23 = arith.cmpi ne, %rem3A_21, %ne3A_22 : i32
    %lt3A = arith.constant 0 : i32
    %lt3A_24 = arith.cmpi slt, %rem3A_21, %lt3A : i32
    %lt3A_25 = arith.constant 0 : i32
    %lt3A_26 = arith.cmpi slt, %select_n3A_20, %lt3A_25 : i32
    %ne3A_27 = arith.xori %lt3A_24, %lt3A_26 : i1
    %and3A_28 = arith.andi %ne3A_27, %ne3A_23 : i1
    %add3A_29 = arith.addi %rem3A_21, %select_n3A_20 : i32
    %select_n3A_30 = arith.select %and3A_28, %add3A_29, %rem3A_21 : i32
    %mul3A_31 = arith.constant 160 : i32
    %mul3A_32 = arith.muli %select_n3A_30, %mul3A_31 : i32
    %mul3A_33 = arith.constant 4 : i32
    %mul3A_34 = arith.muli %select_n3A, %mul3A_33 : i32
    %mul3A_35 = arith.constant 4096 : i32
    %mul3A_36 = arith.muli %mul3A_34, %mul3A_35 : i32
    "tpu.region"() ({
      %run_scoped3A = tpu.sem_alloc : memref<!tpu.dma_semaphore, #tpu.memory_space<semaphore_mem>>
      %dma_start3A = tpu.memref_slice %arg3[%mul3A_36] : memref<65536xf32, #tpu.memory_space<hbm>> -> memref<16384xf32, #tpu.memory_space<hbm>>
      %dma_start3A_56 = tpu.memref_slice %arg3[%mul3A_36] : memref<65536xf32, #tpu.memory_space<hbm>> -> memref<16384xf32, #tpu.memory_space<hbm>>
      tpu.enqueue_dma source(%dma_start3A_56 : memref<16384xf32, #tpu.memory_space<hbm>>) target(%arg6 : memref<16384xf32, #tpu.memory_space<vmem>>) target_semaphore(%run_scoped3A : memref<!tpu.dma_semaphore, #tpu.memory_space<semaphore_mem>>)
      %dma_wait3A = tpu.memref_slice %arg3[%mul3A_36] : memref<65536xf32, #tpu.memory_space<hbm>> -> memref<16384xf32, #tpu.memory_space<hbm>>
      %dma_wait3A_57 = tpu.memref_slice %arg3[%mul3A_36] : memref<65536xf32, #tpu.memory_space<hbm>> -> memref<16384xf32, #tpu.memory_space<hbm>>
      tpu.wait_dma2 semaphore(%run_scoped3A : memref<!tpu.dma_semaphore, #tpu.memory_space<semaphore_mem>>) src(%dma_wait3A_57 : memref<16384xf32, #tpu.memory_space<hbm>>) dst(%arg6 : memref<16384xf32, #tpu.memory_space<vmem>>)
      tpu.yield
    }) : () -> ()
    %mul3A_37 = arith.constant 1280 : i32
    %mul3A_38 = arith.muli %select_n3A, %mul3A_37 : i32
    %add3A_39 = arith.addi %mul3A_38, %mul3A_32 : i32
    %mul3A_40 = arith.constant 4 : i32
    %mul3A_41 = arith.muli %add3A_39, %mul3A_40 : i32
    "tpu.region"() ({
      %run_scoped3A = tpu.sem_alloc : memref<!tpu.dma_semaphore, #tpu.memory_space<semaphore_mem>>
      %dma_start3A = arith.constant 0 : i32
      %dma_start3A_56 = tpu.memref_slice %arg7[%dma_start3A] : memref<656xf32, #tpu.memory_space<vmem>> -> memref<640xf32, #tpu.memory_space<vmem>>
      %dma_start3A_57 = tpu.memref_slice %arg2[%mul3A_41] : memref<20480xf32, #tpu.memory_space<hbm>> -> memref<640xf32, #tpu.memory_space<hbm>>
      %dma_start3A_58 = arith.constant 0 : i32
      %dma_start3A_59 = tpu.memref_slice %arg7[%dma_start3A_58] : memref<656xf32, #tpu.memory_space<vmem>> -> memref<640xf32, #tpu.memory_space<vmem>>
      %dma_start3A_60 = tpu.memref_slice %arg2[%mul3A_41] : memref<20480xf32, #tpu.memory_space<hbm>> -> memref<640xf32, #tpu.memory_space<hbm>>
      tpu.enqueue_dma source(%dma_start3A_60 : memref<640xf32, #tpu.memory_space<hbm>>) target(%dma_start3A_59 : memref<640xf32, #tpu.memory_space<vmem>>) target_semaphore(%run_scoped3A : memref<!tpu.dma_semaphore, #tpu.memory_space<semaphore_mem>>)
      %dma_wait3A = arith.constant 0 : i32
      %dma_wait3A_61 = tpu.memref_slice %arg7[%dma_wait3A] : memref<656xf32, #tpu.memory_space<vmem>> -> memref<640xf32, #tpu.memory_space<vmem>>
      %dma_wait3A_62 = tpu.memref_slice %arg2[%mul3A_41] : memref<20480xf32, #tpu.memory_space<hbm>> -> memref<640xf32, #tpu.memory_space<hbm>>
      %dma_wait3A_63 = arith.constant 0 : i32
      %dma_wait3A_64 = tpu.memref_slice %arg7[%dma_wait3A_63] : memref<656xf32, #tpu.memory_space<vmem>> -> memref<640xf32, #tpu.memory_space<vmem>>
      %dma_wait3A_65 = tpu.memref_slice %arg2[%mul3A_41] : memref<20480xf32, #tpu.memory_space<hbm>> -> memref<640xf32, #tpu.memory_space<hbm>>
      tpu.wait_dma2 semaphore(%run_scoped3A : memref<!tpu.dma_semaphore, #tpu.memory_space<semaphore_mem>>) src(%dma_wait3A_65 : memref<640xf32, #tpu.memory_space<hbm>>) dst(%dma_wait3A_64 : memref<640xf32, #tpu.memory_space<vmem>>)
      tpu.yield
    }) : () -> ()
    %iota3A = tpu.iota {dimensions = array<i32: 0>} : vector<16xi32>
    %broadcast_in_dim3A = arith.constant 0x7F800000 : f32
    %broadcast_in_dim3A_42 = vector.broadcast %broadcast_in_dim3A : f32 to vector<16xf32>
    %broadcast_in_dim3A_43 = arith.constant 1073741824 : i32
    %broadcast_in_dim3A_44 = vector.broadcast %broadcast_in_dim3A_43 : i32 to vector<16xi32>
    %scan3A = arith.constant 0 : i32
    %scan3A_45 = arith.constant 0 : i32
    %scan3A_46 = arith.constant 160 : i32
    %scan3A_47 = arith.addi %scan3A_45, %scan3A_46 : i32
    %scan3A_48 = arith.constant 1 : i32
    %scan3A_49 = scf.for %scan3A_56 = %scan3A_45 to %scan3A_47 step %scan3A_48 iter_args(%scan3A_57 = %scan3A) -> (i32)  : i32 {
      %mul3A_58 = arith.constant 4 : i32
      %mul3A_59 = arith.muli %scan3A_56, %mul3A_58 : i32
      %get3A = arith.index_cast %mul3A_59 : i32 to index
      %get3A_60 = tpu.vector_load %arg7[%get3A] {strides = array<i32>} : memref<656xf32, #tpu.memory_space<vmem>>, vector<16xf32>,
      %slice3A = vector.extract_strided_slice %get3A_60 {offsets = [0], sizes = [1], strides = [1]} : vector<16xf32> to vector<1xf32>
      %squeeze3A = vector.extract %slice3A[0] : f32 from vector<1xf32>
      %slice3A_61 = vector.extract_strided_slice %get3A_60 {offsets = [1], sizes = [1], strides = [1]} : vector<16xf32> to vector<1xf32>
      %squeeze3A_62 = vector.extract %slice3A_61[0] : f32 from vector<1xf32>
      %slice3A_63 = vector.extract_strided_slice %get3A_60 {offsets = [2], sizes = [1], strides = [1]} : vector<16xf32> to vector<1xf32>
      %squeeze3A_64 = vector.extract %slice3A_63[0] : f32 from vector<1xf32>
      %slice3A_65 = vector.extract_strided_slice %get3A_60 {offsets = [3], sizes = [1], strides = [1]} : vector<16xf32> to vector<1xf32>
      %squeeze3A_66 = vector.extract %slice3A_65[0] : f32 from vector<1xf32>
      %swap3A = arith.constant 0 : index
      %swap3A_67 = tpu.vector_load %arg10[%swap3A] {strides = array<i32>} : memref<96xf32, #tpu.memory_space<vmem>>, vector<16xf32>,
      tpu.vector_store %arg10[%swap3A], %broadcast_in_dim3A_42 {strides = array<i32>} : memref<96xf32, #tpu.memory_space<vmem>>, vector<16xf32>,
      %swap3A_68 = arith.constant 16 : index
      %swap3A_69 = tpu.vector_load %arg10[%swap3A_68] {strides = array<i32>} : memref<96xf32, #tpu.memory_space<vmem>>, vector<16xf32>,
      tpu.vector_store %arg10[%swap3A_68], %broadcast_in_dim3A_42 {strides = array<i32>} : memref<96xf32, #tpu.memory_space<vmem>>, vector<16xf32>,
      %swap3A_70 = arith.constant 32 : index
      %swap3A_71 = tpu.vector_load %arg10[%swap3A_70] {strides = array<i32>} : memref<96xf32, #tpu.memory_space<vmem>>, vector<16xf32>,
      tpu.vector_store %arg10[%swap3A_70], %broadcast_in_dim3A_42 {strides = array<i32>} : memref<96xf32, #tpu.memory_space<vmem>>, vector<16xf32>,
      %swap3A_72 = arith.constant 48 : index
      %swap3A_73 = tpu.vector_load %arg10[%swap3A_72] {strides = array<i32>} : memref<96xf32, #tpu.memory_space<vmem>>, vector<16xf32>,
      tpu.vector_store %arg10[%swap3A_72], %broadcast_in_dim3A_42 {strides = array<i32>} : memref<96xf32, #tpu.memory_space<vmem>>, vector<16xf32>,
      %swap3A_74 = arith.constant 64 : index
      %swap3A_75 = tpu.vector_load %arg10[%swap3A_74] {strides = array<i32>} : memref<96xf32, #tpu.memory_space<vmem>>, vector<16xf32>,
      tpu.vector_store %arg10[%swap3A_74], %broadcast_in_dim3A_42 {strides = array<i32>} : memref<96xf32, #tpu.memory_space<vmem>>, vector<16xf32>,
      %swap3A_76 = arith.constant 80 : index
      %swap3A_77 = tpu.vector_load %arg10[%swap3A_76] {strides = array<i32>} : memref<96xf32, #tpu.memory_space<vmem>>, vector<16xf32>,
      tpu.vector_store %arg10[%swap3A_76], %broadcast_in_dim3A_42 {strides = array<i32>} : memref<96xf32, #tpu.memory_space<vmem>>, vector<16xf32>,
      %broadcast_in_dim3A_78 = arith.constant 0 : i32
      %broadcast_in_dim3A_79 = vector.broadcast %broadcast_in_dim3A_78 : i32 to vector<16xi32>
      %scan3A_80 = arith.constant 0 : i32
      %scan3A_81 = arith.constant 64 : i32
      %scan3A_82 = arith.addi %scan3A_80, %scan3A_81 : i32
      %scan3A_83 = arith.constant 1 : i32
      %scan3A_84:2 = scf.for %scan3A_1878 = %scan3A_80 to %scan3A_82 step %scan3A_83 iter_args(%scan3A_1879 = %broadcast_in_dim3A_42, %scan3A_1880 = %broadcast_in_dim3A_79) -> (vector<16xf32>, vector<16xi32>)  : i32 {
        %mul3A_1881 = arith.constant 64 : i32
        %mul3A_1882 = arith.muli %scan3A_1878, %mul3A_1881 : i32
        %add3A_1883 = arith.constant 16 : i32
        %add3A_1884 = arith.addi %mul3A_1882, %add3A_1883 : i32
        %add3A_1885 = arith.constant 32 : i32
        %add3A_1886 = arith.addi %mul3A_1882, %add3A_1885 : i32
        %add3A_1887 = arith.constant 48 : i32
        %add3A_1888 = arith.addi %mul3A_1882, %add3A_1887 : i32
        %get3A_1889 = arith.index_cast %mul3A_1882 : i32 to index
        %get3A_1890 = tpu.vector_load %arg6[%get3A_1889] {strides = array<i32>} : memref<16384xf32, #tpu.memory_space<vmem>>, vector<16xf32>,
        %add3A_1891 = arith.constant 4096 : i32
        %add3A_1892 = arith.addi %add3A_1891, %mul3A_1882 : i32
        %get3A_1893 = arith.index_cast %add3A_1892 : i32 to index
        %get3A_1894 = tpu.vector_load %arg6[%get3A_1893] {strides = array<i32>} : memref<16384xf32, #tpu.memory_space<vmem>>, vector<16xf32>,
        %add3A_1895 = arith.constant 8192 : i32
        %add3A_1896 = arith.addi %add3A_1895, %mul3A_1882 : i32
        %get3A_1897 = arith.index_cast %add3A_1896 : i32 to index
        %get3A_1898 = tpu.vector_load %arg6[%get3A_1897] {strides = array<i32>} : memref<16384xf32, #tpu.memory_space<vmem>>, vector<16xf32>,
        %add3A_1899 = arith.constant 12288 : i32
        %add3A_1900 = arith.addi %add3A_1899, %mul3A_1882 : i32
        %get3A_1901 = arith.index_cast %add3A_1900 : i32 to index
        %get3A_1902 = tpu.vector_load %arg6[%get3A_1901] {strides = array<i32>} : memref<16384xf32, #tpu.memory_space<vmem>>, vector<16xf32>,
        %sub3A_1903 = vector.broadcast %squeeze3A : f32 to vector<16xf32>
        %sub3A_1904 = arith.subf %get3A_1890, %sub3A_1903 : vector<16xf32>
        %mul3A_1905 = arith.mulf %sub3A_1904, %sub3A_1904 : vector<16xf32>
        %sub3A_1906 = vector.broadcast %squeeze3A_62 : f32 to vector<16xf32>
        %sub3A_1907 = arith.subf %get3A_1894, %sub3A_1906 : vector<16xf32>
        %mul3A_1908 = arith.mulf %sub3A_1907, %sub3A_1907 : vector<16xf32>
        %add3A_1909 = arith.addf %mul3A_1905, %mul3A_1908 : vector<16xf32>
        %sub3A_1910 = vector.broadcast %squeeze3A_64 : f32 to vector<16xf32>
        %sub3A_1911 = arith.subf %get3A_1898, %sub3A_1910 : vector<16xf32>
        %mul3A_1912 = arith.mulf %sub3A_1911, %sub3A_1911 : vector<16xf32>
        %add3A_1913 = arith.addf %add3A_1909, %mul3A_1912 : vector<16xf32>
        %sub3A_1914 = vector.broadcast %squeeze3A_66 : f32 to vector<16xf32>
        %sub3A_1915 = arith.subf %get3A_1902, %sub3A_1914 : vector<16xf32>
        %mul3A_1916 = arith.mulf %sub3A_1915, %sub3A_1915 : vector<16xf32>
        %add3A_1917 = arith.addf %add3A_1913, %mul3A_1916 : vector<16xf32>
        %get3A_1918 = arith.index_cast %add3A_1884 : i32 to index
        %get3A_1919 = tpu.vector_load %arg6[%get3A_1918] {strides = array<i32>} : memref<16384xf32, #tpu.memory_space<vmem>>, vector<16xf32>,
        %add3A_1920 = arith.constant 4096 : i32
        %add3A_1921 = arith.addi %add3A_1920, %add3A_1884 : i32
        %get3A_1922 = arith.index_cast %add3A_1921 : i32 to index
        %get3A_1923 = tpu.vector_load %arg6[%get3A_1922] {strides = array<i32>} : memref<16384xf32, #tpu.memory_space<vmem>>, vector<16xf32>,
        %add3A_1924 = arith.constant 8192 : i32
        %add3A_1925 = arith.addi %add3A_1924, %add3A_1884 : i32
        %get3A_1926 = arith.index_cast %add3A_1925 : i32 to index
        %get3A_1927 = tpu.vector_load %arg6[%get3A_1926] {strides = array<i32>} : memref<16384xf32, #tpu.memory_space<vmem>>, vector<16xf32>,
        %add3A_1928 = arith.constant 12288 : i32
        %add3A_1929 = arith.addi %add3A_1928, %add3A_1884 : i32
        %get3A_1930 = arith.index_cast %add3A_1929 : i32 to index
        %get3A_1931 = tpu.vector_load %arg6[%get3A_1930] {strides = array<i32>} : memref<16384xf32, #tpu.memory_space<vmem>>, vector<16xf32>,
        %sub3A_1932 = vector.broadcast %squeeze3A : f32 to vector<16xf32>
        %sub3A_1933 = arith.subf %get3A_1919, %sub3A_1932 : vector<16xf32>
        %mul3A_1934 = arith.mulf %sub3A_1933, %sub3A_1933 : vector<16xf32>
        %sub3A_1935 = vector.broadcast %squeeze3A_62 : f32 to vector<16xf32>
        %sub3A_1936 = arith.subf %get3A_1923, %sub3A_1935 : vector<16xf32>
        %mul3A_1937 = arith.mulf %sub3A_1936, %sub3A_1936 : vector<16xf32>
        %add3A_1938 = arith.addf %mul3A_1934, %mul3A_1937 : vector<16xf32>
        %sub3A_1939 = vector.broadcast %squeeze3A_64 : f32 to vector<16xf32>
        %sub3A_1940 = arith.subf %get3A_1927, %sub3A_1939 : vector<16xf32>
        %mul3A_1941 = arith.mulf %sub3A_1940, %sub3A_1940 : vector<16xf32>
        %add3A_1942 = arith.addf %add3A_1938, %mul3A_1941 : vector<16xf32>
        %sub3A_1943 = vector.broadcast %squeeze3A_66 : f32 to vector<16xf32>
        %sub3A_1944 = arith.subf %get3A_1931, %sub3A_1943 : vector<16xf32>
        %mul3A_1945 = arith.mulf %sub3A_1944, %sub3A_1944 : vector<16xf32>
        %add3A_1946 = arith.addf %add3A_1942, %mul3A_1945 : vector<16xf32>
        %get3A_1947 = arith.index_cast %add3A_1886 : i32 to index
        %get3A_1948 = tpu.vector_load %arg6[%get3A_1947] {strides = array<i32>} : memref<16384xf32, #tpu.memory_space<vmem>>, vector<16xf32>,
        %add3A_1949 = arith.constant 4096 : i32
        %add3A_1950 = arith.addi %add3A_1949, %add3A_1886 : i32
        %get3A_1951 = arith.index_cast %add3A_1950 : i32 to index
        %get3A_1952 = tpu.vector_load %arg6[%get3A_1951] {strides = array<i32>} : memref<16384xf32, #tpu.memory_space<vmem>>, vector<16xf32>,
        %add3A_1953 = arith.constant 8192 : i32
        %add3A_1954 = arith.addi %add3A_1953, %add3A_1886 : i32
        %get3A_1955 = arith.index_cast %add3A_1954 : i32 to index
        %get3A_1956 = tpu.vector_load %arg6[%get3A_1955] {strides = array<i32>} : memref<16384xf32, #tpu.memory_space<vmem>>, vector<16xf32>,
        %add3A_1957 = arith.constant 12288 : i32
        %add3A_1958 = arith.addi %add3A_1957, %add3A_1886 : i32
        %get3A_1959 = arith.index_cast %add3A_1958 : i32 to index
        %get3A_1960 = tpu.vector_load %arg6[%get3A_1959] {strides = array<i32>} : memref<16384xf32, #tpu.memory_space<vmem>>, vector<16xf32>,
        %sub3A_1961 = vector.broadcast %squeeze3A : f32 to vector<16xf32>
        %sub3A_1962 = arith.subf %get3A_1948, %sub3A_1961 : vector<16xf32>
        %mul3A_1963 = arith.mulf %sub3A_1962, %sub3A_1962 : vector<16xf32>
        %sub3A_1964 = vector.broadcast %squeeze3A_62 : f32 to vector<16xf32>
        %sub3A_1965 = arith.subf %get3A_1952, %sub3A_1964 : vector<16xf32>
        %mul3A_1966 = arith.mulf %sub3A_1965, %sub3A_1965 : vector<16xf32>
        %add3A_1967 = arith.addf %mul3A_1963, %mul3A_1966 : vector<16xf32>
        %sub3A_1968 = vector.broadcast %squeeze3A_64 : f32 to vector<16xf32>
        %sub3A_1969 = arith.subf %get3A_1956, %sub3A_1968 : vector<16xf32>
        %mul3A_1970 = arith.mulf %sub3A_1969, %sub3A_1969 : vector<16xf32>
        %add3A_1971 = arith.addf %add3A_1967, %mul3A_1970 : vector<16xf32>
        %sub3A_1972 = vector.broadcast %squeeze3A_66 : f32 to vector<16xf32>
        %sub3A_1973 = arith.subf %get3A_1960, %sub3A_1972 : vector<16xf32>
        %mul3A_1974 = arith.mulf %sub3A_1973, %sub3A_1973 : vector<16xf32>
        %add3A_1975 = arith.addf %add3A_1971, %mul3A_1974 : vector<16xf32>
        %get3A_1976 = arith.index_cast %add3A_1888 : i32 to index
        %get3A_1977 = tpu.vector_load %arg6[%get3A_1976] {strides = array<i32>} : memref<16384xf32, #tpu.memory_space<vmem>>, vector<16xf32>,
        %add3A_1978 = arith.constant 4096 : i32
        %add3A_1979 = arith.addi %add3A_1978, %add3A_1888 : i32
        %get3A_1980 = arith.index_cast %add3A_1979 : i32 to index
        %get3A_1981 = tpu.vector_load %arg6[%get3A_1980] {strides = array<i32>} : memref<16384xf32, #tpu.memory_space<vmem>>, vector<16xf32>,
        %add3A_1982 = arith.constant 8192 : i32
        %add3A_1983 = arith.addi %add3A_1982, %add3A_1888 : i32
        %get3A_1984 = arith.index_cast %add3A_1983 : i32 to index
        %get3A_1985 = tpu.vector_load %arg6[%get3A_1984] {strides = array<i32>} : memref<16384xf32, #tpu.memory_space<vmem>>, vector<16xf32>,
        %add3A_1986 = arith.constant 12288 : i32
        %add3A_1987 = arith.addi %add3A_1986, %add3A_1888 : i32
        %get3A_1988 = arith.index_cast %add3A_1987 : i32 to index
        %get3A_1989 = tpu.vector_load %arg6[%get3A_1988] {strides = array<i32>} : memref<16384xf32, #tpu.memory_space<vmem>>, vector<16xf32>,
        %sub3A_1990 = vector.broadcast %squeeze3A : f32 to vector<16xf32>
        %sub3A_1991 = arith.subf %get3A_1977, %sub3A_1990 : vector<16xf32>
        %mul3A_1992 = arith.mulf %sub3A_1991, %sub3A_1991 : vector<16xf32>
        %sub3A_1993 = vector.broadcast %squeeze3A_62 : f32 to vector<16xf32>
        %sub3A_1994 = arith.subf %get3A_1981, %sub3A_1993 : vector<16xf32>
        %mul3A_1995 = arith.mulf %sub3A_1994, %sub3A_1994 : vector<16xf32>
        %add3A_1996 = arith.addf %mul3A_1992, %mul3A_1995 : vector<16xf32>
        %sub3A_1997 = vector.broadcast %squeeze3A_64 : f32 to vector<16xf32>
        %sub3A_1998 = arith.subf %get3A_1985, %sub3A_1997 : vector<16xf32>
        %mul3A_1999 = arith.mulf %sub3A_1998, %sub3A_1998 : vector<16xf32>
        %add3A_2000 = arith.addf %add3A_1996, %mul3A_1999 : vector<16xf32>
        %sub3A_2001 = vector.broadcast %squeeze3A_66 : f32 to vector<16xf32>
        %sub3A_2002 = arith.subf %get3A_1989, %sub3A_2001 : vector<16xf32>
        %mul3A_2003 = arith.mulf %sub3A_2002, %sub3A_2002 : vector<16xf32>
        %add3A_2004 = arith.addf %add3A_2000, %mul3A_2003 : vector<16xf32>
        %le3A = arith.cmpf ole, %add3A_1917, %scan3A_1879 : vector<16xf32>
        %le3A_2005 = arith.cmpf ole, %add3A_1946, %scan3A_1879 : vector<16xf32>
        %le3A_2006 = arith.cmpf ole, %add3A_1975, %scan3A_1879 : vector<16xf32>
        %le3A_2007 = arith.cmpf ole, %add3A_2004, %scan3A_1879 : vector<16xf32>
        %all_reduce_population_count3A = tpu.all_reduce %le3A {dim = 0 : i64, kind = #tpu.reduction_kind<sum>} : vector<16xi1> -> vector<16xi32>
        %all_reduce_population_count3A_2008 = tpu.all_reduce %le3A_2005 {dim = 0 : i64, kind = #tpu.reduction_kind<sum>} : vector<16xi1> -> vector<16xi32>
        %all_reduce_population_count3A_2009 = tpu.all_reduce %le3A_2006 {dim = 0 : i64, kind = #tpu.reduction_kind<sum>} : vector<16xi1> -> vector<16xi32>
        %all_reduce_population_count3A_2010 = tpu.all_reduce %le3A_2007 {dim = 0 : i64, kind = #tpu.reduction_kind<sum>} : vector<16xi1> -> vector<16xi32>
        %slice3A_2011 = vector.extract_strided_slice %all_reduce_population_count3A {offsets = [0], sizes = [1], strides = [1]} : vector<16xi32> to vector<1xi32>
        %squeeze3A_2012 = vector.extract %slice3A_2011[0] : i32 from vector<1xi32>
        %slice3A_2013 = vector.extract_strided_slice %all_reduce_population_count3A_2008 {offsets = [0], sizes = [1], strides = [1]} : vector<16xi32> to vector<1xi32>
        %squeeze3A_2014 = vector.extract %slice3A_2013[0] : i32 from vector<1xi32>
        %add3A_2015 = arith.addi %squeeze3A_2012, %squeeze3A_2014 : i32
        %slice3A_2016 = vector.extract_strided_slice %all_reduce_population_count3A_2009 {offsets = [0], sizes = [1], strides = [1]} : vector<16xi32> to vector<1xi32>
        %squeeze3A_2017 = vector.extract %slice3A_2016[0] : i32 from vector<1xi32>
        %add3A_2018 = arith.addi %add3A_2015, %squeeze3A_2017 : i32
        %slice3A_2019 = vector.extract_strided_slice %all_reduce_population_count3A_2010 {offsets = [0], sizes = [1], strides = [1]} : vector<16xi32> to vector<1xi32>
        %squeeze3A_2020 = vector.extract %slice3A_2019[0] : i32 from vector<1xi32>
        %add3A_2021 = arith.addi %add3A_2018, %squeeze3A_2020 : i32
        %gt3A = arith.constant 0 : i32
        %gt3A_2022 = arith.cmpi sgt, %add3A_2021, %gt3A : i32
        %convert_element_type3A = arith.extui %gt3A_2022 : i1 to i32
        %cond3A = arith.constant 0 : i32
        %cond3A_2023 = arith.cmpi ne, %convert_element_type3A, %cond3A : i32
        %cond3A_2024:2 = scf.if %cond3A_2023 -> (vector<16xf32>, vector<16xi32>) {
          %slice3A_2025 = vector.extract_strided_slice %all_reduce_population_count3A {offsets = [0], sizes = [1], strides = [1]} : vector<16xi32> to vector<1xi32>
          %squeeze3A_2026 = vector.extract %slice3A_2025[0] : i32 from vector<1xi32>
          %gt3A_2027 = arith.constant 0 : i32
          %gt3A_2028 = arith.cmpi sgt, %squeeze3A_2026, %gt3A_2027 : i32
          %convert_element_type3A_2029 = arith.extui %gt3A_2028 : i1 to i32
          %cond3A_2030 = arith.constant 0 : i32
          %cond3A_2031 = arith.cmpi ne, %convert_element_type3A_2029, %cond3A_2030 : i32
          %cond3A_2032 = scf.if %cond3A_2031 -> (vector<16xi32>) {
            %convert_element_type3A_2065 = arith.extui %le3A : vector<16xi1> to vector<16xi32>
            %broadcast_in_dim3A_2066 = arith.constant true
            %broadcast_in_dim3A_2067 = vector.broadcast %broadcast_in_dim3A_2066 : i1 to vector<16xi1>
            %masked_cumsum3A = tpu.scan <sum>, %convert_element_type3A_2065 masked %broadcast_in_dim3A_2067 : vector<16xi32>, vector<16xi1> -> vector<16xi32>
            %sub3A_2068 = arith.constant 1 : i32
            %sub3A_2069 = vector.broadcast %sub3A_2068 : i32 to vector<16xi32>
            %sub3A_2070 = arith.subi %masked_cumsum3A, %sub3A_2069 : vector<16xi32>
            %add3A_2071 = arith.addi %sub3A_2070, %scan3A_1880 : vector<16xi32>
            %lt3A_2072 = arith.constant 96 : i32
            %lt3A_2073 = vector.broadcast %lt3A_2072 : i32 to vector<16xi32>
            %lt3A_2074 = arith.cmpi slt, %add3A_2071, %lt3A_2073 : vector<16xi32>
            %and3A_2075 = arith.andi %le3A, %lt3A_2074 : vector<16xi1>
            tpu.vector_store_idx %arg10[%add3A_2071], %add3A_1917 masked %and3A_2075 : memref<96xf32, #tpu.memory_space<vmem>>[vector<16xi32>], vector<16xf32>, vector<16xi1>
            %add3A_2076 = vector.broadcast %mul3A_1882 : i32 to vector<16xi32>
            %add3A_2077 = arith.addi %iota3A, %add3A_2076 : vector<16xi32>
            tpu.vector_store_idx %arg11[%add3A_2071], %add3A_2077 masked %and3A_2075 : memref<96xi32, #tpu.memory_space<vmem>>[vector<16xi32>], vector<16xi32>, vector<16xi1>
            %slice3A_2078 = vector.extract_strided_slice %masked_cumsum3A {offsets = [15], sizes = [1], strides = [1]} : vector<16xi32> to vector<1xi32>
            %squeeze3A_2079 = vector.extract %slice3A_2078[0] : i32 from vector<1xi32>
            %add3A_2080 = vector.broadcast %squeeze3A_2079 : i32 to vector<16xi32>
            %add3A_2081 = arith.addi %scan3A_1880, %add3A_2080 : vector<16xi32>
            scf.yield %add3A_2081 : vector<16xi32>
          } else {
            scf.yield %scan3A_1880 : vector<16xi32>
          }
          %slice3A_2033 = vector.extract_strided_slice %all_reduce_population_count3A_2008 {offsets = [0], sizes = [1], strides = [1]} : vector<16xi32> to vector<1xi32>
          %squeeze3A_2034 = vector.extract %slice3A_2033[0] : i32 from vector<1xi32>
          %gt3A_2035 = arith.constant 0 : i32
          %gt3A_2036 = arith.cmpi sgt, %squeeze3A_2034, %gt3A_2035 : i32
          %convert_element_type3A_2037 = arith.extui %gt3A_2036 : i1 to i32
          %cond3A_2038 = arith.constant 0 : i32
          %cond3A_2039 = arith.cmpi ne, %convert_element_type3A_2037, %cond3A_2038 : i32
          %cond3A_2040 = scf.if %cond3A_2039 -> (vector<16xi32>) {
            %convert_element_type3A_2065 = arith.extui %le3A_2005 : vector<16xi1> to vector<16xi32>
            %broadcast_in_dim3A_2066 = arith.constant true
            %broadcast_in_dim3A_2067 = vector.broadcast %broadcast_in_dim3A_2066 : i1 to vector<16xi1>
            %masked_cumsum3A = tpu.scan <sum>, %convert_element_type3A_2065 masked %broadcast_in_dim3A_2067 : vector<16xi32>, vector<16xi1> -> vector<16xi32>
            %sub3A_2068 = arith.constant 1 : i32
            %sub3A_2069 = vector.broadcast %sub3A_2068 : i32 to vector<16xi32>
            %sub3A_2070 = arith.subi %masked_cumsum3A, %sub3A_2069 : vector<16xi32>
            %add3A_2071 = arith.addi %sub3A_2070, %cond3A_2032 : vector<16xi32>
            %lt3A_2072 = arith.constant 96 : i32
            %lt3A_2073 = vector.broadcast %lt3A_2072 : i32 to vector<16xi32>
            %lt3A_2074 = arith.cmpi slt, %add3A_2071, %lt3A_2073 : vector<16xi32>
            %and3A_2075 = arith.andi %le3A_2005, %lt3A_2074 : vector<16xi1>
            tpu.vector_store_idx %arg10[%add3A_2071], %add3A_1946 masked %and3A_2075 : memref<96xf32, #tpu.memory_space<vmem>>[vector<16xi32>], vector<16xf32>, vector<16xi1>
            %add3A_2076 = vector.broadcast %add3A_1884 : i32 to vector<16xi32>
            %add3A_2077 = arith.addi %iota3A, %add3A_2076 : vector<16xi32>
            tpu.vector_store_idx %arg11[%add3A_2071], %add3A_2077 masked %and3A_2075 : memref<96xi32, #tpu.memory_space<vmem>>[vector<16xi32>], vector<16xi32>, vector<16xi1>
            %slice3A_2078 = vector.extract_strided_slice %masked_cumsum3A {offsets = [15], sizes = [1], strides = [1]} : vector<16xi32> to vector<1xi32>
            %squeeze3A_2079 = vector.extract %slice3A_2078[0] : i32 from vector<1xi32>
            %add3A_2080 = vector.broadcast %squeeze3A_2079 : i32 to vector<16xi32>
            %add3A_2081 = arith.addi %cond3A_2032, %add3A_2080 : vector<16xi32>
            scf.yield %add3A_2081 : vector<16xi32>
          } else {
            scf.yield %cond3A_2032 : vector<16xi32>
          }
          %slice3A_2041 = vector.extract_strided_slice %all_reduce_population_count3A_2009 {offsets = [0], sizes = [1], strides = [1]} : vector<16xi32> to vector<1xi32>
          %squeeze3A_2042 = vector.extract %slice3A_2041[0] : i32 from vector<1xi32>
          %gt3A_2043 = arith.constant 0 : i32
          %gt3A_2044 = arith.cmpi sgt, %squeeze3A_2042, %gt3A_2043 : i32
          %convert_element_type3A_2045 = arith.extui %gt3A_2044 : i1 to i32
          %cond3A_2046 = arith.constant 0 : i32
          %cond3A_2047 = arith.cmpi ne, %convert_element_type3A_2045, %cond3A_2046 : i32
          %cond3A_2048 = scf.if %cond3A_2047 -> (vector<16xi32>) {
            %convert_element_type3A_2065 = arith.extui %le3A_2006 : vector<16xi1> to vector<16xi32>
            %broadcast_in_dim3A_2066 = arith.constant true
            %broadcast_in_dim3A_2067 = vector.broadcast %broadcast_in_dim3A_2066 : i1 to vector<16xi1>
            %masked_cumsum3A = tpu.scan <sum>, %convert_element_type3A_2065 masked %broadcast_in_dim3A_2067 : vector<16xi32>, vector<16xi1> -> vector<16xi32>
            %sub3A_2068 = arith.constant 1 : i32
            %sub3A_2069 = vector.broadcast %sub3A_2068 : i32 to vector<16xi32>
            %sub3A_2070 = arith.subi %masked_cumsum3A, %sub3A_2069 : vector<16xi32>
            %add3A_2071 = arith.addi %sub3A_2070, %cond3A_2040 : vector<16xi32>
            %lt3A_2072 = arith.constant 96 : i32
            %lt3A_2073 = vector.broadcast %lt3A_2072 : i32 to vector<16xi32>
            %lt3A_2074 = arith.cmpi slt, %add3A_2071, %lt3A_2073 : vector<16xi32>
            %and3A_2075 = arith.andi %le3A_2006, %lt3A_2074 : vector<16xi1>
            tpu.vector_store_idx %arg10[%add3A_2071], %add3A_1975 masked %and3A_2075 : memref<96xf32, #tpu.memory_space<vmem>>[vector<16xi32>], vector<16xf32>, vector<16xi1>
            %add3A_2076 = vector.broadcast %add3A_1886 : i32 to vector<16xi32>
            %add3A_2077 = arith.addi %iota3A, %add3A_2076 : vector<16xi32>
            tpu.vector_store_idx %arg11[%add3A_2071], %add3A_2077 masked %and3A_2075 : memref<96xi32, #tpu.memory_space<vmem>>[vector<16xi32>], vector<16xi32>, vector<16xi1>
            %slice3A_2078 = vector.extract_strided_slice %masked_cumsum3A {offsets = [15], sizes = [1], strides = [1]} : vector<16xi32> to vector<1xi32>
            %squeeze3A_2079 = vector.extract %slice3A_2078[0] : i32 from vector<1xi32>
            %add3A_2080 = vector.broadcast %squeeze3A_2079 : i32 to vector<16xi32>
            %add3A_2081 = arith.addi %cond3A_2040, %add3A_2080 : vector<16xi32>
            scf.yield %add3A_2081 : vector<16xi32>
          } else {
            scf.yield %cond3A_2040 : vector<16xi32>
          }
          %slice3A_2049 = vector.extract_strided_slice %all_reduce_population_count3A_2010 {offsets = [0], sizes = [1], strides = [1]} : vector<16xi32> to vector<1xi32>
          %squeeze3A_2050 = vector.extract %slice3A_2049[0] : i32 from vector<1xi32>
          %gt3A_2051 = arith.constant 0 : i32
          %gt3A_2052 = arith.cmpi sgt, %squeeze3A_2050, %gt3A_2051 : i32
          %convert_element_type3A_2053 = arith.extui %gt3A_2052 : i1 to i32
          %cond3A_2054 = arith.constant 0 : i32
          %cond3A_2055 = arith.cmpi ne, %convert_element_type3A_2053, %cond3A_2054 : i32
          %cond3A_2056 = scf.if %cond3A_2055 -> (vector<16xi32>) {
            %convert_element_type3A_2065 = arith.extui %le3A_2007 : vector<16xi1> to vector<16xi32>
            %broadcast_in_dim3A_2066 = arith.constant true
            %broadcast_in_dim3A_2067 = vector.broadcast %broadcast_in_dim3A_2066 : i1 to vector<16xi1>
            %masked_cumsum3A = tpu.scan <sum>, %convert_element_type3A_2065 masked %broadcast_in_dim3A_2067 : vector<16xi32>, vector<16xi1> -> vector<16xi32>
            %sub3A_2068 = arith.constant 1 : i32
            %sub3A_2069 = vector.broadcast %sub3A_2068 : i32 to vector<16xi32>
            %sub3A_2070 = arith.subi %masked_cumsum3A, %sub3A_2069 : vector<16xi32>
            %add3A_2071 = arith.addi %sub3A_2070, %cond3A_2048 : vector<16xi32>
            %lt3A_2072 = arith.constant 96 : i32
            %lt3A_2073 = vector.broadcast %lt3A_2072 : i32 to vector<16xi32>
            %lt3A_2074 = arith.cmpi slt, %add3A_2071, %lt3A_2073 : vector<16xi32>
            %and3A_2075 = arith.andi %le3A_2007, %lt3A_2074 : vector<16xi1>
            tpu.vector_store_idx %arg10[%add3A_2071], %add3A_2004 masked %and3A_2075 : memref<96xf32, #tpu.memory_space<vmem>>[vector<16xi32>], vector<16xf32>, vector<16xi1>
            %add3A_2076 = vector.broadcast %add3A_1888 : i32 to vector<16xi32>
            %add3A_2077 = arith.addi %iota3A, %add3A_2076 : vector<16xi32>
            tpu.vector_store_idx %arg11[%add3A_2071], %add3A_2077 masked %and3A_2075 : memref<96xi32, #tpu.memory_space<vmem>>[vector<16xi32>], vector<16xi32>, vector<16xi1>
            %slice3A_2078 = vector.extract_strided_slice %masked_cumsum3A {offsets = [15], sizes = [1], strides = [1]} : vector<16xi32> to vector<1xi32>
            %squeeze3A_2079 = vector.extract %slice3A_2078[0] : i32 from vector<1xi32>
            %add3A_2080 = vector.broadcast %squeeze3A_2079 : i32 to vector<16xi32>
            %add3A_2081 = arith.addi %cond3A_2048, %add3A_2080 : vector<16xi32>
            scf.yield %add3A_2081 : vector<16xi32>
          } else {
            scf.yield %cond3A_2048 : vector<16xi32>
          }
          %slice3A_2057 = vector.extract_strided_slice %cond3A_2056 {offsets = [0], sizes = [1], strides = [1]} : vector<16xi32> to vector<1xi32>
          %squeeze3A_2058 = vector.extract %slice3A_2057[0] : i32 from vector<1xi32>
          %gt3A_2059 = arith.constant 32 : i32
          %gt3A_2060 = arith.cmpi sgt, %squeeze3A_2058, %gt3A_2059 : i32
          %convert_element_type3A_2061 = arith.extui %gt3A_2060 : i1 to i32
          %cond3A_2062 = arith.constant 0 : i32
          %cond3A_2063 = arith.cmpi ne, %convert_element_type3A_2061, %cond3A_2062 : i32
          %cond3A_2064:2 = scf.if %cond3A_2063 -> (vector<16xf32>, vector<16xi32>) {
            %get3A_2065 = arith.constant 0 : index
            %get3A_2066 = tpu.vector_load %arg10[%get3A_2065] {strides = array<i32>} : memref<96xf32, #tpu.memory_space<vmem>>, vector<16xf32>,
            %get3A_2067 = arith.constant 16 : index
            %get3A_2068 = tpu.vector_load %arg10[%get3A_2067] {strides = array<i32>} : memref<96xf32, #tpu.memory_space<vmem>>, vector<16xf32>,
            %get3A_2069 = arith.constant 32 : index
            %get3A_2070 = tpu.vector_load %arg10[%get3A_2069] {strides = array<i32>} : memref<96xf32, #tpu.memory_space<vmem>>, vector<16xf32>,
            %get3A_2071 = arith.constant 48 : index
            %get3A_2072 = tpu.vector_load %arg10[%get3A_2071] {strides = array<i32>} : memref<96xf32, #tpu.memory_space<vmem>>, vector<16xf32>,
            %get3A_2073 = arith.constant 64 : index
            %get3A_2074 = tpu.vector_load %arg10[%get3A_2073] {strides = array<i32>} : memref<96xf32, #tpu.memory_space<vmem>>, vector<16xf32>,
            %get3A_2075 = arith.constant 80 : index
            %get3A_2076 = tpu.vector_load %arg10[%get3A_2075] {strides = array<i32>} : memref<96xf32, #tpu.memory_space<vmem>>, vector<16xf32>,
            %get3A_2077 = arith.constant 0 : index
            %get3A_2078 = tpu.vector_load %arg11[%get3A_2077] {strides = array<i32>} : memref<96xi32, #tpu.memory_space<vmem>>, vector<16xi32>,
            %get3A_2079 = arith.constant 16 : index
            %get3A_2080 = tpu.vector_load %arg11[%get3A_2079] {strides = array<i32>} : memref<96xi32, #tpu.memory_space<vmem>>, vector<16xi32>,
            %get3A_2081 = arith.constant 32 : index
            %get3A_2082 = tpu.vector_load %arg11[%get3A_2081] {strides = array<i32>} : memref<96xi32, #tpu.memory_space<vmem>>, vector<16xi32>,
            %get3A_2083 = arith.constant 48 : index
            %get3A_2084 = tpu.vector_load %arg11[%get3A_2083] {strides = array<i32>} : memref<96xi32, #tpu.memory_space<vmem>>, vector<16xi32>,
            %get3A_2085 = arith.constant 64 : index
            %get3A_2086 = tpu.vector_load %arg11[%get3A_2085] {strides = array<i32>} : memref<96xi32, #tpu.memory_space<vmem>>, vector<16xi32>,
            %get3A_2087 = arith.constant 80 : index
            %get3A_2088 = tpu.vector_load %arg11[%get3A_2087] {strides = array<i32>} : memref<96xi32, #tpu.memory_space<vmem>>, vector<16xi32>,
            %min3A_2089 = arith.minimumf %get3A_2066, %get3A_2068 : vector<16xf32>
            %min3A_2090 = arith.minimumf %min3A_2089, %get3A_2070 : vector<16xf32>
            %min3A_2091 = arith.minimumf %min3A_2090, %get3A_2072 : vector<16xf32>
            %min3A_2092 = arith.minimumf %min3A_2091, %get3A_2074 : vector<16xf32>
            %min3A_2093 = arith.minimumf %min3A_2092, %get3A_2076 : vector<16xf32>
            %xor3A_2094 = arith.constant 1 : i32
            %xor3A_2095 = vector.broadcast %xor3A_2094 : i32 to vector<16xi32>
            %xor3A_2096 = arith.xori %iota3A, %xor3A_2095 : vector<16xi32>
            %lt3A_2097 = arith.constant 0 : i32
            %lt3A_2098 = vector.broadcast %lt3A_2097 : i32 to vector<16xi32>
            %lt3A_2099 = arith.cmpi slt, %xor3A_2096, %lt3A_2098 : vector<16xi32>
            %add3A_2100 = arith.constant 16 : i32
            %add3A_2101 = vector.broadcast %add3A_2100 : i32 to vector<16xi32>
            %add3A_2102 = arith.addi %xor3A_2096, %add3A_2101 : vector<16xi32>
            %select_n3A_2103 = arith.select %lt3A_2099, %add3A_2102, %xor3A_2096 : vector<16xi1>, vector<16xi32>
            %broadcast_in_dim3A_2104 = vector.shape_cast %select_n3A_2103 : vector<16xi32> to vector<16x1xi32>
            %gather3A_2105 = vector.shape_cast %broadcast_in_dim3A_2104 : vector<16x1xi32> to vector<16xi32>
            %gather3A_2106 = tpu.dynamic_gather %min3A_2093[%gather3A_2105] in [0] : vector<16xf32>, vector<16xi32> -> vector<16xf32>
            %min3A_2107 = arith.minimumf %min3A_2093, %gather3A_2106 : vector<16xf32>
            %xor3A_2108 = arith.constant 2 : i32
            %xor3A_2109 = vector.broadcast %xor3A_2108 : i32 to vector<16xi32>
            %xor3A_2110 = arith.xori %iota3A, %xor3A_2109 : vector<16xi32>
            %lt3A_2111 = arith.constant 0 : i32
            %lt3A_2112 = vector.broadcast %lt3A_2111 : i32 to vector<16xi32>
            %lt3A_2113 = arith.cmpi slt, %xor3A_2110, %lt3A_2112 : vector<16xi32>
            %add3A_2114 = arith.constant 16 : i32
            %add3A_2115 = vector.broadcast %add3A_2114 : i32 to vector<16xi32>
            %add3A_2116 = arith.addi %xor3A_2110, %add3A_2115 : vector<16xi32>
            %select_n3A_2117 = arith.select %lt3A_2113, %add3A_2116, %xor3A_2110 : vector<16xi1>, vector<16xi32>
            %broadcast_in_dim3A_2118 = vector.shape_cast %select_n3A_2117 : vector<16xi32> to vector<16x1xi32>
            %gather3A_2119 = vector.shape_cast %broadcast_in_dim3A_2118 : vector<16x1xi32> to vector<16xi32>
            %gather3A_2120 = tpu.dynamic_gather %min3A_2107[%gather3A_2119] in [0] : vector<16xf32>, vector<16xi32> -> vector<16xf32>
            %min3A_2121 = arith.minimumf %min3A_2107, %gather3A_2120 : vector<16xf32>
            %xor3A_2122 = arith.constant 4 : i32
            %xor3A_2123 = vector.broadcast %xor3A_2122 : i32 to vector<16xi32>
            %xor3A_2124 = arith.xori %iota3A, %xor3A_2123 : vector<16xi32>
            %lt3A_2125 = arith.constant 0 : i32
            %lt3A_2126 = vector.broadcast %lt3A_2125 : i32 to vector<16xi32>
            %lt3A_2127 = arith.cmpi slt, %xor3A_2124, %lt3A_2126 : vector<16xi32>
            %add3A_2128 = arith.constant 16 : i32
            %add3A_2129 = vector.broadcast %add3A_2128 : i32 to vector<16xi32>
            %add3A_2130 = arith.addi %xor3A_2124, %add3A_2129 : vector<16xi32>
            %select_n3A_2131 = arith.select %lt3A_2127, %add3A_2130, %xor3A_2124 : vector<16xi1>, vector<16xi32>
            %broadcast_in_dim3A_2132 = vector.shape_cast %select_n3A_2131 : vector<16xi32> to vector<16x1xi32>
            %gather3A_2133 = vector.shape_cast %broadcast_in_dim3A_2132 : vector<16x1xi32> to vector<16xi32>
            %gather3A_2134 = tpu.dynamic_gather %min3A_2121[%gather3A_2133] in [0] : vector<16xf32>, vector<16xi32> -> vector<16xf32>
            %min3A_2135 = arith.minimumf %min3A_2121, %gather3A_2134 : vector<16xf32>
            %xor3A_2136 = arith.constant 8 : i32
            %xor3A_2137 = vector.broadcast %xor3A_2136 : i32 to vector<16xi32>
            %xor3A_2138 = arith.xori %iota3A, %xor3A_2137 : vector<16xi32>
            %lt3A_2139 = arith.constant 0 : i32
            %lt3A_2140 = vector.broadcast %lt3A_2139 : i32 to vector<16xi32>
            %lt3A_2141 = arith.cmpi slt, %xor3A_2138, %lt3A_2140 : vector<16xi32>
            %add3A_2142 = arith.constant 16 : i32
            %add3A_2143 = vector.broadcast %add3A_2142 : i32 to vector<16xi32>
            %add3A_2144 = arith.addi %xor3A_2138, %add3A_2143 : vector<16xi32>
            %select_n3A_2145 = arith.select %lt3A_2141, %add3A_2144, %xor3A_2138 : vector<16xi1>, vector<16xi32>
            %broadcast_in_dim3A_2146 = vector.shape_cast %select_n3A_2145 : vector<16xi32> to vector<16x1xi32>
            %gather3A_2147 = vector.shape_cast %broadcast_in_dim3A_2146 : vector<16x1xi32> to vector<16xi32>
            %gather3A_2148 = tpu.dynamic_gather %min3A_2135[%gather3A_2147] in [0] : vector<16xf32>, vector<16xi32> -> vector<16xf32>
            %min3A_2149 = arith.minimumf %min3A_2135, %gather3A_2148 : vector<16xf32>
            %eq3A_2150 = arith.cmpf oeq, %get3A_2066, %min3A_2149 : vector<16xf32>
            %select_n3A_2151 = arith.select %eq3A_2150, %broadcast_in_dim3A_42, %get3A_2066 : vector<16xi1>, vector<16xf32>
            %eq3A_2152 = arith.cmpf oeq, %get3A_2068, %min3A_2149 : vector<16xf32>
            %select_n3A_2153 = arith.select %eq3A_2152, %broadcast_in_dim3A_42, %get3A_2068 : vector<16xi1>, vector<16xf32>
            %eq3A_2154 = arith.cmpf oeq, %get3A_2070, %min3A_2149 : vector<16xf32>
            %select_n3A_2155 = arith.select %eq3A_2154, %broadcast_in_dim3A_42, %get3A_2070 : vector<16xi1>, vector<16xf32>
            %eq3A_2156 = arith.cmpf oeq, %get3A_2072, %min3A_2149 : vector<16xf32>
            %select_n3A_2157 = arith.select %eq3A_2156, %broadcast_in_dim3A_42, %get3A_2072 : vector<16xi1>, vector<16xf32>
            %eq3A_2158 = arith.cmpf oeq, %get3A_2074, %min3A_2149 : vector<16xf32>
            %select_n3A_2159 = arith.select %eq3A_2158, %broadcast_in_dim3A_42, %get3A_2074 : vector<16xi1>, vector<16xf32>
            %eq3A_2160 = arith.cmpf oeq, %get3A_2076, %min3A_2149 : vector<16xf32>
            %select_n3A_2161 = arith.select %eq3A_2160, %broadcast_in_dim3A_42, %get3A_2076 : vector<16xi1>, vector<16xf32>
            %min3A_2162 = arith.minimumf %select_n3A_2151, %select_n3A_2153 : vector<16xf32>
            %min3A_2163 = arith.minimumf %min3A_2162, %select_n3A_2155 : vector<16xf32>
            %min3A_2164 = arith.minimumf %min3A_2163, %select_n3A_2157 : vector<16xf32>
            %min3A_2165 = arith.minimumf %min3A_2164, %select_n3A_2159 : vector<16xf32>
            %min3A_2166 = arith.minimumf %min3A_2165, %select_n3A_2161 : vector<16xf32>
            %xor3A_2167 = arith.constant 1 : i32
            %xor3A_2168 = vector.broadcast %xor3A_2167 : i32 to vector<16xi32>
            %xor3A_2169 = arith.xori %iota3A, %xor3A_2168 : vector<16xi32>
            %lt3A_2170 = arith.constant 0 : i32
            %lt3A_2171 = vector.broadcast %lt3A_2170 : i32 to vector<16xi32>
            %lt3A_2172 = arith.cmpi slt, %xor3A_2169, %lt3A_2171 : vector<16xi32>
            %add3A_2173 = arith.constant 16 : i32
            %add3A_2174 = vector.broadcast %add3A_2173 : i32 to vector<16xi32>
            %add3A_2175 = arith.addi %xor3A_2169, %add3A_2174 : vector<16xi32>
            %select_n3A_2176 = arith.select %lt3A_2172, %add3A_2175, %xor3A_2169 : vector<16xi1>, vector<16xi32>
            %broadcast_in_dim3A_2177 = vector.shape_cast %select_n3A_2176 : vector<16xi32> to vector<16x1xi32>
            %gather3A_2178 = vector.shape_cast %broadcast_in_dim3A_2177 : vector<16x1xi32> to vector<16xi32>
            %gather3A_2179 = tpu.dynamic_gather %min3A_2166[%gather3A_2178] in [0] : vector<16xf32>, vector<16xi32> -> vector<16xf32>
            %min3A_2180 = arith.minimumf %min3A_2166, %gather3A_2179 : vector<16xf32>
            %xor3A_2181 = arith.constant 2 : i32
            %xor3A_2182 = vector.broadcast %xor3A_2181 : i32 to vector<16xi32>
            %xor3A_2183 = arith.xori %iota3A, %xor3A_2182 : vector<16xi32>
            %lt3A_2184 = arith.constant 0 : i32
            %lt3A_2185 = vector.broadcast %lt3A_2184 : i32 to vector<16xi32>
            %lt3A_2186 = arith.cmpi slt, %xor3A_2183, %lt3A_2185 : vector<16xi32>
            %add3A_2187 = arith.constant 16 : i32
            %add3A_2188 = vector.broadcast %add3A_2187 : i32 to vector<16xi32>
            %add3A_2189 = arith.addi %xor3A_2183, %add3A_2188 : vector<16xi32>
            %select_n3A_2190 = arith.select %lt3A_2186, %add3A_2189, %xor3A_2183 : vector<16xi1>, vector<16xi32>
            %broadcast_in_dim3A_2191 = vector.shape_cast %select_n3A_2190 : vector<16xi32> to vector<16x1xi32>
            %gather3A_2192 = vector.shape_cast %broadcast_in_dim3A_2191 : vector<16x1xi32> to vector<16xi32>
            %gather3A_2193 = tpu.dynamic_gather %min3A_2180[%gather3A_2192] in [0] : vector<16xf32>, vector<16xi32> -> vector<16xf32>
            %min3A_2194 = arith.minimumf %min3A_2180, %gather3A_2193 : vector<16xf32>
            %xor3A_2195 = arith.constant 4 : i32
            %xor3A_2196 = vector.broadcast %xor3A_2195 : i32 to vector<16xi32>
            %xor3A_2197 = arith.xori %iota3A, %xor3A_2196 : vector<16xi32>
            %lt3A_2198 = arith.constant 0 : i32
            %lt3A_2199 = vector.broadcast %lt3A_2198 : i32 to vector<16xi32>
            %lt3A_2200 = arith.cmpi slt, %xor3A_2197, %lt3A_2199 : vector<16xi32>
            %add3A_2201 = arith.constant 16 : i32
            %add3A_2202 = vector.broadcast %add3A_2201 : i32 to vector<16xi32>
            %add3A_2203 = arith.addi %xor3A_2197, %add3A_2202 : vector<16xi32>
            %select_n3A_2204 = arith.select %lt3A_2200, %add3A_2203, %xor3A_2197 : vector<16xi1>, vector<16xi32>
            %broadcast_in_dim3A_2205 = vector.shape_cast %select_n3A_2204 : vector<16xi32> to vector<16x1xi32>
            %gather3A_2206 = vector.shape_cast %broadcast_in_dim3A_2205 : vector<16x1xi32> to vector<16xi32>
            %gather3A_2207 = tpu.dynamic_gather %min3A_2194[%gather3A_2206] in [0] : vector<16xf32>, vector<16xi32> -> vector<16xf32>
            %min3A_2208 = arith.minimumf %min3A_2194, %gather3A_2207 : vector<16xf32>
            %xor3A_2209 = arith.constant 8 : i32
            %xor3A_2210 = vector.broadcast %xor3A_2209 : i32 to vector<16xi32>
            %xor3A_2211 = arith.xori %iota3A, %xor3A_2210 : vector<16xi32>
            %lt3A_2212 = arith.constant 0 : i32
            %lt3A_2213 = vector.broadcast %lt3A_2212 : i32 to vector<16xi32>
            %lt3A_2214 = arith.cmpi slt, %xor3A_2211, %lt3A_2213 : vector<16xi32>
            %add3A_2215 = arith.constant 16 : i32
            %add3A_2216 = vector.broadcast %add3A_2215 : i32 to vector<16xi32>
            %add3A_2217 = arith.addi %xor3A_2211, %add3A_2216 : vector<16xi32>
            %select_n3A_2218 = arith.select %lt3A_2214, %add3A_2217, %xor3A_2211 : vector<16xi1>, vector<16xi32>
            %broadcast_in_dim3A_2219 = vector.shape_cast %select_n3A_2218 : vector<16xi32> to vector<16x1xi32>
            %gather3A_2220 = vector.shape_cast %broadcast_in_dim3A_2219 : vector<16x1xi32> to vector<16xi32>
            %gather3A_2221 = tpu.dynamic_gather %min3A_2208[%gather3A_2220] in [0] : vector<16xf32>, vector<16xi32> -> vector<16xf32>
            %min3A_2222 = arith.minimumf %min3A_2208, %gather3A_2221 : vector<16xf32>
            %eq3A_2223 = arith.cmpf oeq, %select_n3A_2151, %min3A_2222 : vector<16xf32>
            %select_n3A_2224 = arith.select %eq3A_2223, %broadcast_in_dim3A_42, %select_n3A_2151 : vector<16xi1>, vector<16xf32>
            %eq3A_2225 = arith.cmpf oeq, %select_n3A_2153, %min3A_2222 : vector<16xf32>
            %select_n3A_2226 = arith.select %eq3A_2225, %broadcast_in_dim3A_42, %select_n3A_2153 : vector<16xi1>, vector<16xf32>
            %eq3A_2227 = arith.cmpf oeq, %select_n3A_2155, %min3A_2222 : vector<16xf32>
            %select_n3A_2228 = arith.select %eq3A_2227, %broadcast_in_dim3A_42, %select_n3A_2155 : vector<16xi1>, vector<16xf32>
            %eq3A_2229 = arith.cmpf oeq, %select_n3A_2157, %min3A_2222 : vector<16xf32>
            %select_n3A_2230 = arith.select %eq3A_2229, %broadcast_in_dim3A_42, %select_n3A_2157 : vector<16xi1>, vector<16xf32>
            %eq3A_2231 = arith.cmpf oeq, %select_n3A_2159, %min3A_2222 : vector<16xf32>
            %select_n3A_2232 = arith.select %eq3A_2231, %broadcast_in_dim3A_42, %select_n3A_2159 : vector<16xi1>, vector<16xf32>
            %eq3A_2233 = arith.cmpf oeq, %select_n3A_2161, %min3A_2222 : vector<16xf32>
            %select_n3A_2234 = arith.select %eq3A_2233, %broadcast_in_dim3A_42, %select_n3A_2161 : vector<16xi1>, vector<16xf32>
            %min3A_2235 = arith.minimumf %select_n3A_2224, %select_n3A_2226 : vector<16xf32>
            %min3A_2236 = arith.minimumf %min3A_2235, %select_n3A_2228 : vector<16xf32>
            %min3A_2237 = arith.minimumf %min3A_2236, %select_n3A_2230 : vector<16xf32>
            %min3A_2238 = arith.minimumf %min3A_2237, %select_n3A_2232 : vector<16xf32>
            %min3A_2239 = arith.minimumf %min3A_2238, %select_n3A_2234 : vector<16xf32>
            %xor3A_2240 = arith.constant 1 : i32
            %xor3A_2241 = vector.broadcast %xor3A_2240 : i32 to vector<16xi32>
            %xor3A_2242 = arith.xori %iota3A, %xor3A_2241 : vector<16xi32>
            %lt3A_2243 = arith.constant 0 : i32
            %lt3A_2244 = vector.broadcast %lt3A_2243 : i32 to vector<16xi32>
            %lt3A_2245 = arith.cmpi slt, %xor3A_2242, %lt3A_2244 : vector<16xi32>
            %add3A_2246 = arith.constant 16 : i32
            %add3A_2247 = vector.broadcast %add3A_2246 : i32 to vector<16xi32>
            %add3A_2248 = arith.addi %xor3A_2242, %add3A_2247 : vector<16xi32>
            %select_n3A_2249 = arith.select %lt3A_2245, %add3A_2248, %xor3A_2242 : vector<16xi1>, vector<16xi32>
            %broadcast_in_dim3A_2250 = vector.shape_cast %select_n3A_2249 : vector<16xi32> to vector<16x1xi32>
            %gather3A_2251 = vector.shape_cast %broadcast_in_dim3A_2250 : vector<16x1xi32> to vector<16xi32>
            %gather3A_2252 = tpu.dynamic_gather %min3A_2239[%gather3A_2251] in [0] : vector<16xf32>, vector<16xi32> -> vector<16xf32>
            %min3A_2253 = arith.minimumf %min3A_2239, %gather3A_2252 : vector<16xf32>
            %xor3A_2254 = arith.constant 2 : i32
            %xor3A_2255 = vector.broadcast %xor3A_2254 : i32 to vector<16xi32>
            %xor3A_2256 = arith.xori %iota3A, %xor3A_2255 : vector<16xi32>
            %lt3A_2257 = arith.constant 0 : i32
            %lt3A_2258 = vector.broadcast %lt3A_2257 : i32 to vector<16xi32>
            %lt3A_2259 = arith.cmpi slt, %xor3A_2256, %lt3A_2258 : vector<16xi32>
            %add3A_2260 = arith.constant 16 : i32
            %add3A_2261 = vector.broadcast %add3A_2260 : i32 to vector<16xi32>
            %add3A_2262 = arith.addi %xor3A_2256, %add3A_2261 : vector<16xi32>
            %select_n3A_2263 = arith.select %lt3A_2259, %add3A_2262, %xor3A_2256 : vector<16xi1>, vector<16xi32>
            %broadcast_in_dim3A_2264 = vector.shape_cast %select_n3A_2263 : vector<16xi32> to vector<16x1xi32>
            %gather3A_2265 = vector.shape_cast %broadcast_in_dim3A_2264 : vector<16x1xi32> to vector<16xi32>
            %gather3A_2266 = tpu.dynamic_gather %min3A_2253[%gather3A_2265] in [0] : vector<16xf32>, vector<16xi32> -> vector<16xf32>
            %min3A_2267 = arith.minimumf %min3A_2253, %gather3A_2266 : vector<16xf32>
            %xor3A_2268 = arith.constant 4 : i32
            %xor3A_2269 = vector.broadcast %xor3A_2268 : i32 to vector<16xi32>
            %xor3A_2270 = arith.xori %iota3A, %xor3A_2269 : vector<16xi32>
            %lt3A_2271 = arith.constant 0 : i32
            %lt3A_2272 = vector.broadcast %lt3A_2271 : i32 to vector<16xi32>
            %lt3A_2273 = arith.cmpi slt, %xor3A_2270, %lt3A_2272 : vector<16xi32>
            %add3A_2274 = arith.constant 16 : i32
            %add3A_2275 = vector.broadcast %add3A_2274 : i32 to vector<16xi32>
            %add3A_2276 = arith.addi %xor3A_2270, %add3A_2275 : vector<16xi32>
            %select_n3A_2277 = arith.select %lt3A_2273, %add3A_2276, %xor3A_2270 : vector<16xi1>, vector<16xi32>
            %broadcast_in_dim3A_2278 = vector.shape_cast %select_n3A_2277 : vector<16xi32> to vector<16x1xi32>
            %gather3A_2279 = vector.shape_cast %broadcast_in_dim3A_2278 : vector<16x1xi32> to vector<16xi32>
            %gather3A_2280 = tpu.dynamic_gather %min3A_2267[%gather3A_2279] in [0] : vector<16xf32>, vector<16xi32> -> vector<16xf32>
            %min3A_2281 = arith.minimumf %min3A_2267, %gather3A_2280 : vector<16xf32>
            %xor3A_2282 = arith.constant 8 : i32
            %xor3A_2283 = vector.broadcast %xor3A_2282 : i32 to vector<16xi32>
            %xor3A_2284 = arith.xori %iota3A, %xor3A_2283 : vector<16xi32>
            %lt3A_2285 = arith.constant 0 : i32
            %lt3A_2286 = vector.broadcast %lt3A_2285 : i32 to vector<16xi32>
            %lt3A_2287 = arith.cmpi slt, %xor3A_2284, %lt3A_2286 : vector<16xi32>
            %add3A_2288 = arith.constant 16 : i32
            %add3A_2289 = vector.broadcast %add3A_2288 : i32 to vector<16xi32>
            %add3A_2290 = arith.addi %xor3A_2284, %add3A_2289 : vector<16xi32>
            %select_n3A_2291 = arith.select %lt3A_2287, %add3A_2290, %xor3A_2284 : vector<16xi1>, vector<16xi32>
            %broadcast_in_dim3A_2292 = vector.shape_cast %select_n3A_2291 : vector<16xi32> to vector<16x1xi32>
            %gather3A_2293 = vector.shape_cast %broadcast_in_dim3A_2292 : vector<16x1xi32> to vector<16xi32>
            %gather3A_2294 = tpu.dynamic_gather %min3A_2281[%gather3A_2293] in [0] : vector<16xf32>, vector<16xi32> -> vector<16xf32>
            %min3A_2295 = arith.minimumf %min3A_2281, %gather3A_2294 : vector<16xf32>
            %eq3A_2296 = arith.cmpf oeq, %select_n3A_2224, %min3A_2295 : vector<16xf32>
            %select_n3A_2297 = arith.select %eq3A_2296, %broadcast_in_dim3A_42, %select_n3A_2224 : vector<16xi1>, vector<16xf32>
            %eq3A_2298 = arith.cmpf oeq, %select_n3A_2226, %min3A_2295 : vector<16xf32>
            %select_n3A_2299 = arith.select %eq3A_2298, %broadcast_in_dim3A_42, %select_n3A_2226 : vector<16xi1>, vector<16xf32>
            %eq3A_2300 = arith.cmpf oeq, %select_n3A_2228, %min3A_2295 : vector<16xf32>
            %select_n3A_2301 = arith.select %eq3A_2300, %broadcast_in_dim3A_42, %select_n3A_2228 : vector<16xi1>, vector<16xf32>
            %eq3A_2302 = arith.cmpf oeq, %select_n3A_2230, %min3A_2295 : vector<16xf32>
            %select_n3A_2303 = arith.select %eq3A_2302, %broadcast_in_dim3A_42, %select_n3A_2230 : vector<16xi1>, vector<16xf32>
            %eq3A_2304 = arith.cmpf oeq, %select_n3A_2232, %min3A_2295 : vector<16xf32>
            %select_n3A_2305 = arith.select %eq3A_2304, %broadcast_in_dim3A_42, %select_n3A_2232 : vector<16xi1>, vector<16xf32>
            %eq3A_2306 = arith.cmpf oeq, %select_n3A_2234, %min3A_2295 : vector<16xf32>
            %select_n3A_2307 = arith.select %eq3A_2306, %broadcast_in_dim3A_42, %select_n3A_2234 : vector<16xi1>, vector<16xf32>
            %min3A_2308 = arith.minimumf %select_n3A_2297, %select_n3A_2299 : vector<16xf32>
            %min3A_2309 = arith.minimumf %min3A_2308, %select_n3A_2301 : vector<16xf32>
            %min3A_2310 = arith.minimumf %min3A_2309, %select_n3A_2303 : vector<16xf32>
            %min3A_2311 = arith.minimumf %min3A_2310, %select_n3A_2305 : vector<16xf32>
            %min3A_2312 = arith.minimumf %min3A_2311, %select_n3A_2307 : vector<16xf32>
            %xor3A_2313 = arith.constant 1 : i32
            %xor3A_2314 = vector.broadcast %xor3A_2313 : i32 to vector<16xi32>
            %xor3A_2315 = arith.xori %iota3A, %xor3A_2314 : vector<16xi32>
            %lt3A_2316 = arith.constant 0 : i32
            %lt3A_2317 = vector.broadcast %lt3A_2316 : i32 to vector<16xi32>
            %lt3A_2318 = arith.cmpi slt, %xor3A_2315, %lt3A_2317 : vector<16xi32>
            %add3A_2319 = arith.constant 16 : i32
            %add3A_2320 = vector.broadcast %add3A_2319 : i32 to vector<16xi32>
            %add3A_2321 = arith.addi %xor3A_2315, %add3A_2320 : vector<16xi32>
            %select_n3A_2322 = arith.select %lt3A_2318, %add3A_2321, %xor3A_2315 : vector<16xi1>, vector<16xi32>
            %broadcast_in_dim3A_2323 = vector.shape_cast %select_n3A_2322 : vector<16xi32> to vector<16x1xi32>
            %gather3A_2324 = vector.shape_cast %broadcast_in_dim3A_2323 : vector<16x1xi32> to vector<16xi32>
            %gather3A_2325 = tpu.dynamic_gather %min3A_2312[%gather3A_2324] in [0] : vector<16xf32>, vector<16xi32> -> vector<16xf32>
            %min3A_2326 = arith.minimumf %min3A_2312, %gather3A_2325 : vector<16xf32>
            %xor3A_2327 = arith.constant 2 : i32
            %xor3A_2328 = vector.broadcast %xor3A_2327 : i32 to vector<16xi32>
            %xor3A_2329 = arith.xori %iota3A, %xor3A_2328 : vector<16xi32>
            %lt3A_2330 = arith.constant 0 : i32
            %lt3A_2331 = vector.broadcast %lt3A_2330 : i32 to vector<16xi32>
            %lt3A_2332 = arith.cmpi slt, %xor3A_2329, %lt3A_2331 : vector<16xi32>
            %add3A_2333 = arith.constant 16 : i32
            %add3A_2334 = vector.broadcast %add3A_2333 : i32 to vector<16xi32>
            %add3A_2335 = arith.addi %xor3A_2329, %add3A_2334 : vector<16xi32>
            %select_n3A_2336 = arith.select %lt3A_2332, %add3A_2335, %xor3A_2329 : vector<16xi1>, vector<16xi32>
            %broadcast_in_dim3A_2337 = vector.shape_cast %select_n3A_2336 : vector<16xi32> to vector<16x1xi32>
            %gather3A_2338 = vector.shape_cast %broadcast_in_dim3A_2337 : vector<16x1xi32> to vector<16xi32>
            %gather3A_2339 = tpu.dynamic_gather %min3A_2326[%gather3A_2338] in [0] : vector<16xf32>, vector<16xi32> -> vector<16xf32>
            %min3A_2340 = arith.minimumf %min3A_2326, %gather3A_2339 : vector<16xf32>
            %xor3A_2341 = arith.constant 4 : i32
            %xor3A_2342 = vector.broadcast %xor3A_2341 : i32 to vector<16xi32>
            %xor3A_2343 = arith.xori %iota3A, %xor3A_2342 : vector<16xi32>
            %lt3A_2344 = arith.constant 0 : i32
            %lt3A_2345 = vector.broadcast %lt3A_2344 : i32 to vector<16xi32>
            %lt3A_2346 = arith.cmpi slt, %xor3A_2343, %lt3A_2345 : vector<16xi32>
            %add3A_2347 = arith.constant 16 : i32
            %add3A_2348 = vector.broadcast %add3A_2347 : i32 to vector<16xi32>
            %add3A_2349 = arith.addi %xor3A_2343, %add3A_2348 : vector<16xi32>
            %select_n3A_2350 = arith.select %lt3A_2346, %add3A_2349, %xor3A_2343 : vector<16xi1>, vector<16xi32>
            %broadcast_in_dim3A_2351 = vector.shape_cast %select_n3A_2350 : vector<16xi32> to vector<16x1xi32>
            %gather3A_2352 = vector.shape_cast %broadcast_in_dim3A_2351 : vector<16x1xi32> to vector<16xi32>
            %gather3A_2353 = tpu.dynamic_gather %min3A_2340[%gather3A_2352] in [0] : vector<16xf32>, vector<16xi32> -> vector<16xf32>
            %min3A_2354 = arith.minimumf %min3A_2340, %gather3A_2353 : vector<16xf32>
            %xor3A_2355 = arith.constant 8 : i32
            %xor3A_2356 = vector.broadcast %xor3A_2355 : i32 to vector<16xi32>
            %xor3A_2357 = arith.xori %iota3A, %xor3A_2356 : vector<16xi32>
            %lt3A_2358 = arith.constant 0 : i32
            %lt3A_2359 = vector.broadcast %lt3A_2358 : i32 to vector<16xi32>
            %lt3A_2360 = arith.cmpi slt, %xor3A_2357, %lt3A_2359 : vector<16xi32>
            %add3A_2361 = arith.constant 16 : i32
            %add3A_2362 = vector.broadcast %add3A_2361 : i32 to vector<16xi32>
            %add3A_2363 = arith.addi %xor3A_2357, %add3A_2362 : vector<16xi32>
            %select_n3A_2364 = arith.select %lt3A_2360, %add3A_2363, %xor3A_2357 : vector<16xi1>, vector<16xi32>
            %broadcast_in_dim3A_2365 = vector.shape_cast %select_n3A_2364 : vector<16xi32> to vector<16x1xi32>
            %gather3A_2366 = vector.shape_cast %broadcast_in_dim3A_2365 : vector<16x1xi32> to vector<16xi32>
            %gather3A_2367 = tpu.dynamic_gather %min3A_2354[%gather3A_2366] in [0] : vector<16xf32>, vector<16xi32> -> vector<16xf32>
            %min3A_2368 = arith.minimumf %min3A_2354, %gather3A_2367 : vector<16xf32>
            %eq3A_2369 = arith.cmpf oeq, %select_n3A_2297, %min3A_2368 : vector<16xf32>
            %select_n3A_2370 = arith.select %eq3A_2369, %broadcast_in_dim3A_42, %select_n3A_2297 : vector<16xi1>, vector<16xf32>
            %eq3A_2371 = arith.cmpf oeq, %select_n3A_2299, %min3A_2368 : vector<16xf32>
            %select_n3A_2372 = arith.select %eq3A_2371, %broadcast_in_dim3A_42, %select_n3A_2299 : vector<16xi1>, vector<16xf32>
            %eq3A_2373 = arith.cmpf oeq, %select_n3A_2301, %min3A_2368 : vector<16xf32>
            %select_n3A_2374 = arith.select %eq3A_2373, %broadcast_in_dim3A_42, %select_n3A_2301 : vector<16xi1>, vector<16xf32>
            %eq3A_2375 = arith.cmpf oeq, %select_n3A_2303, %min3A_2368 : vector<16xf32>
            %select_n3A_2376 = arith.select %eq3A_2375, %broadcast_in_dim3A_42, %select_n3A_2303 : vector<16xi1>, vector<16xf32>
            %eq3A_2377 = arith.cmpf oeq, %select_n3A_2305, %min3A_2368 : vector<16xf32>
            %select_n3A_2378 = arith.select %eq3A_2377, %broadcast_in_dim3A_42, %select_n3A_2305 : vector<16xi1>, vector<16xf32>
            %eq3A_2379 = arith.cmpf oeq, %select_n3A_2307, %min3A_2368 : vector<16xf32>
            %select_n3A_2380 = arith.select %eq3A_2379, %broadcast_in_dim3A_42, %select_n3A_2307 : vector<16xi1>, vector<16xf32>
            %min3A_2381 = arith.minimumf %select_n3A_2370, %select_n3A_2372 : vector<16xf32>
            %min3A_2382 = arith.minimumf %min3A_2381, %select_n3A_2374 : vector<16xf32>
            %min3A_2383 = arith.minimumf %min3A_2382, %select_n3A_2376 : vector<16xf32>
            %min3A_2384 = arith.minimumf %min3A_2383, %select_n3A_2378 : vector<16xf32>
            %min3A_2385 = arith.minimumf %min3A_2384, %select_n3A_2380 : vector<16xf32>
            %xor3A_2386 = arith.constant 1 : i32
            %xor3A_2387 = vector.broadcast %xor3A_2386 : i32 to vector<16xi32>
            %xor3A_2388 = arith.xori %iota3A, %xor3A_2387 : vector<16xi32>
            %lt3A_2389 = arith.constant 0 : i32
            %lt3A_2390 = vector.broadcast %lt3A_2389 : i32 to vector<16xi32>
            %lt3A_2391 = arith.cmpi slt, %xor3A_2388, %lt3A_2390 : vector<16xi32>
            %add3A_2392 = arith.constant 16 : i32
            %add3A_2393 = vector.broadcast %add3A_2392 : i32 to vector<16xi32>
            %add3A_2394 = arith.addi %xor3A_2388, %add3A_2393 : vector<16xi32>
            %select_n3A_2395 = arith.select %lt3A_2391, %add3A_2394, %xor3A_2388 : vector<16xi1>, vector<16xi32>
            %broadcast_in_dim3A_2396 = vector.shape_cast %select_n3A_2395 : vector<16xi32> to vector<16x1xi32>
            %gather3A_2397 = vector.shape_cast %broadcast_in_dim3A_2396 : vector<16x1xi32> to vector<16xi32>
            %gather3A_2398 = tpu.dynamic_gather %min3A_2385[%gather3A_2397] in [0] : vector<16xf32>, vector<16xi32> -> vector<16xf32>
            %min3A_2399 = arith.minimumf %min3A_2385, %gather3A_2398 : vector<16xf32>
            %xor3A_2400 = arith.constant 2 : i32
            %xor3A_2401 = vector.broadcast %xor3A_2400 : i32 to vector<16xi32>
            %xor3A_2402 = arith.xori %iota3A, %xor3A_2401 : vector<16xi32>
            %lt3A_2403 = arith.constant 0 : i32
            %lt3A_2404 = vector.broadcast %lt3A_2403 : i32 to vector<16xi32>
            %lt3A_2405 = arith.cmpi slt, %xor3A_2402, %lt3A_2404 : vector<16xi32>
            %add3A_2406 = arith.constant 16 : i32
            %add3A_2407 = vector.broadcast %add3A_2406 : i32 to vector<16xi32>
            %add3A_2408 = arith.addi %xor3A_2402, %add3A_2407 : vector<16xi32>
            %select_n3A_2409 = arith.select %lt3A_2405, %add3A_2408, %xor3A_2402 : vector<16xi1>, vector<16xi32>
            %broadcast_in_dim3A_2410 = vector.shape_cast %select_n3A_2409 : vector<16xi32> to vector<16x1xi32>
            %gather3A_2411 = vector.shape_cast %broadcast_in_dim3A_2410 : vector<16x1xi32> to vector<16xi32>
            %gather3A_2412 = tpu.dynamic_gather %min3A_2399[%gather3A_2411] in [0] : vector<16xf32>, vector<16xi32> -> vector<16xf32>
            %min3A_2413 = arith.minimumf %min3A_2399, %gather3A_2412 : vector<16xf32>
            %xor3A_2414 = arith.constant 4 : i32
            %xor3A_2415 = vector.broadcast %xor3A_2414 : i32 to vector<16xi32>
            %xor3A_2416 = arith.xori %iota3A, %xor3A_2415 : vector<16xi32>
            %lt3A_2417 = arith.constant 0 : i32
            %lt3A_2418 = vector.broadcast %lt3A_2417 : i32 to vector<16xi32>
            %lt3A_2419 = arith.cmpi slt, %xor3A_2416, %lt3A_2418 : vector<16xi32>
            %add3A_2420 = arith.constant 16 : i32
            %add3A_2421 = vector.broadcast %add3A_2420 : i32 to vector<16xi32>
            %add3A_2422 = arith.addi %xor3A_2416, %add3A_2421 : vector<16xi32>
            %select_n3A_2423 = arith.select %lt3A_2419, %add3A_2422, %xor3A_2416 : vector<16xi1>, vector<16xi32>
            %broadcast_in_dim3A_2424 = vector.shape_cast %select_n3A_2423 : vector<16xi32> to vector<16x1xi32>
            %gather3A_2425 = vector.shape_cast %broadcast_in_dim3A_2424 : vector<16x1xi32> to vector<16xi32>
            %gather3A_2426 = tpu.dynamic_gather %min3A_2413[%gather3A_2425] in [0] : vector<16xf32>, vector<16xi32> -> vector<16xf32>
            %min3A_2427 = arith.minimumf %min3A_2413, %gather3A_2426 : vector<16xf32>
            %xor3A_2428 = arith.constant 8 : i32
            %xor3A_2429 = vector.broadcast %xor3A_2428 : i32 to vector<16xi32>
            %xor3A_2430 = arith.xori %iota3A, %xor3A_2429 : vector<16xi32>
            %lt3A_2431 = arith.constant 0 : i32
            %lt3A_2432 = vector.broadcast %lt3A_2431 : i32 to vector<16xi32>
            %lt3A_2433 = arith.cmpi slt, %xor3A_2430, %lt3A_2432 : vector<16xi32>
            %add3A_2434 = arith.constant 16 : i32
            %add3A_2435 = vector.broadcast %add3A_2434 : i32 to vector<16xi32>
            %add3A_2436 = arith.addi %xor3A_2430, %add3A_2435 : vector<16xi32>
            %select_n3A_2437 = arith.select %lt3A_2433, %add3A_2436, %xor3A_2430 : vector<16xi1>, vector<16xi32>
            %broadcast_in_dim3A_2438 = vector.shape_cast %select_n3A_2437 : vector<16xi32> to vector<16x1xi32>
            %gather3A_2439 = vector.shape_cast %broadcast_in_dim3A_2438 : vector<16x1xi32> to vector<16xi32>
            %gather3A_2440 = tpu.dynamic_gather %min3A_2427[%gather3A_2439] in [0] : vector<16xf32>, vector<16xi32> -> vector<16xf32>
            %min3A_2441 = arith.minimumf %min3A_2427, %gather3A_2440 : vector<16xf32>
            %eq3A_2442 = arith.cmpf oeq, %select_n3A_2370, %min3A_2441 : vector<16xf32>
            %select_n3A_2443 = arith.select %eq3A_2442, %broadcast_in_dim3A_42, %select_n3A_2370 : vector<16xi1>, vector<16xf32>
            %eq3A_2444 = arith.cmpf oeq, %select_n3A_2372, %min3A_2441 : vector<16xf32>
            %select_n3A_2445 = arith.select %eq3A_2444, %broadcast_in_dim3A_42, %select_n3A_2372 : vector<16xi1>, vector<16xf32>
            %eq3A_2446 = arith.cmpf oeq, %select_n3A_2374, %min3A_2441 : vector<16xf32>
            %select_n3A_2447 = arith.select %eq3A_2446, %broadcast_in_dim3A_42, %select_n3A_2374 : vector<16xi1>, vector<16xf32>
            %eq3A_2448 = arith.cmpf oeq, %select_n3A_2376, %min3A_2441 : vector<16xf32>
            %select_n3A_2449 = arith.select %eq3A_2448, %broadcast_in_dim3A_42, %select_n3A_2376 : vector<16xi1>, vector<16xf32>
            %eq3A_2450 = arith.cmpf oeq, %select_n3A_2378, %min3A_2441 : vector<16xf32>
            %select_n3A_2451 = arith.select %eq3A_2450, %broadcast_in_dim3A_42, %select_n3A_2378 : vector<16xi1>, vector<16xf32>
            %eq3A_2452 = arith.cmpf oeq, %select_n3A_2380, %min3A_2441 : vector<16xf32>
            %select_n3A_2453 = arith.select %eq3A_2452, %broadcast_in_dim3A_42, %select_n3A_2380 : vector<16xi1>, vector<16xf32>
            %min3A_2454 = arith.minimumf %select_n3A_2443, %select_n3A_2445 : vector<16xf32>
            %min3A_2455 = arith.minimumf %min3A_2454, %select_n3A_2447 : vector<16xf32>
            %min3A_2456 = arith.minimumf %min3A_2455, %select_n3A_2449 : vector<16xf32>
            %min3A_2457 = arith.minimumf %min3A_2456, %select_n3A_2451 : vector<16xf32>
            %min3A_2458 = arith.minimumf %min3A_2457, %select_n3A_2453 : vector<16xf32>
            %xor3A_2459 = arith.constant 1 : i32
            %xor3A_2460 = vector.broadcast %xor3A_2459 : i32 to vector<16xi32>
            %xor3A_2461 = arith.xori %iota3A, %xor3A_2460 : vector<16xi32>
            %lt3A_2462 = arith.constant 0 : i32
            %lt3A_2463 = vector.broadcast %lt3A_2462 : i32 to vector<16xi32>
            %lt3A_2464 = arith.cmpi slt, %xor3A_2461, %lt3A_2463 : vector<16xi32>
            %add3A_2465 = arith.constant 16 : i32
            %add3A_2466 = vector.broadcast %add3A_2465 : i32 to vector<16xi32>
            %add3A_2467 = arith.addi %xor3A_2461, %add3A_2466 : vector<16xi32>
            %select_n3A_2468 = arith.select %lt3A_2464, %add3A_2467, %xor3A_2461 : vector<16xi1>, vector<16xi32>
            %broadcast_in_dim3A_2469 = vector.shape_cast %select_n3A_2468 : vector<16xi32> to vector<16x1xi32>
            %gather3A_2470 = vector.shape_cast %broadcast_in_dim3A_2469 : vector<16x1xi32> to vector<16xi32>
            %gather3A_2471 = tpu.dynamic_gather %min3A_2458[%gather3A_2470] in [0] : vector<16xf32>, vector<16xi32> -> vector<16xf32>
            %min3A_2472 = arith.minimumf %min3A_2458, %gather3A_2471 : vector<16xf32>
            %xor3A_2473 = arith.constant 2 : i32
            %xor3A_2474 = vector.broadcast %xor3A_2473 : i32 to vector<16xi32>
            %xor3A_2475 = arith.xori %iota3A, %xor3A_2474 : vector<16xi32>
            %lt3A_2476 = arith.constant 0 : i32
            %lt3A_2477 = vector.broadcast %lt3A_2476 : i32 to vector<16xi32>
            %lt3A_2478 = arith.cmpi slt, %xor3A_2475, %lt3A_2477 : vector<16xi32>
            %add3A_2479 = arith.constant 16 : i32
            %add3A_2480 = vector.broadcast %add3A_2479 : i32 to vector<16xi32>
            %add3A_2481 = arith.addi %xor3A_2475, %add3A_2480 : vector<16xi32>
            %select_n3A_2482 = arith.select %lt3A_2478, %add3A_2481, %xor3A_2475 : vector<16xi1>, vector<16xi32>
            %broadcast_in_dim3A_2483 = vector.shape_cast %select_n3A_2482 : vector<16xi32> to vector<16x1xi32>
            %gather3A_2484 = vector.shape_cast %broadcast_in_dim3A_2483 : vector<16x1xi32> to vector<16xi32>
            %gather3A_2485 = tpu.dynamic_gather %min3A_2472[%gather3A_2484] in [0] : vector<16xf32>, vector<16xi32> -> vector<16xf32>
            %min3A_2486 = arith.minimumf %min3A_2472, %gather3A_2485 : vector<16xf32>
            %xor3A_2487 = arith.constant 4 : i32
            %xor3A_2488 = vector.broadcast %xor3A_2487 : i32 to vector<16xi32>
            %xor3A_2489 = arith.xori %iota3A, %xor3A_2488 : vector<16xi32>
            %lt3A_2490 = arith.constant 0 : i32
            %lt3A_2491 = vector.broadcast %lt3A_2490 : i32 to vector<16xi32>
            %lt3A_2492 = arith.cmpi slt, %xor3A_2489, %lt3A_2491 : vector<16xi32>
            %add3A_2493 = arith.constant 16 : i32
            %add3A_2494 = vector.broadcast %add3A_2493 : i32 to vector<16xi32>
            %add3A_2495 = arith.addi %xor3A_2489, %add3A_2494 : vector<16xi32>
            %select_n3A_2496 = arith.select %lt3A_2492, %add3A_2495, %xor3A_2489 : vector<16xi1>, vector<16xi32>
            %broadcast_in_dim3A_2497 = vector.shape_cast %select_n3A_2496 : vector<16xi32> to vector<16x1xi32>
            %gather3A_2498 = vector.shape_cast %broadcast_in_dim3A_2497 : vector<16x1xi32> to vector<16xi32>
            %gather3A_2499 = tpu.dynamic_gather %min3A_2486[%gather3A_2498] in [0] : vector<16xf32>, vector<16xi32> -> vector<16xf32>
            %min3A_2500 = arith.minimumf %min3A_2486, %gather3A_2499 : vector<16xf32>
            %xor3A_2501 = arith.constant 8 : i32
            %xor3A_2502 = vector.broadcast %xor3A_2501 : i32 to vector<16xi32>
            %xor3A_2503 = arith.xori %iota3A, %xor3A_2502 : vector<16xi32>
            %lt3A_2504 = arith.constant 0 : i32
            %lt3A_2505 = vector.broadcast %lt3A_2504 : i32 to vector<16xi32>
            %lt3A_2506 = arith.cmpi slt, %xor3A_2503, %lt3A_2505 : vector<16xi32>
            %add3A_2507 = arith.constant 16 : i32
            %add3A_2508 = vector.broadcast %add3A_2507 : i32 to vector<16xi32>
            %add3A_2509 = arith.addi %xor3A_2503, %add3A_2508 : vector<16xi32>
            %select_n3A_2510 = arith.select %lt3A_2506, %add3A_2509, %xor3A_2503 : vector<16xi1>, vector<16xi32>
            %broadcast_in_dim3A_2511 = vector.shape_cast %select_n3A_2510 : vector<16xi32> to vector<16x1xi32>
            %gather3A_2512 = vector.shape_cast %broadcast_in_dim3A_2511 : vector<16x1xi32> to vector<16xi32>
            %gather3A_2513 = tpu.dynamic_gather %min3A_2500[%gather3A_2512] in [0] : vector<16xf32>, vector<16xi32> -> vector<16xf32>
            %min3A_2514 = arith.minimumf %min3A_2500, %gather3A_2513 : vector<16xf32>
            %eq3A_2515 = arith.cmpf oeq, %select_n3A_2443, %min3A_2514 : vector<16xf32>
            %select_n3A_2516 = arith.select %eq3A_2515, %broadcast_in_dim3A_42, %select_n3A_2443 : vector<16xi1>, vector<16xf32>
            %eq3A_2517 = arith.cmpf oeq, %select_n3A_2445, %min3A_2514 : vector<16xf32>
            %select_n3A_2518 = arith.select %eq3A_2517, %broadcast_in_dim3A_42, %select_n3A_2445 : vector<16xi1>, vector<16xf32>
            %eq3A_2519 = arith.cmpf oeq, %select_n3A_2447, %min3A_2514 : vector<16xf32>
            %select_n3A_2520 = arith.select %eq3A_2519, %broadcast_in_dim3A_42, %select_n3A_2447 : vector<16xi1>, vector<16xf32>
            %eq3A_2521 = arith.cmpf oeq, %select_n3A_2449, %min3A_2514 : vector<16xf32>
            %select_n3A_2522 = arith.select %eq3A_2521, %broadcast_in_dim3A_42, %select_n3A_2449 : vector<16xi1>, vector<16xf32>
            %eq3A_2523 = arith.cmpf oeq, %select_n3A_2451, %min3A_2514 : vector<16xf32>
            %select_n3A_2524 = arith.select %eq3A_2523, %broadcast_in_dim3A_42, %select_n3A_2451 : vector<16xi1>, vector<16xf32>
            %eq3A_2525 = arith.cmpf oeq, %select_n3A_2453, %min3A_2514 : vector<16xf32>
            %select_n3A_2526 = arith.select %eq3A_2525, %broadcast_in_dim3A_42, %select_n3A_2453 : vector<16xi1>, vector<16xf32>
            %min3A_2527 = arith.minimumf %select_n3A_2516, %select_n3A_2518 : vector<16xf32>
            %min3A_2528 = arith.minimumf %min3A_2527, %select_n3A_2520 : vector<16xf32>
            %min3A_2529 = arith.minimumf %min3A_2528, %select_n3A_2522 : vector<16xf32>
            %min3A_2530 = arith.minimumf %min3A_2529, %select_n3A_2524 : vector<16xf32>
            %min3A_2531 = arith.minimumf %min3A_2530, %select_n3A_2526 : vector<16xf32>
            %xor3A_2532 = arith.constant 1 : i32
            %xor3A_2533 = vector.broadcast %xor3A_2532 : i32 to vector<16xi32>
            %xor3A_2534 = arith.xori %iota3A, %xor3A_2533 : vector<16xi32>
            %lt3A_2535 = arith.constant 0 : i32
            %lt3A_2536 = vector.broadcast %lt3A_2535 : i32 to vector<16xi32>
            %lt3A_2537 = arith.cmpi slt, %xor3A_2534, %lt3A_2536 : vector<16xi32>
            %add3A_2538 = arith.constant 16 : i32
            %add3A_2539 = vector.broadcast %add3A_2538 : i32 to vector<16xi32>
            %add3A_2540 = arith.addi %xor3A_2534, %add3A_2539 : vector<16xi32>
            %select_n3A_2541 = arith.select %lt3A_2537, %add3A_2540, %xor3A_2534 : vector<16xi1>, vector<16xi32>
            %broadcast_in_dim3A_2542 = vector.shape_cast %select_n3A_2541 : vector<16xi32> to vector<16x1xi32>
            %gather3A_2543 = vector.shape_cast %broadcast_in_dim3A_2542 : vector<16x1xi32> to vector<16xi32>
            %gather3A_2544 = tpu.dynamic_gather %min3A_2531[%gather3A_2543] in [0] : vector<16xf32>, vector<16xi32> -> vector<16xf32>
            %min3A_2545 = arith.minimumf %min3A_2531, %gather3A_2544 : vector<16xf32>
            %xor3A_2546 = arith.constant 2 : i32
            %xor3A_2547 = vector.broadcast %xor3A_2546 : i32 to vector<16xi32>
            %xor3A_2548 = arith.xori %iota3A, %xor3A_2547 : vector<16xi32>
            %lt3A_2549 = arith.constant 0 : i32
            %lt3A_2550 = vector.broadcast %lt3A_2549 : i32 to vector<16xi32>
            %lt3A_2551 = arith.cmpi slt, %xor3A_2548, %lt3A_2550 : vector<16xi32>
            %add3A_2552 = arith.constant 16 : i32
            %add3A_2553 = vector.broadcast %add3A_2552 : i32 to vector<16xi32>
            %add3A_2554 = arith.addi %xor3A_2548, %add3A_2553 : vector<16xi32>
            %select_n3A_2555 = arith.select %lt3A_2551, %add3A_2554, %xor3A_2548 : vector<16xi1>, vector<16xi32>
            %broadcast_in_dim3A_2556 = vector.shape_cast %select_n3A_2555 : vector<16xi32> to vector<16x1xi32>
            %gather3A_2557 = vector.shape_cast %broadcast_in_dim3A_2556 : vector<16x1xi32> to vector<16xi32>
            %gather3A_2558 = tpu.dynamic_gather %min3A_2545[%gather3A_2557] in [0] : vector<16xf32>, vector<16xi32> -> vector<16xf32>
            %min3A_2559 = arith.minimumf %min3A_2545, %gather3A_2558 : vector<16xf32>
            %xor3A_2560 = arith.constant 4 : i32
            %xor3A_2561 = vector.broadcast %xor3A_2560 : i32 to vector<16xi32>
            %xor3A_2562 = arith.xori %iota3A, %xor3A_2561 : vector<16xi32>
            %lt3A_2563 = arith.constant 0 : i32
            %lt3A_2564 = vector.broadcast %lt3A_2563 : i32 to vector<16xi32>
            %lt3A_2565 = arith.cmpi slt, %xor3A_2562, %lt3A_2564 : vector<16xi32>
            %add3A_2566 = arith.constant 16 : i32
            %add3A_2567 = vector.broadcast %add3A_2566 : i32 to vector<16xi32>
            %add3A_2568 = arith.addi %xor3A_2562, %add3A_2567 : vector<16xi32>
            %select_n3A_2569 = arith.select %lt3A_2565, %add3A_2568, %xor3A_2562 : vector<16xi1>, vector<16xi32>
            %broadcast_in_dim3A_2570 = vector.shape_cast %select_n3A_2569 : vector<16xi32> to vector<16x1xi32>
            %gather3A_2571 = vector.shape_cast %broadcast_in_dim3A_2570 : vector<16x1xi32> to vector<16xi32>
            %gather3A_2572 = tpu.dynamic_gather %min3A_2559[%gather3A_2571] in [0] : vector<16xf32>, vector<16xi32> -> vector<16xf32>
            %min3A_2573 = arith.minimumf %min3A_2559, %gather3A_2572 : vector<16xf32>
            %xor3A_2574 = arith.constant 8 : i32
            %xor3A_2575 = vector.broadcast %xor3A_2574 : i32 to vector<16xi32>
            %xor3A_2576 = arith.xori %iota3A, %xor3A_2575 : vector<16xi32>
            %lt3A_2577 = arith.constant 0 : i32
            %lt3A_2578 = vector.broadcast %lt3A_2577 : i32 to vector<16xi32>
            %lt3A_2579 = arith.cmpi slt, %xor3A_2576, %lt3A_2578 : vector<16xi32>
            %add3A_2580 = arith.constant 16 : i32
            %add3A_2581 = vector.broadcast %add3A_2580 : i32 to vector<16xi32>
            %add3A_2582 = arith.addi %xor3A_2576, %add3A_2581 : vector<16xi32>
            %select_n3A_2583 = arith.select %lt3A_2579, %add3A_2582, %xor3A_2576 : vector<16xi1>, vector<16xi32>
            %broadcast_in_dim3A_2584 = vector.shape_cast %select_n3A_2583 : vector<16xi32> to vector<16x1xi32>
            %gather3A_2585 = vector.shape_cast %broadcast_in_dim3A_2584 : vector<16x1xi32> to vector<16xi32>
            %gather3A_2586 = tpu.dynamic_gather %min3A_2573[%gather3A_2585] in [0] : vector<16xf32>, vector<16xi32> -> vector<16xf32>
            %min3A_2587 = arith.minimumf %min3A_2573, %gather3A_2586 : vector<16xf32>
            %eq3A_2588 = arith.cmpf oeq, %select_n3A_2516, %min3A_2587 : vector<16xf32>
            %select_n3A_2589 = arith.select %eq3A_2588, %broadcast_in_dim3A_42, %select_n3A_2516 : vector<16xi1>, vector<16xf32>
            %eq3A_2590 = arith.cmpf oeq, %select_n3A_2518, %min3A_2587 : vector<16xf32>
            %select_n3A_2591 = arith.select %eq3A_2590, %broadcast_in_dim3A_42, %select_n3A_2518 : vector<16xi1>, vector<16xf32>
            %eq3A_2592 = arith.cmpf oeq, %select_n3A_2520, %min3A_2587 : vector<16xf32>
            %select_n3A_2593 = arith.select %eq3A_2592, %broadcast_in_dim3A_42, %select_n3A_2520 : vector<16xi1>, vector<16xf32>
            %eq3A_2594 = arith.cmpf oeq, %select_n3A_2522, %min3A_2587 : vector<16xf32>
            %select_n3A_2595 = arith.select %eq3A_2594, %broadcast_in_dim3A_42, %select_n3A_2522 : vector<16xi1>, vector<16xf32>
            %eq3A_2596 = arith.cmpf oeq, %select_n3A_2524, %min3A_2587 : vector<16xf32>
            %select_n3A_2597 = arith.select %eq3A_2596, %broadcast_in_dim3A_42, %select_n3A_2524 : vector<16xi1>, vector<16xf32>
            %eq3A_2598 = arith.cmpf oeq, %select_n3A_2526, %min3A_2587 : vector<16xf32>
            %select_n3A_2599 = arith.select %eq3A_2598, %broadcast_in_dim3A_42, %select_n3A_2526 : vector<16xi1>, vector<16xf32>
            %min3A_2600 = arith.minimumf %select_n3A_2589, %select_n3A_2591 : vector<16xf32>
            %min3A_2601 = arith.minimumf %min3A_2600, %select_n3A_2593 : vector<16xf32>
            %min3A_2602 = arith.minimumf %min3A_2601, %select_n3A_2595 : vector<16xf32>
            %min3A_2603 = arith.minimumf %min3A_2602, %select_n3A_2597 : vector<16xf32>
            %min3A_2604 = arith.minimumf %min3A_2603, %select_n3A_2599 : vector<16xf32>
            %xor3A_2605 = arith.constant 1 : i32
            %xor3A_2606 = vector.broadcast %xor3A_2605 : i32 to vector<16xi32>
            %xor3A_2607 = arith.xori %iota3A, %xor3A_2606 : vector<16xi32>
            %lt3A_2608 = arith.constant 0 : i32
            %lt3A_2609 = vector.broadcast %lt3A_2608 : i32 to vector<16xi32>
            %lt3A_2610 = arith.cmpi slt, %xor3A_2607, %lt3A_2609 : vector<16xi32>
            %add3A_2611 = arith.constant 16 : i32
            %add3A_2612 = vector.broadcast %add3A_2611 : i32 to vector<16xi32>
            %add3A_2613 = arith.addi %xor3A_2607, %add3A_2612 : vector<16xi32>
            %select_n3A_2614 = arith.select %lt3A_2610, %add3A_2613, %xor3A_2607 : vector<16xi1>, vector<16xi32>
            %broadcast_in_dim3A_2615 = vector.shape_cast %select_n3A_2614 : vector<16xi32> to vector<16x1xi32>
            %gather3A_2616 = vector.shape_cast %broadcast_in_dim3A_2615 : vector<16x1xi32> to vector<16xi32>
            %gather3A_2617 = tpu.dynamic_gather %min3A_2604[%gather3A_2616] in [0] : vector<16xf32>, vector<16xi32> -> vector<16xf32>
            %min3A_2618 = arith.minimumf %min3A_2604, %gather3A_2617 : vector<16xf32>
            %xor3A_2619 = arith.constant 2 : i32
            %xor3A_2620 = vector.broadcast %xor3A_2619 : i32 to vector<16xi32>
            %xor3A_2621 = arith.xori %iota3A, %xor3A_2620 : vector<16xi32>
            %lt3A_2622 = arith.constant 0 : i32
            %lt3A_2623 = vector.broadcast %lt3A_2622 : i32 to vector<16xi32>
            %lt3A_2624 = arith.cmpi slt, %xor3A_2621, %lt3A_2623 : vector<16xi32>
            %add3A_2625 = arith.constant 16 : i32
            %add3A_2626 = vector.broadcast %add3A_2625 : i32 to vector<16xi32>
            %add3A_2627 = arith.addi %xor3A_2621, %add3A_2626 : vector<16xi32>
            %select_n3A_2628 = arith.select %lt3A_2624, %add3A_2627, %xor3A_2621 : vector<16xi1>, vector<16xi32>
            %broadcast_in_dim3A_2629 = vector.shape_cast %select_n3A_2628 : vector<16xi32> to vector<16x1xi32>
            %gather3A_2630 = vector.shape_cast %broadcast_in_dim3A_2629 : vector<16x1xi32> to vector<16xi32>
            %gather3A_2631 = tpu.dynamic_gather %min3A_2618[%gather3A_2630] in [0] : vector<16xf32>, vector<16xi32> -> vector<16xf32>
            %min3A_2632 = arith.minimumf %min3A_2618, %gather3A_2631 : vector<16xf32>
            %xor3A_2633 = arith.constant 4 : i32
            %xor3A_2634 = vector.broadcast %xor3A_2633 : i32 to vector<16xi32>
            %xor3A_2635 = arith.xori %iota3A, %xor3A_2634 : vector<16xi32>
            %lt3A_2636 = arith.constant 0 : i32
            %lt3A_2637 = vector.broadcast %lt3A_2636 : i32 to vector<16xi32>
            %lt3A_2638 = arith.cmpi slt, %xor3A_2635, %lt3A_2637 : vector<16xi32>
            %add3A_2639 = arith.constant 16 : i32
            %add3A_2640 = vector.broadcast %add3A_2639 : i32 to vector<16xi32>
            %add3A_2641 = arith.addi %xor3A_2635, %add3A_2640 : vector<16xi32>
            %select_n3A_2642 = arith.select %lt3A_2638, %add3A_2641, %xor3A_2635 : vector<16xi1>, vector<16xi32>
            %broadcast_in_dim3A_2643 = vector.shape_cast %select_n3A_2642 : vector<16xi32> to vector<16x1xi32>
            %gather3A_2644 = vector.shape_cast %broadcast_in_dim3A_2643 : vector<16x1xi32> to vector<16xi32>
            %gather3A_2645 = tpu.dynamic_gather %min3A_2632[%gather3A_2644] in [0] : vector<16xf32>, vector<16xi32> -> vector<16xf32>
            %min3A_2646 = arith.minimumf %min3A_2632, %gather3A_2645 : vector<16xf32>
            %xor3A_2647 = arith.constant 8 : i32
            %xor3A_2648 = vector.broadcast %xor3A_2647 : i32 to vector<16xi32>
            %xor3A_2649 = arith.xori %iota3A, %xor3A_2648 : vector<16xi32>
            %lt3A_2650 = arith.constant 0 : i32
            %lt3A_2651 = vector.broadcast %lt3A_2650 : i32 to vector<16xi32>
            %lt3A_2652 = arith.cmpi slt, %xor3A_2649, %lt3A_2651 : vector<16xi32>
            %add3A_2653 = arith.constant 16 : i32
            %add3A_2654 = vector.broadcast %add3A_2653 : i32 to vector<16xi32>
            %add3A_2655 = arith.addi %xor3A_2649, %add3A_2654 : vector<16xi32>
            %select_n3A_2656 = arith.select %lt3A_2652, %add3A_2655, %xor3A_2649 : vector<16xi1>, vector<16xi32>
            %broadcast_in_dim3A_2657 = vector.shape_cast %select_n3A_2656 : vector<16xi32> to vector<16x1xi32>
            %gather3A_2658 = vector.shape_cast %broadcast_in_dim3A_2657 : vector<16x1xi32> to vector<16xi32>
            %gather3A_2659 = tpu.dynamic_gather %min3A_2646[%gather3A_2658] in [0] : vector<16xf32>, vector<16xi32> -> vector<16xf32>
            %min3A_2660 = arith.minimumf %min3A_2646, %gather3A_2659 : vector<16xf32>
            %eq3A_2661 = arith.cmpf oeq, %select_n3A_2589, %min3A_2660 : vector<16xf32>
            %select_n3A_2662 = arith.select %eq3A_2661, %broadcast_in_dim3A_42, %select_n3A_2589 : vector<16xi1>, vector<16xf32>
            %eq3A_2663 = arith.cmpf oeq, %select_n3A_2591, %min3A_2660 : vector<16xf32>
            %select_n3A_2664 = arith.select %eq3A_2663, %broadcast_in_dim3A_42, %select_n3A_2591 : vector<16xi1>, vector<16xf32>
            %eq3A_2665 = arith.cmpf oeq, %select_n3A_2593, %min3A_2660 : vector<16xf32>
            %select_n3A_2666 = arith.select %eq3A_2665, %broadcast_in_dim3A_42, %select_n3A_2593 : vector<16xi1>, vector<16xf32>
            %eq3A_2667 = arith.cmpf oeq, %select_n3A_2595, %min3A_2660 : vector<16xf32>
            %select_n3A_2668 = arith.select %eq3A_2667, %broadcast_in_dim3A_42, %select_n3A_2595 : vector<16xi1>, vector<16xf32>
            %eq3A_2669 = arith.cmpf oeq, %select_n3A_2597, %min3A_2660 : vector<16xf32>
            %select_n3A_2670 = arith.select %eq3A_2669, %broadcast_in_dim3A_42, %select_n3A_2597 : vector<16xi1>, vector<16xf32>
            %eq3A_2671 = arith.cmpf oeq, %select_n3A_2599, %min3A_2660 : vector<16xf32>
            %select_n3A_2672 = arith.select %eq3A_2671, %broadcast_in_dim3A_42, %select_n3A_2599 : vector<16xi1>, vector<16xf32>
            %min3A_2673 = arith.minimumf %select_n3A_2662, %select_n3A_2664 : vector<16xf32>
            %min3A_2674 = arith.minimumf %min3A_2673, %select_n3A_2666 : vector<16xf32>
            %min3A_2675 = arith.minimumf %min3A_2674, %select_n3A_2668 : vector<16xf32>
            %min3A_2676 = arith.minimumf %min3A_2675, %select_n3A_2670 : vector<16xf32>
            %min3A_2677 = arith.minimumf %min3A_2676, %select_n3A_2672 : vector<16xf32>
            %xor3A_2678 = arith.constant 1 : i32
            %xor3A_2679 = vector.broadcast %xor3A_2678 : i32 to vector<16xi32>
            %xor3A_2680 = arith.xori %iota3A, %xor3A_2679 : vector<16xi32>
            %lt3A_2681 = arith.constant 0 : i32
            %lt3A_2682 = vector.broadcast %lt3A_2681 : i32 to vector<16xi32>
            %lt3A_2683 = arith.cmpi slt, %xor3A_2680, %lt3A_2682 : vector<16xi32>
            %add3A_2684 = arith.constant 16 : i32
            %add3A_2685 = vector.broadcast %add3A_2684 : i32 to vector<16xi32>
            %add3A_2686 = arith.addi %xor3A_2680, %add3A_2685 : vector<16xi32>
            %select_n3A_2687 = arith.select %lt3A_2683, %add3A_2686, %xor3A_2680 : vector<16xi1>, vector<16xi32>
            %broadcast_in_dim3A_2688 = vector.shape_cast %select_n3A_2687 : vector<16xi32> to vector<16x1xi32>
            %gather3A_2689 = vector.shape_cast %broadcast_in_dim3A_2688 : vector<16x1xi32> to vector<16xi32>
            %gather3A_2690 = tpu.dynamic_gather %min3A_2677[%gather3A_2689] in [0] : vector<16xf32>, vector<16xi32> -> vector<16xf32>
            %min3A_2691 = arith.minimumf %min3A_2677, %gather3A_2690 : vector<16xf32>
            %xor3A_2692 = arith.constant 2 : i32
            %xor3A_2693 = vector.broadcast %xor3A_2692 : i32 to vector<16xi32>
            %xor3A_2694 = arith.xori %iota3A, %xor3A_2693 : vector<16xi32>
            %lt3A_2695 = arith.constant 0 : i32
            %lt3A_2696 = vector.broadcast %lt3A_2695 : i32 to vector<16xi32>
            %lt3A_2697 = arith.cmpi slt, %xor3A_2694, %lt3A_2696 : vector<16xi32>
            %add3A_2698 = arith.constant 16 : i32
            %add3A_2699 = vector.broadcast %add3A_2698 : i32 to vector<16xi32>
            %add3A_2700 = arith.addi %xor3A_2694, %add3A_2699 : vector<16xi32>
            %select_n3A_2701 = arith.select %lt3A_2697, %add3A_2700, %xor3A_2694 : vector<16xi1>, vector<16xi32>
            %broadcast_in_dim3A_2702 = vector.shape_cast %select_n3A_2701 : vector<16xi32> to vector<16x1xi32>
            %gather3A_2703 = vector.shape_cast %broadcast_in_dim3A_2702 : vector<16x1xi32> to vector<16xi32>
            %gather3A_2704 = tpu.dynamic_gather %min3A_2691[%gather3A_2703] in [0] : vector<16xf32>, vector<16xi32> -> vector<16xf32>
            %min3A_2705 = arith.minimumf %min3A_2691, %gather3A_2704 : vector<16xf32>
            %xor3A_2706 = arith.constant 4 : i32
            %xor3A_2707 = vector.broadcast %xor3A_2706 : i32 to vector<16xi32>
            %xor3A_2708 = arith.xori %iota3A, %xor3A_2707 : vector<16xi32>
            %lt3A_2709 = arith.constant 0 : i32
            %lt3A_2710 = vector.broadcast %lt3A_2709 : i32 to vector<16xi32>
            %lt3A_2711 = arith.cmpi slt, %xor3A_2708, %lt3A_2710 : vector<16xi32>
            %add3A_2712 = arith.constant 16 : i32
            %add3A_2713 = vector.broadcast %add3A_2712 : i32 to vector<16xi32>
            %add3A_2714 = arith.addi %xor3A_2708, %add3A_2713 : vector<16xi32>
            %select_n3A_2715 = arith.select %lt3A_2711, %add3A_2714, %xor3A_2708 : vector<16xi1>, vector<16xi32>
            %broadcast_in_dim3A_2716 = vector.shape_cast %select_n3A_2715 : vector<16xi32> to vector<16x1xi32>
            %gather3A_2717 = vector.shape_cast %broadcast_in_dim3A_2716 : vector<16x1xi32> to vector<16xi32>
            %gather3A_2718 = tpu.dynamic_gather %min3A_2705[%gather3A_2717] in [0] : vector<16xf32>, vector<16xi32> -> vector<16xf32>
            %min3A_2719 = arith.minimumf %min3A_2705, %gather3A_2718 : vector<16xf32>
            %xor3A_2720 = arith.constant 8 : i32
            %xor3A_2721 = vector.broadcast %xor3A_2720 : i32 to vector<16xi32>
            %xor3A_2722 = arith.xori %iota3A, %xor3A_2721 : vector<16xi32>
            %lt3A_2723 = arith.constant 0 : i32
            %lt3A_2724 = vector.broadcast %lt3A_2723 : i32 to vector<16xi32>
            %lt3A_2725 = arith.cmpi slt, %xor3A_2722, %lt3A_2724 : vector<16xi32>
            %add3A_2726 = arith.constant 16 : i32
            %add3A_2727 = vector.broadcast %add3A_2726 : i32 to vector<16xi32>
            %add3A_2728 = arith.addi %xor3A_2722, %add3A_2727 : vector<16xi32>
            %select_n3A_2729 = arith.select %lt3A_2725, %add3A_2728, %xor3A_2722 : vector<16xi1>, vector<16xi32>
            %broadcast_in_dim3A_2730 = vector.shape_cast %select_n3A_2729 : vector<16xi32> to vector<16x1xi32>
            %gather3A_2731 = vector.shape_cast %broadcast_in_dim3A_2730 : vector<16x1xi32> to vector<16xi32>
            %gather3A_2732 = tpu.dynamic_gather %min3A_2719[%gather3A_2731] in [0] : vector<16xf32>, vector<16xi32> -> vector<16xf32>
            %min3A_2733 = arith.minimumf %min3A_2719, %gather3A_2732 : vector<16xf32>
            %eq3A_2734 = arith.cmpf oeq, %select_n3A_2662, %min3A_2733 : vector<16xf32>
            %select_n3A_2735 = arith.select %eq3A_2734, %broadcast_in_dim3A_42, %select_n3A_2662 : vector<16xi1>, vector<16xf32>
            %eq3A_2736 = arith.cmpf oeq, %select_n3A_2664, %min3A_2733 : vector<16xf32>
            %select_n3A_2737 = arith.select %eq3A_2736, %broadcast_in_dim3A_42, %select_n3A_2664 : vector<16xi1>, vector<16xf32>
            %eq3A_2738 = arith.cmpf oeq, %select_n3A_2666, %min3A_2733 : vector<16xf32>
            %select_n3A_2739 = arith.select %eq3A_2738, %broadcast_in_dim3A_42, %select_n3A_2666 : vector<16xi1>, vector<16xf32>
            %eq3A_2740 = arith.cmpf oeq, %select_n3A_2668, %min3A_2733 : vector<16xf32>
            %select_n3A_2741 = arith.select %eq3A_2740, %broadcast_in_dim3A_42, %select_n3A_2668 : vector<16xi1>, vector<16xf32>
            %eq3A_2742 = arith.cmpf oeq, %select_n3A_2670, %min3A_2733 : vector<16xf32>
            %select_n3A_2743 = arith.select %eq3A_2742, %broadcast_in_dim3A_42, %select_n3A_2670 : vector<16xi1>, vector<16xf32>
            %eq3A_2744 = arith.cmpf oeq, %select_n3A_2672, %min3A_2733 : vector<16xf32>
            %select_n3A_2745 = arith.select %eq3A_2744, %broadcast_in_dim3A_42, %select_n3A_2672 : vector<16xi1>, vector<16xf32>
            %min3A_2746 = arith.minimumf %select_n3A_2735, %select_n3A_2737 : vector<16xf32>
            %min3A_2747 = arith.minimumf %min3A_2746, %select_n3A_2739 : vector<16xf32>
            %min3A_2748 = arith.minimumf %min3A_2747, %select_n3A_2741 : vector<16xf32>
            %min3A_2749 = arith.minimumf %min3A_2748, %select_n3A_2743 : vector<16xf32>
            %min3A_2750 = arith.minimumf %min3A_2749, %select_n3A_2745 : vector<16xf32>
            %xor3A_2751 = arith.constant 1 : i32
            %xor3A_2752 = vector.broadcast %xor3A_2751 : i32 to vector<16xi32>
            %xor3A_2753 = arith.xori %iota3A, %xor3A_2752 : vector<16xi32>
            %lt3A_2754 = arith.constant 0 : i32
            %lt3A_2755 = vector.broadcast %lt3A_2754 : i32 to vector<16xi32>
            %lt3A_2756 = arith.cmpi slt, %xor3A_2753, %lt3A_2755 : vector<16xi32>
            %add3A_2757 = arith.constant 16 : i32
            %add3A_2758 = vector.broadcast %add3A_2757 : i32 to vector<16xi32>
            %add3A_2759 = arith.addi %xor3A_2753, %add3A_2758 : vector<16xi32>
            %select_n3A_2760 = arith.select %lt3A_2756, %add3A_2759, %xor3A_2753 : vector<16xi1>, vector<16xi32>
            %broadcast_in_dim3A_2761 = vector.shape_cast %select_n3A_2760 : vector<16xi32> to vector<16x1xi32>
            %gather3A_2762 = vector.shape_cast %broadcast_in_dim3A_2761 : vector<16x1xi32> to vector<16xi32>
            %gather3A_2763 = tpu.dynamic_gather %min3A_2750[%gather3A_2762] in [0] : vector<16xf32>, vector<16xi32> -> vector<16xf32>
            %min3A_2764 = arith.minimumf %min3A_2750, %gather3A_2763 : vector<16xf32>
            %xor3A_2765 = arith.constant 2 : i32
            %xor3A_2766 = vector.broadcast %xor3A_2765 : i32 to vector<16xi32>
            %xor3A_2767 = arith.xori %iota3A, %xor3A_2766 : vector<16xi32>
            %lt3A_2768 = arith.constant 0 : i32
            %lt3A_2769 = vector.broadcast %lt3A_2768 : i32 to vector<16xi32>
            %lt3A_2770 = arith.cmpi slt, %xor3A_2767, %lt3A_2769 : vector<16xi32>
            %add3A_2771 = arith.constant 16 : i32
            %add3A_2772 = vector.broadcast %add3A_2771 : i32 to vector<16xi32>
            %add3A_2773 = arith.addi %xor3A_2767, %add3A_2772 : vector<16xi32>
            %select_n3A_2774 = arith.select %lt3A_2770, %add3A_2773, %xor3A_2767 : vector<16xi1>, vector<16xi32>
            %broadcast_in_dim3A_2775 = vector.shape_cast %select_n3A_2774 : vector<16xi32> to vector<16x1xi32>
            %gather3A_2776 = vector.shape_cast %broadcast_in_dim3A_2775 : vector<16x1xi32> to vector<16xi32>
            %gather3A_2777 = tpu.dynamic_gather %min3A_2764[%gather3A_2776] in [0] : vector<16xf32>, vector<16xi32> -> vector<16xf32>
            %min3A_2778 = arith.minimumf %min3A_2764, %gather3A_2777 : vector<16xf32>
            %xor3A_2779 = arith.constant 4 : i32
            %xor3A_2780 = vector.broadcast %xor3A_2779 : i32 to vector<16xi32>
            %xor3A_2781 = arith.xori %iota3A, %xor3A_2780 : vector<16xi32>
            %lt3A_2782 = arith.constant 0 : i32
            %lt3A_2783 = vector.broadcast %lt3A_2782 : i32 to vector<16xi32>
            %lt3A_2784 = arith.cmpi slt, %xor3A_2781, %lt3A_2783 : vector<16xi32>
            %add3A_2785 = arith.constant 16 : i32
            %add3A_2786 = vector.broadcast %add3A_2785 : i32 to vector<16xi32>
            %add3A_2787 = arith.addi %xor3A_2781, %add3A_2786 : vector<16xi32>
            %select_n3A_2788 = arith.select %lt3A_2784, %add3A_2787, %xor3A_2781 : vector<16xi1>, vector<16xi32>
            %broadcast_in_dim3A_2789 = vector.shape_cast %select_n3A_2788 : vector<16xi32> to vector<16x1xi32>
            %gather3A_2790 = vector.shape_cast %broadcast_in_dim3A_2789 : vector<16x1xi32> to vector<16xi32>
            %gather3A_2791 = tpu.dynamic_gather %min3A_2778[%gather3A_2790] in [0] : vector<16xf32>, vector<16xi32> -> vector<16xf32>
            %min3A_2792 = arith.minimumf %min3A_2778, %gather3A_2791 : vector<16xf32>
            %xor3A_2793 = arith.constant 8 : i32
            %xor3A_2794 = vector.broadcast %xor3A_2793 : i32 to vector<16xi32>
            %xor3A_2795 = arith.xori %iota3A, %xor3A_2794 : vector<16xi32>
            %lt3A_2796 = arith.constant 0 : i32
            %lt3A_2797 = vector.broadcast %lt3A_2796 : i32 to vector<16xi32>
            %lt3A_2798 = arith.cmpi slt, %xor3A_2795, %lt3A_2797 : vector<16xi32>
            %add3A_2799 = arith.constant 16 : i32
            %add3A_2800 = vector.broadcast %add3A_2799 : i32 to vector<16xi32>
            %add3A_2801 = arith.addi %xor3A_2795, %add3A_2800 : vector<16xi32>
            %select_n3A_2802 = arith.select %lt3A_2798, %add3A_2801, %xor3A_2795 : vector<16xi1>, vector<16xi32>
            %broadcast_in_dim3A_2803 = vector.shape_cast %select_n3A_2802 : vector<16xi32> to vector<16x1xi32>
            %gather3A_2804 = vector.shape_cast %broadcast_in_dim3A_2803 : vector<16x1xi32> to vector<16xi32>
            %gather3A_2805 = tpu.dynamic_gather %min3A_2792[%gather3A_2804] in [0] : vector<16xf32>, vector<16xi32> -> vector<16xf32>
            %min3A_2806 = arith.minimumf %min3A_2792, %gather3A_2805 : vector<16xf32>
            %eq3A_2807 = arith.cmpf oeq, %select_n3A_2735, %min3A_2806 : vector<16xf32>
            %select_n3A_2808 = arith.select %eq3A_2807, %broadcast_in_dim3A_42, %select_n3A_2735 : vector<16xi1>, vector<16xf32>
            %eq3A_2809 = arith.cmpf oeq, %select_n3A_2737, %min3A_2806 : vector<16xf32>
            %select_n3A_2810 = arith.select %eq3A_2809, %broadcast_in_dim3A_42, %select_n3A_2737 : vector<16xi1>, vector<16xf32>
            %eq3A_2811 = arith.cmpf oeq, %select_n3A_2739, %min3A_2806 : vector<16xf32>
            %select_n3A_2812 = arith.select %eq3A_2811, %broadcast_in_dim3A_42, %select_n3A_2739 : vector<16xi1>, vector<16xf32>
            %eq3A_2813 = arith.cmpf oeq, %select_n3A_2741, %min3A_2806 : vector<16xf32>
            %select_n3A_2814 = arith.select %eq3A_2813, %broadcast_in_dim3A_42, %select_n3A_2741 : vector<16xi1>, vector<16xf32>
            %eq3A_2815 = arith.cmpf oeq, %select_n3A_2743, %min3A_2806 : vector<16xf32>
            %select_n3A_2816 = arith.select %eq3A_2815, %broadcast_in_dim3A_42, %select_n3A_2743 : vector<16xi1>, vector<16xf32>
            %eq3A_2817 = arith.cmpf oeq, %select_n3A_2745, %min3A_2806 : vector<16xf32>
            %select_n3A_2818 = arith.select %eq3A_2817, %broadcast_in_dim3A_42, %select_n3A_2745 : vector<16xi1>, vector<16xf32>
            %swap3A_2819 = arith.constant 0 : index
            %swap3A_2820 = tpu.vector_load %arg10[%swap3A_2819] {strides = array<i32>} : memref<96xf32, #tpu.memory_space<vmem>>, vector<16xf32>,
            tpu.vector_store %arg10[%swap3A_2819], %broadcast_in_dim3A_42 {strides = array<i32>} : memref<96xf32, #tpu.memory_space<vmem>>, vector<16xf32>,
            %swap3A_2821 = arith.constant 16 : index
            %swap3A_2822 = tpu.vector_load %arg10[%swap3A_2821] {strides = array<i32>} : memref<96xf32, #tpu.memory_space<vmem>>, vector<16xf32>,
            tpu.vector_store %arg10[%swap3A_2821], %broadcast_in_dim3A_42 {strides = array<i32>} : memref<96xf32, #tpu.memory_space<vmem>>, vector<16xf32>,
            %swap3A_2823 = arith.constant 32 : index
            %swap3A_2824 = tpu.vector_load %arg10[%swap3A_2823] {strides = array<i32>} : memref<96xf32, #tpu.memory_space<vmem>>, vector<16xf32>,
            tpu.vector_store %arg10[%swap3A_2823], %broadcast_in_dim3A_42 {strides = array<i32>} : memref<96xf32, #tpu.memory_space<vmem>>, vector<16xf32>,
            %swap3A_2825 = arith.constant 48 : index
            %swap3A_2826 = tpu.vector_load %arg10[%swap3A_2825] {strides = array<i32>} : memref<96xf32, #tpu.memory_space<vmem>>, vector<16xf32>,
            tpu.vector_store %arg10[%swap3A_2825], %broadcast_in_dim3A_42 {strides = array<i32>} : memref<96xf32, #tpu.memory_space<vmem>>, vector<16xf32>,
            %swap3A_2827 = arith.constant 64 : index
            %swap3A_2828 = tpu.vector_load %arg10[%swap3A_2827] {strides = array<i32>} : memref<96xf32, #tpu.memory_space<vmem>>, vector<16xf32>,
            tpu.vector_store %arg10[%swap3A_2827], %broadcast_in_dim3A_42 {strides = array<i32>} : memref<96xf32, #tpu.memory_space<vmem>>, vector<16xf32>,
            %swap3A_2829 = arith.constant 80 : index
            %swap3A_2830 = tpu.vector_load %arg10[%swap3A_2829] {strides = array<i32>} : memref<96xf32, #tpu.memory_space<vmem>>, vector<16xf32>,
            tpu.vector_store %arg10[%swap3A_2829], %broadcast_in_dim3A_42 {strides = array<i32>} : memref<96xf32, #tpu.memory_space<vmem>>, vector<16xf32>,
            %broadcast_in_dim3A_2831 = arith.constant 0 : i32
            %broadcast_in_dim3A_2832 = vector.broadcast %broadcast_in_dim3A_2831 : i32 to vector<16xi32>
            %le3A_2833 = arith.cmpf ole, %get3A_2066, %min3A_2806 : vector<16xf32>
            %convert_element_type3A_2834 = arith.extui %le3A_2833 : vector<16xi1> to vector<16xi32>
            %broadcast_in_dim3A_2835 = arith.constant true
            %broadcast_in_dim3A_2836 = vector.broadcast %broadcast_in_dim3A_2835 : i1 to vector<16xi1>
            %masked_cumsum3A = tpu.scan <sum>, %convert_element_type3A_2834 masked %broadcast_in_dim3A_2836 : vector<16xi32>, vector<16xi1> -> vector<16xi32>
            %sub3A_2837 = arith.constant 1 : i32
            %sub3A_2838 = vector.broadcast %sub3A_2837 : i32 to vector<16xi32>
            %sub3A_2839 = arith.subi %masked_cumsum3A, %sub3A_2838 : vector<16xi32>
            %add3A_2840 = arith.addi %sub3A_2839, %broadcast_in_dim3A_2832 : vector<16xi32>
            tpu.vector_store_idx %arg10[%add3A_2840], %get3A_2066 masked %le3A_2833 : memref<96xf32, #tpu.memory_space<vmem>>[vector<16xi32>], vector<16xf32>, vector<16xi1>
            tpu.vector_store_idx %arg11[%add3A_2840], %get3A_2078 masked %le3A_2833 : memref<96xi32, #tpu.memory_space<vmem>>[vector<16xi32>], vector<16xi32>, vector<16xi1>
            %slice3A_2841 = vector.extract_strided_slice %masked_cumsum3A {offsets = [15], sizes = [1], strides = [1]} : vector<16xi32> to vector<1xi32>
            %squeeze3A_2842 = vector.extract %slice3A_2841[0] : i32 from vector<1xi32>
            %add3A_2843 = vector.broadcast %squeeze3A_2842 : i32 to vector<16xi32>
            %add3A_2844 = arith.addi %broadcast_in_dim3A_2832, %add3A_2843 : vector<16xi32>
            %le3A_2845 = arith.cmpf ole, %get3A_2068, %min3A_2806 : vector<16xf32>
            %convert_element_type3A_2846 = arith.extui %le3A_2845 : vector<16xi1> to vector<16xi32>
            %broadcast_in_dim3A_2847 = arith.constant true
            %broadcast_in_dim3A_2848 = vector.broadcast %broadcast_in_dim3A_2847 : i1 to vector<16xi1>
            %masked_cumsum3A_2849 = tpu.scan <sum>, %convert_element_type3A_2846 masked %broadcast_in_dim3A_2848 : vector<16xi32>, vector<16xi1> -> vector<16xi32>
            %sub3A_2850 = arith.constant 1 : i32
            %sub3A_2851 = vector.broadcast %sub3A_2850 : i32 to vector<16xi32>
            %sub3A_2852 = arith.subi %masked_cumsum3A_2849, %sub3A_2851 : vector<16xi32>
            %add3A_2853 = arith.addi %sub3A_2852, %add3A_2844 : vector<16xi32>
            tpu.vector_store_idx %arg10[%add3A_2853], %get3A_2068 masked %le3A_2845 : memref<96xf32, #tpu.memory_space<vmem>>[vector<16xi32>], vector<16xf32>, vector<16xi1>
            tpu.vector_store_idx %arg11[%add3A_2853], %get3A_2080 masked %le3A_2845 : memref<96xi32, #tpu.memory_space<vmem>>[vector<16xi32>], vector<16xi32>, vector<16xi1>
            %slice3A_2854 = vector.extract_strided_slice %masked_cumsum3A_2849 {offsets = [15], sizes = [1], strides = [1]} : vector<16xi32> to vector<1xi32>
            %squeeze3A_2855 = vector.extract %slice3A_2854[0] : i32 from vector<1xi32>
            %add3A_2856 = vector.broadcast %squeeze3A_2855 : i32 to vector<16xi32>
            %add3A_2857 = arith.addi %add3A_2844, %add3A_2856 : vector<16xi32>
            %le3A_2858 = arith.cmpf ole, %get3A_2070, %min3A_2806 : vector<16xf32>
            %convert_element_type3A_2859 = arith.extui %le3A_2858 : vector<16xi1> to vector<16xi32>
            %broadcast_in_dim3A_2860 = arith.constant true
            %broadcast_in_dim3A_2861 = vector.broadcast %broadcast_in_dim3A_2860 : i1 to vector<16xi1>
            %masked_cumsum3A_2862 = tpu.scan <sum>, %convert_element_type3A_2859 masked %broadcast_in_dim3A_2861 : vector<16xi32>, vector<16xi1> -> vector<16xi32>
            %sub3A_2863 = arith.constant 1 : i32
            %sub3A_2864 = vector.broadcast %sub3A_2863 : i32 to vector<16xi32>
            %sub3A_2865 = arith.subi %masked_cumsum3A_2862, %sub3A_2864 : vector<16xi32>
            %add3A_2866 = arith.addi %sub3A_2865, %add3A_2857 : vector<16xi32>
            tpu.vector_store_idx %arg10[%add3A_2866], %get3A_2070 masked %le3A_2858 : memref<96xf32, #tpu.memory_space<vmem>>[vector<16xi32>], vector<16xf32>, vector<16xi1>
            tpu.vector_store_idx %arg11[%add3A_2866], %get3A_2082 masked %le3A_2858 : memref<96xi32, #tpu.memory_space<vmem>>[vector<16xi32>], vector<16xi32>, vector<16xi1>
            %slice3A_2867 = vector.extract_strided_slice %masked_cumsum3A_2862 {offsets = [15], sizes = [1], strides = [1]} : vector<16xi32> to vector<1xi32>
            %squeeze3A_2868 = vector.extract %slice3A_2867[0] : i32 from vector<1xi32>
            %add3A_2869 = vector.broadcast %squeeze3A_2868 : i32 to vector<16xi32>
            %add3A_2870 = arith.addi %add3A_2857, %add3A_2869 : vector<16xi32>
            %le3A_2871 = arith.cmpf ole, %get3A_2072, %min3A_2806 : vector<16xf32>
            %convert_element_type3A_2872 = arith.extui %le3A_2871 : vector<16xi1> to vector<16xi32>
            %broadcast_in_dim3A_2873 = arith.constant true
            %broadcast_in_dim3A_2874 = vector.broadcast %broadcast_in_dim3A_2873 : i1 to vector<16xi1>
            %masked_cumsum3A_2875 = tpu.scan <sum>, %convert_element_type3A_2872 masked %broadcast_in_dim3A_2874 : vector<16xi32>, vector<16xi1> -> vector<16xi32>
            %sub3A_2876 = arith.constant 1 : i32
            %sub3A_2877 = vector.broadcast %sub3A_2876 : i32 to vector<16xi32>
            %sub3A_2878 = arith.subi %masked_cumsum3A_2875, %sub3A_2877 : vector<16xi32>
            %add3A_2879 = arith.addi %sub3A_2878, %add3A_2870 : vector<16xi32>
            tpu.vector_store_idx %arg10[%add3A_2879], %get3A_2072 masked %le3A_2871 : memref<96xf32, #tpu.memory_space<vmem>>[vector<16xi32>], vector<16xf32>, vector<16xi1>
            tpu.vector_store_idx %arg11[%add3A_2879], %get3A_2084 masked %le3A_2871 : memref<96xi32, #tpu.memory_space<vmem>>[vector<16xi32>], vector<16xi32>, vector<16xi1>
            %slice3A_2880 = vector.extract_strided_slice %masked_cumsum3A_2875 {offsets = [15], sizes = [1], strides = [1]} : vector<16xi32> to vector<1xi32>
            %squeeze3A_2881 = vector.extract %slice3A_2880[0] : i32 from vector<1xi32>
            %add3A_2882 = vector.broadcast %squeeze3A_2881 : i32 to vector<16xi32>
            %add3A_2883 = arith.addi %add3A_2870, %add3A_2882 : vector<16xi32>
            %le3A_2884 = arith.cmpf ole, %get3A_2074, %min3A_2806 : vector<16xf32>
            %convert_element_type3A_2885 = arith.extui %le3A_2884 : vector<16xi1> to vector<16xi32>
            %broadcast_in_dim3A_2886 = arith.constant true
            %broadcast_in_dim3A_2887 = vector.broadcast %broadcast_in_dim3A_2886 : i1 to vector<16xi1>
            %masked_cumsum3A_2888 = tpu.scan <sum>, %convert_element_type3A_2885 masked %broadcast_in_dim3A_2887 : vector<16xi32>, vector<16xi1> -> vector<16xi32>
            %sub3A_2889 = arith.constant 1 : i32
            %sub3A_2890 = vector.broadcast %sub3A_2889 : i32 to vector<16xi32>
            %sub3A_2891 = arith.subi %masked_cumsum3A_2888, %sub3A_2890 : vector<16xi32>
            %add3A_2892 = arith.addi %sub3A_2891, %add3A_2883 : vector<16xi32>
            tpu.vector_store_idx %arg10[%add3A_2892], %get3A_2074 masked %le3A_2884 : memref<96xf32, #tpu.memory_space<vmem>>[vector<16xi32>], vector<16xf32>, vector<16xi1>
            tpu.vector_store_idx %arg11[%add3A_2892], %get3A_2086 masked %le3A_2884 : memref<96xi32, #tpu.memory_space<vmem>>[vector<16xi32>], vector<16xi32>, vector<16xi1>
            %slice3A_2893 = vector.extract_strided_slice %masked_cumsum3A_2888 {offsets = [15], sizes = [1], strides = [1]} : vector<16xi32> to vector<1xi32>
            %squeeze3A_2894 = vector.extract %slice3A_2893[0] : i32 from vector<1xi32>
            %add3A_2895 = vector.broadcast %squeeze3A_2894 : i32 to vector<16xi32>
            %add3A_2896 = arith.addi %add3A_2883, %add3A_2895 : vector<16xi32>
            %le3A_2897 = arith.cmpf ole, %get3A_2076, %min3A_2806 : vector<16xf32>
            %convert_element_type3A_2898 = arith.extui %le3A_2897 : vector<16xi1> to vector<16xi32>
            %broadcast_in_dim3A_2899 = arith.constant true
            %broadcast_in_dim3A_2900 = vector.broadcast %broadcast_in_dim3A_2899 : i1 to vector<16xi1>
            %masked_cumsum3A_2901 = tpu.scan <sum>, %convert_element_type3A_2898 masked %broadcast_in_dim3A_2900 : vector<16xi32>, vector<16xi1> -> vector<16xi32>
            %sub3A_2902 = arith.constant 1 : i32
            %sub3A_2903 = vector.broadcast %sub3A_2902 : i32 to vector<16xi32>
            %sub3A_2904 = arith.subi %masked_cumsum3A_2901, %sub3A_2903 : vector<16xi32>
            %add3A_2905 = arith.addi %sub3A_2904, %add3A_2896 : vector<16xi32>
            tpu.vector_store_idx %arg10[%add3A_2905], %get3A_2076 masked %le3A_2897 : memref<96xf32, #tpu.memory_space<vmem>>[vector<16xi32>], vector<16xf32>, vector<16xi1>
            tpu.vector_store_idx %arg11[%add3A_2905], %get3A_2088 masked %le3A_2897 : memref<96xi32, #tpu.memory_space<vmem>>[vector<16xi32>], vector<16xi32>, vector<16xi1>
            %slice3A_2906 = vector.extract_strided_slice %masked_cumsum3A_2901 {offsets = [15], sizes = [1], strides = [1]} : vector<16xi32> to vector<1xi32>
            %squeeze3A_2907 = vector.extract %slice3A_2906[0] : i32 from vector<1xi32>
            %add3A_2908 = vector.broadcast %squeeze3A_2907 : i32 to vector<16xi32>
            %add3A_2909 = arith.addi %add3A_2896, %add3A_2908 : vector<16xi32>
            scf.yield %min3A_2806, %add3A_2909 : vector<16xf32>, vector<16xi32>
          } else {
            scf.yield %scan3A_1879, %cond3A_2056 : vector<16xf32>, vector<16xi32>
          }
          scf.yield %cond3A_2064#0, %cond3A_2064#1 : vector<16xf32>, vector<16xi32>
        } else {
          scf.yield %scan3A_1879, %scan3A_1880 : vector<16xf32>, vector<16xi32>
        }
        scf.yield %cond3A_2024#0, %cond3A_2024#1 : vector<16xf32>, vector<16xi32>
      }
      %scan3A_85 = arith.constant 64 : i32
      %get3A_86 = arith.constant 0 : index
      %get3A_87 = tpu.vector_load %arg10[%get3A_86] {strides = array<i32>} : memref<96xf32, #tpu.memory_space<vmem>>, vector<16xf32>,
      %get3A_88 = arith.constant 16 : index
      %get3A_89 = tpu.vector_load %arg10[%get3A_88] {strides = array<i32>} : memref<96xf32, #tpu.memory_space<vmem>>, vector<16xf32>,
      %get3A_90 = arith.constant 32 : index
      %get3A_91 = tpu.vector_load %arg10[%get3A_90] {strides = array<i32>} : memref<96xf32, #tpu.memory_space<vmem>>, vector<16xf32>,
      %get3A_92 = arith.constant 48 : index
      %get3A_93 = tpu.vector_load %arg10[%get3A_92] {strides = array<i32>} : memref<96xf32, #tpu.memory_space<vmem>>, vector<16xf32>,
      %get3A_94 = arith.constant 64 : index
      %get3A_95 = tpu.vector_load %arg10[%get3A_94] {strides = array<i32>} : memref<96xf32, #tpu.memory_space<vmem>>, vector<16xf32>,
      %get3A_96 = arith.constant 80 : index
      %get3A_97 = tpu.vector_load %arg10[%get3A_96] {strides = array<i32>} : memref<96xf32, #tpu.memory_space<vmem>>, vector<16xf32>,
      %get3A_98 = arith.constant 0 : index
      %get3A_99 = tpu.vector_load %arg11[%get3A_98] {strides = array<i32>} : memref<96xi32, #tpu.memory_space<vmem>>, vector<16xi32>,
      %get3A_100 = arith.constant 16 : index
      %get3A_101 = tpu.vector_load %arg11[%get3A_100] {strides = array<i32>} : memref<96xi32, #tpu.memory_space<vmem>>, vector<16xi32>,
      %get3A_102 = arith.constant 32 : index
      %get3A_103 = tpu.vector_load %arg11[%get3A_102] {strides = array<i32>} : memref<96xi32, #tpu.memory_space<vmem>>, vector<16xi32>,
      %get3A_104 = arith.constant 48 : index
      %get3A_105 = tpu.vector_load %arg11[%get3A_104] {strides = array<i32>} : memref<96xi32, #tpu.memory_space<vmem>>, vector<16xi32>,
      %get3A_106 = arith.constant 64 : index
      %get3A_107 = tpu.vector_load %arg11[%get3A_106] {strides = array<i32>} : memref<96xi32, #tpu.memory_space<vmem>>, vector<16xi32>,
      %get3A_108 = arith.constant 80 : index
      %get3A_109 = tpu.vector_load %arg11[%get3A_108] {strides = array<i32>} : memref<96xi32, #tpu.memory_space<vmem>>, vector<16xi32>,
      %broadcast_in_dim3A_110 = arith.constant 0 : i32
      %broadcast_in_dim3A_111 = vector.broadcast %broadcast_in_dim3A_110 : i32 to vector<16xi32>
      %min3A = arith.minimumf %get3A_87, %get3A_89 : vector<16xf32>
      %min3A_112 = arith.minimumf %min3A, %get3A_91 : vector<16xf32>
      %min3A_113 = arith.minimumf %min3A_112, %get3A_93 : vector<16xf32>
      %min3A_114 = arith.minimumf %min3A_113, %get3A_95 : vector<16xf32>
      %min3A_115 = arith.minimumf %min3A_114, %get3A_97 : vector<16xf32>
      %xor3A = arith.constant 1 : i32
      %xor3A_116 = vector.broadcast %xor3A : i32 to vector<16xi32>
      %xor3A_117 = arith.xori %iota3A, %xor3A_116 : vector<16xi32>
      %lt3A_118 = arith.constant 0 : i32
      %lt3A_119 = vector.broadcast %lt3A_118 : i32 to vector<16xi32>
      %lt3A_120 = arith.cmpi slt, %xor3A_117, %lt3A_119 : vector<16xi32>
      %add3A_121 = arith.constant 16 : i32
      %add3A_122 = vector.broadcast %add3A_121 : i32 to vector<16xi32>
      %add3A_123 = arith.addi %xor3A_117, %add3A_122 : vector<16xi32>
      %select_n3A_124 = arith.select %lt3A_120, %add3A_123, %xor3A_117 : vector<16xi1>, vector<16xi32>
      %broadcast_in_dim3A_125 = vector.shape_cast %select_n3A_124 : vector<16xi32> to vector<16x1xi32>
      %gather3A = vector.shape_cast %broadcast_in_dim3A_125 : vector<16x1xi32> to vector<16xi32>
      %gather3A_126 = tpu.dynamic_gather %min3A_115[%gather3A] in [0] : vector<16xf32>, vector<16xi32> -> vector<16xf32>
      %min3A_127 = arith.minimumf %min3A_115, %gather3A_126 : vector<16xf32>
      %xor3A_128 = arith.constant 2 : i32
      %xor3A_129 = vector.broadcast %xor3A_128 : i32 to vector<16xi32>
      %xor3A_130 = arith.xori %iota3A, %xor3A_129 : vector<16xi32>
      %lt3A_131 = arith.constant 0 : i32
      %lt3A_132 = vector.broadcast %lt3A_131 : i32 to vector<16xi32>
      %lt3A_133 = arith.cmpi slt, %xor3A_130, %lt3A_132 : vector<16xi32>
      %add3A_134 = arith.constant 16 : i32
      %add3A_135 = vector.broadcast %add3A_134 : i32 to vector<16xi32>
      %add3A_136 = arith.addi %xor3A_130, %add3A_135 : vector<16xi32>
      %select_n3A_137 = arith.select %lt3A_133, %add3A_136, %xor3A_130 : vector<16xi1>, vector<16xi32>
      %broadcast_in_dim3A_138 = vector.shape_cast %select_n3A_137 : vector<16xi32> to vector<16x1xi32>
      %gather3A_139 = vector.shape_cast %broadcast_in_dim3A_138 : vector<16x1xi32> to vector<16xi32>
      %gather3A_140 = tpu.dynamic_gather %min3A_127[%gather3A_139] in [0] : vector<16xf32>, vector<16xi32> -> vector<16xf32>
      %min3A_141 = arith.minimumf %min3A_127, %gather3A_140 : vector<16xf32>
      %xor3A_142 = arith.constant 4 : i32
      %xor3A_143 = vector.broadcast %xor3A_142 : i32 to vector<16xi32>
      %xor3A_144 = arith.xori %iota3A, %xor3A_143 : vector<16xi32>
      %lt3A_145 = arith.constant 0 : i32
      %lt3A_146 = vector.broadcast %lt3A_145 : i32 to vector<16xi32>
      %lt3A_147 = arith.cmpi slt, %xor3A_144, %lt3A_146 : vector<16xi32>
      %add3A_148 = arith.constant 16 : i32
      %add3A_149 = vector.broadcast %add3A_148 : i32 to vector<16xi32>
      %add3A_150 = arith.addi %xor3A_144, %add3A_149 : vector<16xi32>
      %select_n3A_151 = arith.select %lt3A_147, %add3A_150, %xor3A_144 : vector<16xi1>, vector<16xi32>
      %broadcast_in_dim3A_152 = vector.shape_cast %select_n3A_151 : vector<16xi32> to vector<16x1xi32>
      %gather3A_153 = vector.shape_cast %broadcast_in_dim3A_152 : vector<16x1xi32> to vector<16xi32>
      %gather3A_154 = tpu.dynamic_gather %min3A_141[%gather3A_153] in [0] : vector<16xf32>, vector<16xi32> -> vector<16xf32>
      %min3A_155 = arith.minimumf %min3A_141, %gather3A_154 : vector<16xf32>
      %xor3A_156 = arith.constant 8 : i32
      %xor3A_157 = vector.broadcast %xor3A_156 : i32 to vector<16xi32>
      %xor3A_158 = arith.xori %iota3A, %xor3A_157 : vector<16xi32>
      %lt3A_159 = arith.constant 0 : i32
      %lt3A_160 = vector.broadcast %lt3A_159 : i32 to vector<16xi32>
      %lt3A_161 = arith.cmpi slt, %xor3A_158, %lt3A_160 : vector<16xi32>
      %add3A_162 = arith.constant 16 : i32
      %add3A_163 = vector.broadcast %add3A_162 : i32 to vector<16xi32>
      %add3A_164 = arith.addi %xor3A_158, %add3A_163 : vector<16xi32>
      %select_n3A_165 = arith.select %lt3A_161, %add3A_164, %xor3A_158 : vector<16xi1>, vector<16xi32>
      %broadcast_in_dim3A_166 = vector.shape_cast %select_n3A_165 : vector<16xi32> to vector<16x1xi32>
      %gather3A_167 = vector.shape_cast %broadcast_in_dim3A_166 : vector<16x1xi32> to vector<16xi32>
      %gather3A_168 = tpu.dynamic_gather %min3A_155[%gather3A_167] in [0] : vector<16xf32>, vector<16xi32> -> vector<16xf32>
      %min3A_169 = arith.minimumf %min3A_155, %gather3A_168 : vector<16xf32>
      %eq3A_170 = arith.cmpf oeq, %get3A_87, %min3A_169 : vector<16xf32>
      %select_n3A_171 = arith.select %eq3A_170, %get3A_99, %broadcast_in_dim3A_44 : vector<16xi1>, vector<16xi32>
      %min3A_172 = arith.minsi %broadcast_in_dim3A_44, %select_n3A_171 : vector<16xi32>
      %eq3A_173 = arith.cmpf oeq, %get3A_89, %min3A_169 : vector<16xf32>
      %select_n3A_174 = arith.select %eq3A_173, %get3A_101, %broadcast_in_dim3A_44 : vector<16xi1>, vector<16xi32>
      %min3A_175 = arith.minsi %min3A_172, %select_n3A_174 : vector<16xi32>
      %eq3A_176 = arith.cmpf oeq, %get3A_91, %min3A_169 : vector<16xf32>
      %select_n3A_177 = arith.select %eq3A_176, %get3A_103, %broadcast_in_dim3A_44 : vector<16xi1>, vector<16xi32>
      %min3A_178 = arith.minsi %min3A_175, %select_n3A_177 : vector<16xi32>
      %eq3A_179 = arith.cmpf oeq, %get3A_93, %min3A_169 : vector<16xf32>
      %select_n3A_180 = arith.select %eq3A_179, %get3A_105, %broadcast_in_dim3A_44 : vector<16xi1>, vector<16xi32>
      %min3A_181 = arith.minsi %min3A_178, %select_n3A_180 : vector<16xi32>
      %eq3A_182 = arith.cmpf oeq, %get3A_95, %min3A_169 : vector<16xf32>
      %select_n3A_183 = arith.select %eq3A_182, %get3A_107, %broadcast_in_dim3A_44 : vector<16xi1>, vector<16xi32>
      %min3A_184 = arith.minsi %min3A_181, %select_n3A_183 : vector<16xi32>
      %eq3A_185 = arith.cmpf oeq, %get3A_97, %min3A_169 : vector<16xf32>
      %select_n3A_186 = arith.select %eq3A_185, %get3A_109, %broadcast_in_dim3A_44 : vector<16xi1>, vector<16xi32>
      %min3A_187 = arith.minsi %min3A_184, %select_n3A_186 : vector<16xi32>
      %xor3A_188 = arith.constant 1 : i32
      %xor3A_189 = vector.broadcast %xor3A_188 : i32 to vector<16xi32>
      %xor3A_190 = arith.xori %iota3A, %xor3A_189 : vector<16xi32>
      %lt3A_191 = arith.constant 0 : i32
      %lt3A_192 = vector.broadcast %lt3A_191 : i32 to vector<16xi32>
      %lt3A_193 = arith.cmpi slt, %xor3A_190, %lt3A_192 : vector<16xi32>
      %add3A_194 = arith.constant 16 : i32
      %add3A_195 = vector.broadcast %add3A_194 : i32 to vector<16xi32>
      %add3A_196 = arith.addi %xor3A_190, %add3A_195 : vector<16xi32>
      %select_n3A_197 = arith.select %lt3A_193, %add3A_196, %xor3A_190 : vector<16xi1>, vector<16xi32>
      %broadcast_in_dim3A_198 = vector.shape_cast %select_n3A_197 : vector<16xi32> to vector<16x1xi32>
      %gather3A_199 = vector.shape_cast %broadcast_in_dim3A_198 : vector<16x1xi32> to vector<16xi32>
      %gather3A_200 = tpu.dynamic_gather %min3A_187[%gather3A_199] in [0] : vector<16xi32>, vector<16xi32> -> vector<16xi32>
      %min3A_201 = arith.minsi %min3A_187, %gather3A_200 : vector<16xi32>
      %xor3A_202 = arith.constant 2 : i32
      %xor3A_203 = vector.broadcast %xor3A_202 : i32 to vector<16xi32>
      %xor3A_204 = arith.xori %iota3A, %xor3A_203 : vector<16xi32>
      %lt3A_205 = arith.constant 0 : i32
      %lt3A_206 = vector.broadcast %lt3A_205 : i32 to vector<16xi32>
      %lt3A_207 = arith.cmpi slt, %xor3A_204, %lt3A_206 : vector<16xi32>
      %add3A_208 = arith.constant 16 : i32
      %add3A_209 = vector.broadcast %add3A_208 : i32 to vector<16xi32>
      %add3A_210 = arith.addi %xor3A_204, %add3A_209 : vector<16xi32>
      %select_n3A_211 = arith.select %lt3A_207, %add3A_210, %xor3A_204 : vector<16xi1>, vector<16xi32>
      %broadcast_in_dim3A_212 = vector.shape_cast %select_n3A_211 : vector<16xi32> to vector<16x1xi32>
      %gather3A_213 = vector.shape_cast %broadcast_in_dim3A_212 : vector<16x1xi32> to vector<16xi32>
      %gather3A_214 = tpu.dynamic_gather %min3A_201[%gather3A_213] in [0] : vector<16xi32>, vector<16xi32> -> vector<16xi32>
      %min3A_215 = arith.minsi %min3A_201, %gather3A_214 : vector<16xi32>
      %xor3A_216 = arith.constant 4 : i32
      %xor3A_217 = vector.broadcast %xor3A_216 : i32 to vector<16xi32>
      %xor3A_218 = arith.xori %iota3A, %xor3A_217 : vector<16xi32>
      %lt3A_219 = arith.constant 0 : i32
      %lt3A_220 = vector.broadcast %lt3A_219 : i32 to vector<16xi32>
      %lt3A_221 = arith.cmpi slt, %xor3A_218, %lt3A_220 : vector<16xi32>
      %add3A_222 = arith.constant 16 : i32
      %add3A_223 = vector.broadcast %add3A_222 : i32 to vector<16xi32>
      %add3A_224 = arith.addi %xor3A_218, %add3A_223 : vector<16xi32>
      %select_n3A_225 = arith.select %lt3A_221, %add3A_224, %xor3A_218 : vector<16xi1>, vector<16xi32>
      %broadcast_in_dim3A_226 = vector.shape_cast %select_n3A_225 : vector<16xi32> to vector<16x1xi32>
      %gather3A_227 = vector.shape_cast %broadcast_in_dim3A_226 : vector<16x1xi32> to vector<16xi32>
      %gather3A_228 = tpu.dynamic_gather %min3A_215[%gather3A_227] in [0] : vector<16xi32>, vector<16xi32> -> vector<16xi32>
      %min3A_229 = arith.minsi %min3A_215, %gather3A_228 : vector<16xi32>
      %xor3A_230 = arith.constant 8 : i32
      %xor3A_231 = vector.broadcast %xor3A_230 : i32 to vector<16xi32>
      %xor3A_232 = arith.xori %iota3A, %xor3A_231 : vector<16xi32>
      %lt3A_233 = arith.constant 0 : i32
      %lt3A_234 = vector.broadcast %lt3A_233 : i32 to vector<16xi32>
      %lt3A_235 = arith.cmpi slt, %xor3A_232, %lt3A_234 : vector<16xi32>
      %add3A_236 = arith.constant 16 : i32
      %add3A_237 = vector.broadcast %add3A_236 : i32 to vector<16xi32>
      %add3A_238 = arith.addi %xor3A_232, %add3A_237 : vector<16xi32>
      %select_n3A_239 = arith.select %lt3A_235, %add3A_238, %xor3A_232 : vector<16xi1>, vector<16xi32>
      %broadcast_in_dim3A_240 = vector.shape_cast %select_n3A_239 : vector<16xi32> to vector<16x1xi32>
      %gather3A_241 = vector.shape_cast %broadcast_in_dim3A_240 : vector<16x1xi32> to vector<16xi32>
      %gather3A_242 = tpu.dynamic_gather %min3A_229[%gather3A_241] in [0] : vector<16xi32>, vector<16xi32> -> vector<16xi32>
      %min3A_243 = arith.minsi %min3A_229, %gather3A_242 : vector<16xi32>
      %eq3A_244 = arith.cmpf oeq, %get3A_87, %min3A_169 : vector<16xf32>
      %eq3A_245 = arith.cmpi eq, %get3A_99, %min3A_243 : vector<16xi32>
      %and3A_246 = arith.andi %eq3A_244, %eq3A_245 : vector<16xi1>
      %jit3A_247 = arith.constant 0x7F800000 : f32
      %broadcast_in_dim3A_248 = vector.broadcast %jit3A_247 : f32 to vector<16xf32>
      %select_n3A_249 = arith.select %and3A_246, %broadcast_in_dim3A_248, %get3A_87 : vector<16xi1>, vector<16xf32>
      %eq3A_250 = arith.cmpf oeq, %get3A_89, %min3A_169 : vector<16xf32>
      %eq3A_251 = arith.cmpi eq, %get3A_101, %min3A_243 : vector<16xi32>
      %and3A_252 = arith.andi %eq3A_250, %eq3A_251 : vector<16xi1>
      %jit3A_253 = arith.constant 0x7F800000 : f32
      %broadcast_in_dim3A_254 = vector.broadcast %jit3A_253 : f32 to vector<16xf32>
      %select_n3A_255 = arith.select %and3A_252, %broadcast_in_dim3A_254, %get3A_89 : vector<16xi1>, vector<16xf32>
      %eq3A_256 = arith.cmpf oeq, %get3A_91, %min3A_169 : vector<16xf32>
      %eq3A_257 = arith.cmpi eq, %get3A_103, %min3A_243 : vector<16xi32>
      %and3A_258 = arith.andi %eq3A_256, %eq3A_257 : vector<16xi1>
      %jit3A_259 = arith.constant 0x7F800000 : f32
      %broadcast_in_dim3A_260 = vector.broadcast %jit3A_259 : f32 to vector<16xf32>
      %select_n3A_261 = arith.select %and3A_258, %broadcast_in_dim3A_260, %get3A_91 : vector<16xi1>, vector<16xf32>
      %eq3A_262 = arith.cmpf oeq, %get3A_93, %min3A_169 : vector<16xf32>
      %eq3A_263 = arith.cmpi eq, %get3A_105, %min3A_243 : vector<16xi32>
      %and3A_264 = arith.andi %eq3A_262, %eq3A_263 : vector<16xi1>
      %jit3A_265 = arith.constant 0x7F800000 : f32
      %broadcast_in_dim3A_266 = vector.broadcast %jit3A_265 : f32 to vector<16xf32>
      %select_n3A_267 = arith.select %and3A_264, %broadcast_in_dim3A_266, %get3A_93 : vector<16xi1>, vector<16xf32>
      %eq3A_268 = arith.cmpf oeq, %get3A_95, %min3A_169 : vector<16xf32>
      %eq3A_269 = arith.cmpi eq, %get3A_107, %min3A_243 : vector<16xi32>
      %and3A_270 = arith.andi %eq3A_268, %eq3A_269 : vector<16xi1>
      %jit3A_271 = arith.constant 0x7F800000 : f32
      %broadcast_in_dim3A_272 = vector.broadcast %jit3A_271 : f32 to vector<16xf32>
      %select_n3A_273 = arith.select %and3A_270, %broadcast_in_dim3A_272, %get3A_95 : vector<16xi1>, vector<16xf32>
      %eq3A_274 = arith.cmpf oeq, %get3A_97, %min3A_169 : vector<16xf32>
      %eq3A_275 = arith.cmpi eq, %get3A_109, %min3A_243 : vector<16xi32>
      %and3A_276 = arith.andi %eq3A_274, %eq3A_275 : vector<16xi1>
      %jit3A_277 = arith.constant 0x7F800000 : f32
      %broadcast_in_dim3A_278 = vector.broadcast %jit3A_277 : f32 to vector<16xf32>
      %select_n3A_279 = arith.select %and3A_276, %broadcast_in_dim3A_278, %get3A_97 : vector<16xi1>, vector<16xf32>
      %eq3A_280 = arith.constant 0 : i32
      %eq3A_281 = vector.broadcast %eq3A_280 : i32 to vector<16xi32>
      %eq3A_282 = arith.cmpi eq, %iota3A, %eq3A_281 : vector<16xi32>
      %select_n3A_283 = arith.select %eq3A_282, %min3A_243, %broadcast_in_dim3A_111 : vector<16xi1>, vector<16xi32>
      %select_n3A_284 = arith.select %eq3A_282, %min3A_169, %broadcast_in_dim3A_42 : vector<16xi1>, vector<16xf32>
      %min3A_285 = arith.minimumf %select_n3A_249, %select_n3A_255 : vector<16xf32>
      %min3A_286 = arith.minimumf %min3A_285, %select_n3A_261 : vector<16xf32>
      %min3A_287 = arith.minimumf %min3A_286, %select_n3A_267 : vector<16xf32>
      %min3A_288 = arith.minimumf %min3A_287, %select_n3A_273 : vector<16xf32>
      %min3A_289 = arith.minimumf %min3A_288, %select_n3A_279 : vector<16xf32>
      %xor3A_290 = arith.constant 1 : i32
      %xor3A_291 = vector.broadcast %xor3A_290 : i32 to vector<16xi32>
      %xor3A_292 = arith.xori %iota3A, %xor3A_291 : vector<16xi32>
      %lt3A_293 = arith.constant 0 : i32
      %lt3A_294 = vector.broadcast %lt3A_293 : i32 to vector<16xi32>
      %lt3A_295 = arith.cmpi slt, %xor3A_292, %lt3A_294 : vector<16xi32>
      %add3A_296 = arith.constant 16 : i32
      %add3A_297 = vector.broadcast %add3A_296 : i32 to vector<16xi32>
      %add3A_298 = arith.addi %xor3A_292, %add3A_297 : vector<16xi32>
      %select_n3A_299 = arith.select %lt3A_295, %add3A_298, %xor3A_292 : vector<16xi1>, vector<16xi32>
      %broadcast_in_dim3A_300 = vector.shape_cast %select_n3A_299 : vector<16xi32> to vector<16x1xi32>
      %gather3A_301 = vector.shape_cast %broadcast_in_dim3A_300 : vector<16x1xi32> to vector<16xi32>
      %gather3A_302 = tpu.dynamic_gather %min3A_289[%gather3A_301] in [0] : vector<16xf32>, vector<16xi32> -> vector<16xf32>
      %min3A_303 = arith.minimumf %min3A_289, %gather3A_302 : vector<16xf32>
      %xor3A_304 = arith.constant 2 : i32
      %xor3A_305 = vector.broadcast %xor3A_304 : i32 to vector<16xi32>
      %xor3A_306 = arith.xori %iota3A, %xor3A_305 : vector<16xi32>
      %lt3A_307 = arith.constant 0 : i32
      %lt3A_308 = vector.broadcast %lt3A_307 : i32 to vector<16xi32>
      %lt3A_309 = arith.cmpi slt, %xor3A_306, %lt3A_308 : vector<16xi32>
      %add3A_310 = arith.constant 16 : i32
      %add3A_311 = vector.broadcast %add3A_310 : i32 to vector<16xi32>
      %add3A_312 = arith.addi %xor3A_306, %add3A_311 : vector<16xi32>
      %select_n3A_313 = arith.select %lt3A_309, %add3A_312, %xor3A_306 : vector<16xi1>, vector<16xi32>
      %broadcast_in_dim3A_314 = vector.shape_cast %select_n3A_313 : vector<16xi32> to vector<16x1xi32>
      %gather3A_315 = vector.shape_cast %broadcast_in_dim3A_314 : vector<16x1xi32> to vector<16xi32>
      %gather3A_316 = tpu.dynamic_gather %min3A_303[%gather3A_315] in [0] : vector<16xf32>, vector<16xi32> -> vector<16xf32>
      %min3A_317 = arith.minimumf %min3A_303, %gather3A_316 : vector<16xf32>
      %xor3A_318 = arith.constant 4 : i32
      %xor3A_319 = vector.broadcast %xor3A_318 : i32 to vector<16xi32>
      %xor3A_320 = arith.xori %iota3A, %xor3A_319 : vector<16xi32>
      %lt3A_321 = arith.constant 0 : i32
      %lt3A_322 = vector.broadcast %lt3A_321 : i32 to vector<16xi32>
      %lt3A_323 = arith.cmpi slt, %xor3A_320, %lt3A_322 : vector<16xi32>
      %add3A_324 = arith.constant 16 : i32
      %add3A_325 = vector.broadcast %add3A_324 : i32 to vector<16xi32>
      %add3A_326 = arith.addi %xor3A_320, %add3A_325 : vector<16xi32>
      %select_n3A_327 = arith.select %lt3A_323, %add3A_326, %xor3A_320 : vector<16xi1>, vector<16xi32>
      %broadcast_in_dim3A_328 = vector.shape_cast %select_n3A_327 : vector<16xi32> to vector<16x1xi32>
      %gather3A_329 = vector.shape_cast %broadcast_in_dim3A_328 : vector<16x1xi32> to vector<16xi32>
      %gather3A_330 = tpu.dynamic_gather %min3A_317[%gather3A_329] in [0] : vector<16xf32>, vector<16xi32> -> vector<16xf32>
      %min3A_331 = arith.minimumf %min3A_317, %gather3A_330 : vector<16xf32>
      %xor3A_332 = arith.constant 8 : i32
      %xor3A_333 = vector.broadcast %xor3A_332 : i32 to vector<16xi32>
      %xor3A_334 = arith.xori %iota3A, %xor3A_333 : vector<16xi32>
      %lt3A_335 = arith.constant 0 : i32
      %lt3A_336 = vector.broadcast %lt3A_335 : i32 to vector<16xi32>
      %lt3A_337 = arith.cmpi slt, %xor3A_334, %lt3A_336 : vector<16xi32>
      %add3A_338 = arith.constant 16 : i32
      %add3A_339 = vector.broadcast %add3A_338 : i32 to vector<16xi32>
      %add3A_340 = arith.addi %xor3A_334, %add3A_339 : vector<16xi32>
      %select_n3A_341 = arith.select %lt3A_337, %add3A_340, %xor3A_334 : vector<16xi1>, vector<16xi32>
      %broadcast_in_dim3A_342 = vector.shape_cast %select_n3A_341 : vector<16xi32> to vector<16x1xi32>
      %gather3A_343 = vector.shape_cast %broadcast_in_dim3A_342 : vector<16x1xi32> to vector<16xi32>
      %gather3A_344 = tpu.dynamic_gather %min3A_331[%gather3A_343] in [0] : vector<16xf32>, vector<16xi32> -> vector<16xf32>
      %min3A_345 = arith.minimumf %min3A_331, %gather3A_344 : vector<16xf32>
      %eq3A_346 = arith.cmpf oeq, %select_n3A_249, %min3A_345 : vector<16xf32>
      %select_n3A_347 = arith.select %eq3A_346, %get3A_99, %broadcast_in_dim3A_44 : vector<16xi1>, vector<16xi32>
      %min3A_348 = arith.minsi %broadcast_in_dim3A_44, %select_n3A_347 : vector<16xi32>
      %eq3A_349 = arith.cmpf oeq, %select_n3A_255, %min3A_345 : vector<16xf32>
      %select_n3A_350 = arith.select %eq3A_349, %get3A_101, %broadcast_in_dim3A_44 : vector<16xi1>, vector<16xi32>
      %min3A_351 = arith.minsi %min3A_348, %select_n3A_350 : vector<16xi32>
      %eq3A_352 = arith.cmpf oeq, %select_n3A_261, %min3A_345 : vector<16xf32>
      %select_n3A_353 = arith.select %eq3A_352, %get3A_103, %broadcast_in_dim3A_44 : vector<16xi1>, vector<16xi32>
      %min3A_354 = arith.minsi %min3A_351, %select_n3A_353 : vector<16xi32>
      %eq3A_355 = arith.cmpf oeq, %select_n3A_267, %min3A_345 : vector<16xf32>
      %select_n3A_356 = arith.select %eq3A_355, %get3A_105, %broadcast_in_dim3A_44 : vector<16xi1>, vector<16xi32>
      %min3A_357 = arith.minsi %min3A_354, %select_n3A_356 : vector<16xi32>
      %eq3A_358 = arith.cmpf oeq, %select_n3A_273, %min3A_345 : vector<16xf32>
      %select_n3A_359 = arith.select %eq3A_358, %get3A_107, %broadcast_in_dim3A_44 : vector<16xi1>, vector<16xi32>
      %min3A_360 = arith.minsi %min3A_357, %select_n3A_359 : vector<16xi32>
      %eq3A_361 = arith.cmpf oeq, %select_n3A_279, %min3A_345 : vector<16xf32>
      %select_n3A_362 = arith.select %eq3A_361, %get3A_109, %broadcast_in_dim3A_44 : vector<16xi1>, vector<16xi32>
      %min3A_363 = arith.minsi %min3A_360, %select_n3A_362 : vector<16xi32>
      %xor3A_364 = arith.constant 1 : i32
      %xor3A_365 = vector.broadcast %xor3A_364 : i32 to vector<16xi32>
      %xor3A_366 = arith.xori %iota3A, %xor3A_365 : vector<16xi32>
      %lt3A_367 = arith.constant 0 : i32
      %lt3A_368 = vector.broadcast %lt3A_367 : i32 to vector<16xi32>
      %lt3A_369 = arith.cmpi slt, %xor3A_366, %lt3A_368 : vector<16xi32>
      %add3A_370 = arith.constant 16 : i32
      %add3A_371 = vector.broadcast %add3A_370 : i32 to vector<16xi32>
      %add3A_372 = arith.addi %xor3A_366, %add3A_371 : vector<16xi32>
      %select_n3A_373 = arith.select %lt3A_369, %add3A_372, %xor3A_366 : vector<16xi1>, vector<16xi32>
      %broadcast_in_dim3A_374 = vector.shape_cast %select_n3A_373 : vector<16xi32> to vector<16x1xi32>
      %gather3A_375 = vector.shape_cast %broadcast_in_dim3A_374 : vector<16x1xi32> to vector<16xi32>
      %gather3A_376 = tpu.dynamic_gather %min3A_363[%gather3A_375] in [0] : vector<16xi32>, vector<16xi32> -> vector<16xi32>
      %min3A_377 = arith.minsi %min3A_363, %gather3A_376 : vector<16xi32>
      %xor3A_378 = arith.constant 2 : i32
      %xor3A_379 = vector.broadcast %xor3A_378 : i32 to vector<16xi32>
      %xor3A_380 = arith.xori %iota3A, %xor3A_379 : vector<16xi32>
      %lt3A_381 = arith.constant 0 : i32
      %lt3A_382 = vector.broadcast %lt3A_381 : i32 to vector<16xi32>
      %lt3A_383 = arith.cmpi slt, %xor3A_380, %lt3A_382 : vector<16xi32>
      %add3A_384 = arith.constant 16 : i32
      %add3A_385 = vector.broadcast %add3A_384 : i32 to vector<16xi32>
      %add3A_386 = arith.addi %xor3A_380, %add3A_385 : vector<16xi32>
      %select_n3A_387 = arith.select %lt3A_383, %add3A_386, %xor3A_380 : vector<16xi1>, vector<16xi32>
      %broadcast_in_dim3A_388 = vector.shape_cast %select_n3A_387 : vector<16xi32> to vector<16x1xi32>
      %gather3A_389 = vector.shape_cast %broadcast_in_dim3A_388 : vector<16x1xi32> to vector<16xi32>
      %gather3A_390 = tpu.dynamic_gather %min3A_377[%gather3A_389] in [0] : vector<16xi32>, vector<16xi32> -> vector<16xi32>
      %min3A_391 = arith.minsi %min3A_377, %gather3A_390 : vector<16xi32>
      %xor3A_392 = arith.constant 4 : i32
      %xor3A_393 = vector.broadcast %xor3A_392 : i32 to vector<16xi32>
      %xor3A_394 = arith.xori %iota3A, %xor3A_393 : vector<16xi32>
      %lt3A_395 = arith.constant 0 : i32
      %lt3A_396 = vector.broadcast %lt3A_395 : i32 to vector<16xi32>
      %lt3A_397 = arith.cmpi slt, %xor3A_394, %lt3A_396 : vector<16xi32>
      %add3A_398 = arith.constant 16 : i32
      %add3A_399 = vector.broadcast %add3A_398 : i32 to vector<16xi32>
      %add3A_400 = arith.addi %xor3A_394, %add3A_399 : vector<16xi32>
      %select_n3A_401 = arith.select %lt3A_397, %add3A_400, %xor3A_394 : vector<16xi1>, vector<16xi32>
      %broadcast_in_dim3A_402 = vector.shape_cast %select_n3A_401 : vector<16xi32> to vector<16x1xi32>
      %gather3A_403 = vector.shape_cast %broadcast_in_dim3A_402 : vector<16x1xi32> to vector<16xi32>
      %gather3A_404 = tpu.dynamic_gather %min3A_391[%gather3A_403] in [0] : vector<16xi32>, vector<16xi32> -> vector<16xi32>
      %min3A_405 = arith.minsi %min3A_391, %gather3A_404 : vector<16xi32>
      %xor3A_406 = arith.constant 8 : i32
      %xor3A_407 = vector.broadcast %xor3A_406 : i32 to vector<16xi32>
      %xor3A_408 = arith.xori %iota3A, %xor3A_407 : vector<16xi32>
      %lt3A_409 = arith.constant 0 : i32
      %lt3A_410 = vector.broadcast %lt3A_409 : i32 to vector<16xi32>
      %lt3A_411 = arith.cmpi slt, %xor3A_408, %lt3A_410 : vector<16xi32>
      %add3A_412 = arith.constant 16 : i32
      %add3A_413 = vector.broadcast %add3A_412 : i32 to vector<16xi32>
      %add3A_414 = arith.addi %xor3A_408, %add3A_413 : vector<16xi32>
      %select_n3A_415 = arith.select %lt3A_411, %add3A_414, %xor3A_408 : vector<16xi1>, vector<16xi32>
      %broadcast_in_dim3A_416 = vector.shape_cast %select_n3A_415 : vector<16xi32> to vector<16x1xi32>
      %gather3A_417 = vector.shape_cast %broadcast_in_dim3A_416 : vector<16x1xi32> to vector<16xi32>
      %gather3A_418 = tpu.dynamic_gather %min3A_405[%gather3A_417] in [0] : vector<16xi32>, vector<16xi32> -> vector<16xi32>
      %min3A_419 = arith.minsi %min3A_405, %gather3A_418 : vector<16xi32>
      %eq3A_420 = arith.cmpf oeq, %select_n3A_249, %min3A_345 : vector<16xf32>
      %eq3A_421 = arith.cmpi eq, %get3A_99, %min3A_419 : vector<16xi32>
      %and3A_422 = arith.andi %eq3A_420, %eq3A_421 : vector<16xi1>
      %jit3A_423 = arith.constant 0x7F800000 : f32
      %broadcast_in_dim3A_424 = vector.broadcast %jit3A_423 : f32 to vector<16xf32>
      %select_n3A_425 = arith.select %and3A_422, %broadcast_in_dim3A_424, %select_n3A_249 : vector<16xi1>, vector<16xf32>
      %eq3A_426 = arith.cmpf oeq, %select_n3A_255, %min3A_345 : vector<16xf32>
      %eq3A_427 = arith.cmpi eq, %get3A_101, %min3A_419 : vector<16xi32>
      %and3A_428 = arith.andi %eq3A_426, %eq3A_427 : vector<16xi1>
      %jit3A_429 = arith.constant 0x7F800000 : f32
      %broadcast_in_dim3A_430 = vector.broadcast %jit3A_429 : f32 to vector<16xf32>
      %select_n3A_431 = arith.select %and3A_428, %broadcast_in_dim3A_430, %select_n3A_255 : vector<16xi1>, vector<16xf32>
      %eq3A_432 = arith.cmpf oeq, %select_n3A_261, %min3A_345 : vector<16xf32>
      %eq3A_433 = arith.cmpi eq, %get3A_103, %min3A_419 : vector<16xi32>
      %and3A_434 = arith.andi %eq3A_432, %eq3A_433 : vector<16xi1>
      %jit3A_435 = arith.constant 0x7F800000 : f32
      %broadcast_in_dim3A_436 = vector.broadcast %jit3A_435 : f32 to vector<16xf32>
      %select_n3A_437 = arith.select %and3A_434, %broadcast_in_dim3A_436, %select_n3A_261 : vector<16xi1>, vector<16xf32>
      %eq3A_438 = arith.cmpf oeq, %select_n3A_267, %min3A_345 : vector<16xf32>
      %eq3A_439 = arith.cmpi eq, %get3A_105, %min3A_419 : vector<16xi32>
      %and3A_440 = arith.andi %eq3A_438, %eq3A_439 : vector<16xi1>
      %jit3A_441 = arith.constant 0x7F800000 : f32
      %broadcast_in_dim3A_442 = vector.broadcast %jit3A_441 : f32 to vector<16xf32>
      %select_n3A_443 = arith.select %and3A_440, %broadcast_in_dim3A_442, %select_n3A_267 : vector<16xi1>, vector<16xf32>
      %eq3A_444 = arith.cmpf oeq, %select_n3A_273, %min3A_345 : vector<16xf32>
      %eq3A_445 = arith.cmpi eq, %get3A_107, %min3A_419 : vector<16xi32>
      %and3A_446 = arith.andi %eq3A_444, %eq3A_445 : vector<16xi1>
      %jit3A_447 = arith.constant 0x7F800000 : f32
      %broadcast_in_dim3A_448 = vector.broadcast %jit3A_447 : f32 to vector<16xf32>
      %select_n3A_449 = arith.select %and3A_446, %broadcast_in_dim3A_448, %select_n3A_273 : vector<16xi1>, vector<16xf32>
      %eq3A_450 = arith.cmpf oeq, %select_n3A_279, %min3A_345 : vector<16xf32>
      %eq3A_451 = arith.cmpi eq, %get3A_109, %min3A_419 : vector<16xi32>
      %and3A_452 = arith.andi %eq3A_450, %eq3A_451 : vector<16xi1>
      %jit3A_453 = arith.constant 0x7F800000 : f32
      %broadcast_in_dim3A_454 = vector.broadcast %jit3A_453 : f32 to vector<16xf32>
      %select_n3A_455 = arith.select %and3A_452, %broadcast_in_dim3A_454, %select_n3A_279 : vector<16xi1>, vector<16xf32>
      %eq3A_456 = arith.constant 1 : i32
      %eq3A_457 = vector.broadcast %eq3A_456 : i32 to vector<16xi32>
      %eq3A_458 = arith.cmpi eq, %iota3A, %eq3A_457 : vector<16xi32>
      %select_n3A_459 = arith.select %eq3A_458, %min3A_419, %select_n3A_283 : vector<16xi1>, vector<16xi32>
      %select_n3A_460 = arith.select %eq3A_458, %min3A_345, %select_n3A_284 : vector<16xi1>, vector<16xf32>
      %min3A_461 = arith.minimumf %select_n3A_425, %select_n3A_431 : vector<16xf32>
      %min3A_462 = arith.minimumf %min3A_461, %select_n3A_437 : vector<16xf32>
      %min3A_463 = arith.minimumf %min3A_462, %select_n3A_443 : vector<16xf32>
      %min3A_464 = arith.minimumf %min3A_463, %select_n3A_449 : vector<16xf32>
      %min3A_465 = arith.minimumf %min3A_464, %select_n3A_455 : vector<16xf32>
      %xor3A_466 = arith.constant 1 : i32
      %xor3A_467 = vector.broadcast %xor3A_466 : i32 to vector<16xi32>
      %xor3A_468 = arith.xori %iota3A, %xor3A_467 : vector<16xi32>
      %lt3A_469 = arith.constant 0 : i32
      %lt3A_470 = vector.broadcast %lt3A_469 : i32 to vector<16xi32>
      %lt3A_471 = arith.cmpi slt, %xor3A_468, %lt3A_470 : vector<16xi32>
      %add3A_472 = arith.constant 16 : i32
      %add3A_473 = vector.broadcast %add3A_472 : i32 to vector<16xi32>
      %add3A_474 = arith.addi %xor3A_468, %add3A_473 : vector<16xi32>
      %select_n3A_475 = arith.select %lt3A_471, %add3A_474, %xor3A_468 : vector<16xi1>, vector<16xi32>
      %broadcast_in_dim3A_476 = vector.shape_cast %select_n3A_475 : vector<16xi32> to vector<16x1xi32>
      %gather3A_477 = vector.shape_cast %broadcast_in_dim3A_476 : vector<16x1xi32> to vector<16xi32>
      %gather3A_478 = tpu.dynamic_gather %min3A_465[%gather3A_477] in [0] : vector<16xf32>, vector<16xi32> -> vector<16xf32>
      %min3A_479 = arith.minimumf %min3A_465, %gather3A_478 : vector<16xf32>
      %xor3A_480 = arith.constant 2 : i32
      %xor3A_481 = vector.broadcast %xor3A_480 : i32 to vector<16xi32>
      %xor3A_482 = arith.xori %iota3A, %xor3A_481 : vector<16xi32>
      %lt3A_483 = arith.constant 0 : i32
      %lt3A_484 = vector.broadcast %lt3A_483 : i32 to vector<16xi32>
      %lt3A_485 = arith.cmpi slt, %xor3A_482, %lt3A_484 : vector<16xi32>
      %add3A_486 = arith.constant 16 : i32
      %add3A_487 = vector.broadcast %add3A_486 : i32 to vector<16xi32>
      %add3A_488 = arith.addi %xor3A_482, %add3A_487 : vector<16xi32>
      %select_n3A_489 = arith.select %lt3A_485, %add3A_488, %xor3A_482 : vector<16xi1>, vector<16xi32>
      %broadcast_in_dim3A_490 = vector.shape_cast %select_n3A_489 : vector<16xi32> to vector<16x1xi32>
      %gather3A_491 = vector.shape_cast %broadcast_in_dim3A_490 : vector<16x1xi32> to vector<16xi32>
      %gather3A_492 = tpu.dynamic_gather %min3A_479[%gather3A_491] in [0] : vector<16xf32>, vector<16xi32> -> vector<16xf32>
      %min3A_493 = arith.minimumf %min3A_479, %gather3A_492 : vector<16xf32>
      %xor3A_494 = arith.constant 4 : i32
      %xor3A_495 = vector.broadcast %xor3A_494 : i32 to vector<16xi32>
      %xor3A_496 = arith.xori %iota3A, %xor3A_495 : vector<16xi32>
      %lt3A_497 = arith.constant 0 : i32
      %lt3A_498 = vector.broadcast %lt3A_497 : i32 to vector<16xi32>
      %lt3A_499 = arith.cmpi slt, %xor3A_496, %lt3A_498 : vector<16xi32>
      %add3A_500 = arith.constant 16 : i32
      %add3A_501 = vector.broadcast %add3A_500 : i32 to vector<16xi32>
      %add3A_502 = arith.addi %xor3A_496, %add3A_501 : vector<16xi32>
      %select_n3A_503 = arith.select %lt3A_499, %add3A_502, %xor3A_496 : vector<16xi1>, vector<16xi32>
      %broadcast_in_dim3A_504 = vector.shape_cast %select_n3A_503 : vector<16xi32> to vector<16x1xi32>
      %gather3A_505 = vector.shape_cast %broadcast_in_dim3A_504 : vector<16x1xi32> to vector<16xi32>
      %gather3A_506 = tpu.dynamic_gather %min3A_493[%gather3A_505] in [0] : vector<16xf32>, vector<16xi32> -> vector<16xf32>
      %min3A_507 = arith.minimumf %min3A_493, %gather3A_506 : vector<16xf32>
      %xor3A_508 = arith.constant 8 : i32
      %xor3A_509 = vector.broadcast %xor3A_508 : i32 to vector<16xi32>
      %xor3A_510 = arith.xori %iota3A, %xor3A_509 : vector<16xi32>
      %lt3A_511 = arith.constant 0 : i32
      %lt3A_512 = vector.broadcast %lt3A_511 : i32 to vector<16xi32>
      %lt3A_513 = arith.cmpi slt, %xor3A_510, %lt3A_512 : vector<16xi32>
      %add3A_514 = arith.constant 16 : i32
      %add3A_515 = vector.broadcast %add3A_514 : i32 to vector<16xi32>
      %add3A_516 = arith.addi %xor3A_510, %add3A_515 : vector<16xi32>
      %select_n3A_517 = arith.select %lt3A_513, %add3A_516, %xor3A_510 : vector<16xi1>, vector<16xi32>
      %broadcast_in_dim3A_518 = vector.shape_cast %select_n3A_517 : vector<16xi32> to vector<16x1xi32>
      %gather3A_519 = vector.shape_cast %broadcast_in_dim3A_518 : vector<16x1xi32> to vector<16xi32>
      %gather3A_520 = tpu.dynamic_gather %min3A_507[%gather3A_519] in [0] : vector<16xf32>, vector<16xi32> -> vector<16xf32>
      %min3A_521 = arith.minimumf %min3A_507, %gather3A_520 : vector<16xf32>
      %eq3A_522 = arith.cmpf oeq, %select_n3A_425, %min3A_521 : vector<16xf32>
      %select_n3A_523 = arith.select %eq3A_522, %get3A_99, %broadcast_in_dim3A_44 : vector<16xi1>, vector<16xi32>
      %min3A_524 = arith.minsi %broadcast_in_dim3A_44, %select_n3A_523 : vector<16xi32>
      %eq3A_525 = arith.cmpf oeq, %select_n3A_431, %min3A_521 : vector<16xf32>
      %select_n3A_526 = arith.select %eq3A_525, %get3A_101, %broadcast_in_dim3A_44 : vector<16xi1>, vector<16xi32>
      %min3A_527 = arith.minsi %min3A_524, %select_n3A_526 : vector<16xi32>
      %eq3A_528 = arith.cmpf oeq, %select_n3A_437, %min3A_521 : vector<16xf32>
      %select_n3A_529 = arith.select %eq3A_528, %get3A_103, %broadcast_in_dim3A_44 : vector<16xi1>, vector<16xi32>
      %min3A_530 = arith.minsi %min3A_527, %select_n3A_529 : vector<16xi32>
      %eq3A_531 = arith.cmpf oeq, %select_n3A_443, %min3A_521 : vector<16xf32>
      %select_n3A_532 = arith.select %eq3A_531, %get3A_105, %broadcast_in_dim3A_44 : vector<16xi1>, vector<16xi32>
      %min3A_533 = arith.minsi %min3A_530, %select_n3A_532 : vector<16xi32>
      %eq3A_534 = arith.cmpf oeq, %select_n3A_449, %min3A_521 : vector<16xf32>
      %select_n3A_535 = arith.select %eq3A_534, %get3A_107, %broadcast_in_dim3A_44 : vector<16xi1>, vector<16xi32>
      %min3A_536 = arith.minsi %min3A_533, %select_n3A_535 : vector<16xi32>
      %eq3A_537 = arith.cmpf oeq, %select_n3A_455, %min3A_521 : vector<16xf32>
      %select_n3A_538 = arith.select %eq3A_537, %get3A_109, %broadcast_in_dim3A_44 : vector<16xi1>, vector<16xi32>
      %min3A_539 = arith.minsi %min3A_536, %select_n3A_538 : vector<16xi32>
      %xor3A_540 = arith.constant 1 : i32
      %xor3A_541 = vector.broadcast %xor3A_540 : i32 to vector<16xi32>
      %xor3A_542 = arith.xori %iota3A, %xor3A_541 : vector<16xi32>
      %lt3A_543 = arith.constant 0 : i32
      %lt3A_544 = vector.broadcast %lt3A_543 : i32 to vector<16xi32>
      %lt3A_545 = arith.cmpi slt, %xor3A_542, %lt3A_544 : vector<16xi32>
      %add3A_546 = arith.constant 16 : i32
      %add3A_547 = vector.broadcast %add3A_546 : i32 to vector<16xi32>
      %add3A_548 = arith.addi %xor3A_542, %add3A_547 : vector<16xi32>
      %select_n3A_549 = arith.select %lt3A_545, %add3A_548, %xor3A_542 : vector<16xi1>, vector<16xi32>
      %broadcast_in_dim3A_550 = vector.shape_cast %select_n3A_549 : vector<16xi32> to vector<16x1xi32>
      %gather3A_551 = vector.shape_cast %broadcast_in_dim3A_550 : vector<16x1xi32> to vector<16xi32>
      %gather3A_552 = tpu.dynamic_gather %min3A_539[%gather3A_551] in [0] : vector<16xi32>, vector<16xi32> -> vector<16xi32>
      %min3A_553 = arith.minsi %min3A_539, %gather3A_552 : vector<16xi32>
      %xor3A_554 = arith.constant 2 : i32
      %xor3A_555 = vector.broadcast %xor3A_554 : i32 to vector<16xi32>
      %xor3A_556 = arith.xori %iota3A, %xor3A_555 : vector<16xi32>
      %lt3A_557 = arith.constant 0 : i32
      %lt3A_558 = vector.broadcast %lt3A_557 : i32 to vector<16xi32>
      %lt3A_559 = arith.cmpi slt, %xor3A_556, %lt3A_558 : vector<16xi32>
      %add3A_560 = arith.constant 16 : i32
      %add3A_561 = vector.broadcast %add3A_560 : i32 to vector<16xi32>
      %add3A_562 = arith.addi %xor3A_556, %add3A_561 : vector<16xi32>
      %select_n3A_563 = arith.select %lt3A_559, %add3A_562, %xor3A_556 : vector<16xi1>, vector<16xi32>
      %broadcast_in_dim3A_564 = vector.shape_cast %select_n3A_563 : vector<16xi32> to vector<16x1xi32>
      %gather3A_565 = vector.shape_cast %broadcast_in_dim3A_564 : vector<16x1xi32> to vector<16xi32>
      %gather3A_566 = tpu.dynamic_gather %min3A_553[%gather3A_565] in [0] : vector<16xi32>, vector<16xi32> -> vector<16xi32>
      %min3A_567 = arith.minsi %min3A_553, %gather3A_566 : vector<16xi32>
      %xor3A_568 = arith.constant 4 : i32
      %xor3A_569 = vector.broadcast %xor3A_568 : i32 to vector<16xi32>
      %xor3A_570 = arith.xori %iota3A, %xor3A_569 : vector<16xi32>
      %lt3A_571 = arith.constant 0 : i32
      %lt3A_572 = vector.broadcast %lt3A_571 : i32 to vector<16xi32>
      %lt3A_573 = arith.cmpi slt, %xor3A_570, %lt3A_572 : vector<16xi32>
      %add3A_574 = arith.constant 16 : i32
      %add3A_575 = vector.broadcast %add3A_574 : i32 to vector<16xi32>
      %add3A_576 = arith.addi %xor3A_570, %add3A_575 : vector<16xi32>
      %select_n3A_577 = arith.select %lt3A_573, %add3A_576, %xor3A_570 : vector<16xi1>, vector<16xi32>
      %broadcast_in_dim3A_578 = vector.shape_cast %select_n3A_577 : vector<16xi32> to vector<16x1xi32>
      %gather3A_579 = vector.shape_cast %broadcast_in_dim3A_578 : vector<16x1xi32> to vector<16xi32>
      %gather3A_580 = tpu.dynamic_gather %min3A_567[%gather3A_579] in [0] : vector<16xi32>, vector<16xi32> -> vector<16xi32>
      %min3A_581 = arith.minsi %min3A_567, %gather3A_580 : vector<16xi32>
      %xor3A_582 = arith.constant 8 : i32
      %xor3A_583 = vector.broadcast %xor3A_582 : i32 to vector<16xi32>
      %xor3A_584 = arith.xori %iota3A, %xor3A_583 : vector<16xi32>
      %lt3A_585 = arith.constant 0 : i32
      %lt3A_586 = vector.broadcast %lt3A_585 : i32 to vector<16xi32>
      %lt3A_587 = arith.cmpi slt, %xor3A_584, %lt3A_586 : vector<16xi32>
      %add3A_588 = arith.constant 16 : i32
      %add3A_589 = vector.broadcast %add3A_588 : i32 to vector<16xi32>
      %add3A_590 = arith.addi %xor3A_584, %add3A_589 : vector<16xi32>
      %select_n3A_591 = arith.select %lt3A_587, %add3A_590, %xor3A_584 : vector<16xi1>, vector<16xi32>
      %broadcast_in_dim3A_592 = vector.shape_cast %select_n3A_591 : vector<16xi32> to vector<16x1xi32>
      %gather3A_593 = vector.shape_cast %broadcast_in_dim3A_592 : vector<16x1xi32> to vector<16xi32>
      %gather3A_594 = tpu.dynamic_gather %min3A_581[%gather3A_593] in [0] : vector<16xi32>, vector<16xi32> -> vector<16xi32>
      %min3A_595 = arith.minsi %min3A_581, %gather3A_594 : vector<16xi32>
      %eq3A_596 = arith.cmpf oeq, %select_n3A_425, %min3A_521 : vector<16xf32>
      %eq3A_597 = arith.cmpi eq, %get3A_99, %min3A_595 : vector<16xi32>
      %and3A_598 = arith.andi %eq3A_596, %eq3A_597 : vector<16xi1>
      %jit3A_599 = arith.constant 0x7F800000 : f32
      %broadcast_in_dim3A_600 = vector.broadcast %jit3A_599 : f32 to vector<16xf32>
      %select_n3A_601 = arith.select %and3A_598, %broadcast_in_dim3A_600, %select_n3A_425 : vector<16xi1>, vector<16xf32>
      %eq3A_602 = arith.cmpf oeq, %select_n3A_431, %min3A_521 : vector<16xf32>
      %eq3A_603 = arith.cmpi eq, %get3A_101, %min3A_595 : vector<16xi32>
      %and3A_604 = arith.andi %eq3A_602, %eq3A_603 : vector<16xi1>
      %jit3A_605 = arith.constant 0x7F800000 : f32
      %broadcast_in_dim3A_606 = vector.broadcast %jit3A_605 : f32 to vector<16xf32>
      %select_n3A_607 = arith.select %and3A_604, %broadcast_in_dim3A_606, %select_n3A_431 : vector<16xi1>, vector<16xf32>
      %eq3A_608 = arith.cmpf oeq, %select_n3A_437, %min3A_521 : vector<16xf32>
      %eq3A_609 = arith.cmpi eq, %get3A_103, %min3A_595 : vector<16xi32>
      %and3A_610 = arith.andi %eq3A_608, %eq3A_609 : vector<16xi1>
      %jit3A_611 = arith.constant 0x7F800000 : f32
      %broadcast_in_dim3A_612 = vector.broadcast %jit3A_611 : f32 to vector<16xf32>
      %select_n3A_613 = arith.select %and3A_610, %broadcast_in_dim3A_612, %select_n3A_437 : vector<16xi1>, vector<16xf32>
      %eq3A_614 = arith.cmpf oeq, %select_n3A_443, %min3A_521 : vector<16xf32>
      %eq3A_615 = arith.cmpi eq, %get3A_105, %min3A_595 : vector<16xi32>
      %and3A_616 = arith.andi %eq3A_614, %eq3A_615 : vector<16xi1>
      %jit3A_617 = arith.constant 0x7F800000 : f32
      %broadcast_in_dim3A_618 = vector.broadcast %jit3A_617 : f32 to vector<16xf32>
      %select_n3A_619 = arith.select %and3A_616, %broadcast_in_dim3A_618, %select_n3A_443 : vector<16xi1>, vector<16xf32>
      %eq3A_620 = arith.cmpf oeq, %select_n3A_449, %min3A_521 : vector<16xf32>
      %eq3A_621 = arith.cmpi eq, %get3A_107, %min3A_595 : vector<16xi32>
      %and3A_622 = arith.andi %eq3A_620, %eq3A_621 : vector<16xi1>
      %jit3A_623 = arith.constant 0x7F800000 : f32
      %broadcast_in_dim3A_624 = vector.broadcast %jit3A_623 : f32 to vector<16xf32>
      %select_n3A_625 = arith.select %and3A_622, %broadcast_in_dim3A_624, %select_n3A_449 : vector<16xi1>, vector<16xf32>
      %eq3A_626 = arith.cmpf oeq, %select_n3A_455, %min3A_521 : vector<16xf32>
      %eq3A_627 = arith.cmpi eq, %get3A_109, %min3A_595 : vector<16xi32>
      %and3A_628 = arith.andi %eq3A_626, %eq3A_627 : vector<16xi1>
      %jit3A_629 = arith.constant 0x7F800000 : f32
      %broadcast_in_dim3A_630 = vector.broadcast %jit3A_629 : f32 to vector<16xf32>
      %select_n3A_631 = arith.select %and3A_628, %broadcast_in_dim3A_630, %select_n3A_455 : vector<16xi1>, vector<16xf32>
      %eq3A_632 = arith.constant 2 : i32
      %eq3A_633 = vector.broadcast %eq3A_632 : i32 to vector<16xi32>
      %eq3A_634 = arith.cmpi eq, %iota3A, %eq3A_633 : vector<16xi32>
      %select_n3A_635 = arith.select %eq3A_634, %min3A_595, %select_n3A_459 : vector<16xi1>, vector<16xi32>
      %select_n3A_636 = arith.select %eq3A_634, %min3A_521, %select_n3A_460 : vector<16xi1>, vector<16xf32>
      %min3A_637 = arith.minimumf %select_n3A_601, %select_n3A_607 : vector<16xf32>
      %min3A_638 = arith.minimumf %min3A_637, %select_n3A_613 : vector<16xf32>
      %min3A_639 = arith.minimumf %min3A_638, %select_n3A_619 : vector<16xf32>
      %min3A_640 = arith.minimumf %min3A_639, %select_n3A_625 : vector<16xf32>
      %min3A_641 = arith.minimumf %min3A_640, %select_n3A_631 : vector<16xf32>
      %xor3A_642 = arith.constant 1 : i32
      %xor3A_643 = vector.broadcast %xor3A_642 : i32 to vector<16xi32>
      %xor3A_644 = arith.xori %iota3A, %xor3A_643 : vector<16xi32>
      %lt3A_645 = arith.constant 0 : i32
      %lt3A_646 = vector.broadcast %lt3A_645 : i32 to vector<16xi32>
      %lt3A_647 = arith.cmpi slt, %xor3A_644, %lt3A_646 : vector<16xi32>
      %add3A_648 = arith.constant 16 : i32
      %add3A_649 = vector.broadcast %add3A_648 : i32 to vector<16xi32>
      %add3A_650 = arith.addi %xor3A_644, %add3A_649 : vector<16xi32>
      %select_n3A_651 = arith.select %lt3A_647, %add3A_650, %xor3A_644 : vector<16xi1>, vector<16xi32>
      %broadcast_in_dim3A_652 = vector.shape_cast %select_n3A_651 : vector<16xi32> to vector<16x1xi32>
      %gather3A_653 = vector.shape_cast %broadcast_in_dim3A_652 : vector<16x1xi32> to vector<16xi32>
      %gather3A_654 = tpu.dynamic_gather %min3A_641[%gather3A_653] in [0] : vector<16xf32>, vector<16xi32> -> vector<16xf32>
      %min3A_655 = arith.minimumf %min3A_641, %gather3A_654 : vector<16xf32>
      %xor3A_656 = arith.constant 2 : i32
      %xor3A_657 = vector.broadcast %xor3A_656 : i32 to vector<16xi32>
      %xor3A_658 = arith.xori %iota3A, %xor3A_657 : vector<16xi32>
      %lt3A_659 = arith.constant 0 : i32
      %lt3A_660 = vector.broadcast %lt3A_659 : i32 to vector<16xi32>
      %lt3A_661 = arith.cmpi slt, %xor3A_658, %lt3A_660 : vector<16xi32>
      %add3A_662 = arith.constant 16 : i32
      %add3A_663 = vector.broadcast %add3A_662 : i32 to vector<16xi32>
      %add3A_664 = arith.addi %xor3A_658, %add3A_663 : vector<16xi32>
      %select_n3A_665 = arith.select %lt3A_661, %add3A_664, %xor3A_658 : vector<16xi1>, vector<16xi32>
      %broadcast_in_dim3A_666 = vector.shape_cast %select_n3A_665 : vector<16xi32> to vector<16x1xi32>
      %gather3A_667 = vector.shape_cast %broadcast_in_dim3A_666 : vector<16x1xi32> to vector<16xi32>
      %gather3A_668 = tpu.dynamic_gather %min3A_655[%gather3A_667] in [0] : vector<16xf32>, vector<16xi32> -> vector<16xf32>
      %min3A_669 = arith.minimumf %min3A_655, %gather3A_668 : vector<16xf32>
      %xor3A_670 = arith.constant 4 : i32
      %xor3A_671 = vector.broadcast %xor3A_670 : i32 to vector<16xi32>
      %xor3A_672 = arith.xori %iota3A, %xor3A_671 : vector<16xi32>
      %lt3A_673 = arith.constant 0 : i32
      %lt3A_674 = vector.broadcast %lt3A_673 : i32 to vector<16xi32>
      %lt3A_675 = arith.cmpi slt, %xor3A_672, %lt3A_674 : vector<16xi32>
      %add3A_676 = arith.constant 16 : i32
      %add3A_677 = vector.broadcast %add3A_676 : i32 to vector<16xi32>
      %add3A_678 = arith.addi %xor3A_672, %add3A_677 : vector<16xi32>
      %select_n3A_679 = arith.select %lt3A_675, %add3A_678, %xor3A_672 : vector<16xi1>, vector<16xi32>
      %broadcast_in_dim3A_680 = vector.shape_cast %select_n3A_679 : vector<16xi32> to vector<16x1xi32>
      %gather3A_681 = vector.shape_cast %broadcast_in_dim3A_680 : vector<16x1xi32> to vector<16xi32>
      %gather3A_682 = tpu.dynamic_gather %min3A_669[%gather3A_681] in [0] : vector<16xf32>, vector<16xi32> -> vector<16xf32>
      %min3A_683 = arith.minimumf %min3A_669, %gather3A_682 : vector<16xf32>
      %xor3A_684 = arith.constant 8 : i32
      %xor3A_685 = vector.broadcast %xor3A_684 : i32 to vector<16xi32>
      %xor3A_686 = arith.xori %iota3A, %xor3A_685 : vector<16xi32>
      %lt3A_687 = arith.constant 0 : i32
      %lt3A_688 = vector.broadcast %lt3A_687 : i32 to vector<16xi32>
      %lt3A_689 = arith.cmpi slt, %xor3A_686, %lt3A_688 : vector<16xi32>
      %add3A_690 = arith.constant 16 : i32
      %add3A_691 = vector.broadcast %add3A_690 : i32 to vector<16xi32>
      %add3A_692 = arith.addi %xor3A_686, %add3A_691 : vector<16xi32>
      %select_n3A_693 = arith.select %lt3A_689, %add3A_692, %xor3A_686 : vector<16xi1>, vector<16xi32>
      %broadcast_in_dim3A_694 = vector.shape_cast %select_n3A_693 : vector<16xi32> to vector<16x1xi32>
      %gather3A_695 = vector.shape_cast %broadcast_in_dim3A_694 : vector<16x1xi32> to vector<16xi32>
      %gather3A_696 = tpu.dynamic_gather %min3A_683[%gather3A_695] in [0] : vector<16xf32>, vector<16xi32> -> vector<16xf32>
      %min3A_697 = arith.minimumf %min3A_683, %gather3A_696 : vector<16xf32>
      %eq3A_698 = arith.cmpf oeq, %select_n3A_601, %min3A_697 : vector<16xf32>
      %select_n3A_699 = arith.select %eq3A_698, %get3A_99, %broadcast_in_dim3A_44 : vector<16xi1>, vector<16xi32>
      %min3A_700 = arith.minsi %broadcast_in_dim3A_44, %select_n3A_699 : vector<16xi32>
      %eq3A_701 = arith.cmpf oeq, %select_n3A_607, %min3A_697 : vector<16xf32>
      %select_n3A_702 = arith.select %eq3A_701, %get3A_101, %broadcast_in_dim3A_44 : vector<16xi1>, vector<16xi32>
      %min3A_703 = arith.minsi %min3A_700, %select_n3A_702 : vector<16xi32>
      %eq3A_704 = arith.cmpf oeq, %select_n3A_613, %min3A_697 : vector<16xf32>
      %select_n3A_705 = arith.select %eq3A_704, %get3A_103, %broadcast_in_dim3A_44 : vector<16xi1>, vector<16xi32>
      %min3A_706 = arith.minsi %min3A_703, %select_n3A_705 : vector<16xi32>
      %eq3A_707 = arith.cmpf oeq, %select_n3A_619, %min3A_697 : vector<16xf32>
      %select_n3A_708 = arith.select %eq3A_707, %get3A_105, %broadcast_in_dim3A_44 : vector<16xi1>, vector<16xi32>
      %min3A_709 = arith.minsi %min3A_706, %select_n3A_708 : vector<16xi32>
      %eq3A_710 = arith.cmpf oeq, %select_n3A_625, %min3A_697 : vector<16xf32>
      %select_n3A_711 = arith.select %eq3A_710, %get3A_107, %broadcast_in_dim3A_44 : vector<16xi1>, vector<16xi32>
      %min3A_712 = arith.minsi %min3A_709, %select_n3A_711 : vector<16xi32>
      %eq3A_713 = arith.cmpf oeq, %select_n3A_631, %min3A_697 : vector<16xf32>
      %select_n3A_714 = arith.select %eq3A_713, %get3A_109, %broadcast_in_dim3A_44 : vector<16xi1>, vector<16xi32>
      %min3A_715 = arith.minsi %min3A_712, %select_n3A_714 : vector<16xi32>
      %xor3A_716 = arith.constant 1 : i32
      %xor3A_717 = vector.broadcast %xor3A_716 : i32 to vector<16xi32>
      %xor3A_718 = arith.xori %iota3A, %xor3A_717 : vector<16xi32>
      %lt3A_719 = arith.constant 0 : i32
      %lt3A_720 = vector.broadcast %lt3A_719 : i32 to vector<16xi32>
      %lt3A_721 = arith.cmpi slt, %xor3A_718, %lt3A_720 : vector<16xi32>
      %add3A_722 = arith.constant 16 : i32
      %add3A_723 = vector.broadcast %add3A_722 : i32 to vector<16xi32>
      %add3A_724 = arith.addi %xor3A_718, %add3A_723 : vector<16xi32>
      %select_n3A_725 = arith.select %lt3A_721, %add3A_724, %xor3A_718 : vector<16xi1>, vector<16xi32>
      %broadcast_in_dim3A_726 = vector.shape_cast %select_n3A_725 : vector<16xi32> to vector<16x1xi32>
      %gather3A_727 = vector.shape_cast %broadcast_in_dim3A_726 : vector<16x1xi32> to vector<16xi32>
      %gather3A_728 = tpu.dynamic_gather %min3A_715[%gather3A_727] in [0] : vector<16xi32>, vector<16xi32> -> vector<16xi32>
      %min3A_729 = arith.minsi %min3A_715, %gather3A_728 : vector<16xi32>
      %xor3A_730 = arith.constant 2 : i32
      %xor3A_731 = vector.broadcast %xor3A_730 : i32 to vector<16xi32>
      %xor3A_732 = arith.xori %iota3A, %xor3A_731 : vector<16xi32>
      %lt3A_733 = arith.constant 0 : i32
      %lt3A_734 = vector.broadcast %lt3A_733 : i32 to vector<16xi32>
      %lt3A_735 = arith.cmpi slt, %xor3A_732, %lt3A_734 : vector<16xi32>
      %add3A_736 = arith.constant 16 : i32
      %add3A_737 = vector.broadcast %add3A_736 : i32 to vector<16xi32>
      %add3A_738 = arith.addi %xor3A_732, %add3A_737 : vector<16xi32>
      %select_n3A_739 = arith.select %lt3A_735, %add3A_738, %xor3A_732 : vector<16xi1>, vector<16xi32>
      %broadcast_in_dim3A_740 = vector.shape_cast %select_n3A_739 : vector<16xi32> to vector<16x1xi32>
      %gather3A_741 = vector.shape_cast %broadcast_in_dim3A_740 : vector<16x1xi32> to vector<16xi32>
      %gather3A_742 = tpu.dynamic_gather %min3A_729[%gather3A_741] in [0] : vector<16xi32>, vector<16xi32> -> vector<16xi32>
      %min3A_743 = arith.minsi %min3A_729, %gather3A_742 : vector<16xi32>
      %xor3A_744 = arith.constant 4 : i32
      %xor3A_745 = vector.broadcast %xor3A_744 : i32 to vector<16xi32>
      %xor3A_746 = arith.xori %iota3A, %xor3A_745 : vector<16xi32>
      %lt3A_747 = arith.constant 0 : i32
      %lt3A_748 = vector.broadcast %lt3A_747 : i32 to vector<16xi32>
      %lt3A_749 = arith.cmpi slt, %xor3A_746, %lt3A_748 : vector<16xi32>
      %add3A_750 = arith.constant 16 : i32
      %add3A_751 = vector.broadcast %add3A_750 : i32 to vector<16xi32>
      %add3A_752 = arith.addi %xor3A_746, %add3A_751 : vector<16xi32>
      %select_n3A_753 = arith.select %lt3A_749, %add3A_752, %xor3A_746 : vector<16xi1>, vector<16xi32>
      %broadcast_in_dim3A_754 = vector.shape_cast %select_n3A_753 : vector<16xi32> to vector<16x1xi32>
      %gather3A_755 = vector.shape_cast %broadcast_in_dim3A_754 : vector<16x1xi32> to vector<16xi32>
      %gather3A_756 = tpu.dynamic_gather %min3A_743[%gather3A_755] in [0] : vector<16xi32>, vector<16xi32> -> vector<16xi32>
      %min3A_757 = arith.minsi %min3A_743, %gather3A_756 : vector<16xi32>
      %xor3A_758 = arith.constant 8 : i32
      %xor3A_759 = vector.broadcast %xor3A_758 : i32 to vector<16xi32>
      %xor3A_760 = arith.xori %iota3A, %xor3A_759 : vector<16xi32>
      %lt3A_761 = arith.constant 0 : i32
      %lt3A_762 = vector.broadcast %lt3A_761 : i32 to vector<16xi32>
      %lt3A_763 = arith.cmpi slt, %xor3A_760, %lt3A_762 : vector<16xi32>
      %add3A_764 = arith.constant 16 : i32
      %add3A_765 = vector.broadcast %add3A_764 : i32 to vector<16xi32>
      %add3A_766 = arith.addi %xor3A_760, %add3A_765 : vector<16xi32>
      %select_n3A_767 = arith.select %lt3A_763, %add3A_766, %xor3A_760 : vector<16xi1>, vector<16xi32>
      %broadcast_in_dim3A_768 = vector.shape_cast %select_n3A_767 : vector<16xi32> to vector<16x1xi32>
      %gather3A_769 = vector.shape_cast %broadcast_in_dim3A_768 : vector<16x1xi32> to vector<16xi32>
      %gather3A_770 = tpu.dynamic_gather %min3A_757[%gather3A_769] in [0] : vector<16xi32>, vector<16xi32> -> vector<16xi32>
      %min3A_771 = arith.minsi %min3A_757, %gather3A_770 : vector<16xi32>
      %eq3A_772 = arith.cmpf oeq, %select_n3A_601, %min3A_697 : vector<16xf32>
      %eq3A_773 = arith.cmpi eq, %get3A_99, %min3A_771 : vector<16xi32>
      %and3A_774 = arith.andi %eq3A_772, %eq3A_773 : vector<16xi1>
      %jit3A_775 = arith.constant 0x7F800000 : f32
      %broadcast_in_dim3A_776 = vector.broadcast %jit3A_775 : f32 to vector<16xf32>
      %select_n3A_777 = arith.select %and3A_774, %broadcast_in_dim3A_776, %select_n3A_601 : vector<16xi1>, vector<16xf32>
      %eq3A_778 = arith.cmpf oeq, %select_n3A_607, %min3A_697 : vector<16xf32>
      %eq3A_779 = arith.cmpi eq, %get3A_101, %min3A_771 : vector<16xi32>
      %and3A_780 = arith.andi %eq3A_778, %eq3A_779 : vector<16xi1>
      %jit3A_781 = arith.constant 0x7F800000 : f32
      %broadcast_in_dim3A_782 = vector.broadcast %jit3A_781 : f32 to vector<16xf32>
      %select_n3A_783 = arith.select %and3A_780, %broadcast_in_dim3A_782, %select_n3A_607 : vector<16xi1>, vector<16xf32>
      %eq3A_784 = arith.cmpf oeq, %select_n3A_613, %min3A_697 : vector<16xf32>
      %eq3A_785 = arith.cmpi eq, %get3A_103, %min3A_771 : vector<16xi32>
      %and3A_786 = arith.andi %eq3A_784, %eq3A_785 : vector<16xi1>
      %jit3A_787 = arith.constant 0x7F800000 : f32
      %broadcast_in_dim3A_788 = vector.broadcast %jit3A_787 : f32 to vector<16xf32>
      %select_n3A_789 = arith.select %and3A_786, %broadcast_in_dim3A_788, %select_n3A_613 : vector<16xi1>, vector<16xf32>
      %eq3A_790 = arith.cmpf oeq, %select_n3A_619, %min3A_697 : vector<16xf32>
      %eq3A_791 = arith.cmpi eq, %get3A_105, %min3A_771 : vector<16xi32>
      %and3A_792 = arith.andi %eq3A_790, %eq3A_791 : vector<16xi1>
      %jit3A_793 = arith.constant 0x7F800000 : f32
      %broadcast_in_dim3A_794 = vector.broadcast %jit3A_793 : f32 to vector<16xf32>
      %select_n3A_795 = arith.select %and3A_792, %broadcast_in_dim3A_794, %select_n3A_619 : vector<16xi1>, vector<16xf32>
      %eq3A_796 = arith.cmpf oeq, %select_n3A_625, %min3A_697 : vector<16xf32>
      %eq3A_797 = arith.cmpi eq, %get3A_107, %min3A_771 : vector<16xi32>
      %and3A_798 = arith.andi %eq3A_796, %eq3A_797 : vector<16xi1>
      %jit3A_799 = arith.constant 0x7F800000 : f32
      %broadcast_in_dim3A_800 = vector.broadcast %jit3A_799 : f32 to vector<16xf32>
      %select_n3A_801 = arith.select %and3A_798, %broadcast_in_dim3A_800, %select_n3A_625 : vector<16xi1>, vector<16xf32>
      %eq3A_802 = arith.cmpf oeq, %select_n3A_631, %min3A_697 : vector<16xf32>
      %eq3A_803 = arith.cmpi eq, %get3A_109, %min3A_771 : vector<16xi32>
      %and3A_804 = arith.andi %eq3A_802, %eq3A_803 : vector<16xi1>
      %jit3A_805 = arith.constant 0x7F800000 : f32
      %broadcast_in_dim3A_806 = vector.broadcast %jit3A_805 : f32 to vector<16xf32>
      %select_n3A_807 = arith.select %and3A_804, %broadcast_in_dim3A_806, %select_n3A_631 : vector<16xi1>, vector<16xf32>
      %eq3A_808 = arith.constant 3 : i32
      %eq3A_809 = vector.broadcast %eq3A_808 : i32 to vector<16xi32>
      %eq3A_810 = arith.cmpi eq, %iota3A, %eq3A_809 : vector<16xi32>
      %select_n3A_811 = arith.select %eq3A_810, %min3A_771, %select_n3A_635 : vector<16xi1>, vector<16xi32>
      %select_n3A_812 = arith.select %eq3A_810, %min3A_697, %select_n3A_636 : vector<16xi1>, vector<16xf32>
      %min3A_813 = arith.minimumf %select_n3A_777, %select_n3A_783 : vector<16xf32>
      %min3A_814 = arith.minimumf %min3A_813, %select_n3A_789 : vector<16xf32>
      %min3A_815 = arith.minimumf %min3A_814, %select_n3A_795 : vector<16xf32>
      %min3A_816 = arith.minimumf %min3A_815, %select_n3A_801 : vector<16xf32>
      %min3A_817 = arith.minimumf %min3A_816, %select_n3A_807 : vector<16xf32>
      %xor3A_818 = arith.constant 1 : i32
      %xor3A_819 = vector.broadcast %xor3A_818 : i32 to vector<16xi32>
      %xor3A_820 = arith.xori %iota3A, %xor3A_819 : vector<16xi32>
      %lt3A_821 = arith.constant 0 : i32
      %lt3A_822 = vector.broadcast %lt3A_821 : i32 to vector<16xi32>
      %lt3A_823 = arith.cmpi slt, %xor3A_820, %lt3A_822 : vector<16xi32>
      %add3A_824 = arith.constant 16 : i32
      %add3A_825 = vector.broadcast %add3A_824 : i32 to vector<16xi32>
      %add3A_826 = arith.addi %xor3A_820, %add3A_825 : vector<16xi32>
      %select_n3A_827 = arith.select %lt3A_823, %add3A_826, %xor3A_820 : vector<16xi1>, vector<16xi32>
      %broadcast_in_dim3A_828 = vector.shape_cast %select_n3A_827 : vector<16xi32> to vector<16x1xi32>
      %gather3A_829 = vector.shape_cast %broadcast_in_dim3A_828 : vector<16x1xi32> to vector<16xi32>
      %gather3A_830 = tpu.dynamic_gather %min3A_817[%gather3A_829] in [0] : vector<16xf32>, vector<16xi32> -> vector<16xf32>
      %min3A_831 = arith.minimumf %min3A_817, %gather3A_830 : vector<16xf32>
      %xor3A_832 = arith.constant 2 : i32
      %xor3A_833 = vector.broadcast %xor3A_832 : i32 to vector<16xi32>
      %xor3A_834 = arith.xori %iota3A, %xor3A_833 : vector<16xi32>
      %lt3A_835 = arith.constant 0 : i32
      %lt3A_836 = vector.broadcast %lt3A_835 : i32 to vector<16xi32>
      %lt3A_837 = arith.cmpi slt, %xor3A_834, %lt3A_836 : vector<16xi32>
      %add3A_838 = arith.constant 16 : i32
      %add3A_839 = vector.broadcast %add3A_838 : i32 to vector<16xi32>
      %add3A_840 = arith.addi %xor3A_834, %add3A_839 : vector<16xi32>
      %select_n3A_841 = arith.select %lt3A_837, %add3A_840, %xor3A_834 : vector<16xi1>, vector<16xi32>
      %broadcast_in_dim3A_842 = vector.shape_cast %select_n3A_841 : vector<16xi32> to vector<16x1xi32>
      %gather3A_843 = vector.shape_cast %broadcast_in_dim3A_842 : vector<16x1xi32> to vector<16xi32>
      %gather3A_844 = tpu.dynamic_gather %min3A_831[%gather3A_843] in [0] : vector<16xf32>, vector<16xi32> -> vector<16xf32>
      %min3A_845 = arith.minimumf %min3A_831, %gather3A_844 : vector<16xf32>
      %xor3A_846 = arith.constant 4 : i32
      %xor3A_847 = vector.broadcast %xor3A_846 : i32 to vector<16xi32>
      %xor3A_848 = arith.xori %iota3A, %xor3A_847 : vector<16xi32>
      %lt3A_849 = arith.constant 0 : i32
      %lt3A_850 = vector.broadcast %lt3A_849 : i32 to vector<16xi32>
      %lt3A_851 = arith.cmpi slt, %xor3A_848, %lt3A_850 : vector<16xi32>
      %add3A_852 = arith.constant 16 : i32
      %add3A_853 = vector.broadcast %add3A_852 : i32 to vector<16xi32>
      %add3A_854 = arith.addi %xor3A_848, %add3A_853 : vector<16xi32>
      %select_n3A_855 = arith.select %lt3A_851, %add3A_854, %xor3A_848 : vector<16xi1>, vector<16xi32>
      %broadcast_in_dim3A_856 = vector.shape_cast %select_n3A_855 : vector<16xi32> to vector<16x1xi32>
      %gather3A_857 = vector.shape_cast %broadcast_in_dim3A_856 : vector<16x1xi32> to vector<16xi32>
      %gather3A_858 = tpu.dynamic_gather %min3A_845[%gather3A_857] in [0] : vector<16xf32>, vector<16xi32> -> vector<16xf32>
      %min3A_859 = arith.minimumf %min3A_845, %gather3A_858 : vector<16xf32>
      %xor3A_860 = arith.constant 8 : i32
      %xor3A_861 = vector.broadcast %xor3A_860 : i32 to vector<16xi32>
      %xor3A_862 = arith.xori %iota3A, %xor3A_861 : vector<16xi32>
      %lt3A_863 = arith.constant 0 : i32
      %lt3A_864 = vector.broadcast %lt3A_863 : i32 to vector<16xi32>
      %lt3A_865 = arith.cmpi slt, %xor3A_862, %lt3A_864 : vector<16xi32>
      %add3A_866 = arith.constant 16 : i32
      %add3A_867 = vector.broadcast %add3A_866 : i32 to vector<16xi32>
      %add3A_868 = arith.addi %xor3A_862, %add3A_867 : vector<16xi32>
      %select_n3A_869 = arith.select %lt3A_865, %add3A_868, %xor3A_862 : vector<16xi1>, vector<16xi32>
      %broadcast_in_dim3A_870 = vector.shape_cast %select_n3A_869 : vector<16xi32> to vector<16x1xi32>
      %gather3A_871 = vector.shape_cast %broadcast_in_dim3A_870 : vector<16x1xi32> to vector<16xi32>
      %gather3A_872 = tpu.dynamic_gather %min3A_859[%gather3A_871] in [0] : vector<16xf32>, vector<16xi32> -> vector<16xf32>
      %min3A_873 = arith.minimumf %min3A_859, %gather3A_872 : vector<16xf32>
      %eq3A_874 = arith.cmpf oeq, %select_n3A_777, %min3A_873 : vector<16xf32>
      %select_n3A_875 = arith.select %eq3A_874, %get3A_99, %broadcast_in_dim3A_44 : vector<16xi1>, vector<16xi32>
      %min3A_876 = arith.minsi %broadcast_in_dim3A_44, %select_n3A_875 : vector<16xi32>
      %eq3A_877 = arith.cmpf oeq, %select_n3A_783, %min3A_873 : vector<16xf32>
      %select_n3A_878 = arith.select %eq3A_877, %get3A_101, %broadcast_in_dim3A_44 : vector<16xi1>, vector<16xi32>
      %min3A_879 = arith.minsi %min3A_876, %select_n3A_878 : vector<16xi32>
      %eq3A_880 = arith.cmpf oeq, %select_n3A_789, %min3A_873 : vector<16xf32>
      %select_n3A_881 = arith.select %eq3A_880, %get3A_103, %broadcast_in_dim3A_44 : vector<16xi1>, vector<16xi32>
      %min3A_882 = arith.minsi %min3A_879, %select_n3A_881 : vector<16xi32>
      %eq3A_883 = arith.cmpf oeq, %select_n3A_795, %min3A_873 : vector<16xf32>
      %select_n3A_884 = arith.select %eq3A_883, %get3A_105, %broadcast_in_dim3A_44 : vector<16xi1>, vector<16xi32>
      %min3A_885 = arith.minsi %min3A_882, %select_n3A_884 : vector<16xi32>
      %eq3A_886 = arith.cmpf oeq, %select_n3A_801, %min3A_873 : vector<16xf32>
      %select_n3A_887 = arith.select %eq3A_886, %get3A_107, %broadcast_in_dim3A_44 : vector<16xi1>, vector<16xi32>
      %min3A_888 = arith.minsi %min3A_885, %select_n3A_887 : vector<16xi32>
      %eq3A_889 = arith.cmpf oeq, %select_n3A_807, %min3A_873 : vector<16xf32>
      %select_n3A_890 = arith.select %eq3A_889, %get3A_109, %broadcast_in_dim3A_44 : vector<16xi1>, vector<16xi32>
      %min3A_891 = arith.minsi %min3A_888, %select_n3A_890 : vector<16xi32>
      %xor3A_892 = arith.constant 1 : i32
      %xor3A_893 = vector.broadcast %xor3A_892 : i32 to vector<16xi32>
      %xor3A_894 = arith.xori %iota3A, %xor3A_893 : vector<16xi32>
      %lt3A_895 = arith.constant 0 : i32
      %lt3A_896 = vector.broadcast %lt3A_895 : i32 to vector<16xi32>
      %lt3A_897 = arith.cmpi slt, %xor3A_894, %lt3A_896 : vector<16xi32>
      %add3A_898 = arith.constant 16 : i32
      %add3A_899 = vector.broadcast %add3A_898 : i32 to vector<16xi32>
      %add3A_900 = arith.addi %xor3A_894, %add3A_899 : vector<16xi32>
      %select_n3A_901 = arith.select %lt3A_897, %add3A_900, %xor3A_894 : vector<16xi1>, vector<16xi32>
      %broadcast_in_dim3A_902 = vector.shape_cast %select_n3A_901 : vector<16xi32> to vector<16x1xi32>
      %gather3A_903 = vector.shape_cast %broadcast_in_dim3A_902 : vector<16x1xi32> to vector<16xi32>
      %gather3A_904 = tpu.dynamic_gather %min3A_891[%gather3A_903] in [0] : vector<16xi32>, vector<16xi32> -> vector<16xi32>
      %min3A_905 = arith.minsi %min3A_891, %gather3A_904 : vector<16xi32>
      %xor3A_906 = arith.constant 2 : i32
      %xor3A_907 = vector.broadcast %xor3A_906 : i32 to vector<16xi32>
      %xor3A_908 = arith.xori %iota3A, %xor3A_907 : vector<16xi32>
      %lt3A_909 = arith.constant 0 : i32
      %lt3A_910 = vector.broadcast %lt3A_909 : i32 to vector<16xi32>
      %lt3A_911 = arith.cmpi slt, %xor3A_908, %lt3A_910 : vector<16xi32>
      %add3A_912 = arith.constant 16 : i32
      %add3A_913 = vector.broadcast %add3A_912 : i32 to vector<16xi32>
      %add3A_914 = arith.addi %xor3A_908, %add3A_913 : vector<16xi32>
      %select_n3A_915 = arith.select %lt3A_911, %add3A_914, %xor3A_908 : vector<16xi1>, vector<16xi32>
      %broadcast_in_dim3A_916 = vector.shape_cast %select_n3A_915 : vector<16xi32> to vector<16x1xi32>
      %gather3A_917 = vector.shape_cast %broadcast_in_dim3A_916 : vector<16x1xi32> to vector<16xi32>
      %gather3A_918 = tpu.dynamic_gather %min3A_905[%gather3A_917] in [0] : vector<16xi32>, vector<16xi32> -> vector<16xi32>
      %min3A_919 = arith.minsi %min3A_905, %gather3A_918 : vector<16xi32>
      %xor3A_920 = arith.constant 4 : i32
      %xor3A_921 = vector.broadcast %xor3A_920 : i32 to vector<16xi32>
      %xor3A_922 = arith.xori %iota3A, %xor3A_921 : vector<16xi32>
      %lt3A_923 = arith.constant 0 : i32
      %lt3A_924 = vector.broadcast %lt3A_923 : i32 to vector<16xi32>
      %lt3A_925 = arith.cmpi slt, %xor3A_922, %lt3A_924 : vector<16xi32>
      %add3A_926 = arith.constant 16 : i32
      %add3A_927 = vector.broadcast %add3A_926 : i32 to vector<16xi32>
      %add3A_928 = arith.addi %xor3A_922, %add3A_927 : vector<16xi32>
      %select_n3A_929 = arith.select %lt3A_925, %add3A_928, %xor3A_922 : vector<16xi1>, vector<16xi32>
      %broadcast_in_dim3A_930 = vector.shape_cast %select_n3A_929 : vector<16xi32> to vector<16x1xi32>
      %gather3A_931 = vector.shape_cast %broadcast_in_dim3A_930 : vector<16x1xi32> to vector<16xi32>
      %gather3A_932 = tpu.dynamic_gather %min3A_919[%gather3A_931] in [0] : vector<16xi32>, vector<16xi32> -> vector<16xi32>
      %min3A_933 = arith.minsi %min3A_919, %gather3A_932 : vector<16xi32>
      %xor3A_934 = arith.constant 8 : i32
      %xor3A_935 = vector.broadcast %xor3A_934 : i32 to vector<16xi32>
      %xor3A_936 = arith.xori %iota3A, %xor3A_935 : vector<16xi32>
      %lt3A_937 = arith.constant 0 : i32
      %lt3A_938 = vector.broadcast %lt3A_937 : i32 to vector<16xi32>
      %lt3A_939 = arith.cmpi slt, %xor3A_936, %lt3A_938 : vector<16xi32>
      %add3A_940 = arith.constant 16 : i32
      %add3A_941 = vector.broadcast %add3A_940 : i32 to vector<16xi32>
      %add3A_942 = arith.addi %xor3A_936, %add3A_941 : vector<16xi32>
      %select_n3A_943 = arith.select %lt3A_939, %add3A_942, %xor3A_936 : vector<16xi1>, vector<16xi32>
      %broadcast_in_dim3A_944 = vector.shape_cast %select_n3A_943 : vector<16xi32> to vector<16x1xi32>
      %gather3A_945 = vector.shape_cast %broadcast_in_dim3A_944 : vector<16x1xi32> to vector<16xi32>
      %gather3A_946 = tpu.dynamic_gather %min3A_933[%gather3A_945] in [0] : vector<16xi32>, vector<16xi32> -> vector<16xi32>
      %min3A_947 = arith.minsi %min3A_933, %gather3A_946 : vector<16xi32>
      %eq3A_948 = arith.cmpf oeq, %select_n3A_777, %min3A_873 : vector<16xf32>
      %eq3A_949 = arith.cmpi eq, %get3A_99, %min3A_947 : vector<16xi32>
      %and3A_950 = arith.andi %eq3A_948, %eq3A_949 : vector<16xi1>
      %jit3A_951 = arith.constant 0x7F800000 : f32
      %broadcast_in_dim3A_952 = vector.broadcast %jit3A_951 : f32 to vector<16xf32>
      %select_n3A_953 = arith.select %and3A_950, %broadcast_in_dim3A_952, %select_n3A_777 : vector<16xi1>, vector<16xf32>
      %eq3A_954 = arith.cmpf oeq, %select_n3A_783, %min3A_873 : vector<16xf32>
      %eq3A_955 = arith.cmpi eq, %get3A_101, %min3A_947 : vector<16xi32>
      %and3A_956 = arith.andi %eq3A_954, %eq3A_955 : vector<16xi1>
      %jit3A_957 = arith.constant 0x7F800000 : f32
      %broadcast_in_dim3A_958 = vector.broadcast %jit3A_957 : f32 to vector<16xf32>
      %select_n3A_959 = arith.select %and3A_956, %broadcast_in_dim3A_958, %select_n3A_783 : vector<16xi1>, vector<16xf32>
      %eq3A_960 = arith.cmpf oeq, %select_n3A_789, %min3A_873 : vector<16xf32>
      %eq3A_961 = arith.cmpi eq, %get3A_103, %min3A_947 : vector<16xi32>
      %and3A_962 = arith.andi %eq3A_960, %eq3A_961 : vector<16xi1>
      %jit3A_963 = arith.constant 0x7F800000 : f32
      %broadcast_in_dim3A_964 = vector.broadcast %jit3A_963 : f32 to vector<16xf32>
      %select_n3A_965 = arith.select %and3A_962, %broadcast_in_dim3A_964, %select_n3A_789 : vector<16xi1>, vector<16xf32>
      %eq3A_966 = arith.cmpf oeq, %select_n3A_795, %min3A_873 : vector<16xf32>
      %eq3A_967 = arith.cmpi eq, %get3A_105, %min3A_947 : vector<16xi32>
      %and3A_968 = arith.andi %eq3A_966, %eq3A_967 : vector<16xi1>
      %jit3A_969 = arith.constant 0x7F800000 : f32
      %broadcast_in_dim3A_970 = vector.broadcast %jit3A_969 : f32 to vector<16xf32>
      %select_n3A_971 = arith.select %and3A_968, %broadcast_in_dim3A_970, %select_n3A_795 : vector<16xi1>, vector<16xf32>
      %eq3A_972 = arith.cmpf oeq, %select_n3A_801, %min3A_873 : vector<16xf32>
      %eq3A_973 = arith.cmpi eq, %get3A_107, %min3A_947 : vector<16xi32>
      %and3A_974 = arith.andi %eq3A_972, %eq3A_973 : vector<16xi1>
      %jit3A_975 = arith.constant 0x7F800000 : f32
      %broadcast_in_dim3A_976 = vector.broadcast %jit3A_975 : f32 to vector<16xf32>
      %select_n3A_977 = arith.select %and3A_974, %broadcast_in_dim3A_976, %select_n3A_801 : vector<16xi1>, vector<16xf32>
      %eq3A_978 = arith.cmpf oeq, %select_n3A_807, %min3A_873 : vector<16xf32>
      %eq3A_979 = arith.cmpi eq, %get3A_109, %min3A_947 : vector<16xi32>
      %and3A_980 = arith.andi %eq3A_978, %eq3A_979 : vector<16xi1>
      %jit3A_981 = arith.constant 0x7F800000 : f32
      %broadcast_in_dim3A_982 = vector.broadcast %jit3A_981 : f32 to vector<16xf32>
      %select_n3A_983 = arith.select %and3A_980, %broadcast_in_dim3A_982, %select_n3A_807 : vector<16xi1>, vector<16xf32>
      %eq3A_984 = arith.constant 4 : i32
      %eq3A_985 = vector.broadcast %eq3A_984 : i32 to vector<16xi32>
      %eq3A_986 = arith.cmpi eq, %iota3A, %eq3A_985 : vector<16xi32>
      %select_n3A_987 = arith.select %eq3A_986, %min3A_947, %select_n3A_811 : vector<16xi1>, vector<16xi32>
      %select_n3A_988 = arith.select %eq3A_986, %min3A_873, %select_n3A_812 : vector<16xi1>, vector<16xf32>
      %min3A_989 = arith.minimumf %select_n3A_953, %select_n3A_959 : vector<16xf32>
      %min3A_990 = arith.minimumf %min3A_989, %select_n3A_965 : vector<16xf32>
      %min3A_991 = arith.minimumf %min3A_990, %select_n3A_971 : vector<16xf32>
      %min3A_992 = arith.minimumf %min3A_991, %select_n3A_977 : vector<16xf32>
      %min3A_993 = arith.minimumf %min3A_992, %select_n3A_983 : vector<16xf32>
      %xor3A_994 = arith.constant 1 : i32
      %xor3A_995 = vector.broadcast %xor3A_994 : i32 to vector<16xi32>
      %xor3A_996 = arith.xori %iota3A, %xor3A_995 : vector<16xi32>
      %lt3A_997 = arith.constant 0 : i32
      %lt3A_998 = vector.broadcast %lt3A_997 : i32 to vector<16xi32>
      %lt3A_999 = arith.cmpi slt, %xor3A_996, %lt3A_998 : vector<16xi32>
      %add3A_1000 = arith.constant 16 : i32
      %add3A_1001 = vector.broadcast %add3A_1000 : i32 to vector<16xi32>
      %add3A_1002 = arith.addi %xor3A_996, %add3A_1001 : vector<16xi32>
      %select_n3A_1003 = arith.select %lt3A_999, %add3A_1002, %xor3A_996 : vector<16xi1>, vector<16xi32>
      %broadcast_in_dim3A_1004 = vector.shape_cast %select_n3A_1003 : vector<16xi32> to vector<16x1xi32>
      %gather3A_1005 = vector.shape_cast %broadcast_in_dim3A_1004 : vector<16x1xi32> to vector<16xi32>
      %gather3A_1006 = tpu.dynamic_gather %min3A_993[%gather3A_1005] in [0] : vector<16xf32>, vector<16xi32> -> vector<16xf32>
      %min3A_1007 = arith.minimumf %min3A_993, %gather3A_1006 : vector<16xf32>
      %xor3A_1008 = arith.constant 2 : i32
      %xor3A_1009 = vector.broadcast %xor3A_1008 : i32 to vector<16xi32>
      %xor3A_1010 = arith.xori %iota3A, %xor3A_1009 : vector<16xi32>
      %lt3A_1011 = arith.constant 0 : i32
      %lt3A_1012 = vector.broadcast %lt3A_1011 : i32 to vector<16xi32>
      %lt3A_1013 = arith.cmpi slt, %xor3A_1010, %lt3A_1012 : vector<16xi32>
      %add3A_1014 = arith.constant 16 : i32
      %add3A_1015 = vector.broadcast %add3A_1014 : i32 to vector<16xi32>
      %add3A_1016 = arith.addi %xor3A_1010, %add3A_1015 : vector<16xi32>
      %select_n3A_1017 = arith.select %lt3A_1013, %add3A_1016, %xor3A_1010 : vector<16xi1>, vector<16xi32>
      %broadcast_in_dim3A_1018 = vector.shape_cast %select_n3A_1017 : vector<16xi32> to vector<16x1xi32>
      %gather3A_1019 = vector.shape_cast %broadcast_in_dim3A_1018 : vector<16x1xi32> to vector<16xi32>
      %gather3A_1020 = tpu.dynamic_gather %min3A_1007[%gather3A_1019] in [0] : vector<16xf32>, vector<16xi32> -> vector<16xf32>
      %min3A_1021 = arith.minimumf %min3A_1007, %gather3A_1020 : vector<16xf32>
      %xor3A_1022 = arith.constant 4 : i32
      %xor3A_1023 = vector.broadcast %xor3A_1022 : i32 to vector<16xi32>
      %xor3A_1024 = arith.xori %iota3A, %xor3A_1023 : vector<16xi32>
      %lt3A_1025 = arith.constant 0 : i32
      %lt3A_1026 = vector.broadcast %lt3A_1025 : i32 to vector<16xi32>
      %lt3A_1027 = arith.cmpi slt, %xor3A_1024, %lt3A_1026 : vector<16xi32>
      %add3A_1028 = arith.constant 16 : i32
      %add3A_1029 = vector.broadcast %add3A_1028 : i32 to vector<16xi32>
      %add3A_1030 = arith.addi %xor3A_1024, %add3A_1029 : vector<16xi32>
      %select_n3A_1031 = arith.select %lt3A_1027, %add3A_1030, %xor3A_1024 : vector<16xi1>, vector<16xi32>
      %broadcast_in_dim3A_1032 = vector.shape_cast %select_n3A_1031 : vector<16xi32> to vector<16x1xi32>
      %gather3A_1033 = vector.shape_cast %broadcast_in_dim3A_1032 : vector<16x1xi32> to vector<16xi32>
      %gather3A_1034 = tpu.dynamic_gather %min3A_1021[%gather3A_1033] in [0] : vector<16xf32>, vector<16xi32> -> vector<16xf32>
      %min3A_1035 = arith.minimumf %min3A_1021, %gather3A_1034 : vector<16xf32>
      %xor3A_1036 = arith.constant 8 : i32
      %xor3A_1037 = vector.broadcast %xor3A_1036 : i32 to vector<16xi32>
      %xor3A_1038 = arith.xori %iota3A, %xor3A_1037 : vector<16xi32>
      %lt3A_1039 = arith.constant 0 : i32
      %lt3A_1040 = vector.broadcast %lt3A_1039 : i32 to vector<16xi32>
      %lt3A_1041 = arith.cmpi slt, %xor3A_1038, %lt3A_1040 : vector<16xi32>
      %add3A_1042 = arith.constant 16 : i32
      %add3A_1043 = vector.broadcast %add3A_1042 : i32 to vector<16xi32>
      %add3A_1044 = arith.addi %xor3A_1038, %add3A_1043 : vector<16xi32>
      %select_n3A_1045 = arith.select %lt3A_1041, %add3A_1044, %xor3A_1038 : vector<16xi1>, vector<16xi32>
      %broadcast_in_dim3A_1046 = vector.shape_cast %select_n3A_1045 : vector<16xi32> to vector<16x1xi32>
      %gather3A_1047 = vector.shape_cast %broadcast_in_dim3A_1046 : vector<16x1xi32> to vector<16xi32>
      %gather3A_1048 = tpu.dynamic_gather %min3A_1035[%gather3A_1047] in [0] : vector<16xf32>, vector<16xi32> -> vector<16xf32>
      %min3A_1049 = arith.minimumf %min3A_1035, %gather3A_1048 : vector<16xf32>
      %eq3A_1050 = arith.cmpf oeq, %select_n3A_953, %min3A_1049 : vector<16xf32>
      %select_n3A_1051 = arith.select %eq3A_1050, %get3A_99, %broadcast_in_dim3A_44 : vector<16xi1>, vector<16xi32>
      %min3A_1052 = arith.minsi %broadcast_in_dim3A_44, %select_n3A_1051 : vector<16xi32>
      %eq3A_1053 = arith.cmpf oeq, %select_n3A_959, %min3A_1049 : vector<16xf32>
      %select_n3A_1054 = arith.select %eq3A_1053, %get3A_101, %broadcast_in_dim3A_44 : vector<16xi1>, vector<16xi32>
      %min3A_1055 = arith.minsi %min3A_1052, %select_n3A_1054 : vector<16xi32>
      %eq3A_1056 = arith.cmpf oeq, %select_n3A_965, %min3A_1049 : vector<16xf32>
      %select_n3A_1057 = arith.select %eq3A_1056, %get3A_103, %broadcast_in_dim3A_44 : vector<16xi1>, vector<16xi32>
      %min3A_1058 = arith.minsi %min3A_1055, %select_n3A_1057 : vector<16xi32>
      %eq3A_1059 = arith.cmpf oeq, %select_n3A_971, %min3A_1049 : vector<16xf32>
      %select_n3A_1060 = arith.select %eq3A_1059, %get3A_105, %broadcast_in_dim3A_44 : vector<16xi1>, vector<16xi32>
      %min3A_1061 = arith.minsi %min3A_1058, %select_n3A_1060 : vector<16xi32>
      %eq3A_1062 = arith.cmpf oeq, %select_n3A_977, %min3A_1049 : vector<16xf32>
      %select_n3A_1063 = arith.select %eq3A_1062, %get3A_107, %broadcast_in_dim3A_44 : vector<16xi1>, vector<16xi32>
      %min3A_1064 = arith.minsi %min3A_1061, %select_n3A_1063 : vector<16xi32>
      %eq3A_1065 = arith.cmpf oeq, %select_n3A_983, %min3A_1049 : vector<16xf32>
      %select_n3A_1066 = arith.select %eq3A_1065, %get3A_109, %broadcast_in_dim3A_44 : vector<16xi1>, vector<16xi32>
      %min3A_1067 = arith.minsi %min3A_1064, %select_n3A_1066 : vector<16xi32>
      %xor3A_1068 = arith.constant 1 : i32
      %xor3A_1069 = vector.broadcast %xor3A_1068 : i32 to vector<16xi32>
      %xor3A_1070 = arith.xori %iota3A, %xor3A_1069 : vector<16xi32>
      %lt3A_1071 = arith.constant 0 : i32
      %lt3A_1072 = vector.broadcast %lt3A_1071 : i32 to vector<16xi32>
      %lt3A_1073 = arith.cmpi slt, %xor3A_1070, %lt3A_1072 : vector<16xi32>
      %add3A_1074 = arith.constant 16 : i32
      %add3A_1075 = vector.broadcast %add3A_1074 : i32 to vector<16xi32>
      %add3A_1076 = arith.addi %xor3A_1070, %add3A_1075 : vector<16xi32>
      %select_n3A_1077 = arith.select %lt3A_1073, %add3A_1076, %xor3A_1070 : vector<16xi1>, vector<16xi32>
      %broadcast_in_dim3A_1078 = vector.shape_cast %select_n3A_1077 : vector<16xi32> to vector<16x1xi32>
      %gather3A_1079 = vector.shape_cast %broadcast_in_dim3A_1078 : vector<16x1xi32> to vector<16xi32>
      %gather3A_1080 = tpu.dynamic_gather %min3A_1067[%gather3A_1079] in [0] : vector<16xi32>, vector<16xi32> -> vector<16xi32>
      %min3A_1081 = arith.minsi %min3A_1067, %gather3A_1080 : vector<16xi32>
      %xor3A_1082 = arith.constant 2 : i32
      %xor3A_1083 = vector.broadcast %xor3A_1082 : i32 to vector<16xi32>
      %xor3A_1084 = arith.xori %iota3A, %xor3A_1083 : vector<16xi32>
      %lt3A_1085 = arith.constant 0 : i32
      %lt3A_1086 = vector.broadcast %lt3A_1085 : i32 to vector<16xi32>
      %lt3A_1087 = arith.cmpi slt, %xor3A_1084, %lt3A_1086 : vector<16xi32>
      %add3A_1088 = arith.constant 16 : i32
      %add3A_1089 = vector.broadcast %add3A_1088 : i32 to vector<16xi32>
      %add3A_1090 = arith.addi %xor3A_1084, %add3A_1089 : vector<16xi32>
      %select_n3A_1091 = arith.select %lt3A_1087, %add3A_1090, %xor3A_1084 : vector<16xi1>, vector<16xi32>
      %broadcast_in_dim3A_1092 = vector.shape_cast %select_n3A_1091 : vector<16xi32> to vector<16x1xi32>
      %gather3A_1093 = vector.shape_cast %broadcast_in_dim3A_1092 : vector<16x1xi32> to vector<16xi32>
      %gather3A_1094 = tpu.dynamic_gather %min3A_1081[%gather3A_1093] in [0] : vector<16xi32>, vector<16xi32> -> vector<16xi32>
      %min3A_1095 = arith.minsi %min3A_1081, %gather3A_1094 : vector<16xi32>
      %xor3A_1096 = arith.constant 4 : i32
      %xor3A_1097 = vector.broadcast %xor3A_1096 : i32 to vector<16xi32>
      %xor3A_1098 = arith.xori %iota3A, %xor3A_1097 : vector<16xi32>
      %lt3A_1099 = arith.constant 0 : i32
      %lt3A_1100 = vector.broadcast %lt3A_1099 : i32 to vector<16xi32>
      %lt3A_1101 = arith.cmpi slt, %xor3A_1098, %lt3A_1100 : vector<16xi32>
      %add3A_1102 = arith.constant 16 : i32
      %add3A_1103 = vector.broadcast %add3A_1102 : i32 to vector<16xi32>
      %add3A_1104 = arith.addi %xor3A_1098, %add3A_1103 : vector<16xi32>
      %select_n3A_1105 = arith.select %lt3A_1101, %add3A_1104, %xor3A_1098 : vector<16xi1>, vector<16xi32>
      %broadcast_in_dim3A_1106 = vector.shape_cast %select_n3A_1105 : vector<16xi32> to vector<16x1xi32>
      %gather3A_1107 = vector.shape_cast %broadcast_in_dim3A_1106 : vector<16x1xi32> to vector<16xi32>
      %gather3A_1108 = tpu.dynamic_gather %min3A_1095[%gather3A_1107] in [0] : vector<16xi32>, vector<16xi32> -> vector<16xi32>
      %min3A_1109 = arith.minsi %min3A_1095, %gather3A_1108 : vector<16xi32>
      %xor3A_1110 = arith.constant 8 : i32
      %xor3A_1111 = vector.broadcast %xor3A_1110 : i32 to vector<16xi32>
      %xor3A_1112 = arith.xori %iota3A, %xor3A_1111 : vector<16xi32>
      %lt3A_1113 = arith.constant 0 : i32
      %lt3A_1114 = vector.broadcast %lt3A_1113 : i32 to vector<16xi32>
      %lt3A_1115 = arith.cmpi slt, %xor3A_1112, %lt3A_1114 : vector<16xi32>
      %add3A_1116 = arith.constant 16 : i32
      %add3A_1117 = vector.broadcast %add3A_1116 : i32 to vector<16xi32>
      %add3A_1118 = arith.addi %xor3A_1112, %add3A_1117 : vector<16xi32>
      %select_n3A_1119 = arith.select %lt3A_1115, %add3A_1118, %xor3A_1112 : vector<16xi1>, vector<16xi32>
      %broadcast_in_dim3A_1120 = vector.shape_cast %select_n3A_1119 : vector<16xi32> to vector<16x1xi32>
      %gather3A_1121 = vector.shape_cast %broadcast_in_dim3A_1120 : vector<16x1xi32> to vector<16xi32>
      %gather3A_1122 = tpu.dynamic_gather %min3A_1109[%gather3A_1121] in [0] : vector<16xi32>, vector<16xi32> -> vector<16xi32>
      %min3A_1123 = arith.minsi %min3A_1109, %gather3A_1122 : vector<16xi32>
      %eq3A_1124 = arith.cmpf oeq, %select_n3A_953, %min3A_1049 : vector<16xf32>
      %eq3A_1125 = arith.cmpi eq, %get3A_99, %min3A_1123 : vector<16xi32>
      %and3A_1126 = arith.andi %eq3A_1124, %eq3A_1125 : vector<16xi1>
      %jit3A_1127 = arith.constant 0x7F800000 : f32
      %broadcast_in_dim3A_1128 = vector.broadcast %jit3A_1127 : f32 to vector<16xf32>
      %select_n3A_1129 = arith.select %and3A_1126, %broadcast_in_dim3A_1128, %select_n3A_953 : vector<16xi1>, vector<16xf32>
      %eq3A_1130 = arith.cmpf oeq, %select_n3A_959, %min3A_1049 : vector<16xf32>
      %eq3A_1131 = arith.cmpi eq, %get3A_101, %min3A_1123 : vector<16xi32>
      %and3A_1132 = arith.andi %eq3A_1130, %eq3A_1131 : vector<16xi1>
      %jit3A_1133 = arith.constant 0x7F800000 : f32
      %broadcast_in_dim3A_1134 = vector.broadcast %jit3A_1133 : f32 to vector<16xf32>
      %select_n3A_1135 = arith.select %and3A_1132, %broadcast_in_dim3A_1134, %select_n3A_959 : vector<16xi1>, vector<16xf32>
      %eq3A_1136 = arith.cmpf oeq, %select_n3A_965, %min3A_1049 : vector<16xf32>
      %eq3A_1137 = arith.cmpi eq, %get3A_103, %min3A_1123 : vector<16xi32>
      %and3A_1138 = arith.andi %eq3A_1136, %eq3A_1137 : vector<16xi1>
      %jit3A_1139 = arith.constant 0x7F800000 : f32
      %broadcast_in_dim3A_1140 = vector.broadcast %jit3A_1139 : f32 to vector<16xf32>
      %select_n3A_1141 = arith.select %and3A_1138, %broadcast_in_dim3A_1140, %select_n3A_965 : vector<16xi1>, vector<16xf32>
      %eq3A_1142 = arith.cmpf oeq, %select_n3A_971, %min3A_1049 : vector<16xf32>
      %eq3A_1143 = arith.cmpi eq, %get3A_105, %min3A_1123 : vector<16xi32>
      %and3A_1144 = arith.andi %eq3A_1142, %eq3A_1143 : vector<16xi1>
      %jit3A_1145 = arith.constant 0x7F800000 : f32
      %broadcast_in_dim3A_1146 = vector.broadcast %jit3A_1145 : f32 to vector<16xf32>
      %select_n3A_1147 = arith.select %and3A_1144, %broadcast_in_dim3A_1146, %select_n3A_971 : vector<16xi1>, vector<16xf32>
      %eq3A_1148 = arith.cmpf oeq, %select_n3A_977, %min3A_1049 : vector<16xf32>
      %eq3A_1149 = arith.cmpi eq, %get3A_107, %min3A_1123 : vector<16xi32>
      %and3A_1150 = arith.andi %eq3A_1148, %eq3A_1149 : vector<16xi1>
      %jit3A_1151 = arith.constant 0x7F800000 : f32
      %broadcast_in_dim3A_1152 = vector.broadcast %jit3A_1151 : f32 to vector<16xf32>
      %select_n3A_1153 = arith.select %and3A_1150, %broadcast_in_dim3A_1152, %select_n3A_977 : vector<16xi1>, vector<16xf32>
      %eq3A_1154 = arith.cmpf oeq, %select_n3A_983, %min3A_1049 : vector<16xf32>
      %eq3A_1155 = arith.cmpi eq, %get3A_109, %min3A_1123 : vector<16xi32>
      %and3A_1156 = arith.andi %eq3A_1154, %eq3A_1155 : vector<16xi1>
      %jit3A_1157 = arith.constant 0x7F800000 : f32
      %broadcast_in_dim3A_1158 = vector.broadcast %jit3A_1157 : f32 to vector<16xf32>
      %select_n3A_1159 = arith.select %and3A_1156, %broadcast_in_dim3A_1158, %select_n3A_983 : vector<16xi1>, vector<16xf32>
      %eq3A_1160 = arith.constant 5 : i32
      %eq3A_1161 = vector.broadcast %eq3A_1160 : i32 to vector<16xi32>
      %eq3A_1162 = arith.cmpi eq, %iota3A, %eq3A_1161 : vector<16xi32>
      %select_n3A_1163 = arith.select %eq3A_1162, %min3A_1123, %select_n3A_987 : vector<16xi1>, vector<16xi32>
      %select_n3A_1164 = arith.select %eq3A_1162, %min3A_1049, %select_n3A_988 : vector<16xi1>, vector<16xf32>
      %min3A_1165 = arith.minimumf %select_n3A_1129, %select_n3A_1135 : vector<16xf32>
      %min3A_1166 = arith.minimumf %min3A_1165, %select_n3A_1141 : vector<16xf32>
      %min3A_1167 = arith.minimumf %min3A_1166, %select_n3A_1147 : vector<16xf32>
      %min3A_1168 = arith.minimumf %min3A_1167, %select_n3A_1153 : vector<16xf32>
      %min3A_1169 = arith.minimumf %min3A_1168, %select_n3A_1159 : vector<16xf32>
      %xor3A_1170 = arith.constant 1 : i32
      %xor3A_1171 = vector.broadcast %xor3A_1170 : i32 to vector<16xi32>
      %xor3A_1172 = arith.xori %iota3A, %xor3A_1171 : vector<16xi32>
      %lt3A_1173 = arith.constant 0 : i32
      %lt3A_1174 = vector.broadcast %lt3A_1173 : i32 to vector<16xi32>
      %lt3A_1175 = arith.cmpi slt, %xor3A_1172, %lt3A_1174 : vector<16xi32>
      %add3A_1176 = arith.constant 16 : i32
      %add3A_1177 = vector.broadcast %add3A_1176 : i32 to vector<16xi32>
      %add3A_1178 = arith.addi %xor3A_1172, %add3A_1177 : vector<16xi32>
      %select_n3A_1179 = arith.select %lt3A_1175, %add3A_1178, %xor3A_1172 : vector<16xi1>, vector<16xi32>
      %broadcast_in_dim3A_1180 = vector.shape_cast %select_n3A_1179 : vector<16xi32> to vector<16x1xi32>
      %gather3A_1181 = vector.shape_cast %broadcast_in_dim3A_1180 : vector<16x1xi32> to vector<16xi32>
      %gather3A_1182 = tpu.dynamic_gather %min3A_1169[%gather3A_1181] in [0] : vector<16xf32>, vector<16xi32> -> vector<16xf32>
      %min3A_1183 = arith.minimumf %min3A_1169, %gather3A_1182 : vector<16xf32>
      %xor3A_1184 = arith.constant 2 : i32
      %xor3A_1185 = vector.broadcast %xor3A_1184 : i32 to vector<16xi32>
      %xor3A_1186 = arith.xori %iota3A, %xor3A_1185 : vector<16xi32>
      %lt3A_1187 = arith.constant 0 : i32
      %lt3A_1188 = vector.broadcast %lt3A_1187 : i32 to vector<16xi32>
      %lt3A_1189 = arith.cmpi slt, %xor3A_1186, %lt3A_1188 : vector<16xi32>
      %add3A_1190 = arith.constant 16 : i32
      %add3A_1191 = vector.broadcast %add3A_1190 : i32 to vector<16xi32>
      %add3A_1192 = arith.addi %xor3A_1186, %add3A_1191 : vector<16xi32>
      %select_n3A_1193 = arith.select %lt3A_1189, %add3A_1192, %xor3A_1186 : vector<16xi1>, vector<16xi32>
      %broadcast_in_dim3A_1194 = vector.shape_cast %select_n3A_1193 : vector<16xi32> to vector<16x1xi32>
      %gather3A_1195 = vector.shape_cast %broadcast_in_dim3A_1194 : vector<16x1xi32> to vector<16xi32>
      %gather3A_1196 = tpu.dynamic_gather %min3A_1183[%gather3A_1195] in [0] : vector<16xf32>, vector<16xi32> -> vector<16xf32>
      %min3A_1197 = arith.minimumf %min3A_1183, %gather3A_1196 : vector<16xf32>
      %xor3A_1198 = arith.constant 4 : i32
      %xor3A_1199 = vector.broadcast %xor3A_1198 : i32 to vector<16xi32>
      %xor3A_1200 = arith.xori %iota3A, %xor3A_1199 : vector<16xi32>
      %lt3A_1201 = arith.constant 0 : i32
      %lt3A_1202 = vector.broadcast %lt3A_1201 : i32 to vector<16xi32>
      %lt3A_1203 = arith.cmpi slt, %xor3A_1200, %lt3A_1202 : vector<16xi32>
      %add3A_1204 = arith.constant 16 : i32
      %add3A_1205 = vector.broadcast %add3A_1204 : i32 to vector<16xi32>
      %add3A_1206 = arith.addi %xor3A_1200, %add3A_1205 : vector<16xi32>
      %select_n3A_1207 = arith.select %lt3A_1203, %add3A_1206, %xor3A_1200 : vector<16xi1>, vector<16xi32>
      %broadcast_in_dim3A_1208 = vector.shape_cast %select_n3A_1207 : vector<16xi32> to vector<16x1xi32>
      %gather3A_1209 = vector.shape_cast %broadcast_in_dim3A_1208 : vector<16x1xi32> to vector<16xi32>
      %gather3A_1210 = tpu.dynamic_gather %min3A_1197[%gather3A_1209] in [0] : vector<16xf32>, vector<16xi32> -> vector<16xf32>
      %min3A_1211 = arith.minimumf %min3A_1197, %gather3A_1210 : vector<16xf32>
      %xor3A_1212 = arith.constant 8 : i32
      %xor3A_1213 = vector.broadcast %xor3A_1212 : i32 to vector<16xi32>
      %xor3A_1214 = arith.xori %iota3A, %xor3A_1213 : vector<16xi32>
      %lt3A_1215 = arith.constant 0 : i32
      %lt3A_1216 = vector.broadcast %lt3A_1215 : i32 to vector<16xi32>
      %lt3A_1217 = arith.cmpi slt, %xor3A_1214, %lt3A_1216 : vector<16xi32>
      %add3A_1218 = arith.constant 16 : i32
      %add3A_1219 = vector.broadcast %add3A_1218 : i32 to vector<16xi32>
      %add3A_1220 = arith.addi %xor3A_1214, %add3A_1219 : vector<16xi32>
      %select_n3A_1221 = arith.select %lt3A_1217, %add3A_1220, %xor3A_1214 : vector<16xi1>, vector<16xi32>
      %broadcast_in_dim3A_1222 = vector.shape_cast %select_n3A_1221 : vector<16xi32> to vector<16x1xi32>
      %gather3A_1223 = vector.shape_cast %broadcast_in_dim3A_1222 : vector<16x1xi32> to vector<16xi32>
      %gather3A_1224 = tpu.dynamic_gather %min3A_1211[%gather3A_1223] in [0] : vector<16xf32>, vector<16xi32> -> vector<16xf32>
      %min3A_1225 = arith.minimumf %min3A_1211, %gather3A_1224 : vector<16xf32>
      %eq3A_1226 = arith.cmpf oeq, %select_n3A_1129, %min3A_1225 : vector<16xf32>
      %select_n3A_1227 = arith.select %eq3A_1226, %get3A_99, %broadcast_in_dim3A_44 : vector<16xi1>, vector<16xi32>
      %min3A_1228 = arith.minsi %broadcast_in_dim3A_44, %select_n3A_1227 : vector<16xi32>
      %eq3A_1229 = arith.cmpf oeq, %select_n3A_1135, %min3A_1225 : vector<16xf32>
      %select_n3A_1230 = arith.select %eq3A_1229, %get3A_101, %broadcast_in_dim3A_44 : vector<16xi1>, vector<16xi32>
      %min3A_1231 = arith.minsi %min3A_1228, %select_n3A_1230 : vector<16xi32>
      %eq3A_1232 = arith.cmpf oeq, %select_n3A_1141, %min3A_1225 : vector<16xf32>
      %select_n3A_1233 = arith.select %eq3A_1232, %get3A_103, %broadcast_in_dim3A_44 : vector<16xi1>, vector<16xi32>
      %min3A_1234 = arith.minsi %min3A_1231, %select_n3A_1233 : vector<16xi32>
      %eq3A_1235 = arith.cmpf oeq, %select_n3A_1147, %min3A_1225 : vector<16xf32>
      %select_n3A_1236 = arith.select %eq3A_1235, %get3A_105, %broadcast_in_dim3A_44 : vector<16xi1>, vector<16xi32>
      %min3A_1237 = arith.minsi %min3A_1234, %select_n3A_1236 : vector<16xi32>
      %eq3A_1238 = arith.cmpf oeq, %select_n3A_1153, %min3A_1225 : vector<16xf32>
      %select_n3A_1239 = arith.select %eq3A_1238, %get3A_107, %broadcast_in_dim3A_44 : vector<16xi1>, vector<16xi32>
      %min3A_1240 = arith.minsi %min3A_1237, %select_n3A_1239 : vector<16xi32>
      %eq3A_1241 = arith.cmpf oeq, %select_n3A_1159, %min3A_1225 : vector<16xf32>
      %select_n3A_1242 = arith.select %eq3A_1241, %get3A_109, %broadcast_in_dim3A_44 : vector<16xi1>, vector<16xi32>
      %min3A_1243 = arith.minsi %min3A_1240, %select_n3A_1242 : vector<16xi32>
      %xor3A_1244 = arith.constant 1 : i32
      %xor3A_1245 = vector.broadcast %xor3A_1244 : i32 to vector<16xi32>
      %xor3A_1246 = arith.xori %iota3A, %xor3A_1245 : vector<16xi32>
      %lt3A_1247 = arith.constant 0 : i32
      %lt3A_1248 = vector.broadcast %lt3A_1247 : i32 to vector<16xi32>
      %lt3A_1249 = arith.cmpi slt, %xor3A_1246, %lt3A_1248 : vector<16xi32>
      %add3A_1250 = arith.constant 16 : i32
      %add3A_1251 = vector.broadcast %add3A_1250 : i32 to vector<16xi32>
      %add3A_1252 = arith.addi %xor3A_1246, %add3A_1251 : vector<16xi32>
      %select_n3A_1253 = arith.select %lt3A_1249, %add3A_1252, %xor3A_1246 : vector<16xi1>, vector<16xi32>
      %broadcast_in_dim3A_1254 = vector.shape_cast %select_n3A_1253 : vector<16xi32> to vector<16x1xi32>
      %gather3A_1255 = vector.shape_cast %broadcast_in_dim3A_1254 : vector<16x1xi32> to vector<16xi32>
      %gather3A_1256 = tpu.dynamic_gather %min3A_1243[%gather3A_1255] in [0] : vector<16xi32>, vector<16xi32> -> vector<16xi32>
      %min3A_1257 = arith.minsi %min3A_1243, %gather3A_1256 : vector<16xi32>
      %xor3A_1258 = arith.constant 2 : i32
      %xor3A_1259 = vector.broadcast %xor3A_1258 : i32 to vector<16xi32>
      %xor3A_1260 = arith.xori %iota3A, %xor3A_1259 : vector<16xi32>
      %lt3A_1261 = arith.constant 0 : i32
      %lt3A_1262 = vector.broadcast %lt3A_1261 : i32 to vector<16xi32>
      %lt3A_1263 = arith.cmpi slt, %xor3A_1260, %lt3A_1262 : vector<16xi32>
      %add3A_1264 = arith.constant 16 : i32
      %add3A_1265 = vector.broadcast %add3A_1264 : i32 to vector<16xi32>
      %add3A_1266 = arith.addi %xor3A_1260, %add3A_1265 : vector<16xi32>
      %select_n3A_1267 = arith.select %lt3A_1263, %add3A_1266, %xor3A_1260 : vector<16xi1>, vector<16xi32>
      %broadcast_in_dim3A_1268 = vector.shape_cast %select_n3A_1267 : vector<16xi32> to vector<16x1xi32>
      %gather3A_1269 = vector.shape_cast %broadcast_in_dim3A_1268 : vector<16x1xi32> to vector<16xi32>
      %gather3A_1270 = tpu.dynamic_gather %min3A_1257[%gather3A_1269] in [0] : vector<16xi32>, vector<16xi32> -> vector<16xi32>
      %min3A_1271 = arith.minsi %min3A_1257, %gather3A_1270 : vector<16xi32>
      %xor3A_1272 = arith.constant 4 : i32
      %xor3A_1273 = vector.broadcast %xor3A_1272 : i32 to vector<16xi32>
      %xor3A_1274 = arith.xori %iota3A, %xor3A_1273 : vector<16xi32>
      %lt3A_1275 = arith.constant 0 : i32
      %lt3A_1276 = vector.broadcast %lt3A_1275 : i32 to vector<16xi32>
      %lt3A_1277 = arith.cmpi slt, %xor3A_1274, %lt3A_1276 : vector<16xi32>
      %add3A_1278 = arith.constant 16 : i32
      %add3A_1279 = vector.broadcast %add3A_1278 : i32 to vector<16xi32>
      %add3A_1280 = arith.addi %xor3A_1274, %add3A_1279 : vector<16xi32>
      %select_n3A_1281 = arith.select %lt3A_1277, %add3A_1280, %xor3A_1274 : vector<16xi1>, vector<16xi32>
      %broadcast_in_dim3A_1282 = vector.shape_cast %select_n3A_1281 : vector<16xi32> to vector<16x1xi32>
      %gather3A_1283 = vector.shape_cast %broadcast_in_dim3A_1282 : vector<16x1xi32> to vector<16xi32>
      %gather3A_1284 = tpu.dynamic_gather %min3A_1271[%gather3A_1283] in [0] : vector<16xi32>, vector<16xi32> -> vector<16xi32>
      %min3A_1285 = arith.minsi %min3A_1271, %gather3A_1284 : vector<16xi32>
      %xor3A_1286 = arith.constant 8 : i32
      %xor3A_1287 = vector.broadcast %xor3A_1286 : i32 to vector<16xi32>
      %xor3A_1288 = arith.xori %iota3A, %xor3A_1287 : vector<16xi32>
      %lt3A_1289 = arith.constant 0 : i32
      %lt3A_1290 = vector.broadcast %lt3A_1289 : i32 to vector<16xi32>
      %lt3A_1291 = arith.cmpi slt, %xor3A_1288, %lt3A_1290 : vector<16xi32>
      %add3A_1292 = arith.constant 16 : i32
      %add3A_1293 = vector.broadcast %add3A_1292 : i32 to vector<16xi32>
      %add3A_1294 = arith.addi %xor3A_1288, %add3A_1293 : vector<16xi32>
      %select_n3A_1295 = arith.select %lt3A_1291, %add3A_1294, %xor3A_1288 : vector<16xi1>, vector<16xi32>
      %broadcast_in_dim3A_1296 = vector.shape_cast %select_n3A_1295 : vector<16xi32> to vector<16x1xi32>
      %gather3A_1297 = vector.shape_cast %broadcast_in_dim3A_1296 : vector<16x1xi32> to vector<16xi32>
      %gather3A_1298 = tpu.dynamic_gather %min3A_1285[%gather3A_1297] in [0] : vector<16xi32>, vector<16xi32> -> vector<16xi32>
      %min3A_1299 = arith.minsi %min3A_1285, %gather3A_1298 : vector<16xi32>
      %eq3A_1300 = arith.cmpf oeq, %select_n3A_1129, %min3A_1225 : vector<16xf32>
      %eq3A_1301 = arith.cmpi eq, %get3A_99, %min3A_1299 : vector<16xi32>
      %and3A_1302 = arith.andi %eq3A_1300, %eq3A_1301 : vector<16xi1>
      %jit3A_1303 = arith.constant 0x7F800000 : f32
      %broadcast_in_dim3A_1304 = vector.broadcast %jit3A_1303 : f32 to vector<16xf32>
      %select_n3A_1305 = arith.select %and3A_1302, %broadcast_in_dim3A_1304, %select_n3A_1129 : vector<16xi1>, vector<16xf32>
      %eq3A_1306 = arith.cmpf oeq, %select_n3A_1135, %min3A_1225 : vector<16xf32>
      %eq3A_1307 = arith.cmpi eq, %get3A_101, %min3A_1299 : vector<16xi32>
      %and3A_1308 = arith.andi %eq3A_1306, %eq3A_1307 : vector<16xi1>
      %jit3A_1309 = arith.constant 0x7F800000 : f32
      %broadcast_in_dim3A_1310 = vector.broadcast %jit3A_1309 : f32 to vector<16xf32>
      %select_n3A_1311 = arith.select %and3A_1308, %broadcast_in_dim3A_1310, %select_n3A_1135 : vector<16xi1>, vector<16xf32>
      %eq3A_1312 = arith.cmpf oeq, %select_n3A_1141, %min3A_1225 : vector<16xf32>
      %eq3A_1313 = arith.cmpi eq, %get3A_103, %min3A_1299 : vector<16xi32>
      %and3A_1314 = arith.andi %eq3A_1312, %eq3A_1313 : vector<16xi1>
      %jit3A_1315 = arith.constant 0x7F800000 : f32
      %broadcast_in_dim3A_1316 = vector.broadcast %jit3A_1315 : f32 to vector<16xf32>
      %select_n3A_1317 = arith.select %and3A_1314, %broadcast_in_dim3A_1316, %select_n3A_1141 : vector<16xi1>, vector<16xf32>
      %eq3A_1318 = arith.cmpf oeq, %select_n3A_1147, %min3A_1225 : vector<16xf32>
      %eq3A_1319 = arith.cmpi eq, %get3A_105, %min3A_1299 : vector<16xi32>
      %and3A_1320 = arith.andi %eq3A_1318, %eq3A_1319 : vector<16xi1>
      %jit3A_1321 = arith.constant 0x7F800000 : f32
      %broadcast_in_dim3A_1322 = vector.broadcast %jit3A_1321 : f32 to vector<16xf32>
      %select_n3A_1323 = arith.select %and3A_1320, %broadcast_in_dim3A_1322, %select_n3A_1147 : vector<16xi1>, vector<16xf32>
      %eq3A_1324 = arith.cmpf oeq, %select_n3A_1153, %min3A_1225 : vector<16xf32>
      %eq3A_1325 = arith.cmpi eq, %get3A_107, %min3A_1299 : vector<16xi32>
      %and3A_1326 = arith.andi %eq3A_1324, %eq3A_1325 : vector<16xi1>
      %jit3A_1327 = arith.constant 0x7F800000 : f32
      %broadcast_in_dim3A_1328 = vector.broadcast %jit3A_1327 : f32 to vector<16xf32>
      %select_n3A_1329 = arith.select %and3A_1326, %broadcast_in_dim3A_1328, %select_n3A_1153 : vector<16xi1>, vector<16xf32>
      %eq3A_1330 = arith.cmpf oeq, %select_n3A_1159, %min3A_1225 : vector<16xf32>
      %eq3A_1331 = arith.cmpi eq, %get3A_109, %min3A_1299 : vector<16xi32>
      %and3A_1332 = arith.andi %eq3A_1330, %eq3A_1331 : vector<16xi1>
      %jit3A_1333 = arith.constant 0x7F800000 : f32
      %broadcast_in_dim3A_1334 = vector.broadcast %jit3A_1333 : f32 to vector<16xf32>
      %select_n3A_1335 = arith.select %and3A_1332, %broadcast_in_dim3A_1334, %select_n3A_1159 : vector<16xi1>, vector<16xf32>
      %eq3A_1336 = arith.constant 6 : i32
      %eq3A_1337 = vector.broadcast %eq3A_1336 : i32 to vector<16xi32>
      %eq3A_1338 = arith.cmpi eq, %iota3A, %eq3A_1337 : vector<16xi32>
      %select_n3A_1339 = arith.select %eq3A_1338, %min3A_1299, %select_n3A_1163 : vector<16xi1>, vector<16xi32>
      %select_n3A_1340 = arith.select %eq3A_1338, %min3A_1225, %select_n3A_1164 : vector<16xi1>, vector<16xf32>
      %min3A_1341 = arith.minimumf %select_n3A_1305, %select_n3A_1311 : vector<16xf32>
      %min3A_1342 = arith.minimumf %min3A_1341, %select_n3A_1317 : vector<16xf32>
      %min3A_1343 = arith.minimumf %min3A_1342, %select_n3A_1323 : vector<16xf32>
      %min3A_1344 = arith.minimumf %min3A_1343, %select_n3A_1329 : vector<16xf32>
      %min3A_1345 = arith.minimumf %min3A_1344, %select_n3A_1335 : vector<16xf32>
      %xor3A_1346 = arith.constant 1 : i32
      %xor3A_1347 = vector.broadcast %xor3A_1346 : i32 to vector<16xi32>
      %xor3A_1348 = arith.xori %iota3A, %xor3A_1347 : vector<16xi32>
      %lt3A_1349 = arith.constant 0 : i32
      %lt3A_1350 = vector.broadcast %lt3A_1349 : i32 to vector<16xi32>
      %lt3A_1351 = arith.cmpi slt, %xor3A_1348, %lt3A_1350 : vector<16xi32>
      %add3A_1352 = arith.constant 16 : i32
      %add3A_1353 = vector.broadcast %add3A_1352 : i32 to vector<16xi32>
      %add3A_1354 = arith.addi %xor3A_1348, %add3A_1353 : vector<16xi32>
      %select_n3A_1355 = arith.select %lt3A_1351, %add3A_1354, %xor3A_1348 : vector<16xi1>, vector<16xi32>
      %broadcast_in_dim3A_1356 = vector.shape_cast %select_n3A_1355 : vector<16xi32> to vector<16x1xi32>
      %gather3A_1357 = vector.shape_cast %broadcast_in_dim3A_1356 : vector<16x1xi32> to vector<16xi32>
      %gather3A_1358 = tpu.dynamic_gather %min3A_1345[%gather3A_1357] in [0] : vector<16xf32>, vector<16xi32> -> vector<16xf32>
      %min3A_1359 = arith.minimumf %min3A_1345, %gather3A_1358 : vector<16xf32>
      %xor3A_1360 = arith.constant 2 : i32
      %xor3A_1361 = vector.broadcast %xor3A_1360 : i32 to vector<16xi32>
      %xor3A_1362 = arith.xori %iota3A, %xor3A_1361 : vector<16xi32>
      %lt3A_1363 = arith.constant 0 : i32
      %lt3A_1364 = vector.broadcast %lt3A_1363 : i32 to vector<16xi32>
      %lt3A_1365 = arith.cmpi slt, %xor3A_1362, %lt3A_1364 : vector<16xi32>
      %add3A_1366 = arith.constant 16 : i32
      %add3A_1367 = vector.broadcast %add3A_1366 : i32 to vector<16xi32>
      %add3A_1368 = arith.addi %xor3A_1362, %add3A_1367 : vector<16xi32>
      %select_n3A_1369 = arith.select %lt3A_1365, %add3A_1368, %xor3A_1362 : vector<16xi1>, vector<16xi32>
      %broadcast_in_dim3A_1370 = vector.shape_cast %select_n3A_1369 : vector<16xi32> to vector<16x1xi32>
      %gather3A_1371 = vector.shape_cast %broadcast_in_dim3A_1370 : vector<16x1xi32> to vector<16xi32>
      %gather3A_1372 = tpu.dynamic_gather %min3A_1359[%gather3A_1371] in [0] : vector<16xf32>, vector<16xi32> -> vector<16xf32>
      %min3A_1373 = arith.minimumf %min3A_1359, %gather3A_1372 : vector<16xf32>
      %xor3A_1374 = arith.constant 4 : i32
      %xor3A_1375 = vector.broadcast %xor3A_1374 : i32 to vector<16xi32>
      %xor3A_1376 = arith.xori %iota3A, %xor3A_1375 : vector<16xi32>
      %lt3A_1377 = arith.constant 0 : i32
      %lt3A_1378 = vector.broadcast %lt3A_1377 : i32 to vector<16xi32>
      %lt3A_1379 = arith.cmpi slt, %xor3A_1376, %lt3A_1378 : vector<16xi32>
      %add3A_1380 = arith.constant 16 : i32
      %add3A_1381 = vector.broadcast %add3A_1380 : i32 to vector<16xi32>
      %add3A_1382 = arith.addi %xor3A_1376, %add3A_1381 : vector<16xi32>
      %select_n3A_1383 = arith.select %lt3A_1379, %add3A_1382, %xor3A_1376 : vector<16xi1>, vector<16xi32>
      %broadcast_in_dim3A_1384 = vector.shape_cast %select_n3A_1383 : vector<16xi32> to vector<16x1xi32>
      %gather3A_1385 = vector.shape_cast %broadcast_in_dim3A_1384 : vector<16x1xi32> to vector<16xi32>
      %gather3A_1386 = tpu.dynamic_gather %min3A_1373[%gather3A_1385] in [0] : vector<16xf32>, vector<16xi32> -> vector<16xf32>
      %min3A_1387 = arith.minimumf %min3A_1373, %gather3A_1386 : vector<16xf32>
      %xor3A_1388 = arith.constant 8 : i32
      %xor3A_1389 = vector.broadcast %xor3A_1388 : i32 to vector<16xi32>
      %xor3A_1390 = arith.xori %iota3A, %xor3A_1389 : vector<16xi32>
      %lt3A_1391 = arith.constant 0 : i32
      %lt3A_1392 = vector.broadcast %lt3A_1391 : i32 to vector<16xi32>
      %lt3A_1393 = arith.cmpi slt, %xor3A_1390, %lt3A_1392 : vector<16xi32>
      %add3A_1394 = arith.constant 16 : i32
      %add3A_1395 = vector.broadcast %add3A_1394 : i32 to vector<16xi32>
      %add3A_1396 = arith.addi %xor3A_1390, %add3A_1395 : vector<16xi32>
      %select_n3A_1397 = arith.select %lt3A_1393, %add3A_1396, %xor3A_1390 : vector<16xi1>, vector<16xi32>
      %broadcast_in_dim3A_1398 = vector.shape_cast %select_n3A_1397 : vector<16xi32> to vector<16x1xi32>
      %gather3A_1399 = vector.shape_cast %broadcast_in_dim3A_1398 : vector<16x1xi32> to vector<16xi32>
      %gather3A_1400 = tpu.dynamic_gather %min3A_1387[%gather3A_1399] in [0] : vector<16xf32>, vector<16xi32> -> vector<16xf32>
      %min3A_1401 = arith.minimumf %min3A_1387, %gather3A_1400 : vector<16xf32>
      %eq3A_1402 = arith.cmpf oeq, %select_n3A_1305, %min3A_1401 : vector<16xf32>
      %select_n3A_1403 = arith.select %eq3A_1402, %get3A_99, %broadcast_in_dim3A_44 : vector<16xi1>, vector<16xi32>
      %min3A_1404 = arith.minsi %broadcast_in_dim3A_44, %select_n3A_1403 : vector<16xi32>
      %eq3A_1405 = arith.cmpf oeq, %select_n3A_1311, %min3A_1401 : vector<16xf32>
      %select_n3A_1406 = arith.select %eq3A_1405, %get3A_101, %broadcast_in_dim3A_44 : vector<16xi1>, vector<16xi32>
      %min3A_1407 = arith.minsi %min3A_1404, %select_n3A_1406 : vector<16xi32>
      %eq3A_1408 = arith.cmpf oeq, %select_n3A_1317, %min3A_1401 : vector<16xf32>
      %select_n3A_1409 = arith.select %eq3A_1408, %get3A_103, %broadcast_in_dim3A_44 : vector<16xi1>, vector<16xi32>
      %min3A_1410 = arith.minsi %min3A_1407, %select_n3A_1409 : vector<16xi32>
      %eq3A_1411 = arith.cmpf oeq, %select_n3A_1323, %min3A_1401 : vector<16xf32>
      %select_n3A_1412 = arith.select %eq3A_1411, %get3A_105, %broadcast_in_dim3A_44 : vector<16xi1>, vector<16xi32>
      %min3A_1413 = arith.minsi %min3A_1410, %select_n3A_1412 : vector<16xi32>
      %eq3A_1414 = arith.cmpf oeq, %select_n3A_1329, %min3A_1401 : vector<16xf32>
      %select_n3A_1415 = arith.select %eq3A_1414, %get3A_107, %broadcast_in_dim3A_44 : vector<16xi1>, vector<16xi32>
      %min3A_1416 = arith.minsi %min3A_1413, %select_n3A_1415 : vector<16xi32>
      %eq3A_1417 = arith.cmpf oeq, %select_n3A_1335, %min3A_1401 : vector<16xf32>
      %select_n3A_1418 = arith.select %eq3A_1417, %get3A_109, %broadcast_in_dim3A_44 : vector<16xi1>, vector<16xi32>
      %min3A_1419 = arith.minsi %min3A_1416, %select_n3A_1418 : vector<16xi32>
      %xor3A_1420 = arith.constant 1 : i32
      %xor3A_1421 = vector.broadcast %xor3A_1420 : i32 to vector<16xi32>
      %xor3A_1422 = arith.xori %iota3A, %xor3A_1421 : vector<16xi32>
      %lt3A_1423 = arith.constant 0 : i32
      %lt3A_1424 = vector.broadcast %lt3A_1423 : i32 to vector<16xi32>
      %lt3A_1425 = arith.cmpi slt, %xor3A_1422, %lt3A_1424 : vector<16xi32>
      %add3A_1426 = arith.constant 16 : i32
      %add3A_1427 = vector.broadcast %add3A_1426 : i32 to vector<16xi32>
      %add3A_1428 = arith.addi %xor3A_1422, %add3A_1427 : vector<16xi32>
      %select_n3A_1429 = arith.select %lt3A_1425, %add3A_1428, %xor3A_1422 : vector<16xi1>, vector<16xi32>
      %broadcast_in_dim3A_1430 = vector.shape_cast %select_n3A_1429 : vector<16xi32> to vector<16x1xi32>
      %gather3A_1431 = vector.shape_cast %broadcast_in_dim3A_1430 : vector<16x1xi32> to vector<16xi32>
      %gather3A_1432 = tpu.dynamic_gather %min3A_1419[%gather3A_1431] in [0] : vector<16xi32>, vector<16xi32> -> vector<16xi32>
      %min3A_1433 = arith.minsi %min3A_1419, %gather3A_1432 : vector<16xi32>
      %xor3A_1434 = arith.constant 2 : i32
      %xor3A_1435 = vector.broadcast %xor3A_1434 : i32 to vector<16xi32>
      %xor3A_1436 = arith.xori %iota3A, %xor3A_1435 : vector<16xi32>
      %lt3A_1437 = arith.constant 0 : i32
      %lt3A_1438 = vector.broadcast %lt3A_1437 : i32 to vector<16xi32>
      %lt3A_1439 = arith.cmpi slt, %xor3A_1436, %lt3A_1438 : vector<16xi32>
      %add3A_1440 = arith.constant 16 : i32
      %add3A_1441 = vector.broadcast %add3A_1440 : i32 to vector<16xi32>
      %add3A_1442 = arith.addi %xor3A_1436, %add3A_1441 : vector<16xi32>
      %select_n3A_1443 = arith.select %lt3A_1439, %add3A_1442, %xor3A_1436 : vector<16xi1>, vector<16xi32>
      %broadcast_in_dim3A_1444 = vector.shape_cast %select_n3A_1443 : vector<16xi32> to vector<16x1xi32>
      %gather3A_1445 = vector.shape_cast %broadcast_in_dim3A_1444 : vector<16x1xi32> to vector<16xi32>
      %gather3A_1446 = tpu.dynamic_gather %min3A_1433[%gather3A_1445] in [0] : vector<16xi32>, vector<16xi32> -> vector<16xi32>
      %min3A_1447 = arith.minsi %min3A_1433, %gather3A_1446 : vector<16xi32>
      %xor3A_1448 = arith.constant 4 : i32
      %xor3A_1449 = vector.broadcast %xor3A_1448 : i32 to vector<16xi32>
      %xor3A_1450 = arith.xori %iota3A, %xor3A_1449 : vector<16xi32>
      %lt3A_1451 = arith.constant 0 : i32
      %lt3A_1452 = vector.broadcast %lt3A_1451 : i32 to vector<16xi32>
      %lt3A_1453 = arith.cmpi slt, %xor3A_1450, %lt3A_1452 : vector<16xi32>
      %add3A_1454 = arith.constant 16 : i32
      %add3A_1455 = vector.broadcast %add3A_1454 : i32 to vector<16xi32>
      %add3A_1456 = arith.addi %xor3A_1450, %add3A_1455 : vector<16xi32>
      %select_n3A_1457 = arith.select %lt3A_1453, %add3A_1456, %xor3A_1450 : vector<16xi1>, vector<16xi32>
      %broadcast_in_dim3A_1458 = vector.shape_cast %select_n3A_1457 : vector<16xi32> to vector<16x1xi32>
      %gather3A_1459 = vector.shape_cast %broadcast_in_dim3A_1458 : vector<16x1xi32> to vector<16xi32>
      %gather3A_1460 = tpu.dynamic_gather %min3A_1447[%gather3A_1459] in [0] : vector<16xi32>, vector<16xi32> -> vector<16xi32>
      %min3A_1461 = arith.minsi %min3A_1447, %gather3A_1460 : vector<16xi32>
      %xor3A_1462 = arith.constant 8 : i32
      %xor3A_1463 = vector.broadcast %xor3A_1462 : i32 to vector<16xi32>
      %xor3A_1464 = arith.xori %iota3A, %xor3A_1463 : vector<16xi32>
      %lt3A_1465 = arith.constant 0 : i32
      %lt3A_1466 = vector.broadcast %lt3A_1465 : i32 to vector<16xi32>
      %lt3A_1467 = arith.cmpi slt, %xor3A_1464, %lt3A_1466 : vector<16xi32>
      %add3A_1468 = arith.constant 16 : i32
      %add3A_1469 = vector.broadcast %add3A_1468 : i32 to vector<16xi32>
      %add3A_1470 = arith.addi %xor3A_1464, %add3A_1469 : vector<16xi32>
      %select_n3A_1471 = arith.select %lt3A_1467, %add3A_1470, %xor3A_1464 : vector<16xi1>, vector<16xi32>
      %broadcast_in_dim3A_1472 = vector.shape_cast %select_n3A_1471 : vector<16xi32> to vector<16x1xi32>
      %gather3A_1473 = vector.shape_cast %broadcast_in_dim3A_1472 : vector<16x1xi32> to vector<16xi32>
      %gather3A_1474 = tpu.dynamic_gather %min3A_1461[%gather3A_1473] in [0] : vector<16xi32>, vector<16xi32> -> vector<16xi32>
      %min3A_1475 = arith.minsi %min3A_1461, %gather3A_1474 : vector<16xi32>
      %eq3A_1476 = arith.cmpf oeq, %select_n3A_1305, %min3A_1401 : vector<16xf32>
      %eq3A_1477 = arith.cmpi eq, %get3A_99, %min3A_1475 : vector<16xi32>
      %and3A_1478 = arith.andi %eq3A_1476, %eq3A_1477 : vector<16xi1>
      %jit3A_1479 = arith.constant 0x7F800000 : f32
      %broadcast_in_dim3A_1480 = vector.broadcast %jit3A_1479 : f32 to vector<16xf32>
      %select_n3A_1481 = arith.select %and3A_1478, %broadcast_in_dim3A_1480, %select_n3A_1305 : vector<16xi1>, vector<16xf32>
      %eq3A_1482 = arith.cmpf oeq, %select_n3A_1311, %min3A_1401 : vector<16xf32>
      %eq3A_1483 = arith.cmpi eq, %get3A_101, %min3A_1475 : vector<16xi32>
      %and3A_1484 = arith.andi %eq3A_1482, %eq3A_1483 : vector<16xi1>
      %jit3A_1485 = arith.constant 0x7F800000 : f32
      %broadcast_in_dim3A_1486 = vector.broadcast %jit3A_1485 : f32 to vector<16xf32>
      %select_n3A_1487 = arith.select %and3A_1484, %broadcast_in_dim3A_1486, %select_n3A_1311 : vector<16xi1>, vector<16xf32>
      %eq3A_1488 = arith.cmpf oeq, %select_n3A_1317, %min3A_1401 : vector<16xf32>
      %eq3A_1489 = arith.cmpi eq, %get3A_103, %min3A_1475 : vector<16xi32>
      %and3A_1490 = arith.andi %eq3A_1488, %eq3A_1489 : vector<16xi1>
      %jit3A_1491 = arith.constant 0x7F800000 : f32
      %broadcast_in_dim3A_1492 = vector.broadcast %jit3A_1491 : f32 to vector<16xf32>
      %select_n3A_1493 = arith.select %and3A_1490, %broadcast_in_dim3A_1492, %select_n3A_1317 : vector<16xi1>, vector<16xf32>
      %eq3A_1494 = arith.cmpf oeq, %select_n3A_1323, %min3A_1401 : vector<16xf32>
      %eq3A_1495 = arith.cmpi eq, %get3A_105, %min3A_1475 : vector<16xi32>
      %and3A_1496 = arith.andi %eq3A_1494, %eq3A_1495 : vector<16xi1>
      %jit3A_1497 = arith.constant 0x7F800000 : f32
      %broadcast_in_dim3A_1498 = vector.broadcast %jit3A_1497 : f32 to vector<16xf32>
      %select_n3A_1499 = arith.select %and3A_1496, %broadcast_in_dim3A_1498, %select_n3A_1323 : vector<16xi1>, vector<16xf32>
      %eq3A_1500 = arith.cmpf oeq, %select_n3A_1329, %min3A_1401 : vector<16xf32>
      %eq3A_1501 = arith.cmpi eq, %get3A_107, %min3A_1475 : vector<16xi32>
      %and3A_1502 = arith.andi %eq3A_1500, %eq3A_1501 : vector<16xi1>
      %jit3A_1503 = arith.constant 0x7F800000 : f32
      %broadcast_in_dim3A_1504 = vector.broadcast %jit3A_1503 : f32 to vector<16xf32>
      %select_n3A_1505 = arith.select %and3A_1502, %broadcast_in_dim3A_1504, %select_n3A_1329 : vector<16xi1>, vector<16xf32>
      %eq3A_1506 = arith.cmpf oeq, %select_n3A_1335, %min3A_1401 : vector<16xf32>
      %eq3A_1507 = arith.cmpi eq, %get3A_109, %min3A_1475 : vector<16xi32>
      %and3A_1508 = arith.andi %eq3A_1506, %eq3A_1507 : vector<16xi1>
      %jit3A_1509 = arith.constant 0x7F800000 : f32
      %broadcast_in_dim3A_1510 = vector.broadcast %jit3A_1509 : f32 to vector<16xf32>
      %select_n3A_1511 = arith.select %and3A_1508, %broadcast_in_dim3A_1510, %select_n3A_1335 : vector<16xi1>, vector<16xf32>
      %eq3A_1512 = arith.constant 7 : i32
      %eq3A_1513 = vector.broadcast %eq3A_1512 : i32 to vector<16xi32>
      %eq3A_1514 = arith.cmpi eq, %iota3A, %eq3A_1513 : vector<16xi32>
      %select_n3A_1515 = arith.select %eq3A_1514, %min3A_1475, %select_n3A_1339 : vector<16xi1>, vector<16xi32>
      %select_n3A_1516 = arith.select %eq3A_1514, %min3A_1401, %select_n3A_1340 : vector<16xi1>, vector<16xf32>
      %min3A_1517 = arith.minimumf %select_n3A_1481, %select_n3A_1487 : vector<16xf32>
      %min3A_1518 = arith.minimumf %min3A_1517, %select_n3A_1493 : vector<16xf32>
      %min3A_1519 = arith.minimumf %min3A_1518, %select_n3A_1499 : vector<16xf32>
      %min3A_1520 = arith.minimumf %min3A_1519, %select_n3A_1505 : vector<16xf32>
      %min3A_1521 = arith.minimumf %min3A_1520, %select_n3A_1511 : vector<16xf32>
      %xor3A_1522 = arith.constant 1 : i32
      %xor3A_1523 = vector.broadcast %xor3A_1522 : i32 to vector<16xi32>
      %xor3A_1524 = arith.xori %iota3A, %xor3A_1523 : vector<16xi32>
      %lt3A_1525 = arith.constant 0 : i32
      %lt3A_1526 = vector.broadcast %lt3A_1525 : i32 to vector<16xi32>
      %lt3A_1527 = arith.cmpi slt, %xor3A_1524, %lt3A_1526 : vector<16xi32>
      %add3A_1528 = arith.constant 16 : i32
      %add3A_1529 = vector.broadcast %add3A_1528 : i32 to vector<16xi32>
      %add3A_1530 = arith.addi %xor3A_1524, %add3A_1529 : vector<16xi32>
      %select_n3A_1531 = arith.select %lt3A_1527, %add3A_1530, %xor3A_1524 : vector<16xi1>, vector<16xi32>
      %broadcast_in_dim3A_1532 = vector.shape_cast %select_n3A_1531 : vector<16xi32> to vector<16x1xi32>
      %gather3A_1533 = vector.shape_cast %broadcast_in_dim3A_1532 : vector<16x1xi32> to vector<16xi32>
      %gather3A_1534 = tpu.dynamic_gather %min3A_1521[%gather3A_1533] in [0] : vector<16xf32>, vector<16xi32> -> vector<16xf32>
      %min3A_1535 = arith.minimumf %min3A_1521, %gather3A_1534 : vector<16xf32>
      %xor3A_1536 = arith.constant 2 : i32
      %xor3A_1537 = vector.broadcast %xor3A_1536 : i32 to vector<16xi32>
      %xor3A_1538 = arith.xori %iota3A, %xor3A_1537 : vector<16xi32>
      %lt3A_1539 = arith.constant 0 : i32
      %lt3A_1540 = vector.broadcast %lt3A_1539 : i32 to vector<16xi32>
      %lt3A_1541 = arith.cmpi slt, %xor3A_1538, %lt3A_1540 : vector<16xi32>
      %add3A_1542 = arith.constant 16 : i32
      %add3A_1543 = vector.broadcast %add3A_1542 : i32 to vector<16xi32>
      %add3A_1544 = arith.addi %xor3A_1538, %add3A_1543 : vector<16xi32>
      %select_n3A_1545 = arith.select %lt3A_1541, %add3A_1544, %xor3A_1538 : vector<16xi1>, vector<16xi32>
      %broadcast_in_dim3A_1546 = vector.shape_cast %select_n3A_1545 : vector<16xi32> to vector<16x1xi32>
      %gather3A_1547 = vector.shape_cast %broadcast_in_dim3A_1546 : vector<16x1xi32> to vector<16xi32>
      %gather3A_1548 = tpu.dynamic_gather %min3A_1535[%gather3A_1547] in [0] : vector<16xf32>, vector<16xi32> -> vector<16xf32>
      %min3A_1549 = arith.minimumf %min3A_1535, %gather3A_1548 : vector<16xf32>
      %xor3A_1550 = arith.constant 4 : i32
      %xor3A_1551 = vector.broadcast %xor3A_1550 : i32 to vector<16xi32>
      %xor3A_1552 = arith.xori %iota3A, %xor3A_1551 : vector<16xi32>
      %lt3A_1553 = arith.constant 0 : i32
      %lt3A_1554 = vector.broadcast %lt3A_1553 : i32 to vector<16xi32>
      %lt3A_1555 = arith.cmpi slt, %xor3A_1552, %lt3A_1554 : vector<16xi32>
      %add3A_1556 = arith.constant 16 : i32
      %add3A_1557 = vector.broadcast %add3A_1556 : i32 to vector<16xi32>
      %add3A_1558 = arith.addi %xor3A_1552, %add3A_1557 : vector<16xi32>
      %select_n3A_1559 = arith.select %lt3A_1555, %add3A_1558, %xor3A_1552 : vector<16xi1>, vector<16xi32>
      %broadcast_in_dim3A_1560 = vector.shape_cast %select_n3A_1559 : vector<16xi32> to vector<16x1xi32>
      %gather3A_1561 = vector.shape_cast %broadcast_in_dim3A_1560 : vector<16x1xi32> to vector<16xi32>
      %gather3A_1562 = tpu.dynamic_gather %min3A_1549[%gather3A_1561] in [0] : vector<16xf32>, vector<16xi32> -> vector<16xf32>
      %min3A_1563 = arith.minimumf %min3A_1549, %gather3A_1562 : vector<16xf32>
      %xor3A_1564 = arith.constant 8 : i32
      %xor3A_1565 = vector.broadcast %xor3A_1564 : i32 to vector<16xi32>
      %xor3A_1566 = arith.xori %iota3A, %xor3A_1565 : vector<16xi32>
      %lt3A_1567 = arith.constant 0 : i32
      %lt3A_1568 = vector.broadcast %lt3A_1567 : i32 to vector<16xi32>
      %lt3A_1569 = arith.cmpi slt, %xor3A_1566, %lt3A_1568 : vector<16xi32>
      %add3A_1570 = arith.constant 16 : i32
      %add3A_1571 = vector.broadcast %add3A_1570 : i32 to vector<16xi32>
      %add3A_1572 = arith.addi %xor3A_1566, %add3A_1571 : vector<16xi32>
      %select_n3A_1573 = arith.select %lt3A_1569, %add3A_1572, %xor3A_1566 : vector<16xi1>, vector<16xi32>
      %broadcast_in_dim3A_1574 = vector.shape_cast %select_n3A_1573 : vector<16xi32> to vector<16x1xi32>
      %gather3A_1575 = vector.shape_cast %broadcast_in_dim3A_1574 : vector<16x1xi32> to vector<16xi32>
      %gather3A_1576 = tpu.dynamic_gather %min3A_1563[%gather3A_1575] in [0] : vector<16xf32>, vector<16xi32> -> vector<16xf32>
      %min3A_1577 = arith.minimumf %min3A_1563, %gather3A_1576 : vector<16xf32>
      %eq3A_1578 = arith.cmpf oeq, %select_n3A_1481, %min3A_1577 : vector<16xf32>
      %select_n3A_1579 = arith.select %eq3A_1578, %get3A_99, %broadcast_in_dim3A_44 : vector<16xi1>, vector<16xi32>
      %min3A_1580 = arith.minsi %broadcast_in_dim3A_44, %select_n3A_1579 : vector<16xi32>
      %eq3A_1581 = arith.cmpf oeq, %select_n3A_1487, %min3A_1577 : vector<16xf32>
      %select_n3A_1582 = arith.select %eq3A_1581, %get3A_101, %broadcast_in_dim3A_44 : vector<16xi1>, vector<16xi32>
      %min3A_1583 = arith.minsi %min3A_1580, %select_n3A_1582 : vector<16xi32>
      %eq3A_1584 = arith.cmpf oeq, %select_n3A_1493, %min3A_1577 : vector<16xf32>
      %select_n3A_1585 = arith.select %eq3A_1584, %get3A_103, %broadcast_in_dim3A_44 : vector<16xi1>, vector<16xi32>
      %min3A_1586 = arith.minsi %min3A_1583, %select_n3A_1585 : vector<16xi32>
      %eq3A_1587 = arith.cmpf oeq, %select_n3A_1499, %min3A_1577 : vector<16xf32>
      %select_n3A_1588 = arith.select %eq3A_1587, %get3A_105, %broadcast_in_dim3A_44 : vector<16xi1>, vector<16xi32>
      %min3A_1589 = arith.minsi %min3A_1586, %select_n3A_1588 : vector<16xi32>
      %eq3A_1590 = arith.cmpf oeq, %select_n3A_1505, %min3A_1577 : vector<16xf32>
      %select_n3A_1591 = arith.select %eq3A_1590, %get3A_107, %broadcast_in_dim3A_44 : vector<16xi1>, vector<16xi32>
      %min3A_1592 = arith.minsi %min3A_1589, %select_n3A_1591 : vector<16xi32>
      %eq3A_1593 = arith.cmpf oeq, %select_n3A_1511, %min3A_1577 : vector<16xf32>
      %select_n3A_1594 = arith.select %eq3A_1593, %get3A_109, %broadcast_in_dim3A_44 : vector<16xi1>, vector<16xi32>
      %min3A_1595 = arith.minsi %min3A_1592, %select_n3A_1594 : vector<16xi32>
      %xor3A_1596 = arith.constant 1 : i32
      %xor3A_1597 = vector.broadcast %xor3A_1596 : i32 to vector<16xi32>
      %xor3A_1598 = arith.xori %iota3A, %xor3A_1597 : vector<16xi32>
      %lt3A_1599 = arith.constant 0 : i32
      %lt3A_1600 = vector.broadcast %lt3A_1599 : i32 to vector<16xi32>
      %lt3A_1601 = arith.cmpi slt, %xor3A_1598, %lt3A_1600 : vector<16xi32>
      %add3A_1602 = arith.constant 16 : i32
      %add3A_1603 = vector.broadcast %add3A_1602 : i32 to vector<16xi32>
      %add3A_1604 = arith.addi %xor3A_1598, %add3A_1603 : vector<16xi32>
      %select_n3A_1605 = arith.select %lt3A_1601, %add3A_1604, %xor3A_1598 : vector<16xi1>, vector<16xi32>
      %broadcast_in_dim3A_1606 = vector.shape_cast %select_n3A_1605 : vector<16xi32> to vector<16x1xi32>
      %gather3A_1607 = vector.shape_cast %broadcast_in_dim3A_1606 : vector<16x1xi32> to vector<16xi32>
      %gather3A_1608 = tpu.dynamic_gather %min3A_1595[%gather3A_1607] in [0] : vector<16xi32>, vector<16xi32> -> vector<16xi32>
      %min3A_1609 = arith.minsi %min3A_1595, %gather3A_1608 : vector<16xi32>
      %xor3A_1610 = arith.constant 2 : i32
      %xor3A_1611 = vector.broadcast %xor3A_1610 : i32 to vector<16xi32>
      %xor3A_1612 = arith.xori %iota3A, %xor3A_1611 : vector<16xi32>
      %lt3A_1613 = arith.constant 0 : i32
      %lt3A_1614 = vector.broadcast %lt3A_1613 : i32 to vector<16xi32>
      %lt3A_1615 = arith.cmpi slt, %xor3A_1612, %lt3A_1614 : vector<16xi32>
      %add3A_1616 = arith.constant 16 : i32
      %add3A_1617 = vector.broadcast %add3A_1616 : i32 to vector<16xi32>
      %add3A_1618 = arith.addi %xor3A_1612, %add3A_1617 : vector<16xi32>
      %select_n3A_1619 = arith.select %lt3A_1615, %add3A_1618, %xor3A_1612 : vector<16xi1>, vector<16xi32>
      %broadcast_in_dim3A_1620 = vector.shape_cast %select_n3A_1619 : vector<16xi32> to vector<16x1xi32>
      %gather3A_1621 = vector.shape_cast %broadcast_in_dim3A_1620 : vector<16x1xi32> to vector<16xi32>
      %gather3A_1622 = tpu.dynamic_gather %min3A_1609[%gather3A_1621] in [0] : vector<16xi32>, vector<16xi32> -> vector<16xi32>
      %min3A_1623 = arith.minsi %min3A_1609, %gather3A_1622 : vector<16xi32>
      %xor3A_1624 = arith.constant 4 : i32
      %xor3A_1625 = vector.broadcast %xor3A_1624 : i32 to vector<16xi32>
      %xor3A_1626 = arith.xori %iota3A, %xor3A_1625 : vector<16xi32>
      %lt3A_1627 = arith.constant 0 : i32
      %lt3A_1628 = vector.broadcast %lt3A_1627 : i32 to vector<16xi32>
      %lt3A_1629 = arith.cmpi slt, %xor3A_1626, %lt3A_1628 : vector<16xi32>
      %add3A_1630 = arith.constant 16 : i32
      %add3A_1631 = vector.broadcast %add3A_1630 : i32 to vector<16xi32>
      %add3A_1632 = arith.addi %xor3A_1626, %add3A_1631 : vector<16xi32>
      %select_n3A_1633 = arith.select %lt3A_1629, %add3A_1632, %xor3A_1626 : vector<16xi1>, vector<16xi32>
      %broadcast_in_dim3A_1634 = vector.shape_cast %select_n3A_1633 : vector<16xi32> to vector<16x1xi32>
      %gather3A_1635 = vector.shape_cast %broadcast_in_dim3A_1634 : vector<16x1xi32> to vector<16xi32>
      %gather3A_1636 = tpu.dynamic_gather %min3A_1623[%gather3A_1635] in [0] : vector<16xi32>, vector<16xi32> -> vector<16xi32>
      %min3A_1637 = arith.minsi %min3A_1623, %gather3A_1636 : vector<16xi32>
      %xor3A_1638 = arith.constant 8 : i32
      %xor3A_1639 = vector.broadcast %xor3A_1638 : i32 to vector<16xi32>
      %xor3A_1640 = arith.xori %iota3A, %xor3A_1639 : vector<16xi32>
      %lt3A_1641 = arith.constant 0 : i32
      %lt3A_1642 = vector.broadcast %lt3A_1641 : i32 to vector<16xi32>
      %lt3A_1643 = arith.cmpi slt, %xor3A_1640, %lt3A_1642 : vector<16xi32>
      %add3A_1644 = arith.constant 16 : i32
      %add3A_1645 = vector.broadcast %add3A_1644 : i32 to vector<16xi32>
      %add3A_1646 = arith.addi %xor3A_1640, %add3A_1645 : vector<16xi32>
      %select_n3A_1647 = arith.select %lt3A_1643, %add3A_1646, %xor3A_1640 : vector<16xi1>, vector<16xi32>
      %broadcast_in_dim3A_1648 = vector.shape_cast %select_n3A_1647 : vector<16xi32> to vector<16x1xi32>
      %gather3A_1649 = vector.shape_cast %broadcast_in_dim3A_1648 : vector<16x1xi32> to vector<16xi32>
      %gather3A_1650 = tpu.dynamic_gather %min3A_1637[%gather3A_1649] in [0] : vector<16xi32>, vector<16xi32> -> vector<16xi32>
      %min3A_1651 = arith.minsi %min3A_1637, %gather3A_1650 : vector<16xi32>
      %eq3A_1652 = arith.cmpf oeq, %select_n3A_1481, %min3A_1577 : vector<16xf32>
      %eq3A_1653 = arith.cmpi eq, %get3A_99, %min3A_1651 : vector<16xi32>
      %and3A_1654 = arith.andi %eq3A_1652, %eq3A_1653 : vector<16xi1>
      %jit3A_1655 = arith.constant 0x7F800000 : f32
      %broadcast_in_dim3A_1656 = vector.broadcast %jit3A_1655 : f32 to vector<16xf32>
      %select_n3A_1657 = arith.select %and3A_1654, %broadcast_in_dim3A_1656, %select_n3A_1481 : vector<16xi1>, vector<16xf32>
      %eq3A_1658 = arith.cmpf oeq, %select_n3A_1487, %min3A_1577 : vector<16xf32>
      %eq3A_1659 = arith.cmpi eq, %get3A_101, %min3A_1651 : vector<16xi32>
      %and3A_1660 = arith.andi %eq3A_1658, %eq3A_1659 : vector<16xi1>
      %jit3A_1661 = arith.constant 0x7F800000 : f32
      %broadcast_in_dim3A_1662 = vector.broadcast %jit3A_1661 : f32 to vector<16xf32>
      %select_n3A_1663 = arith.select %and3A_1660, %broadcast_in_dim3A_1662, %select_n3A_1487 : vector<16xi1>, vector<16xf32>
      %eq3A_1664 = arith.cmpf oeq, %select_n3A_1493, %min3A_1577 : vector<16xf32>
      %eq3A_1665 = arith.cmpi eq, %get3A_103, %min3A_1651 : vector<16xi32>
      %and3A_1666 = arith.andi %eq3A_1664, %eq3A_1665 : vector<16xi1>
      %jit3A_1667 = arith.constant 0x7F800000 : f32
      %broadcast_in_dim3A_1668 = vector.broadcast %jit3A_1667 : f32 to vector<16xf32>
      %select_n3A_1669 = arith.select %and3A_1666, %broadcast_in_dim3A_1668, %select_n3A_1493 : vector<16xi1>, vector<16xf32>
      %eq3A_1670 = arith.cmpf oeq, %select_n3A_1499, %min3A_1577 : vector<16xf32>
      %eq3A_1671 = arith.cmpi eq, %get3A_105, %min3A_1651 : vector<16xi32>
      %and3A_1672 = arith.andi %eq3A_1670, %eq3A_1671 : vector<16xi1>
      %jit3A_1673 = arith.constant 0x7F800000 : f32
      %broadcast_in_dim3A_1674 = vector.broadcast %jit3A_1673 : f32 to vector<16xf32>
      %select_n3A_1675 = arith.select %and3A_1672, %broadcast_in_dim3A_1674, %select_n3A_1499 : vector<16xi1>, vector<16xf32>
      %eq3A_1676 = arith.cmpf oeq, %select_n3A_1505, %min3A_1577 : vector<16xf32>
      %eq3A_1677 = arith.cmpi eq, %get3A_107, %min3A_1651 : vector<16xi32>
      %and3A_1678 = arith.andi %eq3A_1676, %eq3A_1677 : vector<16xi1>
      %jit3A_1679 = arith.constant 0x7F800000 : f32
      %broadcast_in_dim3A_1680 = vector.broadcast %jit3A_1679 : f32 to vector<16xf32>
      %select_n3A_1681 = arith.select %and3A_1678, %broadcast_in_dim3A_1680, %select_n3A_1505 : vector<16xi1>, vector<16xf32>
      %eq3A_1682 = arith.cmpf oeq, %select_n3A_1511, %min3A_1577 : vector<16xf32>
      %eq3A_1683 = arith.cmpi eq, %get3A_109, %min3A_1651 : vector<16xi32>
      %and3A_1684 = arith.andi %eq3A_1682, %eq3A_1683 : vector<16xi1>
      %jit3A_1685 = arith.constant 0x7F800000 : f32
      %broadcast_in_dim3A_1686 = vector.broadcast %jit3A_1685 : f32 to vector<16xf32>
      %select_n3A_1687 = arith.select %and3A_1684, %broadcast_in_dim3A_1686, %select_n3A_1511 : vector<16xi1>, vector<16xf32>
      %eq3A_1688 = arith.constant 8 : i32
      %eq3A_1689 = vector.broadcast %eq3A_1688 : i32 to vector<16xi32>
      %eq3A_1690 = arith.cmpi eq, %iota3A, %eq3A_1689 : vector<16xi32>
      %select_n3A_1691 = arith.select %eq3A_1690, %min3A_1651, %select_n3A_1515 : vector<16xi1>, vector<16xi32>
      %select_n3A_1692 = arith.select %eq3A_1690, %min3A_1577, %select_n3A_1516 : vector<16xi1>, vector<16xf32>
      %min3A_1693 = arith.minimumf %select_n3A_1657, %select_n3A_1663 : vector<16xf32>
      %min3A_1694 = arith.minimumf %min3A_1693, %select_n3A_1669 : vector<16xf32>
      %min3A_1695 = arith.minimumf %min3A_1694, %select_n3A_1675 : vector<16xf32>
      %min3A_1696 = arith.minimumf %min3A_1695, %select_n3A_1681 : vector<16xf32>
      %min3A_1697 = arith.minimumf %min3A_1696, %select_n3A_1687 : vector<16xf32>
      %xor3A_1698 = arith.constant 1 : i32
      %xor3A_1699 = vector.broadcast %xor3A_1698 : i32 to vector<16xi32>
      %xor3A_1700 = arith.xori %iota3A, %xor3A_1699 : vector<16xi32>
      %lt3A_1701 = arith.constant 0 : i32
      %lt3A_1702 = vector.broadcast %lt3A_1701 : i32 to vector<16xi32>
      %lt3A_1703 = arith.cmpi slt, %xor3A_1700, %lt3A_1702 : vector<16xi32>
      %add3A_1704 = arith.constant 16 : i32
      %add3A_1705 = vector.broadcast %add3A_1704 : i32 to vector<16xi32>
      %add3A_1706 = arith.addi %xor3A_1700, %add3A_1705 : vector<16xi32>
      %select_n3A_1707 = arith.select %lt3A_1703, %add3A_1706, %xor3A_1700 : vector<16xi1>, vector<16xi32>
      %broadcast_in_dim3A_1708 = vector.shape_cast %select_n3A_1707 : vector<16xi32> to vector<16x1xi32>
      %gather3A_1709 = vector.shape_cast %broadcast_in_dim3A_1708 : vector<16x1xi32> to vector<16xi32>
      %gather3A_1710 = tpu.dynamic_gather %min3A_1697[%gather3A_1709] in [0] : vector<16xf32>, vector<16xi32> -> vector<16xf32>
      %min3A_1711 = arith.minimumf %min3A_1697, %gather3A_1710 : vector<16xf32>
      %xor3A_1712 = arith.constant 2 : i32
      %xor3A_1713 = vector.broadcast %xor3A_1712 : i32 to vector<16xi32>
      %xor3A_1714 = arith.xori %iota3A, %xor3A_1713 : vector<16xi32>
      %lt3A_1715 = arith.constant 0 : i32
      %lt3A_1716 = vector.broadcast %lt3A_1715 : i32 to vector<16xi32>
      %lt3A_1717 = arith.cmpi slt, %xor3A_1714, %lt3A_1716 : vector<16xi32>
      %add3A_1718 = arith.constant 16 : i32
      %add3A_1719 = vector.broadcast %add3A_1718 : i32 to vector<16xi32>
      %add3A_1720 = arith.addi %xor3A_1714, %add3A_1719 : vector<16xi32>
      %select_n3A_1721 = arith.select %lt3A_1717, %add3A_1720, %xor3A_1714 : vector<16xi1>, vector<16xi32>
      %broadcast_in_dim3A_1722 = vector.shape_cast %select_n3A_1721 : vector<16xi32> to vector<16x1xi32>
      %gather3A_1723 = vector.shape_cast %broadcast_in_dim3A_1722 : vector<16x1xi32> to vector<16xi32>
      %gather3A_1724 = tpu.dynamic_gather %min3A_1711[%gather3A_1723] in [0] : vector<16xf32>, vector<16xi32> -> vector<16xf32>
      %min3A_1725 = arith.minimumf %min3A_1711, %gather3A_1724 : vector<16xf32>
      %xor3A_1726 = arith.constant 4 : i32
      %xor3A_1727 = vector.broadcast %xor3A_1726 : i32 to vector<16xi32>
      %xor3A_1728 = arith.xori %iota3A, %xor3A_1727 : vector<16xi32>
      %lt3A_1729 = arith.constant 0 : i32
      %lt3A_1730 = vector.broadcast %lt3A_1729 : i32 to vector<16xi32>
      %lt3A_1731 = arith.cmpi slt, %xor3A_1728, %lt3A_1730 : vector<16xi32>
      %add3A_1732 = arith.constant 16 : i32
      %add3A_1733 = vector.broadcast %add3A_1732 : i32 to vector<16xi32>
      %add3A_1734 = arith.addi %xor3A_1728, %add3A_1733 : vector<16xi32>
      %select_n3A_1735 = arith.select %lt3A_1731, %add3A_1734, %xor3A_1728 : vector<16xi1>, vector<16xi32>
      %broadcast_in_dim3A_1736 = vector.shape_cast %select_n3A_1735 : vector<16xi32> to vector<16x1xi32>
      %gather3A_1737 = vector.shape_cast %broadcast_in_dim3A_1736 : vector<16x1xi32> to vector<16xi32>
      %gather3A_1738 = tpu.dynamic_gather %min3A_1725[%gather3A_1737] in [0] : vector<16xf32>, vector<16xi32> -> vector<16xf32>
      %min3A_1739 = arith.minimumf %min3A_1725, %gather3A_1738 : vector<16xf32>
      %xor3A_1740 = arith.constant 8 : i32
      %xor3A_1741 = vector.broadcast %xor3A_1740 : i32 to vector<16xi32>
      %xor3A_1742 = arith.xori %iota3A, %xor3A_1741 : vector<16xi32>
      %lt3A_1743 = arith.constant 0 : i32
      %lt3A_1744 = vector.broadcast %lt3A_1743 : i32 to vector<16xi32>
      %lt3A_1745 = arith.cmpi slt, %xor3A_1742, %lt3A_1744 : vector<16xi32>
      %add3A_1746 = arith.constant 16 : i32
      %add3A_1747 = vector.broadcast %add3A_1746 : i32 to vector<16xi32>
      %add3A_1748 = arith.addi %xor3A_1742, %add3A_1747 : vector<16xi32>
      %select_n3A_1749 = arith.select %lt3A_1745, %add3A_1748, %xor3A_1742 : vector<16xi1>, vector<16xi32>
      %broadcast_in_dim3A_1750 = vector.shape_cast %select_n3A_1749 : vector<16xi32> to vector<16x1xi32>
      %gather3A_1751 = vector.shape_cast %broadcast_in_dim3A_1750 : vector<16x1xi32> to vector<16xi32>
      %gather3A_1752 = tpu.dynamic_gather %min3A_1739[%gather3A_1751] in [0] : vector<16xf32>, vector<16xi32> -> vector<16xf32>
      %min3A_1753 = arith.minimumf %min3A_1739, %gather3A_1752 : vector<16xf32>
      %eq3A_1754 = arith.cmpf oeq, %select_n3A_1657, %min3A_1753 : vector<16xf32>
      %select_n3A_1755 = arith.select %eq3A_1754, %get3A_99, %broadcast_in_dim3A_44 : vector<16xi1>, vector<16xi32>
      %min3A_1756 = arith.minsi %broadcast_in_dim3A_44, %select_n3A_1755 : vector<16xi32>
      %eq3A_1757 = arith.cmpf oeq, %select_n3A_1663, %min3A_1753 : vector<16xf32>
      %select_n3A_1758 = arith.select %eq3A_1757, %get3A_101, %broadcast_in_dim3A_44 : vector<16xi1>, vector<16xi32>
      %min3A_1759 = arith.minsi %min3A_1756, %select_n3A_1758 : vector<16xi32>
      %eq3A_1760 = arith.cmpf oeq, %select_n3A_1669, %min3A_1753 : vector<16xf32>
      %select_n3A_1761 = arith.select %eq3A_1760, %get3A_103, %broadcast_in_dim3A_44 : vector<16xi1>, vector<16xi32>
      %min3A_1762 = arith.minsi %min3A_1759, %select_n3A_1761 : vector<16xi32>
      %eq3A_1763 = arith.cmpf oeq, %select_n3A_1675, %min3A_1753 : vector<16xf32>
      %select_n3A_1764 = arith.select %eq3A_1763, %get3A_105, %broadcast_in_dim3A_44 : vector<16xi1>, vector<16xi32>
      %min3A_1765 = arith.minsi %min3A_1762, %select_n3A_1764 : vector<16xi32>
      %eq3A_1766 = arith.cmpf oeq, %select_n3A_1681, %min3A_1753 : vector<16xf32>
      %select_n3A_1767 = arith.select %eq3A_1766, %get3A_107, %broadcast_in_dim3A_44 : vector<16xi1>, vector<16xi32>
      %min3A_1768 = arith.minsi %min3A_1765, %select_n3A_1767 : vector<16xi32>
      %eq3A_1769 = arith.cmpf oeq, %select_n3A_1687, %min3A_1753 : vector<16xf32>
      %select_n3A_1770 = arith.select %eq3A_1769, %get3A_109, %broadcast_in_dim3A_44 : vector<16xi1>, vector<16xi32>
      %min3A_1771 = arith.minsi %min3A_1768, %select_n3A_1770 : vector<16xi32>
      %xor3A_1772 = arith.constant 1 : i32
      %xor3A_1773 = vector.broadcast %xor3A_1772 : i32 to vector<16xi32>
      %xor3A_1774 = arith.xori %iota3A, %xor3A_1773 : vector<16xi32>
      %lt3A_1775 = arith.constant 0 : i32
      %lt3A_1776 = vector.broadcast %lt3A_1775 : i32 to vector<16xi32>
      %lt3A_1777 = arith.cmpi slt, %xor3A_1774, %lt3A_1776 : vector<16xi32>
      %add3A_1778 = arith.constant 16 : i32
      %add3A_1779 = vector.broadcast %add3A_1778 : i32 to vector<16xi32>
      %add3A_1780 = arith.addi %xor3A_1774, %add3A_1779 : vector<16xi32>
      %select_n3A_1781 = arith.select %lt3A_1777, %add3A_1780, %xor3A_1774 : vector<16xi1>, vector<16xi32>
      %broadcast_in_dim3A_1782 = vector.shape_cast %select_n3A_1781 : vector<16xi32> to vector<16x1xi32>
      %gather3A_1783 = vector.shape_cast %broadcast_in_dim3A_1782 : vector<16x1xi32> to vector<16xi32>
      %gather3A_1784 = tpu.dynamic_gather %min3A_1771[%gather3A_1783] in [0] : vector<16xi32>, vector<16xi32> -> vector<16xi32>
      %min3A_1785 = arith.minsi %min3A_1771, %gather3A_1784 : vector<16xi32>
      %xor3A_1786 = arith.constant 2 : i32
      %xor3A_1787 = vector.broadcast %xor3A_1786 : i32 to vector<16xi32>
      %xor3A_1788 = arith.xori %iota3A, %xor3A_1787 : vector<16xi32>
      %lt3A_1789 = arith.constant 0 : i32
      %lt3A_1790 = vector.broadcast %lt3A_1789 : i32 to vector<16xi32>
      %lt3A_1791 = arith.cmpi slt, %xor3A_1788, %lt3A_1790 : vector<16xi32>
      %add3A_1792 = arith.constant 16 : i32
      %add3A_1793 = vector.broadcast %add3A_1792 : i32 to vector<16xi32>
      %add3A_1794 = arith.addi %xor3A_1788, %add3A_1793 : vector<16xi32>
      %select_n3A_1795 = arith.select %lt3A_1791, %add3A_1794, %xor3A_1788 : vector<16xi1>, vector<16xi32>
      %broadcast_in_dim3A_1796 = vector.shape_cast %select_n3A_1795 : vector<16xi32> to vector<16x1xi32>
      %gather3A_1797 = vector.shape_cast %broadcast_in_dim3A_1796 : vector<16x1xi32> to vector<16xi32>
      %gather3A_1798 = tpu.dynamic_gather %min3A_1785[%gather3A_1797] in [0] : vector<16xi32>, vector<16xi32> -> vector<16xi32>
      %min3A_1799 = arith.minsi %min3A_1785, %gather3A_1798 : vector<16xi32>
      %xor3A_1800 = arith.constant 4 : i32
      %xor3A_1801 = vector.broadcast %xor3A_1800 : i32 to vector<16xi32>
      %xor3A_1802 = arith.xori %iota3A, %xor3A_1801 : vector<16xi32>
      %lt3A_1803 = arith.constant 0 : i32
      %lt3A_1804 = vector.broadcast %lt3A_1803 : i32 to vector<16xi32>
      %lt3A_1805 = arith.cmpi slt, %xor3A_1802, %lt3A_1804 : vector<16xi32>
      %add3A_1806 = arith.constant 16 : i32
      %add3A_1807 = vector.broadcast %add3A_1806 : i32 to vector<16xi32>
      %add3A_1808 = arith.addi %xor3A_1802, %add3A_1807 : vector<16xi32>
      %select_n3A_1809 = arith.select %lt3A_1805, %add3A_1808, %xor3A_1802 : vector<16xi1>, vector<16xi32>
      %broadcast_in_dim3A_1810 = vector.shape_cast %select_n3A_1809 : vector<16xi32> to vector<16x1xi32>
      %gather3A_1811 = vector.shape_cast %broadcast_in_dim3A_1810 : vector<16x1xi32> to vector<16xi32>
      %gather3A_1812 = tpu.dynamic_gather %min3A_1799[%gather3A_1811] in [0] : vector<16xi32>, vector<16xi32> -> vector<16xi32>
      %min3A_1813 = arith.minsi %min3A_1799, %gather3A_1812 : vector<16xi32>
      %xor3A_1814 = arith.constant 8 : i32
      %xor3A_1815 = vector.broadcast %xor3A_1814 : i32 to vector<16xi32>
      %xor3A_1816 = arith.xori %iota3A, %xor3A_1815 : vector<16xi32>
      %lt3A_1817 = arith.constant 0 : i32
      %lt3A_1818 = vector.broadcast %lt3A_1817 : i32 to vector<16xi32>
      %lt3A_1819 = arith.cmpi slt, %xor3A_1816, %lt3A_1818 : vector<16xi32>
      %add3A_1820 = arith.constant 16 : i32
      %add3A_1821 = vector.broadcast %add3A_1820 : i32 to vector<16xi32>
      %add3A_1822 = arith.addi %xor3A_1816, %add3A_1821 : vector<16xi32>
      %select_n3A_1823 = arith.select %lt3A_1819, %add3A_1822, %xor3A_1816 : vector<16xi1>, vector<16xi32>
      %broadcast_in_dim3A_1824 = vector.shape_cast %select_n3A_1823 : vector<16xi32> to vector<16x1xi32>
      %gather3A_1825 = vector.shape_cast %broadcast_in_dim3A_1824 : vector<16x1xi32> to vector<16xi32>
      %gather3A_1826 = tpu.dynamic_gather %min3A_1813[%gather3A_1825] in [0] : vector<16xi32>, vector<16xi32> -> vector<16xi32>
      %min3A_1827 = arith.minsi %min3A_1813, %gather3A_1826 : vector<16xi32>
      %eq3A_1828 = arith.cmpf oeq, %select_n3A_1657, %min3A_1753 : vector<16xf32>
      %eq3A_1829 = arith.cmpi eq, %get3A_99, %min3A_1827 : vector<16xi32>
      %and3A_1830 = arith.andi %eq3A_1828, %eq3A_1829 : vector<16xi1>
      %jit3A_1831 = arith.constant 0x7F800000 : f32
      %broadcast_in_dim3A_1832 = vector.broadcast %jit3A_1831 : f32 to vector<16xf32>
      %select_n3A_1833 = arith.select %and3A_1830, %broadcast_in_dim3A_1832, %select_n3A_1657 : vector<16xi1>, vector<16xf32>
      %eq3A_1834 = arith.cmpf oeq, %select_n3A_1663, %min3A_1753 : vector<16xf32>
      %eq3A_1835 = arith.cmpi eq, %get3A_101, %min3A_1827 : vector<16xi32>
      %and3A_1836 = arith.andi %eq3A_1834, %eq3A_1835 : vector<16xi1>
      %jit3A_1837 = arith.constant 0x7F800000 : f32
      %broadcast_in_dim3A_1838 = vector.broadcast %jit3A_1837 : f32 to vector<16xf32>
      %select_n3A_1839 = arith.select %and3A_1836, %broadcast_in_dim3A_1838, %select_n3A_1663 : vector<16xi1>, vector<16xf32>
      %eq3A_1840 = arith.cmpf oeq, %select_n3A_1669, %min3A_1753 : vector<16xf32>
      %eq3A_1841 = arith.cmpi eq, %get3A_103, %min3A_1827 : vector<16xi32>
      %and3A_1842 = arith.andi %eq3A_1840, %eq3A_1841 : vector<16xi1>
      %jit3A_1843 = arith.constant 0x7F800000 : f32
      %broadcast_in_dim3A_1844 = vector.broadcast %jit3A_1843 : f32 to vector<16xf32>
      %select_n3A_1845 = arith.select %and3A_1842, %broadcast_in_dim3A_1844, %select_n3A_1669 : vector<16xi1>, vector<16xf32>
      %eq3A_1846 = arith.cmpf oeq, %select_n3A_1675, %min3A_1753 : vector<16xf32>
      %eq3A_1847 = arith.cmpi eq, %get3A_105, %min3A_1827 : vector<16xi32>
      %and3A_1848 = arith.andi %eq3A_1846, %eq3A_1847 : vector<16xi1>
      %jit3A_1849 = arith.constant 0x7F800000 : f32
      %broadcast_in_dim3A_1850 = vector.broadcast %jit3A_1849 : f32 to vector<16xf32>
      %select_n3A_1851 = arith.select %and3A_1848, %broadcast_in_dim3A_1850, %select_n3A_1675 : vector<16xi1>, vector<16xf32>
      %eq3A_1852 = arith.cmpf oeq, %select_n3A_1681, %min3A_1753 : vector<16xf32>
      %eq3A_1853 = arith.cmpi eq, %get3A_107, %min3A_1827 : vector<16xi32>
      %and3A_1854 = arith.andi %eq3A_1852, %eq3A_1853 : vector<16xi1>
      %jit3A_1855 = arith.constant 0x7F800000 : f32
      %broadcast_in_dim3A_1856 = vector.broadcast %jit3A_1855 : f32 to vector<16xf32>
      %select_n3A_1857 = arith.select %and3A_1854, %broadcast_in_dim3A_1856, %select_n3A_1681 : vector<16xi1>, vector<16xf32>
      %eq3A_1858 = arith.cmpf oeq, %select_n3A_1687, %min3A_1753 : vector<16xf32>
      %eq3A_1859 = arith.cmpi eq, %get3A_109, %min3A_1827 : vector<16xi32>
      %and3A_1860 = arith.andi %eq3A_1858, %eq3A_1859 : vector<16xi1>
      %jit3A_1861 = arith.constant 0x7F800000 : f32
      %broadcast_in_dim3A_1862 = vector.broadcast %jit3A_1861 : f32 to vector<16xf32>
      %select_n3A_1863 = arith.select %and3A_1860, %broadcast_in_dim3A_1862, %select_n3A_1687 : vector<16xi1>, vector<16xf32>
      %eq3A_1864 = arith.constant 9 : i32
      %eq3A_1865 = vector.broadcast %eq3A_1864 : i32 to vector<16xi32>
      %eq3A_1866 = arith.cmpi eq, %iota3A, %eq3A_1865 : vector<16xi32>
      %select_n3A_1867 = arith.select %eq3A_1866, %min3A_1827, %select_n3A_1691 : vector<16xi1>, vector<16xi32>
      %select_n3A_1868 = arith.select %eq3A_1866, %min3A_1753, %select_n3A_1692 : vector<16xi1>, vector<16xf32>
      %mul3A_1869 = arith.constant 16 : i32
      %mul3A_1870 = arith.muli %scan3A_56, %mul3A_1869 : i32
      %swap3A_1871 = arith.index_cast %mul3A_1870 : i32 to index
      %swap3A_1872 = tpu.vector_load %arg8[%swap3A_1871] {strides = array<i32>} : memref<2560xi32, #tpu.memory_space<vmem>>, vector<16xi32>,
      tpu.vector_store %arg8[%swap3A_1871], %select_n3A_1867 {strides = array<i32>} : memref<2560xi32, #tpu.memory_space<vmem>>, vector<16xi32>,
      %mul3A_1873 = arith.constant 16 : i32
      %mul3A_1874 = arith.muli %scan3A_56, %mul3A_1873 : i32
      %swap3A_1875 = arith.index_cast %mul3A_1874 : i32 to index
      %swap3A_1876 = tpu.vector_load %arg9[%swap3A_1875] {strides = array<i32>} : memref<2560xf32, #tpu.memory_space<vmem>>, vector<16xf32>,
      tpu.vector_store %arg9[%swap3A_1875], %select_n3A_1868 {strides = array<i32>} : memref<2560xf32, #tpu.memory_space<vmem>>, vector<16xf32>,
      %scan3A_1877 = arith.constant 0 : i32
      scf.yield %scan3A_1877 : i32
    }
    %scan3A_50 = arith.constant 160 : i32
    %mul3A_51 = arith.constant 1280 : i32
    %mul3A_52 = arith.muli %select_n3A, %mul3A_51 : i32
    %add3A_53 = arith.addi %mul3A_52, %mul3A_32 : i32
    %mul3A_54 = arith.constant 16 : i32
    %mul3A_55 = arith.muli %add3A_53, %mul3A_54 : i32
    "tpu.region"() ({
      %run_scoped3A = tpu.sem_alloc : memref<!tpu.dma_semaphore, #tpu.memory_space<semaphore_mem>>
      %dma_start3A = tpu.memref_slice %arg4[%mul3A_55] : memref<81920xi32, #tpu.memory_space<hbm>> -> memref<2560xi32, #tpu.memory_space<hbm>>
      %dma_start3A_56 = tpu.memref_slice %arg4[%mul3A_55] : memref<81920xi32, #tpu.memory_space<hbm>> -> memref<2560xi32, #tpu.memory_space<hbm>>
      tpu.enqueue_dma source(%arg8 : memref<2560xi32, #tpu.memory_space<vmem>>) target(%dma_start3A_56 : memref<2560xi32, #tpu.memory_space<hbm>>) target_semaphore(%run_scoped3A : memref<!tpu.dma_semaphore, #tpu.memory_space<semaphore_mem>>)
      %dma_wait3A = tpu.memref_slice %arg4[%mul3A_55] : memref<81920xi32, #tpu.memory_space<hbm>> -> memref<2560xi32, #tpu.memory_space<hbm>>
      %dma_wait3A_57 = tpu.memref_slice %arg4[%mul3A_55] : memref<81920xi32, #tpu.memory_space<hbm>> -> memref<2560xi32, #tpu.memory_space<hbm>>
      tpu.wait_dma2 semaphore(%run_scoped3A : memref<!tpu.dma_semaphore, #tpu.memory_space<semaphore_mem>>) src(%arg8 : memref<2560xi32, #tpu.memory_space<vmem>>) dst(%dma_wait3A_57 : memref<2560xi32, #tpu.memory_space<hbm>>)
      tpu.yield
    }) : () -> ()
    "tpu.region"() ({
      %run_scoped3A = tpu.sem_alloc : memref<!tpu.dma_semaphore, #tpu.memory_space<semaphore_mem>>
      %dma_start3A = tpu.memref_slice %arg5[%mul3A_55] : memref<81920xf32, #tpu.memory_space<hbm>> -> memref<2560xf32, #tpu.memory_space<hbm>>
      %dma_start3A_56 = tpu.memref_slice %arg5[%mul3A_55] : memref<81920xf32, #tpu.memory_space<hbm>> -> memref<2560xf32, #tpu.memory_space<hbm>>
      tpu.enqueue_dma source(%arg9 : memref<2560xf32, #tpu.memory_space<vmem>>) target(%dma_start3A_56 : memref<2560xf32, #tpu.memory_space<hbm>>) target_semaphore(%run_scoped3A : memref<!tpu.dma_semaphore, #tpu.memory_space<semaphore_mem>>)
      %dma_wait3A = tpu.memref_slice %arg5[%mul3A_55] : memref<81920xf32, #tpu.memory_space<hbm>> -> memref<2560xf32, #tpu.memory_space<hbm>>
      %dma_wait3A_57 = tpu.memref_slice %arg5[%mul3A_55] : memref<81920xf32, #tpu.memory_space<hbm>> -> memref<2560xf32, #tpu.memory_space<hbm>>
      tpu.wait_dma2 semaphore(%run_scoped3A : memref<!tpu.dma_semaphore, #tpu.memory_space<semaphore_mem>>) src(%arg9 : memref<2560xf32, #tpu.memory_space<vmem>>) dst(%dma_wait3A_57 : memref<2560xf32, #tpu.memory_space<hbm>>)
      tpu.yield
    }) : () -> ()
    return
  }
}

module attributes {stable_mosaic.version = 14 : i64} {
  func.func @_knn_body(%arg0: i32, %arg1: i32, %arg2: memref<1x256x4xf32, #tpu.memory_space<vmem>>, %arg3: memref<1x4x4096xf32, #tpu.memory_space<vmem>>, %arg4: memref<1x256x10xi32, #tpu.memory_space<vmem>>, %arg5: memref<1x256x10xf32, #tpu.memory_space<vmem>>) attributes {dimension_semantics = [#tpu.dimension_semantics<arbitrary>, #tpu.dimension_semantics<arbitrary>], iteration_bounds = array<i64: 4, 19>, scalar_prefetch = 0 : i64, scratch_operands = 0 : i64, tpu.core_type = #tpu.core_type<tc>, window_params = [{transform_indices = @transform_0, window_bounds = array<i64: 1, 256, 4>}, {transform_indices = @transform_1, window_bounds = array<i64: 1, 4, 4096>}, {transform_indices = @transform_2, window_bounds = array<i64: 1, 256, 10>}, {transform_indices = @transform_3, window_bounds = array<i64: 1, 256, 10>}]} {
    %get3A = arith.constant 0 : index
    %get3A_0 = arith.constant 0 : index
    %get3A_1 = arith.constant 0 : index
    %get3A_2 = vector.load %arg2[%get3A, %get3A_0, %get3A_1] : memref<1x256x4xf32, #tpu.memory_space<vmem>>, vector<1x256x4xf32>
    %get3A_3 = vector.shape_cast %get3A_2 : vector<1x256x4xf32> to vector<256x4xf32>
    %get3A_4 = arith.constant 0 : index
    %get3A_5 = arith.constant 0 : index
    %get3A_6 = arith.constant 0 : index
    %get3A_7 = vector.load %arg3[%get3A_4, %get3A_5, %get3A_6] : memref<1x4x4096xf32, #tpu.memory_space<vmem>>, vector<1x4x4096xf32>
    %get3A_8 = vector.shape_cast %get3A_7 : vector<1x4x4096xf32> to vector<4x4096xf32>
    %slice3A = vector.extract_strided_slice %get3A_3 {offsets = [0, 0], sizes = [256, 1], strides = [1, 1]} : vector<256x4xf32> to vector<256x1xf32>
    %slice3A_9 = vector.extract_strided_slice %get3A_8 {offsets = [0, 0], sizes = [1, 4096], strides = [1, 1]} : vector<4x4096xf32> to vector<1x4096xf32>
    %sub3A = vector.broadcast %slice3A : vector<256x1xf32> to vector<256x4096xf32>
    %sub3A_10 = vector.broadcast %slice3A_9 : vector<1x4096xf32> to vector<256x4096xf32>
    %sub3A_11 = arith.subf %sub3A, %sub3A_10 : vector<256x4096xf32>
    %mul3A = arith.mulf %sub3A_11, %sub3A_11 : vector<256x4096xf32>
    %slice3A_12 = vector.extract_strided_slice %get3A_3 {offsets = [0, 1], sizes = [256, 1], strides = [1, 1]} : vector<256x4xf32> to vector<256x1xf32>
    %slice3A_13 = vector.extract_strided_slice %get3A_8 {offsets = [1, 0], sizes = [1, 4096], strides = [1, 1]} : vector<4x4096xf32> to vector<1x4096xf32>
    %sub3A_14 = vector.broadcast %slice3A_12 : vector<256x1xf32> to vector<256x4096xf32>
    %sub3A_15 = vector.broadcast %slice3A_13 : vector<1x4096xf32> to vector<256x4096xf32>
    %sub3A_16 = arith.subf %sub3A_14, %sub3A_15 : vector<256x4096xf32>
    %mul3A_17 = arith.mulf %sub3A_16, %sub3A_16 : vector<256x4096xf32>
    %add3A = arith.addf %mul3A, %mul3A_17 : vector<256x4096xf32>
    %slice3A_18 = vector.extract_strided_slice %get3A_3 {offsets = [0, 2], sizes = [256, 1], strides = [1, 1]} : vector<256x4xf32> to vector<256x1xf32>
    %slice3A_19 = vector.extract_strided_slice %get3A_8 {offsets = [2, 0], sizes = [1, 4096], strides = [1, 1]} : vector<4x4096xf32> to vector<1x4096xf32>
    %sub3A_20 = vector.broadcast %slice3A_18 : vector<256x1xf32> to vector<256x4096xf32>
    %sub3A_21 = vector.broadcast %slice3A_19 : vector<1x4096xf32> to vector<256x4096xf32>
    %sub3A_22 = arith.subf %sub3A_20, %sub3A_21 : vector<256x4096xf32>
    %mul3A_23 = arith.mulf %sub3A_22, %sub3A_22 : vector<256x4096xf32>
    %add3A_24 = arith.addf %add3A, %mul3A_23 : vector<256x4096xf32>
    %slice3A_25 = vector.extract_strided_slice %get3A_3 {offsets = [0, 3], sizes = [256, 1], strides = [1, 1]} : vector<256x4xf32> to vector<256x1xf32>
    %slice3A_26 = vector.extract_strided_slice %get3A_8 {offsets = [3, 0], sizes = [1, 4096], strides = [1, 1]} : vector<4x4096xf32> to vector<1x4096xf32>
    %sub3A_27 = vector.broadcast %slice3A_25 : vector<256x1xf32> to vector<256x4096xf32>
    %sub3A_28 = vector.broadcast %slice3A_26 : vector<1x4096xf32> to vector<256x4096xf32>
    %sub3A_29 = arith.subf %sub3A_27, %sub3A_28 : vector<256x4096xf32>
    %mul3A_30 = arith.mulf %sub3A_29, %sub3A_29 : vector<256x4096xf32>
    %add3A_31 = arith.addf %add3A_24, %mul3A_30 : vector<256x4096xf32>
    %iota3A = tpu.iota {dimensions = array<i32: 1>} : vector<256x4096xi32>
    %convert_element_type3A = arith.sitofp %iota3A : vector<256x4096xi32> to vector<256x4096xf32>
    %reduce_min3A = arith.constant dense<0x7F800000> : vector<256xf32>
    %reduce_min3A_32 = vector.multi_reduction <minimumf>, %add3A_31, %reduce_min3A [1] : vector<256x4096xf32> to vector<256xf32>
    %broadcast_in_dim3A = vector.shape_cast %reduce_min3A_32 : vector<256xf32> to vector<256x1xf32>
    %eq3A = vector.broadcast %broadcast_in_dim3A : vector<256x1xf32> to vector<256x4096xf32>
    %eq3A_33 = arith.cmpf oeq, %add3A_31, %eq3A : vector<256x4096xf32>
    %jit3A = arith.constant 4.096000e+03 : f32
    %broadcast_in_dim3A_34 = vector.broadcast %jit3A : f32 to vector<256x4096xf32>
    %select_n3A = arith.select %eq3A_33, %convert_element_type3A, %broadcast_in_dim3A_34 : vector<256x4096xi1>, vector<256x4096xf32>
    %reduce_min3A_35 = arith.constant dense<0x7F800000> : vector<256xf32>
    %reduce_min3A_36 = vector.multi_reduction <minimumf>, %select_n3A, %reduce_min3A_35 [1] : vector<256x4096xf32> to vector<256xf32>
    %broadcast_in_dim3A_37 = vector.shape_cast %reduce_min3A_36 : vector<256xf32> to vector<256x1xf32>
    %convert_element_type3A_38 = arith.fptosi %broadcast_in_dim3A_37 : vector<256x1xf32> to vector<256x1xi32>
    %max3A = arith.constant 0.000000e+00 : f32
    %max3A_39 = vector.broadcast %max3A : f32 to vector<256x1xf32>
    %max3A_40 = arith.maximumf %broadcast_in_dim3A, %max3A_39 : vector<256x1xf32>
    %sqrt3A = math.sqrt %max3A_40 : vector<256x1xf32>
    %jit3A_41 = arith.constant 0x7F800000 : f32
    %broadcast_in_dim3A_42 = vector.broadcast %jit3A_41 : f32 to vector<256x4096xf32>
    %select_n3A_43 = arith.select %eq3A_33, %broadcast_in_dim3A_42, %add3A_31 : vector<256x4096xi1>, vector<256x4096xf32>
    %reduce_min3A_44 = arith.constant dense<0x7F800000> : vector<256xf32>
    %reduce_min3A_45 = vector.multi_reduction <minimumf>, %select_n3A_43, %reduce_min3A_44 [1] : vector<256x4096xf32> to vector<256xf32>
    %broadcast_in_dim3A_46 = vector.shape_cast %reduce_min3A_45 : vector<256xf32> to vector<256x1xf32>
    %eq3A_47 = vector.broadcast %broadcast_in_dim3A_46 : vector<256x1xf32> to vector<256x4096xf32>
    %eq3A_48 = arith.cmpf oeq, %select_n3A_43, %eq3A_47 : vector<256x4096xf32>
    %jit3A_49 = arith.constant 4.096000e+03 : f32
    %broadcast_in_dim3A_50 = vector.broadcast %jit3A_49 : f32 to vector<256x4096xf32>
    %select_n3A_51 = arith.select %eq3A_48, %convert_element_type3A, %broadcast_in_dim3A_50 : vector<256x4096xi1>, vector<256x4096xf32>
    %reduce_min3A_52 = arith.constant dense<0x7F800000> : vector<256xf32>
    %reduce_min3A_53 = vector.multi_reduction <minimumf>, %select_n3A_51, %reduce_min3A_52 [1] : vector<256x4096xf32> to vector<256xf32>
    %broadcast_in_dim3A_54 = vector.shape_cast %reduce_min3A_53 : vector<256xf32> to vector<256x1xf32>
    %convert_element_type3A_55 = arith.fptosi %broadcast_in_dim3A_54 : vector<256x1xf32> to vector<256x1xi32>
    %max3A_56 = arith.constant 0.000000e+00 : f32
    %max3A_57 = vector.broadcast %max3A_56 : f32 to vector<256x1xf32>
    %max3A_58 = arith.maximumf %broadcast_in_dim3A_46, %max3A_57 : vector<256x1xf32>
    %sqrt3A_59 = math.sqrt %max3A_58 : vector<256x1xf32>
    %jit3A_60 = arith.constant 0x7F800000 : f32
    %broadcast_in_dim3A_61 = vector.broadcast %jit3A_60 : f32 to vector<256x4096xf32>
    %select_n3A_62 = arith.select %eq3A_48, %broadcast_in_dim3A_61, %select_n3A_43 : vector<256x4096xi1>, vector<256x4096xf32>
    %reduce_min3A_63 = arith.constant dense<0x7F800000> : vector<256xf32>
    %reduce_min3A_64 = vector.multi_reduction <minimumf>, %select_n3A_62, %reduce_min3A_63 [1] : vector<256x4096xf32> to vector<256xf32>
    %broadcast_in_dim3A_65 = vector.shape_cast %reduce_min3A_64 : vector<256xf32> to vector<256x1xf32>
    %eq3A_66 = vector.broadcast %broadcast_in_dim3A_65 : vector<256x1xf32> to vector<256x4096xf32>
    %eq3A_67 = arith.cmpf oeq, %select_n3A_62, %eq3A_66 : vector<256x4096xf32>
    %jit3A_68 = arith.constant 4.096000e+03 : f32
    %broadcast_in_dim3A_69 = vector.broadcast %jit3A_68 : f32 to vector<256x4096xf32>
    %select_n3A_70 = arith.select %eq3A_67, %convert_element_type3A, %broadcast_in_dim3A_69 : vector<256x4096xi1>, vector<256x4096xf32>
    %reduce_min3A_71 = arith.constant dense<0x7F800000> : vector<256xf32>
    %reduce_min3A_72 = vector.multi_reduction <minimumf>, %select_n3A_70, %reduce_min3A_71 [1] : vector<256x4096xf32> to vector<256xf32>
    %broadcast_in_dim3A_73 = vector.shape_cast %reduce_min3A_72 : vector<256xf32> to vector<256x1xf32>
    %convert_element_type3A_74 = arith.fptosi %broadcast_in_dim3A_73 : vector<256x1xf32> to vector<256x1xi32>
    %max3A_75 = arith.constant 0.000000e+00 : f32
    %max3A_76 = vector.broadcast %max3A_75 : f32 to vector<256x1xf32>
    %max3A_77 = arith.maximumf %broadcast_in_dim3A_65, %max3A_76 : vector<256x1xf32>
    %sqrt3A_78 = math.sqrt %max3A_77 : vector<256x1xf32>
    %jit3A_79 = arith.constant 0x7F800000 : f32
    %broadcast_in_dim3A_80 = vector.broadcast %jit3A_79 : f32 to vector<256x4096xf32>
    %select_n3A_81 = arith.select %eq3A_67, %broadcast_in_dim3A_80, %select_n3A_62 : vector<256x4096xi1>, vector<256x4096xf32>
    %reduce_min3A_82 = arith.constant dense<0x7F800000> : vector<256xf32>
    %reduce_min3A_83 = vector.multi_reduction <minimumf>, %select_n3A_81, %reduce_min3A_82 [1] : vector<256x4096xf32> to vector<256xf32>
    %broadcast_in_dim3A_84 = vector.shape_cast %reduce_min3A_83 : vector<256xf32> to vector<256x1xf32>
    %eq3A_85 = vector.broadcast %broadcast_in_dim3A_84 : vector<256x1xf32> to vector<256x4096xf32>
    %eq3A_86 = arith.cmpf oeq, %select_n3A_81, %eq3A_85 : vector<256x4096xf32>
    %jit3A_87 = arith.constant 4.096000e+03 : f32
    %broadcast_in_dim3A_88 = vector.broadcast %jit3A_87 : f32 to vector<256x4096xf32>
    %select_n3A_89 = arith.select %eq3A_86, %convert_element_type3A, %broadcast_in_dim3A_88 : vector<256x4096xi1>, vector<256x4096xf32>
    %reduce_min3A_90 = arith.constant dense<0x7F800000> : vector<256xf32>
    %reduce_min3A_91 = vector.multi_reduction <minimumf>, %select_n3A_89, %reduce_min3A_90 [1] : vector<256x4096xf32> to vector<256xf32>
    %broadcast_in_dim3A_92 = vector.shape_cast %reduce_min3A_91 : vector<256xf32> to vector<256x1xf32>
    %convert_element_type3A_93 = arith.fptosi %broadcast_in_dim3A_92 : vector<256x1xf32> to vector<256x1xi32>
    %max3A_94 = arith.constant 0.000000e+00 : f32
    %max3A_95 = vector.broadcast %max3A_94 : f32 to vector<256x1xf32>
    %max3A_96 = arith.maximumf %broadcast_in_dim3A_84, %max3A_95 : vector<256x1xf32>
    %sqrt3A_97 = math.sqrt %max3A_96 : vector<256x1xf32>
    %jit3A_98 = arith.constant 0x7F800000 : f32
    %broadcast_in_dim3A_99 = vector.broadcast %jit3A_98 : f32 to vector<256x4096xf32>
    %select_n3A_100 = arith.select %eq3A_86, %broadcast_in_dim3A_99, %select_n3A_81 : vector<256x4096xi1>, vector<256x4096xf32>
    %reduce_min3A_101 = arith.constant dense<0x7F800000> : vector<256xf32>
    %reduce_min3A_102 = vector.multi_reduction <minimumf>, %select_n3A_100, %reduce_min3A_101 [1] : vector<256x4096xf32> to vector<256xf32>
    %broadcast_in_dim3A_103 = vector.shape_cast %reduce_min3A_102 : vector<256xf32> to vector<256x1xf32>
    %eq3A_104 = vector.broadcast %broadcast_in_dim3A_103 : vector<256x1xf32> to vector<256x4096xf32>
    %eq3A_105 = arith.cmpf oeq, %select_n3A_100, %eq3A_104 : vector<256x4096xf32>
    %jit3A_106 = arith.constant 4.096000e+03 : f32
    %broadcast_in_dim3A_107 = vector.broadcast %jit3A_106 : f32 to vector<256x4096xf32>
    %select_n3A_108 = arith.select %eq3A_105, %convert_element_type3A, %broadcast_in_dim3A_107 : vector<256x4096xi1>, vector<256x4096xf32>
    %reduce_min3A_109 = arith.constant dense<0x7F800000> : vector<256xf32>
    %reduce_min3A_110 = vector.multi_reduction <minimumf>, %select_n3A_108, %reduce_min3A_109 [1] : vector<256x4096xf32> to vector<256xf32>
    %broadcast_in_dim3A_111 = vector.shape_cast %reduce_min3A_110 : vector<256xf32> to vector<256x1xf32>
    %convert_element_type3A_112 = arith.fptosi %broadcast_in_dim3A_111 : vector<256x1xf32> to vector<256x1xi32>
    %max3A_113 = arith.constant 0.000000e+00 : f32
    %max3A_114 = vector.broadcast %max3A_113 : f32 to vector<256x1xf32>
    %max3A_115 = arith.maximumf %broadcast_in_dim3A_103, %max3A_114 : vector<256x1xf32>
    %sqrt3A_116 = math.sqrt %max3A_115 : vector<256x1xf32>
    %jit3A_117 = arith.constant 0x7F800000 : f32
    %broadcast_in_dim3A_118 = vector.broadcast %jit3A_117 : f32 to vector<256x4096xf32>
    %select_n3A_119 = arith.select %eq3A_105, %broadcast_in_dim3A_118, %select_n3A_100 : vector<256x4096xi1>, vector<256x4096xf32>
    %reduce_min3A_120 = arith.constant dense<0x7F800000> : vector<256xf32>
    %reduce_min3A_121 = vector.multi_reduction <minimumf>, %select_n3A_119, %reduce_min3A_120 [1] : vector<256x4096xf32> to vector<256xf32>
    %broadcast_in_dim3A_122 = vector.shape_cast %reduce_min3A_121 : vector<256xf32> to vector<256x1xf32>
    %eq3A_123 = vector.broadcast %broadcast_in_dim3A_122 : vector<256x1xf32> to vector<256x4096xf32>
    %eq3A_124 = arith.cmpf oeq, %select_n3A_119, %eq3A_123 : vector<256x4096xf32>
    %jit3A_125 = arith.constant 4.096000e+03 : f32
    %broadcast_in_dim3A_126 = vector.broadcast %jit3A_125 : f32 to vector<256x4096xf32>
    %select_n3A_127 = arith.select %eq3A_124, %convert_element_type3A, %broadcast_in_dim3A_126 : vector<256x4096xi1>, vector<256x4096xf32>
    %reduce_min3A_128 = arith.constant dense<0x7F800000> : vector<256xf32>
    %reduce_min3A_129 = vector.multi_reduction <minimumf>, %select_n3A_127, %reduce_min3A_128 [1] : vector<256x4096xf32> to vector<256xf32>
    %broadcast_in_dim3A_130 = vector.shape_cast %reduce_min3A_129 : vector<256xf32> to vector<256x1xf32>
    %convert_element_type3A_131 = arith.fptosi %broadcast_in_dim3A_130 : vector<256x1xf32> to vector<256x1xi32>
    %max3A_132 = arith.constant 0.000000e+00 : f32
    %max3A_133 = vector.broadcast %max3A_132 : f32 to vector<256x1xf32>
    %max3A_134 = arith.maximumf %broadcast_in_dim3A_122, %max3A_133 : vector<256x1xf32>
    %sqrt3A_135 = math.sqrt %max3A_134 : vector<256x1xf32>
    %jit3A_136 = arith.constant 0x7F800000 : f32
    %broadcast_in_dim3A_137 = vector.broadcast %jit3A_136 : f32 to vector<256x4096xf32>
    %select_n3A_138 = arith.select %eq3A_124, %broadcast_in_dim3A_137, %select_n3A_119 : vector<256x4096xi1>, vector<256x4096xf32>
    %reduce_min3A_139 = arith.constant dense<0x7F800000> : vector<256xf32>
    %reduce_min3A_140 = vector.multi_reduction <minimumf>, %select_n3A_138, %reduce_min3A_139 [1] : vector<256x4096xf32> to vector<256xf32>
    %broadcast_in_dim3A_141 = vector.shape_cast %reduce_min3A_140 : vector<256xf32> to vector<256x1xf32>
    %eq3A_142 = vector.broadcast %broadcast_in_dim3A_141 : vector<256x1xf32> to vector<256x4096xf32>
    %eq3A_143 = arith.cmpf oeq, %select_n3A_138, %eq3A_142 : vector<256x4096xf32>
    %jit3A_144 = arith.constant 4.096000e+03 : f32
    %broadcast_in_dim3A_145 = vector.broadcast %jit3A_144 : f32 to vector<256x4096xf32>
    %select_n3A_146 = arith.select %eq3A_143, %convert_element_type3A, %broadcast_in_dim3A_145 : vector<256x4096xi1>, vector<256x4096xf32>
    %reduce_min3A_147 = arith.constant dense<0x7F800000> : vector<256xf32>
    %reduce_min3A_148 = vector.multi_reduction <minimumf>, %select_n3A_146, %reduce_min3A_147 [1] : vector<256x4096xf32> to vector<256xf32>
    %broadcast_in_dim3A_149 = vector.shape_cast %reduce_min3A_148 : vector<256xf32> to vector<256x1xf32>
    %convert_element_type3A_150 = arith.fptosi %broadcast_in_dim3A_149 : vector<256x1xf32> to vector<256x1xi32>
    %max3A_151 = arith.constant 0.000000e+00 : f32
    %max3A_152 = vector.broadcast %max3A_151 : f32 to vector<256x1xf32>
    %max3A_153 = arith.maximumf %broadcast_in_dim3A_141, %max3A_152 : vector<256x1xf32>
    %sqrt3A_154 = math.sqrt %max3A_153 : vector<256x1xf32>
    %jit3A_155 = arith.constant 0x7F800000 : f32
    %broadcast_in_dim3A_156 = vector.broadcast %jit3A_155 : f32 to vector<256x4096xf32>
    %select_n3A_157 = arith.select %eq3A_143, %broadcast_in_dim3A_156, %select_n3A_138 : vector<256x4096xi1>, vector<256x4096xf32>
    %reduce_min3A_158 = arith.constant dense<0x7F800000> : vector<256xf32>
    %reduce_min3A_159 = vector.multi_reduction <minimumf>, %select_n3A_157, %reduce_min3A_158 [1] : vector<256x4096xf32> to vector<256xf32>
    %broadcast_in_dim3A_160 = vector.shape_cast %reduce_min3A_159 : vector<256xf32> to vector<256x1xf32>
    %eq3A_161 = vector.broadcast %broadcast_in_dim3A_160 : vector<256x1xf32> to vector<256x4096xf32>
    %eq3A_162 = arith.cmpf oeq, %select_n3A_157, %eq3A_161 : vector<256x4096xf32>
    %jit3A_163 = arith.constant 4.096000e+03 : f32
    %broadcast_in_dim3A_164 = vector.broadcast %jit3A_163 : f32 to vector<256x4096xf32>
    %select_n3A_165 = arith.select %eq3A_162, %convert_element_type3A, %broadcast_in_dim3A_164 : vector<256x4096xi1>, vector<256x4096xf32>
    %reduce_min3A_166 = arith.constant dense<0x7F800000> : vector<256xf32>
    %reduce_min3A_167 = vector.multi_reduction <minimumf>, %select_n3A_165, %reduce_min3A_166 [1] : vector<256x4096xf32> to vector<256xf32>
    %broadcast_in_dim3A_168 = vector.shape_cast %reduce_min3A_167 : vector<256xf32> to vector<256x1xf32>
    %convert_element_type3A_169 = arith.fptosi %broadcast_in_dim3A_168 : vector<256x1xf32> to vector<256x1xi32>
    %max3A_170 = arith.constant 0.000000e+00 : f32
    %max3A_171 = vector.broadcast %max3A_170 : f32 to vector<256x1xf32>
    %max3A_172 = arith.maximumf %broadcast_in_dim3A_160, %max3A_171 : vector<256x1xf32>
    %sqrt3A_173 = math.sqrt %max3A_172 : vector<256x1xf32>
    %jit3A_174 = arith.constant 0x7F800000 : f32
    %broadcast_in_dim3A_175 = vector.broadcast %jit3A_174 : f32 to vector<256x4096xf32>
    %select_n3A_176 = arith.select %eq3A_162, %broadcast_in_dim3A_175, %select_n3A_157 : vector<256x4096xi1>, vector<256x4096xf32>
    %reduce_min3A_177 = arith.constant dense<0x7F800000> : vector<256xf32>
    %reduce_min3A_178 = vector.multi_reduction <minimumf>, %select_n3A_176, %reduce_min3A_177 [1] : vector<256x4096xf32> to vector<256xf32>
    %broadcast_in_dim3A_179 = vector.shape_cast %reduce_min3A_178 : vector<256xf32> to vector<256x1xf32>
    %eq3A_180 = vector.broadcast %broadcast_in_dim3A_179 : vector<256x1xf32> to vector<256x4096xf32>
    %eq3A_181 = arith.cmpf oeq, %select_n3A_176, %eq3A_180 : vector<256x4096xf32>
    %jit3A_182 = arith.constant 4.096000e+03 : f32
    %broadcast_in_dim3A_183 = vector.broadcast %jit3A_182 : f32 to vector<256x4096xf32>
    %select_n3A_184 = arith.select %eq3A_181, %convert_element_type3A, %broadcast_in_dim3A_183 : vector<256x4096xi1>, vector<256x4096xf32>
    %reduce_min3A_185 = arith.constant dense<0x7F800000> : vector<256xf32>
    %reduce_min3A_186 = vector.multi_reduction <minimumf>, %select_n3A_184, %reduce_min3A_185 [1] : vector<256x4096xf32> to vector<256xf32>
    %broadcast_in_dim3A_187 = vector.shape_cast %reduce_min3A_186 : vector<256xf32> to vector<256x1xf32>
    %convert_element_type3A_188 = arith.fptosi %broadcast_in_dim3A_187 : vector<256x1xf32> to vector<256x1xi32>
    %max3A_189 = arith.constant 0.000000e+00 : f32
    %max3A_190 = vector.broadcast %max3A_189 : f32 to vector<256x1xf32>
    %max3A_191 = arith.maximumf %broadcast_in_dim3A_179, %max3A_190 : vector<256x1xf32>
    %sqrt3A_192 = math.sqrt %max3A_191 : vector<256x1xf32>
    %jit3A_193 = arith.constant 0x7F800000 : f32
    %broadcast_in_dim3A_194 = vector.broadcast %jit3A_193 : f32 to vector<256x4096xf32>
    %select_n3A_195 = arith.select %eq3A_181, %broadcast_in_dim3A_194, %select_n3A_176 : vector<256x4096xi1>, vector<256x4096xf32>
    %reduce_min3A_196 = arith.constant dense<0x7F800000> : vector<256xf32>
    %reduce_min3A_197 = vector.multi_reduction <minimumf>, %select_n3A_195, %reduce_min3A_196 [1] : vector<256x4096xf32> to vector<256xf32>
    %broadcast_in_dim3A_198 = vector.shape_cast %reduce_min3A_197 : vector<256xf32> to vector<256x1xf32>
    %eq3A_199 = vector.broadcast %broadcast_in_dim3A_198 : vector<256x1xf32> to vector<256x4096xf32>
    %eq3A_200 = arith.cmpf oeq, %select_n3A_195, %eq3A_199 : vector<256x4096xf32>
    %jit3A_201 = arith.constant 4.096000e+03 : f32
    %broadcast_in_dim3A_202 = vector.broadcast %jit3A_201 : f32 to vector<256x4096xf32>
    %select_n3A_203 = arith.select %eq3A_200, %convert_element_type3A, %broadcast_in_dim3A_202 : vector<256x4096xi1>, vector<256x4096xf32>
    %reduce_min3A_204 = arith.constant dense<0x7F800000> : vector<256xf32>
    %reduce_min3A_205 = vector.multi_reduction <minimumf>, %select_n3A_203, %reduce_min3A_204 [1] : vector<256x4096xf32> to vector<256xf32>
    %broadcast_in_dim3A_206 = vector.shape_cast %reduce_min3A_205 : vector<256xf32> to vector<256x1xf32>
    %convert_element_type3A_207 = arith.fptosi %broadcast_in_dim3A_206 : vector<256x1xf32> to vector<256x1xi32>
    %max3A_208 = arith.constant 0.000000e+00 : f32
    %max3A_209 = vector.broadcast %max3A_208 : f32 to vector<256x1xf32>
    %max3A_210 = arith.maximumf %broadcast_in_dim3A_198, %max3A_209 : vector<256x1xf32>
    %sqrt3A_211 = math.sqrt %max3A_210 : vector<256x1xf32>
    %concatenate3A = tpu.concatenate %convert_element_type3A_38, %convert_element_type3A_55, %convert_element_type3A_74, %convert_element_type3A_93, %convert_element_type3A_112, %convert_element_type3A_131, %convert_element_type3A_150, %convert_element_type3A_169, %convert_element_type3A_188, %convert_element_type3A_207 in 1 : vector<256x1xi32>, vector<256x1xi32>, vector<256x1xi32>, vector<256x1xi32>, vector<256x1xi32>, vector<256x1xi32>, vector<256x1xi32>, vector<256x1xi32>, vector<256x1xi32>, vector<256x1xi32> -> vector<256x10xi32>
    %swap3A = arith.constant 0 : index
    %swap3A_212 = arith.constant 0 : index
    %swap3A_213 = arith.constant 0 : index
    %swap3A_214 = vector.load %arg4[%swap3A, %swap3A_212, %swap3A_213] : memref<1x256x10xi32, #tpu.memory_space<vmem>>, vector<1x256x10xi32>
    %swap3A_215 = vector.shape_cast %swap3A_214 : vector<1x256x10xi32> to vector<256x10xi32>
    %swap3A_216 = vector.shape_cast %concatenate3A : vector<256x10xi32> to vector<1x256x10xi32>
    tpu.vector_store %arg4[%swap3A, %swap3A_212, %swap3A_213], %swap3A_216 {strides = array<i32>} : memref<1x256x10xi32, #tpu.memory_space<vmem>>, vector<1x256x10xi32>,
    %concatenate3A_217 = tpu.concatenate %sqrt3A, %sqrt3A_59, %sqrt3A_78, %sqrt3A_97, %sqrt3A_116, %sqrt3A_135, %sqrt3A_154, %sqrt3A_173, %sqrt3A_192, %sqrt3A_211 in 1 : vector<256x1xf32>, vector<256x1xf32>, vector<256x1xf32>, vector<256x1xf32>, vector<256x1xf32>, vector<256x1xf32>, vector<256x1xf32>, vector<256x1xf32>, vector<256x1xf32>, vector<256x1xf32> -> vector<256x10xf32>
    %swap3A_218 = arith.constant 0 : index
    %swap3A_219 = arith.constant 0 : index
    %swap3A_220 = arith.constant 0 : index
    %swap3A_221 = vector.load %arg5[%swap3A_218, %swap3A_219, %swap3A_220] : memref<1x256x10xf32, #tpu.memory_space<vmem>>, vector<1x256x10xf32>
    %swap3A_222 = vector.shape_cast %swap3A_221 : vector<1x256x10xf32> to vector<256x10xf32>
    %swap3A_223 = vector.shape_cast %concatenate3A_217 : vector<256x10xf32> to vector<1x256x10xf32>
    tpu.vector_store %arg5[%swap3A_218, %swap3A_219, %swap3A_220], %swap3A_223 {strides = array<i32>} : memref<1x256x10xf32, #tpu.memory_space<vmem>>, vector<1x256x10xf32>,
    return
  }
  func.func @transform_0(%arg0: i32, %arg1: i32) -> (i32, i32, i32) {
    %c0_i32 = arith.constant 0 : i32
    %c0_i32_0 = arith.constant 0 : i32
    return %arg0, %arg1, %c0_i32 : i32, i32, i32
  }
  func.func @transform_1(%arg0: i32, %arg1: i32) -> (i32, i32, i32) {
    %c0_i32 = arith.constant 0 : i32
    %c0_i32_0 = arith.constant 0 : i32
    %c0_i32_1 = arith.constant 0 : i32
    return %arg0, %c0_i32, %c0_i32_0 : i32, i32, i32
  }
  func.func @transform_2(%arg0: i32, %arg1: i32) -> (i32, i32, i32) {
    %c0_i32 = arith.constant 0 : i32
    %c0_i32_0 = arith.constant 0 : i32
    return %arg0, %arg1, %c0_i32 : i32, i32, i32
  }
  func.func @transform_3(%arg0: i32, %arg1: i32) -> (i32, i32, i32) {
    %c0_i32 = arith.constant 0 : i32
    %c0_i32_0 = arith.constant 0 : i32
    return %arg0, %arg1, %c0_i32 : i32, i32, i32
  }
}

module attributes {stable_mosaic.version = 14 : i64} {
  func.func @_mlp_body(%arg0: i32, %arg1: memref<1024x16xf32, #tpu.memory_space<vmem>>, %arg2: memref<16x256xf32, #tpu.memory_space<vmem>>, %arg3: memref<1x256xf32, #tpu.memory_space<vmem>>, %arg4: memref<256x128xf32, #tpu.memory_space<vmem>>, %arg5: memref<1x128xf32, #tpu.memory_space<vmem>>, %arg6: memref<128x64xf32, #tpu.memory_space<vmem>>, %arg7: memref<1x64xf32, #tpu.memory_space<vmem>>, %arg8: memref<1x64xf32, #tpu.memory_space<vmem>>, %arg9: memref<1x64xf32, #tpu.memory_space<vmem>>, %arg10: memref<1024x64xf32, #tpu.memory_space<vmem>>) attributes {dimension_semantics = [#tpu.dimension_semantics<arbitrary>], iteration_bounds = array<i64: 24>, scalar_prefetch = 0 : i64, scratch_operands = 0 : i64, tpu.core_type = #tpu.core_type<tc>, window_params = [{transform_indices = @transform_0, window_bounds = array<i64: 1024, 16>}, {pipeline_mode = #tpu.pipeline_mode<synchronous>, transform_indices = @transform_1, window_bounds = array<i64: 16, 256>}, {pipeline_mode = #tpu.pipeline_mode<synchronous>, transform_indices = @transform_2, window_bounds = array<i64: 1, 256>}, {pipeline_mode = #tpu.pipeline_mode<synchronous>, transform_indices = @transform_3, window_bounds = array<i64: 256, 128>}, {pipeline_mode = #tpu.pipeline_mode<synchronous>, transform_indices = @transform_4, window_bounds = array<i64: 1, 128>}, {pipeline_mode = #tpu.pipeline_mode<synchronous>, transform_indices = @transform_5, window_bounds = array<i64: 128, 64>}, {pipeline_mode = #tpu.pipeline_mode<synchronous>, transform_indices = @transform_6, window_bounds = array<i64: 1, 64>}, {pipeline_mode = #tpu.pipeline_mode<synchronous>, transform_indices = @transform_7, window_bounds = array<i64: 1, 64>}, {pipeline_mode = #tpu.pipeline_mode<synchronous>, transform_indices = @transform_8, window_bounds = array<i64: 1, 64>}, {transform_indices = @transform_9, window_bounds = array<i64: 1024, 64>}]} {
    %get3A = arith.constant 0 : index
    %get3A_0 = arith.constant 0 : index
    %get3A_1 = vector.load %arg1[%get3A, %get3A_0] : memref<1024x16xf32, #tpu.memory_space<vmem>>, vector<1024x16xf32>
    %get3A_2 = arith.constant 0 : index
    %get3A_3 = arith.constant 0 : index
    %get3A_4 = vector.load %arg2[%get3A_2, %get3A_3] : memref<16x256xf32, #tpu.memory_space<vmem>>, vector<16x256xf32>
    %dot_general3A = arith.constant dense<0.000000e+00> : vector<1024x256xf32>
    %dot_general3A_5 = tpu.matmul %get3A_1, %get3A_4, %dot_general3A {dimension_numbers = #tpu.dot_dimension_numbers<[1], [0], [0], [1], [0, 0, 1, 1], [], []>, transpose_lhs_hint = false} : vector<1024x16xf32>, vector<16x256xf32>, vector<1024x256xf32> -> vector<1024x256xf32>
    %get3A_6 = arith.constant 0 : index
    %get3A_7 = arith.constant 0 : index
    %get3A_8 = vector.load %arg3[%get3A_6, %get3A_7] : memref<1x256xf32, #tpu.memory_space<vmem>>, vector<1x256xf32>
    %add3A = vector.broadcast %get3A_8 : vector<1x256xf32> to vector<1024x256xf32>
    %add3A_9 = arith.addf %dot_general3A_5, %add3A : vector<1024x256xf32>
    %integer_pow3A = arith.mulf %add3A_9, %add3A_9 : vector<1024x256xf32>
    %integer_pow3A_10 = arith.mulf %add3A_9, %integer_pow3A : vector<1024x256xf32>
    %mul3A = arith.constant 4.471500e-02 : f32
    %mul3A_11 = vector.broadcast %mul3A : f32 to vector<1024x256xf32>
    %mul3A_12 = arith.mulf %mul3A_11, %integer_pow3A_10 : vector<1024x256xf32>
    %add3A_13 = arith.addf %add3A_9, %mul3A_12 : vector<1024x256xf32>
    %mul3A_14 = arith.constant 0.797884583 : f32
    %mul3A_15 = vector.broadcast %mul3A_14 : f32 to vector<1024x256xf32>
    %mul3A_16 = arith.mulf %mul3A_15, %add3A_13 : vector<1024x256xf32>
    %tanh3A = math.tanh %mul3A_16 : vector<1024x256xf32>
    %add3A_17 = arith.constant 1.000000e+00 : f32
    %add3A_18 = vector.broadcast %add3A_17 : f32 to vector<1024x256xf32>
    %add3A_19 = arith.addf %add3A_18, %tanh3A : vector<1024x256xf32>
    %mul3A_20 = arith.constant 5.000000e-01 : f32
    %mul3A_21 = vector.broadcast %mul3A_20 : f32 to vector<1024x256xf32>
    %mul3A_22 = arith.mulf %mul3A_21, %add3A_19 : vector<1024x256xf32>
    %mul3A_23 = arith.mulf %add3A_9, %mul3A_22 : vector<1024x256xf32>
    %get3A_24 = arith.constant 0 : index
    %get3A_25 = arith.constant 0 : index
    %get3A_26 = vector.load %arg4[%get3A_24, %get3A_25] : memref<256x128xf32, #tpu.memory_space<vmem>>, vector<256x128xf32>
    %dot_general3A_27 = arith.constant dense<0.000000e+00> : vector<1024x128xf32>
    %dot_general3A_28 = tpu.matmul %mul3A_23, %get3A_26, %dot_general3A_27 {dimension_numbers = #tpu.dot_dimension_numbers<[1], [0], [0], [1], [0, 0, 1, 1], [], []>, transpose_lhs_hint = false} : vector<1024x256xf32>, vector<256x128xf32>, vector<1024x128xf32> -> vector<1024x128xf32>
    %get3A_29 = arith.constant 0 : index
    %get3A_30 = arith.constant 0 : index
    %get3A_31 = vector.load %arg5[%get3A_29, %get3A_30] : memref<1x128xf32, #tpu.memory_space<vmem>>, vector<1x128xf32>
    %add3A_32 = vector.broadcast %get3A_31 : vector<1x128xf32> to vector<1024x128xf32>
    %add3A_33 = arith.addf %dot_general3A_28, %add3A_32 : vector<1024x128xf32>
    %integer_pow3A_34 = arith.mulf %add3A_33, %add3A_33 : vector<1024x128xf32>
    %integer_pow3A_35 = arith.mulf %add3A_33, %integer_pow3A_34 : vector<1024x128xf32>
    %mul3A_36 = arith.constant 4.471500e-02 : f32
    %mul3A_37 = vector.broadcast %mul3A_36 : f32 to vector<1024x128xf32>
    %mul3A_38 = arith.mulf %mul3A_37, %integer_pow3A_35 : vector<1024x128xf32>
    %add3A_39 = arith.addf %add3A_33, %mul3A_38 : vector<1024x128xf32>
    %mul3A_40 = arith.constant 0.797884583 : f32
    %mul3A_41 = vector.broadcast %mul3A_40 : f32 to vector<1024x128xf32>
    %mul3A_42 = arith.mulf %mul3A_41, %add3A_39 : vector<1024x128xf32>
    %tanh3A_43 = math.tanh %mul3A_42 : vector<1024x128xf32>
    %add3A_44 = arith.constant 1.000000e+00 : f32
    %add3A_45 = vector.broadcast %add3A_44 : f32 to vector<1024x128xf32>
    %add3A_46 = arith.addf %add3A_45, %tanh3A_43 : vector<1024x128xf32>
    %mul3A_47 = arith.constant 5.000000e-01 : f32
    %mul3A_48 = vector.broadcast %mul3A_47 : f32 to vector<1024x128xf32>
    %mul3A_49 = arith.mulf %mul3A_48, %add3A_46 : vector<1024x128xf32>
    %mul3A_50 = arith.mulf %add3A_33, %mul3A_49 : vector<1024x128xf32>
    %get3A_51 = arith.constant 0 : index
    %get3A_52 = arith.constant 0 : index
    %get3A_53 = vector.load %arg6[%get3A_51, %get3A_52] : memref<128x64xf32, #tpu.memory_space<vmem>>, vector<128x64xf32>
    %dot_general3A_54 = arith.constant dense<0.000000e+00> : vector<1024x64xf32>
    %dot_general3A_55 = tpu.matmul %mul3A_50, %get3A_53, %dot_general3A_54 {dimension_numbers = #tpu.dot_dimension_numbers<[1], [0], [0], [1], [0, 0, 1, 1], [], []>, transpose_lhs_hint = false} : vector<1024x128xf32>, vector<128x64xf32>, vector<1024x64xf32> -> vector<1024x64xf32>
    %get3A_56 = arith.constant 0 : index
    %get3A_57 = arith.constant 0 : index
    %get3A_58 = vector.load %arg7[%get3A_56, %get3A_57] : memref<1x64xf32, #tpu.memory_space<vmem>>, vector<1x64xf32>
    %add3A_59 = vector.broadcast %get3A_58 : vector<1x64xf32> to vector<1024x64xf32>
    %add3A_60 = arith.addf %dot_general3A_55, %add3A_59 : vector<1024x64xf32>
    %reduce_sum3A = arith.constant dense<0.000000e+00> : vector<1024xf32>
    %reduce_sum3A_61 = vector.multi_reduction <add>, %add3A_60, %reduce_sum3A [1] : vector<1024x64xf32> to vector<1024xf32>
    %broadcast_in_dim3A = vector.shape_cast %reduce_sum3A_61 : vector<1024xf32> to vector<1024x1xf32>
    %div3A = arith.constant 6.400000e+01 : f32
    %div3A_62 = vector.broadcast %div3A : f32 to vector<1024x1xf32>
    %div3A_63 = arith.divf %broadcast_in_dim3A, %div3A_62 : vector<1024x1xf32>
    %jit3A = arith.constant 0 : i32
    %reduce_sum3A_64 = arith.constant dense<0.000000e+00> : vector<1024xf32>
    %reduce_sum3A_65 = vector.multi_reduction <add>, %add3A_60, %reduce_sum3A_64 [1] : vector<1024x64xf32> to vector<1024xf32>
    %broadcast_in_dim3A_66 = vector.shape_cast %reduce_sum3A_65 : vector<1024xf32> to vector<1024x1xf32>
    %div3A_67 = arith.constant 6.400000e+01 : f32
    %div3A_68 = vector.broadcast %div3A_67 : f32 to vector<1024x1xf32>
    %div3A_69 = arith.divf %broadcast_in_dim3A_66, %div3A_68 : vector<1024x1xf32>
    %sub3A = vector.broadcast %div3A_69 : vector<1024x1xf32> to vector<1024x64xf32>
    %sub3A_70 = arith.subf %add3A_60, %sub3A : vector<1024x64xf32>
    %square3A = arith.mulf %sub3A_70, %sub3A_70 : vector<1024x64xf32>
    %convert_element_type3A = arith.sitofp %jit3A : i32 to f32
    %sub3A_71 = arith.constant 6.400000e+01 : f32
    %sub3A_72 = arith.subf %sub3A_71, %convert_element_type3A : f32
    %reduce_sum3A_73 = arith.constant dense<0.000000e+00> : vector<1024xf32>
    %reduce_sum3A_74 = vector.multi_reduction <add>, %square3A, %reduce_sum3A_73 [1] : vector<1024x64xf32> to vector<1024xf32>
    %broadcast_in_dim3A_75 = vector.shape_cast %reduce_sum3A_74 : vector<1024xf32> to vector<1024x1xf32>
    %div3A_76 = vector.broadcast %sub3A_72 : f32 to vector<1024x1xf32>
    %div3A_77 = arith.divf %broadcast_in_dim3A_75, %div3A_76 : vector<1024x1xf32>
    %gt3A = arith.constant 0.000000e+00 : f32
    %gt3A_78 = arith.cmpf ogt, %sub3A_72, %gt3A : f32
    %jit3A_79 = arith.constant 0x7FC00000 : f32
    %broadcast_in_dim3A_80 = vector.broadcast %jit3A_79 : f32 to vector<1024x1xf32>
    %select_n3A = arith.select %gt3A_78, %div3A_77, %broadcast_in_dim3A_80 : vector<1024x1xf32>
    %sub3A_81 = vector.broadcast %div3A_63 : vector<1024x1xf32> to vector<1024x64xf32>
    %sub3A_82 = arith.subf %add3A_60, %sub3A_81 : vector<1024x64xf32>
    %add3A_83 = arith.constant 9.99999997E-7 : f32
    %add3A_84 = vector.broadcast %add3A_83 : f32 to vector<1024x1xf32>
    %add3A_85 = arith.addf %select_n3A, %add3A_84 : vector<1024x1xf32>
    %sqrt3A = math.sqrt %add3A_85 : vector<1024x1xf32>
    %div3A_86 = vector.broadcast %sqrt3A : vector<1024x1xf32> to vector<1024x64xf32>
    %div3A_87 = arith.divf %sub3A_82, %div3A_86 : vector<1024x64xf32>
    %get3A_88 = arith.constant 0 : index
    %get3A_89 = arith.constant 0 : index
    %get3A_90 = vector.load %arg8[%get3A_88, %get3A_89] : memref<1x64xf32, #tpu.memory_space<vmem>>, vector<1x64xf32>
    %mul3A_91 = vector.broadcast %get3A_90 : vector<1x64xf32> to vector<1024x64xf32>
    %mul3A_92 = arith.mulf %div3A_87, %mul3A_91 : vector<1024x64xf32>
    %get3A_93 = arith.constant 0 : index
    %get3A_94 = arith.constant 0 : index
    %get3A_95 = vector.load %arg9[%get3A_93, %get3A_94] : memref<1x64xf32, #tpu.memory_space<vmem>>, vector<1x64xf32>
    %add3A_96 = vector.broadcast %get3A_95 : vector<1x64xf32> to vector<1024x64xf32>
    %add3A_97 = arith.addf %mul3A_92, %add3A_96 : vector<1024x64xf32>
    %swap3A = arith.constant 0 : index
    %swap3A_98 = arith.constant 0 : index
    %swap3A_99 = vector.load %arg10[%swap3A, %swap3A_98] : memref<1024x64xf32, #tpu.memory_space<vmem>>, vector<1024x64xf32>
    tpu.vector_store %arg10[%swap3A, %swap3A_98], %add3A_97 {strides = array<i32>} : memref<1024x64xf32, #tpu.memory_space<vmem>>, vector<1024x64xf32>,
    return
  }
  func.func @transform_0(%arg0: i32) -> (i32, i32) {
    %c0_i32 = arith.constant 0 : i32
    %c0_i32_0 = arith.constant 0 : i32
    return %arg0, %c0_i32 : i32, i32
  }
  func.func @transform_1(%arg0: i32) -> (i32, i32) {
    %c0_i32 = arith.constant 0 : i32
    %c0_i32_0 = arith.constant 0 : i32
    %c0_i32_1 = arith.constant 0 : i32
    return %c0_i32, %c0_i32_0 : i32, i32
  }
  func.func @transform_2(%arg0: i32) -> (i32, i32) {
    %c0_i32 = arith.constant 0 : i32
    %c0_i32_0 = arith.constant 0 : i32
    %c0_i32_1 = arith.constant 0 : i32
    return %c0_i32, %c0_i32_0 : i32, i32
  }
  func.func @transform_3(%arg0: i32) -> (i32, i32) {
    %c0_i32 = arith.constant 0 : i32
    %c0_i32_0 = arith.constant 0 : i32
    %c0_i32_1 = arith.constant 0 : i32
    return %c0_i32, %c0_i32_0 : i32, i32
  }
  func.func @transform_4(%arg0: i32) -> (i32, i32) {
    %c0_i32 = arith.constant 0 : i32
    %c0_i32_0 = arith.constant 0 : i32
    %c0_i32_1 = arith.constant 0 : i32
    return %c0_i32, %c0_i32_0 : i32, i32
  }
  func.func @transform_5(%arg0: i32) -> (i32, i32) {
    %c0_i32 = arith.constant 0 : i32
    %c0_i32_0 = arith.constant 0 : i32
    %c0_i32_1 = arith.constant 0 : i32
    return %c0_i32, %c0_i32_0 : i32, i32
  }
  func.func @transform_6(%arg0: i32) -> (i32, i32) {
    %c0_i32 = arith.constant 0 : i32
    %c0_i32_0 = arith.constant 0 : i32
    %c0_i32_1 = arith.constant 0 : i32
    return %c0_i32, %c0_i32_0 : i32, i32
  }
  func.func @transform_7(%arg0: i32) -> (i32, i32) {
    %c0_i32 = arith.constant 0 : i32
    %c0_i32_0 = arith.constant 0 : i32
    %c0_i32_1 = arith.constant 0 : i32
    return %c0_i32, %c0_i32_0 : i32, i32
  }
  func.func @transform_8(%arg0: i32) -> (i32, i32) {
    %c0_i32 = arith.constant 0 : i32
    %c0_i32_0 = arith.constant 0 : i32
    %c0_i32_1 = arith.constant 0 : i32
    return %c0_i32, %c0_i32_0 : i32, i32
  }
  func.func @transform_9(%arg0: i32) -> (i32, i32) {
    %c0_i32 = arith.constant 0 : i32
    %c0_i32_0 = arith.constant 0 : i32
    return %arg0, %c0_i32 : i32, i32
  }
}

</mosaic_0001>

<sc_bundles>
// kernel: kernel.5.cloned.1.call-start
scs
__scs_entry_jumppad:
0x0: {  	(pc) =	sbr.rel $0x88, $3  }
0x1: {  	(tag) =	ssettag $0x0;
	lr =	simm.s32 $0x1  }
0x2: {  	[smem:$0x3F95] =	sst lr;
	_ =	strace $0xD0000000  }
0x3: {  	_ = 	snop  }
0x4: {  	_ = 	snop  }
0x5: {  	_ = 	snop  }
0x6: {  	_ = 	snop  }
0x7: {  	_ = 	snop  }
__scs_overlays_trampoline_lowered:
0x8: {  	[smem:$0x3FA4] =	sst s0  }
0x9: {  	[smem:$0x3FA5] =	sst s1  }
0xa: {  	[smem:$0x3FA6] =	sst s2  }
0xb: {  	[smem:$0x3FA7] =	sst s3  }
0xc: {  	[smem:$0x3FA8] =	sst s4  }
0xd: {  	[smem:$0x3FA9] =	sst s5  }
0xe: {  	[smem:$0x3FAA] =	sst s6  }
0xf: {  	[smem:$0x3FAB] =	sst s7  }
0x10: {  	[smem:$0x3FAC] =	sst s8  }
0x11: {  	[smem:$0x3FAD] =	sst s9;
	s0 =	simm.s32 @!p0 $0x0  }
0x12: {  	s1 =	sld [smem:$0x3F93];
	s0 =	simm.s32 @p0 $0x1  }
0x13: {  	[smem:$0x3FAE] =	sst s0;
	s0 =	simm.s32 @!p1 $0x0  }
0x14: {  	s2 =	sld [smem:$0x3F92];
	s0 =	simm.s32 @p1 $0x1  }
0x15: {  	[smem:$0x3FAF] =	sst s0;
	s0 =	simm.s32 @!p2 $0x0  }
0x16: {  	s3 =	sld [smem:$0x3FDB];
	s0 =	simm.s32 @p2 $0x1  }
0x17: {  	s4 =	simm.s32 $0x1BF5;
	[smem:$0x3FB1] =	sst s0  }
0x18: {  	s0 =	sld [smem:$0x3F94];
	_ =	swait.ge [sflag:s4], $0x0  }
0x19: {  	s7 =	sld [smem:$0x3F95]  }
0x1a: {  	s8 =	sadd.s32 $0xFFFFE003, lr  }
0x1b: {  	s9 =	sadd.s32 $0xFFFFFEF7, lr;
	s5 =	simm.s32 $0xFFFFFFFF;
	p2 =	slt.u32 s8, $0xFFFFF086  }
0x1c: {  	p1 =	slt.u32 s9, $0xF7A;
	s5 =	simm.s32 @!p2 $0x0  }
0x1d: {  	s5 =	simm.s32 @p1 $0x1;
	p0 =	seq.s32 s7, s2  }
0x1e: {  	s7 =	smul.u32 @!p0 $0xF7A, s2;
	p2 =	seq.s32 @!p0 s5, $0x0  }
0x1f: {  	s9 =	smul.u32 $0xF7A, s1;
	s8 =	simm.s32 @!p0 $0x1BF5;
	p2 =	por !p2, p0  }
0x20: {  	[sflag:s8] =	ssyncset.s32 @!p0 $0xFFFFF086;
	s6 =	sadd.s32 @!p0 s3, s7;
	s7 =	simm.s32 @!p0 $0x108  }
0x21: {  	s3 =	sadd.s32 s3, s9;
	s6 =	sadd.s32 @!p0 $0x88, s6;
	s7 =	simm.s32 @p2 $0x1082  }
0x22: {  	[simem:s7], [sflag:s8] =	dma.local @!p0 [hbm:s6], $0xF7A  }
0x23: {  	s9 =	sor.u32 $0xD0000000, s2;
	s6 =	simm.s32 $0x108;
	_ =	swait.ge @!p0 [sflag:s8], $0x0  }
0x24: {  	s3 =	sadd.s32 $0x88, s3;
	s6 =	simm.s32 @!p1 $0x1082;
	[sflag:s4] =	ssyncset.s32 $0xFFFFF086  }
0x25: {  	[simem:s6], [sflag:s4] =	dma.local [hbm:s3], $0xF7A  }
0x26: {  	[smem:$0x3F95] =	sst s1;
	(tag) =	ssettag s2;
	_ =	strace s9  }
0x27: {  	s1 =	sld [smem:$0x3FA5]  }
0x28: {  	s2 =	sld [smem:$0x3FA6]  }
0x29: {  	s4 =	sld [smem:$0x3FA8]  }
0x2a: {  	p0 =	seq.s32 s5, $0x0;
	s5 =	sld [smem:$0x3FA9]  }
0x2b: {  	s6 =	sld [smem:$0x3FAA]  }
0x2c: {  	s7 =	sld [smem:$0x3FAB]  }
0x2d: {  	s3 =	simm.s32 $0x108;
	s8 =	sld [smem:$0x3FAC]  }
0x2e: {  	s3 =	simm.s32 @!p0 $0x1082;
	s9 =	sld [smem:$0x3FAD]  }
0x2f: {  	lr =	sadd.s32 s0, s3;
	s0 =	sld [smem:$0x3FA4]  }
0x30: {  	s3 =	sld [smem:$0x3FA7]  }
0x31: {  	[smem:$0x3FB0] =	sst s10  }
0x32: {  	s10 =	sld [smem:$0x3FAE];
	_ =	sdelay $0x3  }
0x33: {  	p0 =	seq.s32 s10, $0x1;
	s10 =	sld [smem:$0x3FB0];
	_ =	sdelay $0x3  }
0x34: {  	[smem:$0x3FB0] =	sst s10  }
0x35: {  	s10 =	sld [smem:$0x3FAF];
	_ =	sdelay $0x3  }
0x36: {  	p1 =	seq.s32 s10, $0x1;
	s10 =	sld [smem:$0x3FB0];
	_ =	sdelay $0x3  }
0x37: {  	[smem:$0x3FB0] =	sst s10  }
0x38: {  	s10 =	sld [smem:$0x3FB1]  }
0x39: {  	_ = 	snop;
	(pc) =	sbr.ind lr, $3  }
0x3a: {  	_ = 	snop  }
0x3b: {  	_ = 	snop  }
0x3c: {  	p2 =	seq.s32 s10, $0x1;
	s10 =	sld [smem:$0x3FB0]  }
0x3d: {  	_ =	shalt  }
0x3e: {  	_ =	shalt  }
0x3f: {  	_ =	shalt  }
0x40: {  	_ =	shalt  }
0x41: {  	_ =	shalt  }
0x42: {  	_ =	shalt  }
0x43: {  	_ =	shalt  }
0x44: {  	_ =	shalt  }
0x45: {  	_ =	shalt  }
0x46: {  	_ =	shalt  }
0x47: {  	_ =	shalt  }
0x48: {  	_ =	shalt  }
0x49: {  	_ =	shalt  }
0x4a: {  	_ =	shalt  }
0x4b: {  	_ =	shalt  }
0x4c: {  	_ =	shalt  }
0x4d: {  	_ =	shalt  }
0x4e: {  	_ =	shalt  }
0x4f: {  	_ =	shalt  }
0x50: {  	_ =	shalt  }
0x51: {  	_ =	shalt  }
0x52: {  	_ =	shalt  }
0x53: {  	_ =	shalt  }
0x54: {  	_ =	shalt  }
0x55: {  	_ =	shalt  }
0x56: {  	_ =	shalt  }
0x57: {  	_ =	shalt  }
0x58: {  	_ =	shalt  }
0x59: {  	_ =	shalt  }
0x5a: {  	_ =	shalt  }
0x5b: {  	_ =	shalt  }
0x5c: {  	_ =	shalt  }
0x5d: {  	_ =	shalt  }
0x5e: {  	_ =	shalt  }
0x5f: {  	_ =	shalt  }
0x60: {  	_ =	shalt  }
0x61: {  	_ =	shalt  }
0x62: {  	_ =	shalt  }
0x63: {  	_ =	shalt  }
0x64: {  	_ =	shalt  }
0x65: {  	_ =	shalt  }
0x66: {  	_ =	shalt  }
0x67: {  	_ =	shalt  }
0x68: {  	_ =	shalt  }
0x69: {  	_ =	shalt  }
0x6a: {  	_ =	shalt  }
0x6b: {  	_ =	shalt  }
0x6c: {  	_ =	shalt  }
0x6d: {  	_ =	shalt  }
0x6e: {  	_ =	shalt  }
0x6f: {  	_ =	shalt  }
0x70: {  	_ =	shalt  }
0x71: {  	_ =	shalt  }
0x72: {  	_ =	shalt  }
0x73: {  	_ =	shalt  }
0x74: {  	_ =	shalt  }
0x75: {  	_ =	shalt  }
0x76: {  	_ =	shalt  }
0x77: {  	_ =	shalt  }
0x78: {  	_ =	shalt  }
0x79: {  	_ =	shalt  }
0x7a: {  	_ =	shalt  }
0x7b: {  	_ =	shalt  }
0x7c: {  	_ =	shalt  }
0x7d: {  	_ =	shalt  }
0x7e: {  	_ =	shalt  }
0x7f: {  	_ =	shalt  }
0x80: {  	_ =	shalt  }
0x81: {  	_ =	shalt  }
0x82: {  	_ =	shalt  }
0x83: {  	_ =	shalt  }
0x84: {  	_ =	shalt  }
0x85: {  	_ =	shalt  }
0x86: {  	_ =	shalt  }
0x87: {  	_ =	shalt  }
.Lfunc_end0:
.L_simem_size_0:
called_computation_lowered:
.L_overlay_start_0:
0x88: {  	s2 =	sld [smem:$0x3FD9]  }
0x89: {  	s3 =	sld [smem:$0x3FFE];
	_ =	sdelay $0x1  }
0x8a: {  	s1 =	srdreg.scid  }
0x8b: {  	s0 =	sand.u32 $0x1, s1  }
0x8c: {  	s15 =	sshll.u32 s0, $0xA;
	s2 =	sadd.s32 s3, s2  }
0x8d: {  	s2 =	sadd.s32 s2, s15  }
0x8e: {  	[smem:$0x3FBC] =	sst s2  }
0x8f: {  	_ = 	snop  }
0x90: {  	s2 =	sld [smem:$0x3FD0];
	_ =	sdelay $0x2  }
0x91: {  	s16 =	simm.s32 $0xA;
	s4 =	simm.s32 $0x10  }
0x92: {  	[smem:s4], [sflag:s16] =	dma.local [hbm:s2], $0x1  }
0x93: {  	_ =	swait.eq [sflag:s16], $0x1  }
0x94: {  	s17 =	sld [smem:$0x11]  }
0x95: {  	s18 =	sld [smem:$0x12];
	[sflag:s16] =	ssyncset.done $0x0  }
0x96: {  	s5 =	sld [smem:$0x13];
	[sflag:s16] =	ssyncadd.s32 $0xFFFFFFFF  }
0x97: {  	s19 =	sld [smem:$0x16];
	(tm) =	ssettm $0x1  }
0x98: {  	s6 =	sld [smem:$0x3FFB];
	_ =	sdelay $0x3  }
0x99: {  	_ =	strace s6  }
0x9a: {  	s6 =	sld [smem:$0x3FFC];
	_ =	sdelay $0x3  }
0x9b: {  	_ =	strace s6  }
0x9c: {  	s6 =	sld [smem:$0x3FFD];
	_ =	sdelay $0x3  }
0x9d: {  	_ =	strace s6  }
0x9e: {  	_ =	strace $0x8FFFFFFF  }
0x9f: {  	s20 =	sld [smem:$0x3FDB];
	_ =	sdelay $0x1  }
0xa0: {  	s7 =	simm.s32 $_scs_section_size  }
0xa1: {  	s8 =	simm.s32 $_size__tile_overlayer_lowered;
	s9 =	simm.s32 $_tile_overlayer_lowered  }
0xa2: {  	s23 =	simm.s32 $0x1BFF;
	s22 =	sshll.u32 s9, $0x1;
	s6 =	sadd.s32 s7, s20  }
0xa3: {  	s10 =	simm.s32 $0x0;
	s21 =	sshll.u32 s8, $0x1;
	s8 =	sadd.s32 s22, s6  }
0xa4: {  	[timem:s10], [sflag:s23] =	dma.local [hbm:s8], s21  }
0xa5: {  	_ =	swait.ge [sflag:s23], s21  }
0xa6: {  	s7 =	ssub.s32 $0x0, s21;
	[sflag:s23] =	ssyncset.done $0x0  }
0xa7: {  	[sflag:s23] =	ssyncadd.s32 s7;
	_ =	sdelay $0x1  }
0xa8: {  	s24 =	simm.s32 $0x1B8B  }
0xa9: {  	_ =	swait.ge [sflag:s24], $0x1  }
0xaa: {  	[sflag:s24] =	ssyncset.done $0x0  }
0xab: {  	s25 =	simm.s32 $0x1B8E;
	[sflag:s24] =	ssyncadd.s32 $0xFFFFFFFF  }
0xac: {  	s26 =	simm.s32 $execute0_lowered;
	[smem:$0x3FD2] =	sst s25  }
0xad: {  	s7 =	sshll.u32 s26, $0x1;
	_ =	strace $0x80000046;
	[dreg:$0x1] =	wrdreg $0xFFFFFFFF  }
0xae: {  	s28 =	simm.s32 $_size_execute0_lowered;
	s6 =	sadd.s32 s6, s7;
	[dreg:$0x0] =	wrdreg $0x0  }
0xaf: {  	s7 =	sshll.u32 s28, $0x1;
	[dreg:$0x2] =	wrdreg s6  }
0xb0: {  	[dreg:$0x3] =	wrdreg s7  }
0xb1: {  	[dreg:$0x4] =	wrdreg $0xC0  }
0xb2: {  	_ =	task [dreg:s10], $0x5FFFF  }
0xb3: {  	[dreg:$0x1] =	wrdreg $0xFFFFFFFF  }
0xb4: {  	[dreg:$0x0] =	wrdreg $0x60  }
0xb5: {  	[dreg:$0x2] =	wrdreg s19  }
0xb6: {  	[dreg:$0x3] =	wrdreg s17  }
0xb7: {  	[dreg:$0x4] =	wrdreg s5  }
0xb8: {  	[dreg:$0x5] =	wrdreg s18  }
0xb9: {  	[dreg:$0x6] =	wrdreg $0x9  }
0xba: {  	_ =	task.clear_ibuf [dreg:s10], $0x7FFFF;
	_ =	strace $0x90000046  }
0xbb: {  	s29 =	simm.s32 $0x9;
	_ =	strace $0x80000048  }
0xbc: {  	_ =	swait.ge [sflag:s29], $0x1  }
0xbd: {  	[sflag:s29] =	ssyncadd.s32 $0xFFFFFFFF  }
0xbe: {  	_ =	strace $0x90000048  }
0xbf: {  	_ =	sfence  }
0xc0: {  	s30 =	sld [smem:$0x0];
	_ =	sdelay $0x2  }
0xc1: {  	s31 =	sshll.u32 s1, $0xD;
	s1 =	sshrl.u32 s1, $0x2  }
0xc2: {  	s3 =	sand.u32 $0x4000, s31;
	s1 =	sadd.s32 s1, s30  }
0xc3: {  	s0 =	sor.u32 s3, s0;
	s1 =	sshll.u32 s1, $0x11  }
0xc4: {  	s0 =	sor.u32 s1, s0  }
0xc5: {  	s0 =	sadd.s32 $0x8F2B, s0  }
0xc6: {  	[sflag:s0] =	ssyncadd.remote.s32 $0x1  }
0xc7: {  	_ =	sfence.sel $0xFFFF  }
0xc8: {  	[dreg:$0x0] =	wrdreg $0xFFFFFFFF;
	(pc) =	sbr.abs _section_cstart, $3  }
0xc9: {  	[dreg:$0x1] =	wrdreg $0xFFFFFFFF  }
0xca: {  	_ =	task.clear_ibuf [dreg:s10], $0x2FFFF;
	_ =	strace $0x9FFFFFFF  }
0xcb: {  	(tm) =	ssettm $0x7FFFFFFF  }
tec
execute0_lowered:
.L_overlay_start_1:
0x0: {  	(tag) =	ssettag $0x1  }
0x1: {  	v0 =	vimm.s32 $0xEFCDAB89  }
0x2: {  	v1 =	vimm.s32 $0x67452301;
	v2 =	vimm.s32 $0xDCFE98BA;
	s4 =	rddreg [dreg:$0x0];
	v3 =	vimm.s32 $0x54761032  }
0x3: {  	v4 =	vimm.s32 $0xBA98FEDC;
	s3 =	rddreg [dreg:$0x1];
	v5 =	vimm.s32 $0x32107654;
	v6 =	vimm.s32 $0xFEDCBA98  }
0x4: {  	s0 =	stileid.u32;
	s5 =	rddreg [dreg:$0x2];
	v7 =	vimm.s32 $0x76543210;
	vm0 =	vcmask $0x328;
	vm1 =	vcmask $0x728  }
0x5: {  	s1 =	srdreg.scid;
	s7 =	rddreg [dreg:$0x3];
	vm2 =	vcmask $0xB28;
	vm3 =	vcmask $0xF28;
	vm4 =	vcmask $0x1328;
	s12 =	simm.s32 $0x4300  }
0x6: {  	vm5 =	vcmask $0x1728;
	vm6 =	vcmask $0x1B28;
	s13 =	simm.s32 $0x4D00;
	s14 =	simm.s32 $0x0;
	v0 =	vunpack.c.l.s4.s8 v0;
	s2 =	sshll.u32 s0, $0x1  }
0x7: {  	v1 =	vunpack.c.l.s4.s8 v1;
	v2 =	vunpack.c.l.s4.s8 v2;
	v3 =	vunpack.c.l.s4.s8 v3;
	s6 =	sand.u32 $0x1, s1;
	s1 =	rddreg [dreg:$0x4];
	s9 =	sshrl.u32 s0, $0x2  }
0x8: {  	v4 =	vunpack.c.l.s4.s8 v4;
	v5 =	vunpack.c.l.s4.s8 v5;
	v6 =	vunpack.c.l.s4.s8 v6;
	s28 =	sand.u32 $0x6, s2;
	s10 =	smul.u32 $0x500, s9;
	s30 =	sshll.u32 s9, $0xB  }
0x9: {  	s9 =	simm.s32 $0x4000;
	v0 =	vunpack.c.0.s8.s32 v0;
	v1 =	vunpack.c.0.s8.s32 v1;
	v2 =	vunpack.c.0.s8.s32 v2;
	s2 =	sor.u32 s6, s28;
	s6 =	ssub.s32 $0x2, s6  }
0xa: {  	v3 =	vunpack.c.0.s8.s32 v3;
	v4 =	vunpack.c.0.s8.s32 v4;
	v5 =	vunpack.c.0.s8.s32 v5;
	s3 =	sadd.s32 s3, s30;
	s8 =	smul.u32 $0xA0, s2;
	s2 =	simm.s32 $0x0  }
.Ltmp0:
0xb: {  	vm7 =	vcmask $0x1F28;
	s11 =	sshrl.u32 s6, $0x1;
	v0 =	vcombine.low v1, v0;
	v1 =	vunpack.c.l.s4.s8 v7;
	[smem:$0x7FF] =	sst s2;
	(pc) =	sbr.rel .LBB2_1-.Ltmp0, $4  }
0xc: {  	v2 =	vcombine.low v3, v2;
	v3 =	vcombine.low v5, v4;
	v4 =	vunpack.c.0.s8.s32 v6;
	s11 =	ssub.s32 s6, s11;
	_ =	strace $0x80000047;
	s29 =	sadd.s32 s10, s8  }
0xd: {  	vm8 =	vcmask $0x2328;
	s8 =	simm.s32 $0x1;
	v0 =	vand.u32 $0xF, v0;
	v5 =	vunpack.c.0.s8.s32 v1;
	s31 =	sshrl.u32 s29, $0x1;
	s6 =	sshll.u32 s29, $0x1  }
0xe: {  	s10 =	simm.s32 $0x5700;
	v1 =	vand.u32 $0xF, v2;
	v2 =	vand.u32 $0xF, v3;
	v3 =	vand.u32 $0xF, v4;
	s4 =	sadd.s32 s4, s31;
	s5 =	sadd.s32 s5, s6  }
0xf: {  	v4 =	vimm.f32 $+Inf;
	s6 =	sadd.s32 s7, s6;
	s7 =	smax.u32 s11, $0x1;
	s11 =	simm.s32 $0x5780;
	v3 =	vcombine.low v3, v5;
	v5 =	vimm.s32 $0x0  }
.LBB2_8:
0x10: {  	[hbm4b:s5+s2] =	stream.linear.scatter [tilespmem:s12], [sflag:$0x1], $0xA00, $0x38;
	[tilespmem:$0x5800] =	vst v63  }
0x11: {  	s14 =	sadd.s32 $0x1, s14;
	_ =	swait.ge [sflag:s8], $0xA00  }
0x12: {  	p0 =	sne.s32 s14, s7;
	[sflag:s8] =	ssyncset.done $0x0  }
.Ltmp1:
0x13: {  	[sflag:s8] =	ssyncadd.s32 $0xFFFFF600;
	(pc) =	sbr.rel @!p0 .LBB2_9-.Ltmp1, $4  }
0x14: {  	[hbm4b:s6+s2] =	stream.linear.scatter [tilespmem:s13], [sflag:$0x1], $0xA00, $0x38;
	[tilespmem:$0x5800] =	vst v63  }
0x15: {  	_ =	swait.ge [sflag:s8], $0xA00  }
0x16: {  	[sflag:s8] =	ssyncset.done $0x0  }
0x17: {  	[sflag:s8] =	ssyncadd.s32 $0xFFFFF600  }
.LBB2_1:
0x18: {  	[tilespmem:s2], [sflag:$0x1] =	stream.linear.gather [hbm4b:s3+s2], $0x4000, $0x38;
	[tilespmem:$0x5800] =	vst v63  }
0x19: {  	_ =	swait.ge [sflag:s8], $0x4000  }
0x1a: {  	[sflag:s8] =	ssyncset.done $0x0  }
.Ltmp2:
0x1b: {  	[sflag:s8] =	ssyncadd.s32 $0xFFFFC000;
	(pc) =	sbr.rel .LBB2_2-.Ltmp2, $4  }
0x1c: {  	[tilespmem:s9], [sflag:$0x1] =	stream.linear.gather [hbm4b:s4+s2], $0x280, $0x38;
	[tilespmem:$0x5800] =	vst v63  }
0x1d: {  	_ =	swait.ge [sflag:s8], $0x280  }
0x1e: {  	[sflag:s8] =	ssyncset.done $0x0  }
0x1f: {  	s15 =	simm.s32 $0x0;
	[sflag:s8] =	ssyncadd.s32 $0xFFFFFD80  }
.LBB2_7:
0x20: {  	v15 =	vld [tilespmem:$0x5700]  }
0x21: {  	v16 =	vld [tilespmem:$0x5710]  }
0x22: {  	v17 =	vld [tilespmem:$0x5720]  }
0x23: {  	v18 =	vld [tilespmem:$0x5730]  }
0x24: {  	v19 =	vld [tilespmem:$0x5740]  }
0x25: {  	v20 =	vld [tilespmem:$0x5750]  }
0x26: {  	v6 =	vmin.f32 v15, v16  }
0x27: {  	v6 =	vmin.f32 v6, v17  }
0x28: {  	v6 =	vmin.f32 v6, v18  }
0x29: {  	v6 =	vmin.f32 v6, v19  }
0x2a: {  	v6 =	vmin.f32 v6, v20  }
0x2b: {  	v7 =	vperm.xlane v6, v0;
	_ =	sdelay $0x1  }
0x2c: {  	v6 =	vmin.f32 v6, v7  }
0x2d: {  	v7 =	vperm.xlane v6, v1;
	_ =	sdelay $0x1  }
0x2e: {  	v6 =	vmin.f32 v6, v7  }
0x2f: {  	v14 =	vld [tilespmem:$0x5780];
	v7 =	vperm.xlane v6, v2;
	_ =	sdelay $0x1  }
0x30: {  	v6 =	vmin.f32 v6, v7  }
0x31: {  	v7 =	vld [tilespmem:$0x5790];
	v9 =	vperm.xlane v6, v3;
	_ =	sdelay $0x1  }
0x32: {  	v8 =	vld [tilespmem:$0x57A0];
	vm10 =	vlt.s32 v14, $0x40000000;
	v6 =	vmin.f32 v6, v9  }
0x33: {  	v12 =	vnsel vm10, $0x40000000, v14;
	vm9 =	veq.f32 v15, v6  }
0x34: {  	v10 =	vld [tilespmem:$0x57B0];
	v11 =	vnsel vm9, $0x40000000, v12  }
0x35: {  	vm11 =	vlt.s32 v11, v7  }
0x36: {  	v9 =	vld [tilespmem:$0x57C0];
	vm10 =	veq.f32 v16, v6;
	v13 =	vsel vm11, v11, v7;
	vm11 =	veq.f32 v17, v6  }
0x37: {  	v13 =	vsel vm10, v13, v11;
	v21 =	vnsel vm11, $0x40000000, v8  }
0x38: {  	vm12 =	veq.f32 v18, v6;
	v11 =	vld [tilespmem:$0x57D0];
	vm13 =	vlt.s32 v13, v21  }
0x39: {  	v60 =	vnsel vm12, $0x40000000, v10;
	v13 =	vsel vm13, v13, v21  }
0x3a: {  	vm13 =	veq.f32 v19, v6;
	vm14 =	vlt.s32 v13, v60  }
0x3b: {  	v61 =	vnsel vm13, $0x40000000, v9;
	v13 =	vsel vm14, v13, v60  }
0x3c: {  	vm14 =	veq.f32 v20, v6;
	vm15 =	vlt.s32 v13, v61  }
0x3d: {  	v62 =	vnsel vm14, $0x40000000, v11;
	v13 =	vsel vm15, v13, v61  }
0x3e: {  	vm15 =	vlt.s32 v13, v62  }
0x3f: {  	v13 =	vsel vm15, v13, v62  }
0x40: {  	v21 =	vperm.xlane v13, v0;
	_ =	sdelay $0x1  }
0x41: {  	vm15 =	vlt.s32 v13, v21  }
0x42: {  	v13 =	vsel vm15, v13, v21  }
0x43: {  	v21 =	vperm.xlane v13, v1;
	_ =	sdelay $0x1  }
0x44: {  	vm15 =	vlt.s32 v13, v21  }
0x45: {  	v13 =	vsel vm15, v13, v21  }
0x46: {  	v21 =	vperm.xlane v13, v2;
	_ =	sdelay $0x1  }
0x47: {  	vm15 =	vlt.s32 v13, v21  }
0x48: {  	v13 =	vsel vm15, v13, v21  }
0x49: {  	v21 =	vperm.xlane v13, v3;
	_ =	sdelay $0x1  }
0x4a: {  	vm15 =	vlt.s32 v13, v21  }
0x4b: {  	v13 =	vsel vm15, v13, v21  }
0x4c: {  	vm15 =	veq.s32 v14, v13  }
0x4d: {  	vm9 =	vmand vm9, vm15  }
0x4e: {  	vm15 =	veq.s32 v8, v13;
	v63 =	vsel vm9, $0x7F800000, v15;
	vm9 =	veq.s32 v7, v13  }
0x4f: {  	vm9 =	vmand vm10, vm9;
	vm10 =	vmand vm11, vm15;
	vm11 =	veq.s32 v10, v13  }
0x50: {  	v22 =	vsel vm9, $0x7F800000, v16;
	v17 =	vsel vm10, $0x7F800000, v17;
	vm9 =	vmand vm12, vm11  }
0x51: {  	v18 =	vsel vm9, $0x7F800000, v18;
	vm9 =	veq.s32 v9, v13;
	v15 =	vmin.f32 v63, v22  }
0x52: {  	vm10 =	veq.s32 v11, v13;
	vm9 =	vmand vm13, vm9;
	v15 =	vmin.f32 v15, v17  }
0x53: {  	v19 =	vsel vm9, $0x7F800000, v19;
	vm9 =	vmand vm14, vm10;
	v15 =	vmin.f32 v15, v18  }
0x54: {  	v20 =	vsel vm9, $0x7F800000, v20;
	v15 =	vmin.f32 v15, v19  }
0x55: {  	v15 =	vmin.f32 v15, v20  }
0x56: {  	v23 =	vperm.xlane v15, v0;
	_ =	sdelay $0x1  }
0x57: {  	v15 =	vmin.f32 v15, v23  }
0x58: {  	v16 =	vperm.xlane v15, v1;
	_ =	sdelay $0x1  }
0x59: {  	v15 =	vmin.f32 v15, v16  }
0x5a: {  	v16 =	vperm.xlane v15, v2;
	_ =	sdelay $0x1  }
0x5b: {  	v15 =	vmin.f32 v15, v16  }
0x5c: {  	v16 =	vperm.xlane v15, v3;
	_ =	sdelay $0x1  }
0x5d: {  	v15 =	vmin.f32 v15, v16  }
0x5e: {  	vm10 =	veq.f32 v63, v15  }
0x5f: {  	v24 =	vnsel vm10, $0x40000000, v12  }
0x60: {  	vm11 =	vlt.s32 v24, v7  }
0x61: {  	vm9 =	veq.f32 v22, v15;
	v23 =	vsel vm11, v24, v7;
	vm11 =	veq.f32 v17, v15  }
0x62: {  	v16 =	vsel vm9, v23, v24;
	v25 =	vnsel vm11, $0x40000000, v8  }
0x63: {  	vm12 =	veq.f32 v18, v15;
	vm13 =	vlt.s32 v16, v25  }
0x64: {  	v26 =	vnsel vm12, $0x40000000, v10;
	v16 =	vsel vm13, v16, v25  }
0x65: {  	vm13 =	veq.f32 v19, v15;
	vm14 =	vlt.s32 v16, v26  }
0x66: {  	v27 =	vnsel vm13, $0x40000000, v9;
	v16 =	vsel vm14, v16, v26  }
0x67: {  	vm14 =	veq.f32 v20, v15;
	vm15 =	vlt.s32 v16, v27  }
0x68: {  	v28 =	vnsel vm14, $0x40000000, v11;
	v16 =	vsel vm15, v16, v27  }
0x69: {  	vm15 =	vlt.s32 v16, v28  }
0x6a: {  	v16 =	vsel vm15, v16, v28  }
0x6b: {  	v23 =	vperm.xlane v16, v0;
	_ =	sdelay $0x1  }
0x6c: {  	vm15 =	vlt.s32 v16, v23  }
0x6d: {  	v16 =	vsel vm15, v16, v23  }
0x6e: {  	v23 =	vperm.xlane v16, v1;
	_ =	sdelay $0x1  }
0x6f: {  	vm15 =	vlt.s32 v16, v23  }
0x70: {  	v16 =	vsel vm15, v16, v23  }
0x71: {  	v23 =	vperm.xlane v16, v2;
	_ =	sdelay $0x1  }
0x72: {  	vm15 =	vlt.s32 v16, v23  }
0x73: {  	v16 =	vsel vm15, v16, v23  }
0x74: {  	v23 =	vperm.xlane v16, v3;
	_ =	sdelay $0x1  }
0x75: {  	vm15 =	vlt.s32 v16, v23  }
0x76: {  	v16 =	vsel vm15, v16, v23  }
0x77: {  	vm15 =	veq.s32 v14, v16  }
0x78: {  	vm10 =	vmand vm10, vm15  }
0x79: {  	vm15 =	veq.s32 v8, v16;
	v21 =	vsel vm10, $0x7F800000, v63;
	vm10 =	veq.s32 v7, v16  }
0x7a: {  	vm9 =	vmand vm9, vm10;
	vm10 =	vmand vm11, vm15;
	vm11 =	veq.s32 v10, v16  }
0x7b: {  	v22 =	vsel vm9, $0x7F800000, v22;
	v29 =	vsel vm10, $0x7F800000, v17;
	vm9 =	vmand vm12, vm11  }
0x7c: {  	v24 =	vsel vm9, $0x7F800000, v18;
	vm9 =	veq.s32 v9, v16;
	v30 =	vmin.f32 v21, v22  }
0x7d: {  	vm10 =	veq.s32 v11, v16;
	vm9 =	vmand vm13, vm9;
	v17 =	vmin.f32 v30, v29  }
0x7e: {  	v19 =	vsel vm9, $0x7F800000, v19;
	vm9 =	vmand vm14, vm10;
	v17 =	vmin.f32 v17, v24  }
0x7f: {  	v20 =	vsel vm9, $0x7F800000, v20;
	v17 =	vmin.f32 v17, v19  }
0x80: {  	v17 =	vmin.f32 v17, v20  }
0x81: {  	v31 =	vperm.xlane v17, v0;
	_ =	sdelay $0x1  }
0x82: {  	v17 =	vmin.f32 v17, v31  }
0x83: {  	v18 =	vperm.xlane v17, v1;
	_ =	sdelay $0x1  }
0x84: {  	v17 =	vmin.f32 v17, v18  }
0x85: {  	v18 =	vperm.xlane v17, v2;
	_ =	sdelay $0x1  }
0x86: {  	v17 =	vmin.f32 v17, v18  }
0x87: {  	v18 =	vperm.xlane v17, v3;
	_ =	sdelay $0x1  }
0x88: {  	v17 =	vmin.f32 v17, v18  }
0x89: {  	vm10 =	veq.f32 v21, v17  }
0x8a: {  	v32 =	vnsel vm10, $0x40000000, v12  }
0x8b: {  	vm11 =	vlt.s32 v32, v7  }
0x8c: {  	vm9 =	veq.f32 v22, v17;
	v25 =	vsel vm11, v32, v7;
	vm11 =	veq.f32 v29, v17  }
0x8d: {  	v18 =	vsel vm9, v25, v32;
	v33 =	vnsel vm11, $0x40000000, v8  }
0x8e: {  	vm12 =	veq.f32 v24, v17;
	vm13 =	vlt.s32 v18, v33  }
0x8f: {  	v34 =	vnsel vm12, $0x40000000, v10;
	v18 =	vsel vm13, v18, v33  }
0x90: {  	vm13 =	veq.f32 v19, v17;
	vm14 =	vlt.s32 v18, v34  }
0x91: {  	v35 =	vnsel vm13, $0x40000000, v9;
	v18 =	vsel vm14, v18, v34  }
0x92: {  	vm14 =	veq.f32 v20, v17;
	vm15 =	vlt.s32 v18, v35  }
0x93: {  	v36 =	vnsel vm14, $0x40000000, v11;
	v18 =	vsel vm15, v18, v35  }
0x94: {  	vm15 =	vlt.s32 v18, v36  }
0x95: {  	v18 =	vsel vm15, v18, v36  }
0x96: {  	v25 =	vperm.xlane v18, v0;
	_ =	sdelay $0x1  }
0x97: {  	vm15 =	vlt.s32 v18, v25  }
0x98: {  	v18 =	vsel vm15, v18, v25  }
0x99: {  	v25 =	vperm.xlane v18, v1;
	_ =	sdelay $0x1  }
0x9a: {  	vm15 =	vlt.s32 v18, v25  }
0x9b: {  	v18 =	vsel vm15, v18, v25  }
0x9c: {  	v25 =	vperm.xlane v18, v2;
	_ =	sdelay $0x1  }
0x9d: {  	vm15 =	vlt.s32 v18, v25  }
0x9e: {  	v18 =	vsel vm15, v18, v25  }
0x9f: {  	v25 =	vperm.xlane v18, v3;
	_ =	sdelay $0x1  }
0xa0: {  	vm15 =	vlt.s32 v18, v25  }
0xa1: {  	v18 =	vsel vm15, v18, v25  }
0xa2: {  	vm15 =	veq.s32 v14, v18  }
0xa3: {  	vm10 =	vmand vm10, vm15  }
0xa4: {  	vm15 =	veq.s32 v8, v18;
	v21 =	vsel vm10, $0x7F800000, v21;
	vm10 =	veq.s32 v7, v18  }
0xa5: {  	vm9 =	vmand vm9, vm10;
	vm10 =	vmand vm11, vm15;
	vm11 =	veq.s32 v10, v18  }
0xa6: {  	v22 =	vsel vm9, $0x7F800000, v22;
	v23 =	vsel vm10, $0x7F800000, v29;
	vm9 =	vmand vm12, vm11  }
0xa7: {  	v24 =	vsel vm9, $0x7F800000, v24;
	vm9 =	veq.s32 v9, v18;
	v37 =	vmin.f32 v21, v22  }
0xa8: {  	vm10 =	veq.s32 v11, v18;
	vm9 =	vmand vm13, vm9;
	v25 =	vmin.f32 v37, v23  }
0xa9: {  	v26 =	vsel vm9, $0x7F800000, v19;
	vm9 =	vmand vm14, vm10;
	v38 =	vmin.f32 v25, v24  }
0xaa: {  	v39 =	vsel vm9, $0x7F800000, v20;
	v19 =	vmin.f32 v38, v26  }
0xab: {  	v19 =	vmin.f32 v19, v39  }
0xac: {  	v40 =	vperm.xlane v19, v0;
	_ =	sdelay $0x1  }
0xad: {  	v19 =	vmin.f32 v19, v40  }
0xae: {  	v20 =	vperm.xlane v19, v1;
	_ =	sdelay $0x1  }
0xaf: {  	v19 =	vmin.f32 v19, v20  }
0xb0: {  	v20 =	vperm.xlane v19, v2;
	_ =	sdelay $0x1  }
0xb1: {  	v19 =	vmin.f32 v19, v20  }
0xb2: {  	v20 =	vperm.xlane v19, v3;
	_ =	sdelay $0x1  }
0xb3: {  	v19 =	vmin.f32 v19, v20  }
0xb4: {  	vm10 =	veq.f32 v21, v19  }
0xb5: {  	v41 =	vnsel vm10, $0x40000000, v12  }
0xb6: {  	vm11 =	vlt.s32 v41, v7  }
0xb7: {  	vm9 =	veq.f32 v22, v19;
	v27 =	vsel vm11, v41, v7;
	vm11 =	veq.f32 v23, v19  }
0xb8: {  	v20 =	vsel vm9, v27, v41;
	v42 =	vnsel vm11, $0x40000000, v8  }
0xb9: {  	vm12 =	veq.f32 v24, v19;
	vm13 =	vlt.s32 v20, v42  }
0xba: {  	v43 =	vnsel vm12, $0x40000000, v10;
	v20 =	vsel vm13, v20, v42  }
0xbb: {  	vm13 =	veq.f32 v26, v19;
	vm14 =	vlt.s32 v20, v43  }
0xbc: {  	v44 =	vnsel vm13, $0x40000000, v9;
	v20 =	vsel vm14, v20, v43  }
0xbd: {  	vm14 =	veq.f32 v39, v19;
	vm15 =	vlt.s32 v20, v44  }
0xbe: {  	v45 =	vnsel vm14, $0x40000000, v11;
	v20 =	vsel vm15, v20, v44  }
0xbf: {  	vm15 =	vlt.s32 v20, v45  }
0xc0: {  	v20 =	vsel vm15, v20, v45  }
0xc1: {  	v27 =	vperm.xlane v20, v0;
	_ =	sdelay $0x1  }
0xc2: {  	vm15 =	vlt.s32 v20, v27  }
0xc3: {  	v20 =	vsel vm15, v20, v27  }
0xc4: {  	v27 =	vperm.xlane v20, v1;
	_ =	sdelay $0x1  }
0xc5: {  	vm15 =	vlt.s32 v20, v27  }
0xc6: {  	v20 =	vsel vm15, v20, v27  }
0xc7: {  	v27 =	vperm.xlane v20, v2;
	_ =	sdelay $0x1  }
0xc8: {  	vm15 =	vlt.s32 v20, v27  }
0xc9: {  	v20 =	vsel vm15, v20, v27  }
0xca: {  	v27 =	vperm.xlane v20, v3;
	_ =	sdelay $0x1  }
0xcb: {  	vm15 =	vlt.s32 v20, v27  }
0xcc: {  	v20 =	vsel vm15, v20, v27  }
0xcd: {  	vm15 =	veq.s32 v14, v20  }
0xce: {  	vm10 =	vmand vm10, vm15  }
0xcf: {  	vm15 =	veq.s32 v8, v20;
	v46 =	vsel vm10, $0x7F800000, v21;
	vm10 =	veq.s32 v7, v20  }
0xd0: {  	vm9 =	vmand vm9, vm10;
	vm10 =	vmand vm11, vm15;
	vm11 =	veq.s32 v10, v20  }
0xd1: {  	v28 =	vsel vm9, $0x7F800000, v22;
	v23 =	vsel vm10, $0x7F800000, v23;
	vm9 =	vmand vm12, vm11  }
0xd2: {  	v24 =	vsel vm9, $0x7F800000, v24;
	vm9 =	veq.s32 v9, v20;
	v21 =	vmin.f32 v46, v28  }
0xd3: {  	vm10 =	veq.s32 v11, v20;
	vm9 =	vmand vm13, vm9;
	v21 =	vmin.f32 v21, v23  }
0xd4: {  	v26 =	vsel vm9, $0x7F800000, v26;
	vm9 =	vmand vm14, vm10;
	v21 =	vmin.f32 v21, v24  }
0xd5: {  	v25 =	vsel vm9, $0x7F800000, v39;
	v21 =	vmin.f32 v21, v26  }
0xd6: {  	v21 =	vmin.f32 v21, v25  }
0xd7: {  	v47 =	vperm.xlane v21, v0;
	_ =	sdelay $0x1  }
0xd8: {  	v21 =	vmin.f32 v21, v47  }
0xd9: {  	v22 =	vperm.xlane v21, v1;
	_ =	sdelay $0x1  }
0xda: {  	v21 =	vmin.f32 v21, v22  }
0xdb: {  	v22 =	vperm.xlane v21, v2;
	_ =	sdelay $0x1  }
0xdc: {  	v21 =	vmin.f32 v21, v22  }
0xdd: {  	v22 =	vperm.xlane v21, v3;
	_ =	sdelay $0x1  }
0xde: {  	v21 =	vmin.f32 v21, v22  }
0xdf: {  	vm10 =	veq.f32 v46, v21  }
0xe0: {  	v48 =	vnsel vm10, $0x40000000, v12  }
0xe1: {  	vm11 =	vlt.s32 v48, v7  }
0xe2: {  	vm9 =	veq.f32 v28, v21;
	v29 =	vsel vm11, v48, v7;
	vm11 =	veq.f32 v23, v21  }
0xe3: {  	v22 =	vsel vm9, v29, v48;
	v49 =	vnsel vm11, $0x40000000, v8  }
0xe4: {  	vm12 =	veq.f32 v24, v21;
	vm13 =	vlt.s32 v22, v49  }
0xe5: {  	v50 =	vnsel vm12, $0x40000000, v10;
	v22 =	vsel vm13, v22, v49  }
0xe6: {  	vm13 =	veq.f32 v26, v21;
	vm14 =	vlt.s32 v22, v50  }
0xe7: {  	v51 =	vnsel vm13, $0x40000000, v9;
	v22 =	vsel vm14, v22, v50  }
0xe8: {  	vm14 =	veq.f32 v25, v21;
	vm15 =	vlt.s32 v22, v51  }
0xe9: {  	v52 =	vnsel vm14, $0x40000000, v11;
	v22 =	vsel vm15, v22, v51  }
0xea: {  	vm15 =	vlt.s32 v22, v52  }
0xeb: {  	v22 =	vsel vm15, v22, v52  }
0xec: {  	v29 =	vperm.xlane v22, v0;
	_ =	sdelay $0x1  }
0xed: {  	vm15 =	vlt.s32 v22, v29  }
0xee: {  	v22 =	vsel vm15, v22, v29  }
0xef: {  	v29 =	vperm.xlane v22, v1;
	_ =	sdelay $0x1  }
0xf0: {  	vm15 =	vlt.s32 v22, v29  }
0xf1: {  	v22 =	vsel vm15, v22, v29  }
0xf2: {  	v29 =	vperm.xlane v22, v2;
	_ =	sdelay $0x1  }
0xf3: {  	vm15 =	vlt.s32 v22, v29  }
0xf4: {  	v22 =	vsel vm15, v22, v29  }
0xf5: {  	v29 =	vperm.xlane v22, v3;
	_ =	sdelay $0x1  }
0xf6: {  	vm15 =	vlt.s32 v22, v29  }
0xf7: {  	v22 =	vsel vm15, v22, v29  }
0xf8: {  	vm15 =	veq.s32 v14, v22  }
0xf9: {  	vm10 =	vmand vm10, vm15  }
0xfa: {  	vm15 =	veq.s32 v8, v22;
	v27 =	vsel vm10, $0x7F800000, v46;
	vm10 =	veq.s32 v7, v22  }
0xfb: {  	vm9 =	vmand vm9, vm10;
	vm10 =	vmand vm11, vm15;
	vm11 =	veq.s32 v10, v22  }
0xfc: {  	v28 =	vsel vm9, $0x7F800000, v28;
	v53 =	vsel vm10, $0x7F800000, v23;
	vm9 =	vmand vm12, vm11  }
0xfd: {  	v30 =	vsel vm9, $0x7F800000, v24;
	vm9 =	veq.s32 v9, v22;
	v54 =	vmin.f32 v27, v28  }
0xfe: {  	vm10 =	veq.s32 v11, v22;
	vm9 =	vmand vm13, vm9;
	v23 =	vmin.f32 v54, v53  }
0xff: {  	v26 =	vsel vm9, $0x7F800000, v26;
	vm9 =	vmand vm14, vm10;
	v23 =	vmin.f32 v23, v30  }
0x100: {  	v25 =	vsel vm9, $0x7F800000, v25;
	v23 =	vmin.f32 v23, v26  }
0x101: {  	v23 =	vmin.f32 v23, v25  }
0x102: {  	v55 =	vperm.xlane v23, v0;
	_ =	sdelay $0x1  }
0x103: {  	v23 =	vmin.f32 v23, v55  }
0x104: {  	v24 =	vperm.xlane v23, v1;
	_ =	sdelay $0x1  }
0x105: {  	v23 =	vmin.f32 v23, v24  }
0x106: {  	v24 =	vperm.xlane v23, v2;
	_ =	sdelay $0x1  }
0x107: {  	v23 =	vmin.f32 v23, v24  }
0x108: {  	v24 =	vperm.xlane v23, v3;
	_ =	sdelay $0x1  }
0x109: {  	v23 =	vmin.f32 v23, v24  }
0x10a: {  	vm10 =	veq.f32 v27, v23  }
0x10b: {  	v56 =	vnsel vm10, $0x40000000, v12  }
0x10c: {  	vm11 =	vlt.s32 v56, v7  }
0x10d: {  	vm9 =	veq.f32 v28, v23;
	v31 =	vsel vm11, v56, v7;
	vm11 =	veq.f32 v53, v23  }
0x10e: {  	v24 =	vsel vm9, v31, v56;
	v57 =	vnsel vm11, $0x40000000, v8  }
0x10f: {  	vm12 =	veq.f32 v30, v23;
	vm13 =	vlt.s32 v24, v57  }
0x110: {  	v58 =	vnsel vm12, $0x40000000, v10;
	v24 =	vsel vm13, v24, v57  }
0x111: {  	vm13 =	veq.f32 v26, v23;
	vm14 =	vlt.s32 v24, v58  }
0x112: {  	v59 =	vnsel vm13, $0x40000000, v9;
	v24 =	vsel vm14, v24, v58  }
0x113: {  	vm14 =	veq.f32 v25, v23;
	vm15 =	vlt.s32 v24, v59  }
0x114: {  	v60 =	vnsel vm14, $0x40000000, v11;
	v24 =	vsel vm15, v24, v59  }
0x115: {  	vm15 =	vlt.s32 v24, v60  }
0x116: {  	v24 =	vsel vm15, v24, v60  }
0x117: {  	v31 =	vperm.xlane v24, v0;
	_ =	sdelay $0x1  }
0x118: {  	vm15 =	vlt.s32 v24, v31  }
0x119: {  	v24 =	vsel vm15, v24, v31  }
0x11a: {  	v31 =	vperm.xlane v24, v1;
	_ =	sdelay $0x1  }
0x11b: {  	vm15 =	vlt.s32 v24, v31  }
0x11c: {  	v24 =	vsel vm15, v24, v31  }
0x11d: {  	v31 =	vperm.xlane v24, v2;
	_ =	sdelay $0x1  }
0x11e: {  	vm15 =	vlt.s32 v24, v31  }
0x11f: {  	v24 =	vsel vm15, v24, v31  }
0x120: {  	v31 =	vperm.xlane v24, v3;
	_ =	sdelay $0x1  }
0x121: {  	vm15 =	vlt.s32 v24, v31  }
0x122: {  	v24 =	vsel vm15, v24, v31  }
0x123: {  	vm15 =	veq.s32 v14, v24  }
0x124: {  	vm10 =	vmand vm10, vm15  }
0x125: {  	vm15 =	veq.s32 v8, v24;
	v27 =	vsel vm10, $0x7F800000, v27;
	vm10 =	veq.s32 v7, v24  }
0x126: {  	vm9 =	vmand vm9, vm10;
	vm10 =	vmand vm11, vm15;
	vm11 =	veq.s32 v10, v24  }
0x127: {  	v28 =	vsel vm9, $0x7F800000, v28;
	v29 =	vsel vm10, $0x7F800000, v53;
	vm9 =	vmand vm12, vm11  }
0x128: {  	v30 =	vsel vm9, $0x7F800000, v30;
	vm9 =	veq.s32 v9, v24;
	v61 =	vmin.f32 v27, v28  }
0x129: {  	vm10 =	veq.s32 v11, v24;
	vm9 =	vmand vm13, vm9;
	v31 =	vmin.f32 v61, v29  }
0x12a: {  	v32 =	vsel vm9, $0x7F800000, v26;
	vm9 =	vmand vm14, vm10;
	v62 =	vmin.f32 v31, v30  }
0x12b: {  	v63 =	vsel vm9, $0x7F800000, v25;
	v36 =	vmin.f32 v62, v32  }
0x12c: {  	v25 =	vmin.f32 v36, v63  }
0x12d: {  	v37 =	vperm.xlane v25, v0;
	_ =	sdelay $0x1  }
0x12e: {  	v25 =	vmin.f32 v25, v37  }
0x12f: {  	v26 =	vperm.xlane v25, v1;
	_ =	sdelay $0x1  }
0x130: {  	v25 =	vmin.f32 v25, v26  }
0x131: {  	v26 =	vperm.xlane v25, v2;
	_ =	sdelay $0x1  }
0x132: {  	v25 =	vmin.f32 v25, v26  }
0x133: {  	v26 =	vperm.xlane v25, v3;
	_ =	sdelay $0x1  }
0x134: {  	v25 =	vmin.f32 v25, v26  }
0x135: {  	vm10 =	veq.f32 v27, v25  }
0x136: {  	v38 =	vnsel vm10, $0x40000000, v12  }
0x137: {  	vm11 =	vlt.s32 v38, v7  }
0x138: {  	vm9 =	veq.f32 v28, v25;
	v33 =	vsel vm11, v38, v7;
	vm11 =	veq.f32 v29, v25  }
0x139: {  	v26 =	vsel vm9, v33, v38;
	v39 =	vnsel vm11, $0x40000000, v8  }
0x13a: {  	vm12 =	veq.f32 v30, v25;
	vm13 =	vlt.s32 v26, v39  }
0x13b: {  	v40 =	vnsel vm12, $0x40000000, v10;
	v26 =	vsel vm13, v26, v39  }
0x13c: {  	vm13 =	veq.f32 v32, v25;
	vm14 =	vlt.s32 v26, v40  }
0x13d: {  	v41 =	vnsel vm13, $0x40000000, v9;
	v26 =	vsel vm14, v26, v40  }
0x13e: {  	vm14 =	veq.f32 v63, v25;
	vm15 =	vlt.s32 v26, v41  }
0x13f: {  	v42 =	vnsel vm14, $0x40000000, v11;
	v26 =	vsel vm15, v26, v41  }
0x140: {  	vm15 =	vlt.s32 v26, v42  }
0x141: {  	v26 =	vsel vm15, v26, v42  }
0x142: {  	v33 =	vperm.xlane v26, v0;
	_ =	sdelay $0x1  }
0x143: {  	vm15 =	vlt.s32 v26, v33  }
0x144: {  	v26 =	vsel vm15, v26, v33  }
0x145: {  	v33 =	vperm.xlane v26, v1;
	_ =	sdelay $0x1  }
0x146: {  	vm15 =	vlt.s32 v26, v33  }
0x147: {  	v26 =	vsel vm15, v26, v33  }
0x148: {  	v33 =	vperm.xlane v26, v2;
	_ =	sdelay $0x1  }
0x149: {  	vm15 =	vlt.s32 v26, v33  }
0x14a: {  	v26 =	vsel vm15, v26, v33  }
0x14b: {  	v33 =	vperm.xlane v26, v3;
	_ =	sdelay $0x1  }
0x14c: {  	vm15 =	vlt.s32 v26, v33  }
0x14d: {  	v26 =	vsel vm15, v26, v33  }
0x14e: {  	vm15 =	veq.s32 v14, v26  }
0x14f: {  	vm10 =	vmand vm10, vm15  }
0x150: {  	vm15 =	veq.s32 v8, v26;
	v43 =	vsel vm10, $0x7F800000, v27;
	vm10 =	veq.s32 v7, v26  }
0x151: {  	vm9 =	vmand vm9, vm10;
	vm10 =	vmand vm11, vm15;
	vm11 =	veq.s32 v10, v26  }
0x152: {  	v34 =	vsel vm9, $0x7F800000, v28;
	v29 =	vsel vm10, $0x7F800000, v29;
	vm9 =	vmand vm12, vm11  }
0x153: {  	v30 =	vsel vm9, $0x7F800000, v30;
	vm9 =	veq.s32 v9, v26;
	v27 =	vmin.f32 v43, v34  }
0x154: {  	vm10 =	veq.s32 v11, v26;
	vm9 =	vmand vm13, vm9;
	v27 =	vmin.f32 v27, v29  }
0x155: {  	v32 =	vsel vm9, $0x7F800000, v32;
	vm9 =	vmand vm14, vm10;
	v27 =	vmin.f32 v27, v30  }
0x156: {  	v31 =	vsel vm9, $0x7F800000, v63;
	v27 =	vmin.f32 v27, v32  }
0x157: {  	v27 =	vmin.f32 v27, v31  }
0x158: {  	v44 =	vperm.xlane v27, v0;
	_ =	sdelay $0x1  }
0x159: {  	v27 =	vmin.f32 v27, v44  }
0x15a: {  	v28 =	vperm.xlane v27, v1;
	_ =	sdelay $0x1  }
0x15b: {  	v27 =	vmin.f32 v27, v28  }
0x15c: {  	v28 =	vperm.xlane v27, v2;
	_ =	sdelay $0x1  }
0x15d: {  	v27 =	vmin.f32 v27, v28  }
0x15e: {  	v28 =	vperm.xlane v27, v3;
	_ =	sdelay $0x1  }
0x15f: {  	v27 =	vmin.f32 v27, v28  }
0x160: {  	vm10 =	veq.f32 v43, v27  }
0x161: {  	v45 =	vnsel vm10, $0x40000000, v12  }
0x162: {  	vm11 =	vlt.s32 v45, v7  }
0x163: {  	vm9 =	veq.f32 v34, v27;
	v35 =	vsel vm11, v45, v7;
	vm11 =	veq.f32 v29, v27  }
0x164: {  	v28 =	vsel vm9, v35, v45;
	v46 =	vnsel vm11, $0x40000000, v8  }
0x165: {  	vm12 =	veq.f32 v30, v27;
	vm13 =	vlt.s32 v28, v46  }
0x166: {  	v47 =	vnsel vm12, $0x40000000, v10;
	v28 =	vsel vm13, v28, v46  }
0x167: {  	vm13 =	veq.f32 v32, v27;
	vm14 =	vlt.s32 v28, v47  }
0x168: {  	v48 =	vnsel vm13, $0x40000000, v9;
	v28 =	vsel vm14, v28, v47  }
0x169: {  	vm14 =	veq.f32 v31, v27;
	vm15 =	vlt.s32 v28, v48  }
0x16a: {  	v49 =	vnsel vm14, $0x40000000, v11;
	v28 =	vsel vm15, v28, v48  }
0x16b: {  	vm15 =	vlt.s32 v28, v49  }
0x16c: {  	v28 =	vsel vm15, v28, v49  }
0x16d: {  	v35 =	vperm.xlane v28, v0;
	_ =	sdelay $0x1  }
0x16e: {  	vm15 =	vlt.s32 v28, v35  }
0x16f: {  	v28 =	vsel vm15, v28, v35  }
0x170: {  	v35 =	vperm.xlane v28, v1;
	_ =	sdelay $0x1  }
0x171: {  	vm15 =	vlt.s32 v28, v35  }
0x172: {  	v28 =	vsel vm15, v28, v35  }
0x173: {  	v35 =	vperm.xlane v28, v2;
	_ =	sdelay $0x1  }
0x174: {  	vm15 =	vlt.s32 v28, v35  }
0x175: {  	v28 =	vsel vm15, v28, v35  }
0x176: {  	v35 =	vperm.xlane v28, v3;
	_ =	sdelay $0x1  }
0x177: {  	vm15 =	vlt.s32 v28, v35  }
0x178: {  	v28 =	vsel vm15, v28, v35  }
0x179: {  	vm15 =	veq.s32 v14, v28  }
0x17a: {  	vm10 =	vmand vm10, vm15  }
0x17b: {  	vm15 =	veq.s32 v8, v28;
	v33 =	vsel vm10, $0x7F800000, v43;
	vm10 =	veq.s32 v7, v28  }
0x17c: {  	vm9 =	vmand vm9, vm10;
	vm10 =	vmand vm11, vm15;
	vm11 =	veq.s32 v10, v28  }
0x17d: {  	v34 =	vsel vm9, $0x7F800000, v34;
	v29 =	vsel vm10, $0x7F800000, v29;
	vm9 =	vmand vm12, vm11  }
0x17e: {  	v30 =	vsel vm9, $0x7F800000, v30;
	vm9 =	veq.s32 v9, v28;
	v50 =	vmin.f32 v33, v34  }
0x17f: {  	vm10 =	veq.s32 v11, v28;
	vm9 =	vmand vm13, vm9;
	v35 =	vmin.f32 v50, v29  }
0x180: {  	v32 =	vsel vm9, $0x7F800000, v32;
	vm9 =	vmand vm14, vm10;
	v35 =	vmin.f32 v35, v30  }
0x181: {  	v31 =	vsel vm9, $0x7F800000, v31;
	v35 =	vmin.f32 v35, v32  }
0x182: {  	v35 =	vmin.f32 v35, v31  }
0x183: {  	v36 =	vperm.xlane v35, v0;
	_ =	sdelay $0x1  }
0x184: {  	v35 =	vmin.f32 v35, v36  }
0x185: {  	v36 =	vperm.xlane v35, v1;
	_ =	sdelay $0x1  }
0x186: {  	v35 =	vmin.f32 v35, v36  }
0x187: {  	v36 =	vperm.xlane v35, v2;
	_ =	sdelay $0x1  }
0x188: {  	v35 =	vmin.f32 v35, v36  }
0x189: {  	v36 =	vperm.xlane v35, v3;
	_ =	sdelay $0x1  }
0x18a: {  	v35 =	vmin.f32 v35, v36  }
0x18b: {  	vm10 =	veq.f32 v33, v35  }
0x18c: {  	v51 =	vnsel vm10, $0x40000000, v12  }
0x18d: {  	vm11 =	vlt.s32 v51, v7  }
0x18e: {  	vm9 =	veq.f32 v34, v35;
	v37 =	vsel vm11, v51, v7;
	vm11 =	veq.f32 v29, v35  }
0x18f: {  	v36 =	vsel vm9, v37, v51;
	v52 =	vnsel vm11, $0x40000000, v8  }
0x190: {  	vm12 =	veq.f32 v30, v35;
	vm13 =	vlt.s32 v36, v52  }
0x191: {  	v53 =	vnsel vm12, $0x40000000, v10;
	v36 =	vsel vm13, v36, v52  }
0x192: {  	vm13 =	veq.f32 v32, v35;
	vm14 =	vlt.s32 v36, v53  }
0x193: {  	v54 =	vnsel vm13, $0x40000000, v9;
	v36 =	vsel vm14, v36, v53  }
0x194: {  	vm14 =	veq.f32 v31, v35;
	vm15 =	vlt.s32 v36, v54  }
0x195: {  	v55 =	vnsel vm14, $0x40000000, v11;
	v36 =	vsel vm15, v36, v54  }
0x196: {  	vm15 =	vlt.s32 v36, v55  }
0x197: {  	v36 =	vsel vm15, v36, v55  }
0x198: {  	v37 =	vperm.xlane v36, v0;
	_ =	sdelay $0x1  }
0x199: {  	vm15 =	vlt.s32 v36, v37  }
0x19a: {  	v36 =	vsel vm15, v36, v37  }
0x19b: {  	v37 =	vperm.xlane v36, v1;
	_ =	sdelay $0x1  }
0x19c: {  	vm15 =	vlt.s32 v36, v37  }
0x19d: {  	v36 =	vsel vm15, v36, v37  }
0x19e: {  	v37 =	vperm.xlane v36, v2;
	_ =	sdelay $0x1  }
0x19f: {  	vm15 =	vlt.s32 v36, v37  }
0x1a0: {  	v36 =	vsel vm15, v36, v37  }
0x1a1: {  	v37 =	vperm.xlane v36, v3;
	_ =	sdelay $0x1  }
0x1a2: {  	vm15 =	vlt.s32 v36, v37  }
0x1a3: {  	v36 =	vsel vm15, v36, v37  }
0x1a4: {  	vm15 =	veq.s32 v14, v36  }
0x1a5: {  	vm10 =	vmand vm10, vm15  }
0x1a6: {  	vm15 =	veq.s32 v8, v36;
	v56 =	vsel vm10, $0x7F800000, v33;
	vm10 =	veq.s32 v7, v36  }
0x1a7: {  	vm9 =	vmand vm9, vm10;
	vm10 =	vmand vm11, vm15;
	vm11 =	veq.s32 v10, v36  }
0x1a8: {  	v57 =	vsel vm9, $0x7F800000, v34;
	v29 =	vsel vm10, $0x7F800000, v29;
	vm9 =	vmand vm12, vm11  }
0x1a9: {  	v30 =	vsel vm9, $0x7F800000, v30;
	vm9 =	veq.s32 v9, v36;
	v34 =	vmin.f32 v56, v57  }
0x1aa: {  	vm10 =	veq.s32 v11, v36;
	vm9 =	vmand vm13, vm9;
	v34 =	vmin.f32 v34, v29  }
0x1ab: {  	v32 =	vsel vm9, $0x7F800000, v32;
	vm9 =	vmand vm14, vm10;
	v34 =	vmin.f32 v34, v30  }
0x1ac: {  	v31 =	vsel vm9, $0x7F800000, v31;
	v34 =	vmin.f32 v34, v32  }
0x1ad: {  	v34 =	vmin.f32 v34, v31  }
0x1ae: {  	v58 =	vperm.xlane v34, v0;
	_ =	sdelay $0x1  }
0x1af: {  	v34 =	vmin.f32 v34, v58  }
0x1b0: {  	v37 =	vperm.xlane v34, v1;
	_ =	sdelay $0x1  }
0x1b1: {  	v34 =	vmin.f32 v34, v37  }
0x1b2: {  	v37 =	vperm.xlane v34, v2;
	_ =	sdelay $0x1  }
0x1b3: {  	v34 =	vmin.f32 v34, v37  }
0x1b4: {  	v37 =	vperm.xlane v34, v3;
	_ =	sdelay $0x1  }
0x1b5: {  	v34 =	vmin.f32 v34, v37  }
0x1b6: {  	vm9 =	veq.f32 v56, v34  }
0x1b7: {  	v12 =	vnsel vm9, $0x40000000, v12  }
0x1b8: {  	vm9 =	vlt.s32 v12, v7  }
0x1b9: {  	vm10 =	veq.f32 v57, v34;
	vm11 =	veq.f32 v29, v34;
	v7 =	vsel vm9, v12, v7  }
0x1ba: {  	v8 =	vnsel vm11, $0x40000000, v8;
	v7 =	vsel vm10, v7, v12  }
0x1bb: {  	vm9 =	veq.f32 v30, v34;
	vm10 =	vlt.s32 v7, v8  }
0x1bc: {  	v59 =	vnsel vm9, $0x40000000, v10;
	v7 =	vsel vm10, v7, v8  }
0x1bd: {  	vm9 =	veq.f32 v32, v34;
	vm10 =	vlt.s32 v7, v59  }
0x1be: {  	v60 =	vnsel vm9, $0x40000000, v9;
	v7 =	vsel vm10, v7, v59  }
0x1bf: {  	vm9 =	veq.f32 v31, v34;
	vm10 =	vlt.s32 v7, v60  }
0x1c0: {  	v61 =	vnsel vm9, $0x40000000, v11;
	v7 =	vsel vm10, v7, v60  }
0x1c1: {  	vm9 =	vlt.s32 v7, v61  }
0x1c2: {  	v7 =	vsel vm9, v7, v61  }
0x1c3: {  	v8 =	vperm.xlane v7, v0;
	_ =	sdelay $0x1  }
0x1c4: {  	vm9 =	vlt.s32 v7, v8  }
0x1c5: {  	v7 =	vsel vm9, v7, v8  }
0x1c6: {  	v8 =	vperm.xlane v7, v1  }
0x1c7: {  	vm9 =	vmmov $0x1  }
0x1c8: {  	v6 =	vnsel vm9, $0x7F800000, v6;
	vm10 =	vlt.s32 v7, v8  }
0x1c9: {  	v62 =	vnsel vm9, $0x0, v13;
	v6 =	vsel vm0, v6, v15;
	v7 =	vsel vm10, v7, v8  }
0x1ca: {  	v6 =	vsel vm1, v6, v17;
	v8 =	vsel vm0, v62, v16;
	v63 =	vperm.xlane v7, v2  }
0x1cb: {  	v6 =	vsel vm2, v6, v19;
	v8 =	vsel vm1, v8, v18  }
0x1cc: {  	v6 =	vsel vm3, v6, v21;
	v8 =	vsel vm2, v8, v20;
	vm9 =	vlt.s32 v7, v63  }
0x1cd: {  	s15 =	sadd.s32 $0x1, s15;
	v6 =	vsel vm4, v6, v23;
	v8 =	vsel vm3, v8, v22;
	v7 =	vsel vm9, v7, v63  }
0x1ce: {  	p0 =	sne.s32 s15, $0xA0;
	v6 =	vsel vm5, v6, v25;
	v8 =	vsel vm4, v8, v24;
	v9 =	vperm.xlane v7, v3  }
.Ltmp3:
0x1cf: {  	v6 =	vsel vm6, v6, v27;
	v8 =	vsel vm5, v8, v26;
	(pc) =	sbr.rel @!p0 .LBB2_8-.Ltmp3, $4  }
0x1d0: {  	v6 =	vsel vm7, v6, v35;
	v8 =	vsel vm6, v8, v28;
	vm9 =	vlt.s32 v7, v9  }
0x1d1: {  	v6 =	vsel vm8, v6, v34;
	v8 =	vsel vm7, v8, v36;
	v7 =	vsel vm9, v7, v9  }
0x1d2: {  	[tilespmem:s16+$0x4D00] =	vst v6;
	v7 =	vsel vm8, v8, v7  }
0x1d3: {  	[tilespmem:s16+$0x4300] =	vst v7  }
.LBB2_2:
0x1d4: {  	s16 =	sshll.u32 s15, $0x4  }
0x1d5: {  	s17 =	sshrl.u32 s16, $0x2  }
0x1d6: {  	v16 =	vimm.f32 $+Inf;
	v9 =	vld [tilespmem:s17+$0x4000]  }
0x1d7: {  	[tilespmem:$0x5700] =	vst v16  }
.Ltmp4:
0x1d8: {  	[tilespmem:$0x5710] =	vst v16;
	(pc) =	sbr.rel .LBB2_3-.Ltmp4, $4  }
0x1d9: {  	[tilespmem:$0x5720] =	vst v16  }
0x1da: {  	[tilespmem:$0x5730] =	vst v16  }
0x1db: {  	[tilespmem:$0x5740] =	vst v16;
	v6 =	vbroadcast v9, $0x0;
	v7 =	vbroadcast v9, $0x1  }
0x1dc: {  	v10 =	vimm.s32 $0x0;
	s18 =	simm.s32 $0x2010;
	[tilespmem:$0x5750] =	vst v16;
	s17 =	simm.s32 $0x0;
	v8 =	vbroadcast v9, $0x2;
	v9 =	vbroadcast v9, $0x3  }
.LBB2_5:
0x1dd: {  	v15 =	vld [tilespmem:$0x5700]  }
0x1de: {  	v14 =	vld [tilespmem:$0x5710]  }
0x1df: {  	v13 =	vld [tilespmem:$0x5720]  }
0x1e0: {  	v12 =	vld [tilespmem:$0x5730]  }
0x1e1: {  	v11 =	vld [tilespmem:$0x5740]  }
0x1e2: {  	v10 =	vld [tilespmem:$0x5750]  }
0x1e3: {  	v16 =	vmin.f32 v15, v14  }
0x1e4: {  	v16 =	vmin.f32 v16, v13  }
0x1e5: {  	v16 =	vmin.f32 v16, v12  }
0x1e6: {  	v16 =	vmin.f32 v16, v11  }
0x1e7: {  	v16 =	vmin.f32 v16, v10  }
0x1e8: {  	v17 =	vperm.xlane v16, v0;
	_ =	sdelay $0x1  }
0x1e9: {  	v16 =	vmin.f32 v16, v17  }
0x1ea: {  	v17 =	vperm.xlane v16, v1;
	_ =	sdelay $0x1  }
0x1eb: {  	v16 =	vmin.f32 v16, v17  }
0x1ec: {  	v17 =	vperm.xlane v16, v2;
	_ =	sdelay $0x1  }
0x1ed: {  	v16 =	vmin.f32 v16, v17  }
0x1ee: {  	v17 =	vperm.xlane v16, v3;
	_ =	sdelay $0x1  }
0x1ef: {  	v16 =	vmin.f32 v16, v17  }
0x1f0: {  	vm9 =	veq.f32 v15, v16;
	vm10 =	veq.f32 v14, v16  }
0x1f1: {  	v17 =	vsel vm9, $0x7F800000, v15;
	v18 =	vsel vm10, $0x7F800000, v14;
	vm9 =	veq.f32 v13, v16  }
0x1f2: {  	v19 =	vsel vm9, $0x7F800000, v13;
	vm9 =	veq.f32 v12, v16;
	v20 =	vmin.f32 v17, v18  }
0x1f3: {  	v21 =	vsel vm9, $0x7F800000, v12;
	vm9 =	veq.f32 v11, v16;
	v20 =	vmin.f32 v20, v19  }
0x1f4: {  	v22 =	vsel vm9, $0x7F800000, v11;
	vm9 =	veq.f32 v10, v16;
	v16 =	vmin.f32 v20, v21  }
0x1f5: {  	v39 =	vsel vm9, $0x7F800000, v10;
	v16 =	vmin.f32 v16, v22  }
0x1f6: {  	v16 =	vmin.f32 v16, v39  }
0x1f7: {  	v23 =	vperm.xlane v16, v0;
	_ =	sdelay $0x1  }
0x1f8: {  	v16 =	vmin.f32 v16, v23  }
0x1f9: {  	v23 =	vperm.xlane v16, v1;
	_ =	sdelay $0x1  }
0x1fa: {  	v16 =	vmin.f32 v16, v23  }
0x1fb: {  	v23 =	vperm.xlane v16, v2;
	_ =	sdelay $0x1  }
0x1fc: {  	v16 =	vmin.f32 v16, v23  }
0x1fd: {  	v23 =	vperm.xlane v16, v3;
	_ =	sdelay $0x1  }
0x1fe: {  	v16 =	vmin.f32 v16, v23  }
0x1ff: {  	vm9 =	veq.f32 v17, v16;
	vm10 =	veq.f32 v18, v16  }
0x200: {  	v17 =	vsel vm9, $0x7F800000, v17;
	v18 =	vsel vm10, $0x7F800000, v18;
	vm9 =	veq.f32 v19, v16  }
0x201: {  	v19 =	vsel vm9, $0x7F800000, v19;
	vm9 =	veq.f32 v21, v16;
	v40 =	vmin.f32 v17, v18  }
0x202: {  	v21 =	vsel vm9, $0x7F800000, v21;
	vm9 =	veq.f32 v22, v16;
	v23 =	vmin.f32 v40, v19  }
0x203: {  	v22 =	vsel vm9, $0x7F800000, v22;
	vm9 =	veq.f32 v39, v16;
	v16 =	vmin.f32 v23, v21  }
0x204: {  	v20 =	vsel vm9, $0x7F800000, v39;
	v16 =	vmin.f32 v16, v22  }
0x205: {  	v16 =	vmin.f32 v16, v20  }
0x206: {  	v41 =	vperm.xlane v16, v0;
	_ =	sdelay $0x1  }
0x207: {  	v16 =	vmin.f32 v16, v41  }
0x208: {  	v23 =	vperm.xlane v16, v1;
	_ =	sdelay $0x1  }
0x209: {  	v16 =	vmin.f32 v16, v23  }
0x20a: {  	v23 =	vperm.xlane v16, v2;
	_ =	sdelay $0x1  }
0x20b: {  	v16 =	vmin.f32 v16, v23  }
0x20c: {  	v23 =	vperm.xlane v16, v3;
	_ =	sdelay $0x1  }
0x20d: {  	v16 =	vmin.f32 v16, v23  }
0x20e: {  	vm9 =	veq.f32 v17, v16;
	vm10 =	veq.f32 v18, v16  }
0x20f: {  	v17 =	vsel vm9, $0x7F800000, v17;
	v18 =	vsel vm10, $0x7F800000, v18;
	vm9 =	veq.f32 v19, v16  }
0x210: {  	v19 =	vsel vm9, $0x7F800000, v19;
	vm9 =	veq.f32 v21, v16;
	v42 =	vmin.f32 v17, v18  }
0x211: {  	v21 =	vsel vm9, $0x7F800000, v21;
	vm9 =	veq.f32 v22, v16;
	v23 =	vmin.f32 v42, v19  }
0x212: {  	v22 =	vsel vm9, $0x7F800000, v22;
	vm9 =	veq.f32 v20, v16;
	v16 =	vmin.f32 v23, v21  }
0x213: {  	v20 =	vsel vm9, $0x7F800000, v20;
	v16 =	vmin.f32 v16, v22  }
0x214: {  	v16 =	vmin.f32 v16, v20  }
0x215: {  	v43 =	vperm.xlane v16, v0;
	_ =	sdelay $0x1  }
0x216: {  	v16 =	vmin.f32 v16, v43  }
0x217: {  	v23 =	vperm.xlane v16, v1;
	_ =	sdelay $0x1  }
0x218: {  	v16 =	vmin.f32 v16, v23  }
0x219: {  	v23 =	vperm.xlane v16, v2;
	_ =	sdelay $0x1  }
0x21a: {  	v16 =	vmin.f32 v16, v23  }
0x21b: {  	v23 =	vperm.xlane v16, v3;
	_ =	sdelay $0x1  }
0x21c: {  	v16 =	vmin.f32 v16, v23  }
0x21d: {  	vm9 =	veq.f32 v17, v16;
	vm10 =	veq.f32 v18, v16  }
0x21e: {  	v17 =	vsel vm9, $0x7F800000, v17;
	v18 =	vsel vm10, $0x7F800000, v18;
	vm9 =	veq.f32 v19, v16  }
0x21f: {  	v19 =	vsel vm9, $0x7F800000, v19;
	vm9 =	veq.f32 v21, v16;
	v44 =	vmin.f32 v17, v18  }
0x220: {  	v21 =	vsel vm9, $0x7F800000, v21;
	vm9 =	veq.f32 v22, v16;
	v23 =	vmin.f32 v44, v19  }
0x221: {  	v22 =	vsel vm9, $0x7F800000, v22;
	vm9 =	veq.f32 v20, v16;
	v16 =	vmin.f32 v23, v21  }
0x222: {  	v20 =	vsel vm9, $0x7F800000, v20;
	v16 =	vmin.f32 v16, v22  }
0x223: {  	v16 =	vmin.f32 v16, v20  }
0x224: {  	v45 =	vperm.xlane v16, v0;
	_ =	sdelay $0x1  }
0x225: {  	v16 =	vmin.f32 v16, v45  }
0x226: {  	v23 =	vperm.xlane v16, v1;
	_ =	sdelay $0x1  }
0x227: {  	v16 =	vmin.f32 v16, v23  }
0x228: {  	v23 =	vperm.xlane v16, v2;
	_ =	sdelay $0x1  }
0x229: {  	v16 =	vmin.f32 v16, v23  }
0x22a: {  	v23 =	vperm.xlane v16, v3;
	_ =	sdelay $0x1  }
0x22b: {  	v16 =	vmin.f32 v16, v23  }
0x22c: {  	vm9 =	veq.f32 v17, v16;
	vm10 =	veq.f32 v18, v16  }
0x22d: {  	v17 =	vsel vm9, $0x7F800000, v17;
	v18 =	vsel vm10, $0x7F800000, v18;
	vm9 =	veq.f32 v19, v16  }
0x22e: {  	v19 =	vsel vm9, $0x7F800000, v19;
	vm9 =	veq.f32 v21, v16;
	v46 =	vmin.f32 v17, v18  }
0x22f: {  	v21 =	vsel vm9, $0x7F800000, v21;
	vm9 =	veq.f32 v22, v16;
	v23 =	vmin.f32 v46, v19  }
0x230: {  	v22 =	vsel vm9, $0x7F800000, v22;
	vm9 =	veq.f32 v20, v16;
	v16 =	vmin.f32 v23, v21  }
0x231: {  	v20 =	vsel vm9, $0x7F800000, v20;
	v16 =	vmin.f32 v16, v22  }
0x232: {  	v16 =	vmin.f32 v16, v20  }
0x233: {  	v47 =	vperm.xlane v16, v0;
	_ =	sdelay $0x1  }
0x234: {  	v16 =	vmin.f32 v16, v47  }
0x235: {  	v23 =	vperm.xlane v16, v1;
	_ =	sdelay $0x1  }
0x236: {  	v16 =	vmin.f32 v16, v23  }
0x237: {  	v23 =	vperm.xlane v16, v2;
	_ =	sdelay $0x1  }
0x238: {  	v16 =	vmin.f32 v16, v23  }
0x239: {  	v23 =	vperm.xlane v16, v3;
	_ =	sdelay $0x1  }
0x23a: {  	v16 =	vmin.f32 v16, v23  }
0x23b: {  	vm9 =	veq.f32 v17, v16;
	vm10 =	veq.f32 v18, v16  }
0x23c: {  	v17 =	vsel vm9, $0x7F800000, v17;
	v18 =	vsel vm10, $0x7F800000, v18;
	vm9 =	veq.f32 v19, v16  }
0x23d: {  	v19 =	vsel vm9, $0x7F800000, v19;
	vm9 =	veq.f32 v21, v16;
	v48 =	vmin.f32 v17, v18  }
0x23e: {  	v21 =	vsel vm9, $0x7F800000, v21;
	vm9 =	veq.f32 v22, v16;
	v23 =	vmin.f32 v48, v19  }
0x23f: {  	v22 =	vsel vm9, $0x7F800000, v22;
	vm9 =	veq.f32 v20, v16;
	v16 =	vmin.f32 v23, v21  }
0x240: {  	v20 =	vsel vm9, $0x7F800000, v20;
	v16 =	vmin.f32 v16, v22  }
0x241: {  	v16 =	vmin.f32 v16, v20  }
0x242: {  	v49 =	vperm.xlane v16, v0;
	_ =	sdelay $0x1  }
0x243: {  	v16 =	vmin.f32 v16, v49  }
0x244: {  	v23 =	vperm.xlane v16, v1;
	_ =	sdelay $0x1  }
0x245: {  	v16 =	vmin.f32 v16, v23  }
0x246: {  	v23 =	vperm.xlane v16, v2;
	_ =	sdelay $0x1  }
0x247: {  	v16 =	vmin.f32 v16, v23  }
0x248: {  	v23 =	vperm.xlane v16, v3;
	_ =	sdelay $0x1  }
0x249: {  	v16 =	vmin.f32 v16, v23  }
0x24a: {  	vm9 =	veq.f32 v17, v16;
	vm10 =	veq.f32 v18, v16  }
0x24b: {  	v17 =	vsel vm9, $0x7F800000, v17;
	v18 =	vsel vm10, $0x7F800000, v18;
	vm9 =	veq.f32 v19, v16  }
0x24c: {  	v19 =	vsel vm9, $0x7F800000, v19;
	vm9 =	veq.f32 v21, v16;
	v50 =	vmin.f32 v17, v18  }
0x24d: {  	v21 =	vsel vm9, $0x7F800000, v21;
	vm9 =	veq.f32 v22, v16;
	v23 =	vmin.f32 v50, v19  }
0x24e: {  	v22 =	vsel vm9, $0x7F800000, v22;
	vm9 =	veq.f32 v20, v16;
	v16 =	vmin.f32 v23, v21  }
0x24f: {  	v20 =	vsel vm9, $0x7F800000, v20;
	v16 =	vmin.f32 v16, v22  }
0x250: {  	v16 =	vmin.f32 v16, v20  }
0x251: {  	v51 =	vperm.xlane v16, v0;
	_ =	sdelay $0x1  }
0x252: {  	v16 =	vmin.f32 v16, v51  }
0x253: {  	v23 =	vperm.xlane v16, v1;
	_ =	sdelay $0x1  }
0x254: {  	v16 =	vmin.f32 v16, v23  }
0x255: {  	v23 =	vperm.xlane v16, v2;
	_ =	sdelay $0x1  }
0x256: {  	v16 =	vmin.f32 v16, v23  }
0x257: {  	v23 =	vperm.xlane v16, v3;
	_ =	sdelay $0x1  }
0x258: {  	v16 =	vmin.f32 v16, v23  }
0x259: {  	vm9 =	veq.f32 v17, v16;
	vm10 =	veq.f32 v18, v16  }
0x25a: {  	v17 =	vsel vm9, $0x7F800000, v17;
	v18 =	vsel vm10, $0x7F800000, v18;
	vm9 =	veq.f32 v19, v16  }
0x25b: {  	v19 =	vsel vm9, $0x7F800000, v19;
	vm9 =	veq.f32 v21, v16;
	v52 =	vmin.f32 v17, v18  }
0x25c: {  	v21 =	vsel vm9, $0x7F800000, v21;
	vm9 =	veq.f32 v22, v16;
	v23 =	vmin.f32 v52, v19  }
0x25d: {  	v22 =	vsel vm9, $0x7F800000, v22;
	vm9 =	veq.f32 v20, v16;
	v16 =	vmin.f32 v23, v21  }
0x25e: {  	v20 =	vsel vm9, $0x7F800000, v20;
	v16 =	vmin.f32 v16, v22  }
0x25f: {  	v16 =	vmin.f32 v16, v20  }
0x260: {  	v53 =	vperm.xlane v16, v0;
	_ =	sdelay $0x1  }
0x261: {  	v16 =	vmin.f32 v16, v53  }
0x262: {  	v23 =	vperm.xlane v16, v1;
	_ =	sdelay $0x1  }
0x263: {  	v16 =	vmin.f32 v16, v23  }
0x264: {  	v23 =	vperm.xlane v16, v2;
	_ =	sdelay $0x1  }
0x265: {  	v16 =	vmin.f32 v16, v23  }
0x266: {  	v23 =	vperm.xlane v16, v3;
	_ =	sdelay $0x1  }
0x267: {  	v16 =	vmin.f32 v16, v23  }
0x268: {  	vm9 =	veq.f32 v18, v16  }
0x269: {  	v18 =	vsel vm9, $0x7F800000, v18  }
0x26a: {  	vm9 =	veq.f32 v17, v16;
	v17 =	vmin.f32 v17, v18  }
0x26b: {  	v17 =	vsel vm9, v18, v17  }
0x26c: {  	vm9 =	veq.f32 v19, v16;
	v18 =	vmin.f32 v17, v19  }
0x26d: {  	v17 =	vsel vm9, v17, v18  }
0x26e: {  	vm9 =	veq.f32 v21, v16;
	v18 =	vmin.f32 v17, v21  }
0x26f: {  	v17 =	vsel vm9, v17, v18  }
0x270: {  	vm9 =	veq.f32 v22, v16;
	v18 =	vmin.f32 v17, v22  }
0x271: {  	v17 =	vsel vm9, v17, v18  }
0x272: {  	vm9 =	veq.f32 v20, v16;
	v16 =	vmin.f32 v17, v20  }
0x273: {  	v16 =	vsel vm9, v17, v16  }
0x274: {  	v17 =	vperm.xlane v16, v0;
	_ =	sdelay $0x1  }
0x275: {  	v16 =	vmin.f32 v16, v17  }
0x276: {  	v17 =	vperm.xlane v16, v1;
	_ =	sdelay $0x1  }
0x277: {  	v16 =	vmin.f32 v16, v17  }
0x278: {  	v17 =	vperm.xlane v16, v2;
	_ =	sdelay $0x1  }
0x279: {  	v16 =	vmin.f32 v16, v17  }
0x27a: {  	v17 =	vperm.xlane v16, v3;
	_ =	sdelay $0x1  }
0x27b: {  	v16 =	vmin.f32 v16, v17  }
0x27c: {  	vm13 =	vle.f32 v15, v16  }
0x27d: {  	v17 =	vsel vm13, $0x1, v5  }
0x27e: {  	vm11 =	vle.f32 v14, v16;
	(xrf0) =	vadd.scan.msk.s32 $0xffff, v17  }
0x27f: {  	v17 =	vsel vm11, $0x1, v5  }
0x280: {  	vm9 =	vle.f32 v13, v16;
	(xrf0) =	vadd.scan.msk.s32 $0xffff, v17  }
0x281: {  	v17 =	vsel vm9, $0x1, v5  }
0x282: {  	vm10 =	vle.f32 v12, v16;
	(xrf0) =	vadd.scan.msk.s32 $0xffff, v17  }
0x283: {  	v17 =	vsel vm10, $0x1, v5  }
0x284: {  	vm12 =	vle.f32 v11, v16;
	v18, _, _ =	vpop (xrf0);
	(xrf0) =	vadd.scan.msk.s32 $0xffff, v17  }
0x285: {  	v19 =	vsel vm12, $0x1, v5  }
0x286: {  	[tilespmem:$0x5700] =	vst v4;
	v17 =	vadd.s32 $0xFFFFFFFF, v18;
	v55, _, _ =	vpop (xrf0);
	(xrf0) =	vadd.scan.msk.s32 $0xffff, v19  }
0x287: {  	v54 =	vld [tilespmem:$0x5780];
	[tilespmem:$0x5710] =	vst v4;
	vm14 =	vle.f32 v10, v16;
	v56 =	vbroadcast v17, $0xF;
	v18 =	vadd.s32 v55, v18  }
0x288: {  	v24 =	vld [tilespmem:$0x57A0];
	[tilespmem:$0x5720] =	vst v4;
	v26 =	vsel vm14, $0x1, v5;
	v57, _, _ =	vpop (xrf0);
	v58 =	vadd.s32 $0xFFFFFFFF, v18  }
0x289: {  	v25 =	vld [tilespmem:$0x57B0];
	[tilespmem:$0x5730] =	vst v4;
	v18 =	vadd.s32 v57, v18;
	v21 =	vadd.s32 v55, v56;
	v22 =	vbroadcast v58, $0xF  }
0x28a: {  	[tilespmem:$0x5740] =	vst v4;
	v19 =	vld [tilespmem:$0x5790];
	v29 =	vadd.s32 $0xFFFFFFFF, v18;
	v28, _, _ =	vpop (xrf0);
	(xrf0) =	vadd.scan.msk.s32 $0xffff, v26  }
0x28b: {  	v27 =	vld [tilespmem:$0x57C0];
	[tilespmem:$0x5750] =	vst v4;
	v60 =	vbroadcast v29, $0xF;
	v22 =	vadd.s32 v57, v22;
	v18 =	vadd.s32 v28, v18  }
0x28c: {  	v59 =	vld [tilespmem:$0x57D0];
	[tilespmem:v17+s10+$0x0] =	vst.idx.msk vm13, v15;
	v61, _, _ =	vpop (xrf0);
	v15 =	vadd.s32 $0xFFFFFFFF, v18  }
0x28d: {  	[tilespmem:v17+s11+$0x0] =	vst.idx.msk vm13, v54;
	v17 =	vadd.s32 v28, v60;
	v18 =	vadd.s32 v61, v18;
	v15 =	vbroadcast v15, $0xF  }
0x28e: {  	[tilespmem:v21+s10+$0x0] =	vst.idx.msk vm11, v14;
	v62 =	vadd.s32 $0xFFFFFFFF, v18  }
0x28f: {  	[tilespmem:v21+s11+$0x0] =	vst.idx.msk vm11, v19;
	v14 =	vbroadcast v62, $0xF;
	v15 =	vadd.s32 v61, v15  }
0x290: {  	[tilespmem:v22+s10+$0x0] =	vst.idx.msk vm9, v13;
	v63, _, _ =	vpop (xrf0)  }
0x291: {  	[tilespmem:v22+s11+$0x0] =	vst.idx.msk vm9, v24;
	v14 =	vadd.s32 v63, v14  }
0x292: {  	[tilespmem:v17+s10+$0x0] =	vst.idx.msk vm10, v12  }
0x293: {  	[tilespmem:v17+s11+$0x0] =	vst.idx.msk vm10, v25  }
0x294: {  	[tilespmem:v15+s10+$0x0] =	vst.idx.msk vm12, v11  }
0x295: {  	[tilespmem:v15+s11+$0x0] =	vst.idx.msk vm12, v27  }
0x296: {  	[tilespmem:v14+s10+$0x0] =	vst.idx.msk vm14, v10;
	v10 =	vadd.s32 v63, v18  }
0x297: {  	[tilespmem:v14+s11+$0x0] =	vst.idx.msk vm14, v59;
	v10 =	vbroadcast v10, $0xF  }
.LBB2_6:
0x298: {  	s17 =	sadd.s32 $0x40, s17  }
0x299: {  	p0 =	sne.s32 s17, $0x1000  }
.Ltmp5:
0x29a: {  	_ = 	snop;
	(pc) =	sbr.rel @!p0 .LBB2_7-.Ltmp5, $2  }
0x29b: {  	_ =	sdelay $0x2  }
0x29c: {  	s18 =	sadd.s32 $0x40, s18  }
.LBB2_3:
0x29d: {  	v11 =	vld [tilespmem:s18+$0xFFFFDFF0]  }
0x29e: {  	v13 =	vld [tilespmem:s18+$0xFFFFE000]  }
0x29f: {  	v14 =	vld [tilespmem:s18+$0xFFFFF000]  }
0x2a0: {  	v17 =	vld [tilespmem:s18+$0x0]  }
0x2a1: {  	v19 =	vld [tilespmem:s18+$0x1000]  }
0x2a2: {  	s19 =	sand.u32 $0xFC0, s17;
	v20 =	vld [tilespmem:s18+$0xFFFFE010]  }
0x2a3: {  	v15 =	vld [tilespmem:s19+$0x2000]  }
0x2a4: {  	v21 =	vld [tilespmem:s18+$0xFFFFF010]  }
0x2a5: {  	v22 =	vld [tilespmem:s18+$0xFFFFE020]  }
0x2a6: {  	v12 =	vld [tilespmem:s19+$0x1000]  }
0x2a7: {  	v18 =	vld [tilespmem:s19+$0x3000];
	v11 =	vsub.f32 v11, v6;
	v13 =	vsub.f32 v13, v6  }
0x2a8: {  	v23 =	vld [tilespmem:s18+$0x1020];
	v14 =	vsub.f32 v14, v7;
	v15 =	vsub.f32 v15, v8  }
0x2a9: {  	v17 =	vsub.f32 v17, v8;
	v61 =	vsub.f32 v19, v9  }
0x2aa: {  	v20 =	vsub.f32 v20, v6;
	v21 =	vsub.f32 v21, v7;
	v58 =	vmul.f32 v15, v15;
	v15 =	vld [tilespmem:s18+$0xFFFFF020]  }
0x2ab: {  	v22 =	vsub.f32 v22, v6;
	v12 =	vsub.f32 v12, v7;
	v59 =	vmul.f32 v17, v17;
	v17 =	vld [tilespmem:s18+$0x10]  }
0x2ac: {  	v60 =	vsub.f32 v18, v9;
	v18 =	vld [tilespmem:s18+$0x20];
	v13 =	vmul.f32 v13, v13;
	v14 =	vmul.f32 v14, v14  }
0x2ad: {  	v19 =	vld [tilespmem:s18+$0x1010];
	v62 =	vsub.f32 v23, v9;
	v20 =	vmul.f32 v20, v20;
	v21 =	vmul.f32 v21, v21  }
0x2ae: {  	v11 =	vmul.f32 v11, v11;
	v12 =	vmul.f32 v12, v12;
	v13 =	vadd.f32 v14, v13  }
0x2af: {  	v22 =	vmul.f32 v22, v22;
	v20 =	vadd.f32 v21, v20;
	v15 =	vsub.f32 v15, v7  }
0x2b0: {  	v14 =	vmul.f32 v61, v61;
	v11 =	vadd.f32 v12, v11;
	v17 =	vsub.f32 v17, v8  }
0x2b1: {  	v12 =	vmul.f32 v60, v60;
	v18 =	vsub.f32 v18, v8;
	v15 =	vmul.f32 v15, v15  }
0x2b2: {  	v19 =	vsub.f32 v19, v9;
	v11 =	vadd.f32 v58, v11;
	v17 =	vmul.f32 v17, v17  }
0x2b3: {  	v13 =	vadd.f32 v59, v13;
	v18 =	vmul.f32 v18, v18;
	v15 =	vadd.f32 v15, v22  }
0x2b4: {  	v12 =	vadd.f32 v12, v11;
	v11 =	vadd.f32 v17, v20;
	v17 =	vmul.f32 v19, v19  }
0x2b5: {  	v13 =	vadd.f32 v14, v13;
	v63 =	vadd.f32 v18, v15;
	v15 =	vmul.f32 v62, v62  }
0x2b6: {  	vm9 =	vle.f32 v12, v16;
	v17 =	vadd.f32 v17, v11  }
0x2b7: {  	vm10 =	vle.f32 v13, v16;
	v11 =	vmpcnt.ones.xlane vm9;
	v14 =	vadd.f32 v15, v63  }
0x2b8: {  	vm9 =	vle.f32 v17, v16;
	v15 =	vmpcnt.ones.xlane vm10  }
0x2b9: {  	(v2sf) =	vpush v11, $0x0;
	v18 =	vmpcnt.ones.xlane vm9;
	vm10 =	vle.f32 v14, v16  }
0x2ba: {  	(v2sf) =	vpush v15, $0x0;
	v11 =	vmpcnt.ones.xlane vm10  }
0x2bb: {  	(v2sf) =	vpush v18, $0x0  }
0x2bc: {  	(v2sf) =	vpush v11, $0x0;
	_ =	sdelay $0xb  }
0x2bd: {  	s19 =	spop (v2sf)  }
0x2be: {  	s20 =	spop (v2sf)  }
0x2bf: {  	s21 =	spop (v2sf);
	s22 =	sadd.s32 s19, s20  }
0x2c0: {  	s22 =	sadd.s32 s21, s22;
	s23 =	spop (v2sf)  }
0x2c1: {  	s22 =	sadd.s32 s23, s22  }
0x2c2: {  	p0 =	slt.s32 s22, $0x1  }
0x2c3: {  	p6 =	slt.s32 @!p0 s19, $0x1  }
0x2c4: {  	p4 =	por p6, p0  }
0x2c5: {  	p1 =	slt.s32 @!p0 s20, $0x1;
	vm9 =	vle.f32 @!p4 v12, v16;
	v11 =	vimm.s32 @!p4 $0x0  }
0x2c6: {  	s19 =	simm.s32 @!p1 $0x0;
	p3 =	por p1, p0;
	v11 =	vsel @!p4 vm9, $0x1, v11  }
0x2c7: {  	s19 =	simm.s32 @p1 $0x1;
	vm10 =	vle.f32 @!p3 v13, v16;
	p1 =	slt.s32 @!p0 s21, $0x1;
	(xrf0) =	vadd.scan.msk.s32 @!p4 $0xffff, v11;
	v11 =	vimm.s32 @!p3 $0x0  }
0x2c8: {  	p2 =	por p1, p0;
	v11 =	vsel @!p3 vm10, $0x1, v11  }
0x2c9: {  	p5 =	slt.s32 @!p0 s23, $0x1;
	[smem:$0x7FC] =	sst s19;
	s19 =	simm.s32 @!p1 $0x0;
	vm11 =	vle.f32 @!p2 v17, v16;
	(xrf0) =	vadd.scan.msk.s32 @!p3 $0xffff, v11;
	v11 =	vimm.s32 @!p2 $0x0  }
0x2ca: {  	s19 =	simm.s32 @p1 $0x1;
	p1 =	por p5, p0;
	v11 =	vsel @!p2 vm11, $0x1, v11  }
0x2cb: {  	vm12 =	vle.f32 @!p1 v14, v16;
	(xrf0) =	vadd.scan.msk.s32 @!p2 $0xffff, v11;
	v11 =	vimm.s32 @!p1 $0x0  }
0x2cc: {  	v11 =	vsel @!p1 vm12, $0x1, v11  }
0x2cd: {  	v15, _, _ =	vpop @!p4 (xrf0);
	(xrf0) =	vadd.scan.msk.s32 @!p1 $0xffff, v11  }
0x2ce: {  	s30 =	sld [smem:$0x7FC];
	v11 =	vbroadcast @!p4 v15, $0xF  }
0x2cf: {  	[smem:$0x7FD] =	sst s19;
	v18, _, _ =	vpop @!p3 (xrf0)  }
0x2d0: {  	p6 =	por !p6, p0;
	s31 =	sld [smem:$0x7FD];
	v11 =	vadd.s32 @!p4 v10, v11;
	v19 =	vbroadcast @!p3 v18, $0xF  }
0x2d1: {  	v20 =	vpsel p6, v11, v10;
	v21, _, _ =	vpop @!p2 (xrf0);
	p6 =	seq.s32 s30, $0x1  }
0x2d2: {  	v11 =	vadd.s32 @!p3 v19, v20;
	p6 =	por !p6, p0;
	v19 =	vbroadcast @!p2 v21, $0xF  }
0x2d3: {  	v22 =	vpsel p6, v11, v20;
	v23, _, _ =	vpop @!p1 (xrf0);
	p6 =	seq.s32 s31, $0x1  }
0x2d4: {  	v11 =	vadd.s32 @!p2 v19, v22;
	p6 =	por !p6, p0;
	v19 =	vbroadcast @!p1 v23, $0xF  }
0x2d5: {  	v24 =	vpsel p6, v11, v22  }
0x2d6: {  	p5 =	por !p5, p0;
	v11 =	vadd.s32 @!p1 v19, v24  }
0x2d7: {  	v11 =	vpsel p5, v11, v24  }
0x2d8: {  	(v2sf) =	vpush @!p0 v11, $0x0;
	_ =	sdelay $0x1  }
0x2d9: {  	v15 =	vadd.s32 @!p4 v15, v10  }
0x2da: {  	v15 =	vadd.s32 @!p4 $0xFFFFFFFF, v15  }
0x2db: {  	vm13 =	vlt.s32 @!p4 v15, $0x60;
	v18 =	vadd.s32 @!p3 v20, v18  }
0x2dc: {  	vm9 =	vmand @!p4 vm9, vm13;
	v18 =	vadd.s32 @!p3 $0xFFFFFFFF, v18  }
0x2dd: {  	vm13 =	vlt.s32 @!p3 v18, $0x60;
	v19 =	vadd.s32 @!p2 v22, v21  }
0x2de: {  	vm10 =	vmand @!p3 vm10, vm13;
	v19 =	vadd.s32 @!p2 $0xFFFFFFFF, v19  }
0x2df: {  	vm13 =	vlt.s32 @!p2 v19, $0x60  }
0x2e0: {  	vm11 =	vmand @!p2 vm11, vm13  }
0x2e1: {  	s19 =	simm.s32 @!p4 $0x5700;
	v21 =	vlaneseq.u32 @!p4  }
0x2e2: {  	[tilespmem:v15+s19+$0x0] =	vst.idx.msk @!p4 vm9, v12;
	v12 =	vor.u32 @!p4 s17, v21;
	s19 =	simm.s32 @!p4 $0x5780  }
0x2e3: {  	s20 =	simm.s32 @!p3 $0x5700;
	v20 =	vadd.s32 @!p1 v24, v23;
	[tilespmem:v15+s19+$0x0] =	vst.idx.msk @!p4 vm9, v12;
	s19 =	sadd.s32 $0x10, s17;
	v12 =	vlaneseq.u32 @!p3  }
0x2e4: {  	v20 =	vadd.s32 @!p1 $0xFFFFFFFF, v20;
	v12 =	vor.u32 @!p3 s19, v12;
	s19 =	simm.s32 @!p3 $0x5780;
	[tilespmem:v18+s20+$0x0] =	vst.idx.msk @!p3 vm10, v13  }
0x2e5: {  	vm13 =	vlt.s32 @!p1 v20, $0x60;
	s20 =	simm.s32 @!p2 $0x5700;
	[tilespmem:v18+s19+$0x0] =	vst.idx.msk @!p3 vm10, v12;
	s19 =	sadd.s32 $0x20, s17;
	v12 =	vlaneseq.u32 @!p2  }
0x2e6: {  	vm12 =	vmand @!p1 vm12, vm13;
	v12 =	vor.u32 @!p2 s19, v12;
	s19 =	simm.s32 @!p2 $0x5780;
	[tilespmem:v19+s20+$0x0] =	vst.idx.msk @!p2 vm11, v17;
	s20 =	spop @!p0 (v2sf)  }
0x2e7: {  	[tilespmem:v19+s19+$0x0] =	vst.idx.msk @!p2 vm11, v12;
	p2 =	slt.s32 @!p0 s20, $0x21  }
0x2e8: {  	p2 =	por p0, p2  }
.Ltmp6:
0x2e9: {  	_ = 	snop;
	(pc) =	sbr.rel @!p2 .LBB2_5-.Ltmp6, $4  }
0x2ea: {  	_ = 	snop  }
0x2eb: {  	s21 =	sadd.s32 $0x30, s17;
	s19 =	simm.s32 @!p1 $0x5700;
	v12 =	vlaneseq.u32 @!p1  }
0x2ec: {  	[tilespmem:v20+s19+$0x0] =	vst.idx.msk @!p1 vm12, v14;
	v12 =	vor.u32 @!p1 s21, v12;
	s19 =	simm.s32 @!p1 $0x5780  }
0x2ed: {  	[tilespmem:v20+s19+$0x0] =	vst.idx.msk @!p1 vm12, v12  }
.Ltmp7:
0x2ee: {  	(pc) =	sbr.rel .LBB2_6-.Ltmp7, $2  }
0x2ef: {  	_ =	sdelay $0x2  }
0x2f0: {  	v16 =	vpsel p0, v16, v16;
	v10 =	vpsel p0, v10, v11  }
.LBB2_9:
0x2f1: {  	_ =	sfence.sel $0x180000  }
0x2f2: {  	[bflag:$0x0] =	sbarrier.arrive $0xFFFF  }
0x2f3: {  	p0 =	sne.s32 s0, $0x0;
	_ =	strace $0x90000047  }
0x2f4: {  	s0 =	sadd.s32 @!p0 $0x100000, s1;
	[bflag:$0x2] =	sbarrier.arrive $0xFFFF  }
0x2f5: {  	[sflag:s0] =	ssyncadd.tile.s32 @!p0 $0x1;
	_ =	shalt  }
.Lfunc_end2:
_tile_overlayer_lowered:
.L_overlay_start_2:
0x2f6: {  	(tag) =	ssettag $0x2  }
0x2f7: {  	s0 =	rddreg [dreg:$0x0];
	s2 =	stileid.u32  }
0x2f8: {  	s1 =	rddreg [dreg:$0x1];
	p0 =	sne.s32 s2, $0x0  }
0x2f9: {  	s3 =	rddreg [dreg:$0x2];
	[bflag:$0x3] =	sbarrier.arrive $0xFFFF;
	s2 =	simm.s32 @!p0 $0x1C01  }
0x2fa: {  	[timem:s3], [sflag:s2] =	dma.local @!p0 [hbm:s0], s1  }
0x2fb: {  	s0 =	simm.s32 @!p0 $0x1  }
0x2fc: {  	_ =	swait.ge @!p0 [sflag:s0], s1  }
0x2fd: {  	s1 =	ssub.s32 @!p0 $0x0, s1;
	[sflag:s0] =	ssyncset.done @!p0 $0x0  }
0x2fe: {  	[sflag:s0] =	ssyncadd.s32 @!p0 s1  }
0x2ff: {  	[bflag:$0x3] =	sbarrier.arrive $0xFFFF  }
0x300: {  	_ =	shalt  }

</sc_bundles>
